<compile_context>
chip_gen: v7x
topology: tpu7x:2x2x1
jax: 0.10.2.dev20260603
libtpu: 0.0.44.dev20260713+nightly
codegen_flags: <defaults>
</compile_context>

<pallas_src>
import functools

import jax
import jax.numpy as jnp
from jax import lax
from jax.experimental import pallas as pl
from jax.experimental.pallas import tpu as pltpu
from jax.experimental.pallas import tpu_sc as plsc

_D0, _D1, _D2 = 6, 7, 3
_EMB = 128
_TROWS = 128

_NC, _NS = 2, 16
_NW = _NC * _NS
_CHUNK = 40
_NBUF = 10


def _sc_bond_encoder(e0, e1, e2, W0, W1, W2):
    n = e0.shape[0]
    bpw = n // _NW
    nround = bpw // (_CHUNK * _NBUF)
    ngrp = bpw // 16
    rows_per_tile = _TROWS // _NS
    mesh = plsc.VectorSubcoreMesh(core_axis_name="c", subcore_axis_name="s")

    @functools.partial(
        pl.kernel,
        out_type=jax.ShapeDtypeStruct((n, _EMB), jnp.float32),
        mesh=mesh,
        scratch_types=[
            pltpu.VMEM((_D0, _EMB), jnp.float32),
            pltpu.VMEM((_D1, _EMB), jnp.float32),
            pltpu.VMEM((_D2, _EMB), jnp.float32),
            pltpu.VMEM((_EMB,), jnp.float32),
            pltpu.VMEM((bpw,), jnp.int32),
            pltpu.VMEM((bpw,), jnp.int32),
            pltpu.VMEM((bpw,), jnp.int32),
            pltpu.VMEM((bpw,), jnp.int32),
            pltpu.VMEM((_NBUF, _CHUNK, _EMB), jnp.float32),
            pltpu.VMEM_SHARED((_TROWS, _EMB), jnp.float32),
            pltpu.SemaphoreType.DMA,
            pltpu.SemaphoreType.DMA((_NBUF,)),
            pltpu.SemaphoreType.DMA((_NBUF,)),
        ],
    )
    def k(e0_hbm, e1_hbm, e2_hbm, w0_hbm, w1_hbm, w2_hbm, out_hbm,
          w0_v, w1_v, w2_v, trow_v, e0_v, e1_v, e2_v, idx_v, rows_v, t_sh,
          esem, gsem, ssem):
        s = lax.axis_index("s")
        wid = s * _NC + lax.axis_index("c")
        base = wid * bpw

        eh0 = pltpu.async_copy(e0_hbm.at[pl.ds(base, bpw)], e0_v, esem)
        eh1 = pltpu.async_copy(e1_hbm.at[pl.ds(base, bpw)], e1_v, esem)
        eh2 = pltpu.async_copy(e2_hbm.at[pl.ds(base, bpw)], e2_v, esem)

        pltpu.sync_copy(w0_hbm, w0_v)
        pltpu.sync_copy(w1_hbm, w1_v)
        pltpu.sync_copy(w2_hbm, w2_v)

        def build_row(rl, _):
            r = s * rows_per_tile + rl
            i0 = jnp.minimum(r // (_D1 * _D2), _D0 - 1)
            i1 = (r // _D2) % _D1
            i2 = r % _D2
            for c in range(_EMB // 16):
                sl = pl.ds(c * 16, 16)
                v = jnp.zeros((16,), jnp.float32)
                for t in range(_D0):
                    v = v + w0_v[t, sl] * (i0 == t).astype(jnp.float32)
                for t in range(_D1):
                    v = v + w1_v[t, sl] * (i1 == t).astype(jnp.float32)
                for t in range(_D2):
                    v = v + w2_v[t, sl] * (i2 == t).astype(jnp.float32)
                trow_v[sl] = v
            pltpu.sync_copy(trow_v, t_sh.at[r])
            return None

        lax.fori_loop(0, rows_per_tile, build_row, None)
        plsc.subcore_barrier()

        eh0.wait()
        eh1.wait()
        eh2.wait()

        grp_per_round = _CHUNK * _NBUF // 16

        def cidx_grp(g):
            sl = pl.ds(g * 16, 16)
            v = (jnp.clip(e0_v[sl], 0, _D0 - 1) * (_D1 * _D2)
                 + jnp.clip(e1_v[sl], 0, _D1 - 1) * _D2
                 + jnp.clip(e2_v[sl], 0, _D2 - 1))
            idx_v[sl] = v

        for gg in range(grp_per_round):
            cidx_grp(gg)

        def ring_round(it, _):
            j0 = it * _NBUF
            handles = []
            for b in range(_NBUF):
                @pl.when(it > 0)
                def _(b=b):
                    pltpu.make_async_copy(
                        rows_v.at[b], out_hbm.at[pl.ds(0, _CHUNK)],
                        ssem.at[b]).wait()
                handles.append(pltpu.async_copy(
                    t_sh.at[idx_v.at[pl.ds((j0 + b) * _CHUNK, _CHUNK)]],
                    rows_v.at[b], gsem.at[b]))

            @pl.when(it < nround - 1)
            def _():
                g0 = (it + 1) * grp_per_round
                for gg in range(grp_per_round):
                    cidx_grp(g0 + gg)

            for b in range(_NBUF):
                handles[b].wait()
                pltpu.async_copy(
                    rows_v.at[b],
                    out_hbm.at[pl.ds(base + (j0 + b) * _CHUNK, _CHUNK)],
                    ssem.at[b])
            return None

        lax.fori_loop(0, nround, ring_round, None)

        for b in range(_NBUF):
            pltpu.make_async_copy(
                rows_v.at[b], out_hbm.at[pl.ds(0, _CHUNK)], ssem.at[b]).wait()

    return k(e0, e1, e2, W0, W1, W2)


def kernel(edge_attr, W0, W1, W2):
    e0 = edge_attr[:, 0]
    e1 = edge_attr[:, 1]
    e2 = edge_attr[:, 2]
    return _sc_bond_encoder(e0, e1, e2, W0, W1, W2)

# --- scband reference (transcript-rebuilt; emitter-appended) ---
"""Pipeline reference for scband-bond-encoder-51986284151352 (READ-ONLY COPY).

The authoritative reference and input builder live on the scoring server;
editing this copy changes nothing except your own understanding.
"""

import jax, jax.numpy as jnp
import numpy as np

# OGB bond feature dims: [possible_bond_type, possible_bond_stereo, possible_is_conjugated]
FULL_BOND_FEATURE_DIMS = [5, 6, 2]
EMB_DIM = 128
N_EDGES = 320000


def _xavier_uniform(key, shape):
    fan_in, fan_out = shape[0], shape[1]
    a = float(np.sqrt(6.0 / (fan_in + fan_out)))
    return jax.random.uniform(key, shape, minval=-a, maxval=a, dtype=jnp.float32)


def setup_inputs(seed: int = 0) -> dict:
    key = jax.random.key(seed)
    k_e, k0, k1, k2 = jax.random.split(key, 4)
    # values must be in-range for the smallest table (dim+1 = 3), keep [0, 3)
    edge_attr = jax.random.randint(k_e, (N_EDGES, len(FULL_BOND_FEATURE_DIMS)), 0, 3, dtype=jnp.int32)
    W0 = _xavier_uniform(k0, (FULL_BOND_FEATURE_DIMS[0] + 1, EMB_DIM))
    W1 = _xavier_uniform(k1, (FULL_BOND_FEATURE_DIMS[1] + 1, EMB_DIM))
    W2 = _xavier_uniform(k2, (FULL_BOND_FEATURE_DIMS[2] + 1, EMB_DIM))
    return {"edge_attr": edge_attr, "W0": W0, "W1": W1, "W2": W2}


def reference(edge_attr, W0, W1, W2):
    tables = [W0, W1, W2]
    bond_embedding = jnp.zeros((), dtype=jnp.float32)
    for i in range(edge_attr.shape[-1]):
        bond_embedding = bond_embedding + jnp.take(tables[i], edge_attr[..., i], axis=0)
    # torch .squeeze(dim=-2): only squeezes if that dim has size 1
    if bond_embedding.ndim >= 2 and bond_embedding.shape[-2] == 1:
        bond_embedding = jnp.squeeze(bond_embedding, axis=-2)
    return bond_embedding

if __name__ == "__main__":
    import jax
    _d = setup_inputs()
    print(jax.jit(kernel)(*tuple(_d.values())))

</pallas_src>

<mosaic_0001>
#map = affine_map<(d0, d1) -> (0)>
#map1 = affine_map<(d0, d1) -> (0, 0)>
module attributes {stable_mosaic.version = 14 : i64} {
  func.func @k(%arg0: i32, %arg1: i32, %arg2: memref<320000xi32, #tpu.memory_space<hbm>>, %arg3: memref<320000xi32, #tpu.memory_space<hbm>>, %arg4: memref<320000xi32, #tpu.memory_space<hbm>>, %arg5: memref<6x128xf32, #tpu.memory_space<hbm>>, %arg6: memref<7x128xf32, #tpu.memory_space<hbm>>, %arg7: memref<3x128xf32, #tpu.memory_space<hbm>>, %arg8: memref<320000x128xf32, #tpu.memory_space<hbm>>, %arg9: memref<6x128xf32, #tpu.memory_space<vmem>>, %arg10: memref<7x128xf32, #tpu.memory_space<vmem>>, %arg11: memref<3x128xf32, #tpu.memory_space<vmem>>, %arg12: memref<128xf32, #tpu.memory_space<vmem>>, %arg13: memref<10000xi32, #tpu.memory_space<vmem>>, %arg14: memref<10000xi32, #tpu.memory_space<vmem>>, %arg15: memref<10000xi32, #tpu.memory_space<vmem>>, %arg16: memref<10000xi32, #tpu.memory_space<vmem>>, %arg17: memref<10x40x128xf32, #tpu.memory_space<vmem>>, %arg18: memref<128x128xf32, #tpu.memory_space<vmem_shared>>, %arg19: memref<!tpu.dma_semaphore, #tpu.memory_space<semaphore_mem>>, %arg20: memref<10x!tpu.dma_semaphore, #tpu.memory_space<semaphore_mem>>, %arg21: memref<10x!tpu.dma_semaphore, #tpu.memory_space<semaphore_mem>>) attributes {dimension_semantics = [#tpu.dimension_semantics<core_parallel>, #tpu.dimension_semantics<subcore_parallel>], iteration_bounds = array<i64: 2, 16>, scalar_prefetch = 0 : i64, scratch_operands = 13 : i64, tpu.core_type = #tpu.core_type<sc_vector_subcore>, window_params = [{transform_indices = #map}, {transform_indices = #map}, {transform_indices = #map}, {transform_indices = #map1}, {transform_indices = #map1}, {transform_indices = #map1}, {transform_indices = #map1}]} {
    %mul3A = arith.constant 2 : i32
    %mul3A_0 = arith.muli %arg1, %mul3A : i32
    %add3A = arith.addi %mul3A_0, %arg0 : i32
    %mul3A_1 = arith.constant 10000 : i32
    %mul3A_2 = arith.muli %add3A, %mul3A_1 : i32
    %dma_start3A = tpu.memref_slice %arg2[%mul3A_2] : memref<320000xi32, #tpu.memory_space<hbm>> -> memref<10000xi32, #tpu.memory_space<hbm>>
    %dma_start3A_3 = tpu.memref_slice %arg2[%mul3A_2] : memref<320000xi32, #tpu.memory_space<hbm>> -> memref<10000xi32, #tpu.memory_space<hbm>>
    tpu.enqueue_dma source(%dma_start3A_3 : memref<10000xi32, #tpu.memory_space<hbm>>) target(%arg13 : memref<10000xi32, #tpu.memory_space<vmem>>) target_semaphore(%arg19 : memref<!tpu.dma_semaphore, #tpu.memory_space<semaphore_mem>>)
    %dma_start3A_4 = tpu.memref_slice %arg3[%mul3A_2] : memref<320000xi32, #tpu.memory_space<hbm>> -> memref<10000xi32, #tpu.memory_space<hbm>>
    %dma_start3A_5 = tpu.memref_slice %arg3[%mul3A_2] : memref<320000xi32, #tpu.memory_space<hbm>> -> memref<10000xi32, #tpu.memory_space<hbm>>
    tpu.enqueue_dma source(%dma_start3A_5 : memref<10000xi32, #tpu.memory_space<hbm>>) target(%arg14 : memref<10000xi32, #tpu.memory_space<vmem>>) target_semaphore(%arg19 : memref<!tpu.dma_semaphore, #tpu.memory_space<semaphore_mem>>)
    %dma_start3A_6 = tpu.memref_slice %arg4[%mul3A_2] : memref<320000xi32, #tpu.memory_space<hbm>> -> memref<10000xi32, #tpu.memory_space<hbm>>
    %dma_start3A_7 = tpu.memref_slice %arg4[%mul3A_2] : memref<320000xi32, #tpu.memory_space<hbm>> -> memref<10000xi32, #tpu.memory_space<hbm>>
    tpu.enqueue_dma source(%dma_start3A_7 : memref<10000xi32, #tpu.memory_space<hbm>>) target(%arg15 : memref<10000xi32, #tpu.memory_space<vmem>>) target_semaphore(%arg19 : memref<!tpu.dma_semaphore, #tpu.memory_space<semaphore_mem>>)
    "tpu.region"() ({
      %run_scoped3A = tpu.sem_alloc : memref<!tpu.dma_semaphore, #tpu.memory_space<semaphore_mem>>
      tpu.enqueue_dma source(%arg5 : memref<6x128xf32, #tpu.memory_space<hbm>>) target(%arg9 : memref<6x128xf32, #tpu.memory_space<vmem>>) target_semaphore(%run_scoped3A : memref<!tpu.dma_semaphore, #tpu.memory_space<semaphore_mem>>)
      tpu.wait_dma2 semaphore(%run_scoped3A : memref<!tpu.dma_semaphore, #tpu.memory_space<semaphore_mem>>) src(%arg5 : memref<6x128xf32, #tpu.memory_space<hbm>>) dst(%arg9 : memref<6x128xf32, #tpu.memory_space<vmem>>)
      tpu.yield
    }) : () -> ()
    "tpu.region"() ({
      %run_scoped3A = tpu.sem_alloc : memref<!tpu.dma_semaphore, #tpu.memory_space<semaphore_mem>>
      tpu.enqueue_dma source(%arg6 : memref<7x128xf32, #tpu.memory_space<hbm>>) target(%arg10 : memref<7x128xf32, #tpu.memory_space<vmem>>) target_semaphore(%run_scoped3A : memref<!tpu.dma_semaphore, #tpu.memory_space<semaphore_mem>>)
      tpu.wait_dma2 semaphore(%run_scoped3A : memref<!tpu.dma_semaphore, #tpu.memory_space<semaphore_mem>>) src(%arg6 : memref<7x128xf32, #tpu.memory_space<hbm>>) dst(%arg10 : memref<7x128xf32, #tpu.memory_space<vmem>>)
      tpu.yield
    }) : () -> ()
    "tpu.region"() ({
      %run_scoped3A = tpu.sem_alloc : memref<!tpu.dma_semaphore, #tpu.memory_space<semaphore_mem>>
      tpu.enqueue_dma source(%arg7 : memref<3x128xf32, #tpu.memory_space<hbm>>) target(%arg11 : memref<3x128xf32, #tpu.memory_space<vmem>>) target_semaphore(%run_scoped3A : memref<!tpu.dma_semaphore, #tpu.memory_space<semaphore_mem>>)
      tpu.wait_dma2 semaphore(%run_scoped3A : memref<!tpu.dma_semaphore, #tpu.memory_space<semaphore_mem>>) src(%arg7 : memref<3x128xf32, #tpu.memory_space<hbm>>) dst(%arg11 : memref<3x128xf32, #tpu.memory_space<vmem>>)
      tpu.yield
    }) : () -> ()
    %scan3A = arith.constant 0 : i32
    %scan3A_8 = arith.constant 8 : i32
    %scan3A_9 = arith.addi %scan3A, %scan3A_8 : i32
    %scan3A_10 = arith.constant 1 : i32
    scf.for %scan3A_1172 = %scan3A to %scan3A_9 step %scan3A_10  : i32 {
      %mul3A_1173 = arith.constant 8 : i32
      %mul3A_1174 = arith.muli %arg1, %mul3A_1173 : i32
      %add3A_1175 = arith.addi %mul3A_1174, %scan3A_1172 : i32
      %jit3A_1176 = arith.constant 21 : i32
      %div3A = arith.divsi %add3A_1175, %jit3A_1176 : i32
      %sign3A = arith.constant 0 : i32
      %sign3A_1177 = arith.cmpi sgt, %add3A_1175, %sign3A : i32
      %sign3A_1178 = arith.extui %sign3A_1177 : i1 to i32
      %sign3A_1179 = arith.constant 0 : i32
      %sign3A_1180 = arith.cmpi slt, %add3A_1175, %sign3A_1179 : i32
      %sign3A_1181 = arith.extui %sign3A_1180 : i1 to i32
      %sign3A_1182 = arith.subi %sign3A_1178, %sign3A_1181 : i32
      %sign3A_1183 = arith.constant 0 : i32
      %sign3A_1184 = arith.cmpi sgt, %jit3A_1176, %sign3A_1183 : i32
      %sign3A_1185 = arith.extui %sign3A_1184 : i1 to i32
      %sign3A_1186 = arith.constant 0 : i32
      %sign3A_1187 = arith.cmpi slt, %jit3A_1176, %sign3A_1186 : i32
      %sign3A_1188 = arith.extui %sign3A_1187 : i1 to i32
      %sign3A_1189 = arith.subi %sign3A_1185, %sign3A_1188 : i32
      %ne3A = arith.cmpi ne, %sign3A_1182, %sign3A_1189 : i32
      %rem3A = arith.remsi %add3A_1175, %jit3A_1176 : i32
      %ne3A_1190 = arith.constant 0 : i32
      %ne3A_1191 = arith.cmpi ne, %rem3A, %ne3A_1190 : i32
      %and3A = arith.andi %ne3A, %ne3A_1191 : i1
      %sub3A = arith.constant 1 : i32
      %sub3A_1192 = arith.subi %div3A, %sub3A : i32
      %select_n3A = arith.select %and3A, %sub3A_1192, %div3A : i32
      %min3A_1193 = arith.constant 5 : i32
      %min3A_1194 = arith.minsi %select_n3A, %min3A_1193 : i32
      %jit3A_1195 = arith.constant 3 : i32
      %div3A_1196 = arith.divsi %add3A_1175, %jit3A_1195 : i32
      %sign3A_1197 = arith.constant 0 : i32
      %sign3A_1198 = arith.cmpi sgt, %add3A_1175, %sign3A_1197 : i32
      %sign3A_1199 = arith.extui %sign3A_1198 : i1 to i32
      %sign3A_1200 = arith.constant 0 : i32
      %sign3A_1201 = arith.cmpi slt, %add3A_1175, %sign3A_1200 : i32
      %sign3A_1202 = arith.extui %sign3A_1201 : i1 to i32
      %sign3A_1203 = arith.subi %sign3A_1199, %sign3A_1202 : i32
      %sign3A_1204 = arith.constant 0 : i32
      %sign3A_1205 = arith.cmpi sgt, %jit3A_1195, %sign3A_1204 : i32
      %sign3A_1206 = arith.extui %sign3A_1205 : i1 to i32
      %sign3A_1207 = arith.constant 0 : i32
      %sign3A_1208 = arith.cmpi slt, %jit3A_1195, %sign3A_1207 : i32
      %sign3A_1209 = arith.extui %sign3A_1208 : i1 to i32
      %sign3A_1210 = arith.subi %sign3A_1206, %sign3A_1209 : i32
      %ne3A_1211 = arith.cmpi ne, %sign3A_1203, %sign3A_1210 : i32
      %rem3A_1212 = arith.remsi %add3A_1175, %jit3A_1195 : i32
      %ne3A_1213 = arith.constant 0 : i32
      %ne3A_1214 = arith.cmpi ne, %rem3A_1212, %ne3A_1213 : i32
      %and3A_1215 = arith.andi %ne3A_1211, %ne3A_1214 : i1
      %sub3A_1216 = arith.constant 1 : i32
      %sub3A_1217 = arith.subi %div3A_1196, %sub3A_1216 : i32
      %select_n3A_1218 = arith.select %and3A_1215, %sub3A_1217, %div3A_1196 : i32
      %jit3A_1219 = arith.constant 7 : i32
      %eq3A = arith.constant 0 : i32
      %eq3A_1220 = arith.cmpi eq, %jit3A_1219, %eq3A : i32
      %jit3A_1221 = arith.constant 1 : i32
      %select_n3A_1222 = arith.select %eq3A_1220, %jit3A_1221, %jit3A_1219 : i32
      %rem3A_1223 = arith.remsi %select_n3A_1218, %select_n3A_1222 : i32
      %ne3A_1224 = arith.constant 0 : i32
      %ne3A_1225 = arith.cmpi ne, %rem3A_1223, %ne3A_1224 : i32
      %lt3A = arith.constant 0 : i32
      %lt3A_1226 = arith.cmpi slt, %rem3A_1223, %lt3A : i32
      %lt3A_1227 = arith.constant 0 : i32
      %lt3A_1228 = arith.cmpi slt, %select_n3A_1222, %lt3A_1227 : i32
      %ne3A_1229 = arith.xori %lt3A_1226, %lt3A_1228 : i1
      %and3A_1230 = arith.andi %ne3A_1229, %ne3A_1225 : i1
      %add3A_1231 = arith.addi %rem3A_1223, %select_n3A_1222 : i32
      %select_n3A_1232 = arith.select %and3A_1230, %add3A_1231, %rem3A_1223 : i32
      %jit3A_1233 = arith.constant 3 : i32
      %eq3A_1234 = arith.constant 0 : i32
      %eq3A_1235 = arith.cmpi eq, %jit3A_1233, %eq3A_1234 : i32
      %jit3A_1236 = arith.constant 1 : i32
      %select_n3A_1237 = arith.select %eq3A_1235, %jit3A_1236, %jit3A_1233 : i32
      %rem3A_1238 = arith.remsi %add3A_1175, %select_n3A_1237 : i32
      %ne3A_1239 = arith.constant 0 : i32
      %ne3A_1240 = arith.cmpi ne, %rem3A_1238, %ne3A_1239 : i32
      %lt3A_1241 = arith.constant 0 : i32
      %lt3A_1242 = arith.cmpi slt, %rem3A_1238, %lt3A_1241 : i32
      %lt3A_1243 = arith.constant 0 : i32
      %lt3A_1244 = arith.cmpi slt, %select_n3A_1237, %lt3A_1243 : i32
      %ne3A_1245 = arith.xori %lt3A_1242, %lt3A_1244 : i1
      %and3A_1246 = arith.andi %ne3A_1245, %ne3A_1240 : i1
      %add3A_1247 = arith.addi %rem3A_1238, %select_n3A_1237 : i32
      %select_n3A_1248 = arith.select %and3A_1246, %add3A_1247, %rem3A_1238 : i32
      %broadcast_in_dim3A = arith.constant 0.000000e+00 : f32
      %broadcast_in_dim3A_1249 = vector.broadcast %broadcast_in_dim3A : f32 to vector<16xf32>
      %get3A_1250 = arith.constant 0 : i32
      %get3A_1251 = arith.index_cast %get3A_1250 : i32 to index
      %get3A_1252 = arith.constant 0 : index
      %get3A_1253 = tpu.vector_load %arg9[%get3A_1251, %get3A_1252] {strides = array<i32>} : memref<6x128xf32, #tpu.memory_space<vmem>>, vector<1x16xf32>,
      %get3A_1254 = vector.shape_cast %get3A_1253 : vector<1x16xf32> to vector<16xf32>
      %eq3A_1255 = arith.constant 0 : i32
      %eq3A_1256 = arith.cmpi eq, %min3A_1194, %eq3A_1255 : i32
      %convert_element_type3A = arith.extui %eq3A_1256 : i1 to i32
      %convert_element_type3A_1257 = arith.sitofp %convert_element_type3A : i32 to f32
      %mul3A_1258 = vector.broadcast %convert_element_type3A_1257 : f32 to vector<16xf32>
      %mul3A_1259 = arith.mulf %get3A_1254, %mul3A_1258 : vector<16xf32>
      %add3A_1260 = arith.addf %broadcast_in_dim3A_1249, %mul3A_1259 : vector<16xf32>
      %get3A_1261 = arith.constant 1 : i32
      %get3A_1262 = arith.index_cast %get3A_1261 : i32 to index
      %get3A_1263 = arith.constant 0 : index
      %get3A_1264 = tpu.vector_load %arg9[%get3A_1262, %get3A_1263] {strides = array<i32>} : memref<6x128xf32, #tpu.memory_space<vmem>>, vector<1x16xf32>,
      %get3A_1265 = vector.shape_cast %get3A_1264 : vector<1x16xf32> to vector<16xf32>
      %eq3A_1266 = arith.constant 1 : i32
      %eq3A_1267 = arith.cmpi eq, %min3A_1194, %eq3A_1266 : i32
      %convert_element_type3A_1268 = arith.extui %eq3A_1267 : i1 to i32
      %convert_element_type3A_1269 = arith.sitofp %convert_element_type3A_1268 : i32 to f32
      %mul3A_1270 = vector.broadcast %convert_element_type3A_1269 : f32 to vector<16xf32>
      %mul3A_1271 = arith.mulf %get3A_1265, %mul3A_1270 : vector<16xf32>
      %add3A_1272 = arith.addf %add3A_1260, %mul3A_1271 : vector<16xf32>
      %get3A_1273 = arith.constant 2 : i32
      %get3A_1274 = arith.index_cast %get3A_1273 : i32 to index
      %get3A_1275 = arith.constant 0 : index
      %get3A_1276 = tpu.vector_load %arg9[%get3A_1274, %get3A_1275] {strides = array<i32>} : memref<6x128xf32, #tpu.memory_space<vmem>>, vector<1x16xf32>,
      %get3A_1277 = vector.shape_cast %get3A_1276 : vector<1x16xf32> to vector<16xf32>
      %eq3A_1278 = arith.constant 2 : i32
      %eq3A_1279 = arith.cmpi eq, %min3A_1194, %eq3A_1278 : i32
      %convert_element_type3A_1280 = arith.extui %eq3A_1279 : i1 to i32
      %convert_element_type3A_1281 = arith.sitofp %convert_element_type3A_1280 : i32 to f32
      %mul3A_1282 = vector.broadcast %convert_element_type3A_1281 : f32 to vector<16xf32>
      %mul3A_1283 = arith.mulf %get3A_1277, %mul3A_1282 : vector<16xf32>
      %add3A_1284 = arith.addf %add3A_1272, %mul3A_1283 : vector<16xf32>
      %get3A_1285 = arith.constant 3 : i32
      %get3A_1286 = arith.index_cast %get3A_1285 : i32 to index
      %get3A_1287 = arith.constant 0 : index
      %get3A_1288 = tpu.vector_load %arg9[%get3A_1286, %get3A_1287] {strides = array<i32>} : memref<6x128xf32, #tpu.memory_space<vmem>>, vector<1x16xf32>,
      %get3A_1289 = vector.shape_cast %get3A_1288 : vector<1x16xf32> to vector<16xf32>
      %eq3A_1290 = arith.constant 3 : i32
      %eq3A_1291 = arith.cmpi eq, %min3A_1194, %eq3A_1290 : i32
      %convert_element_type3A_1292 = arith.extui %eq3A_1291 : i1 to i32
      %convert_element_type3A_1293 = arith.sitofp %convert_element_type3A_1292 : i32 to f32
      %mul3A_1294 = vector.broadcast %convert_element_type3A_1293 : f32 to vector<16xf32>
      %mul3A_1295 = arith.mulf %get3A_1289, %mul3A_1294 : vector<16xf32>
      %add3A_1296 = arith.addf %add3A_1284, %mul3A_1295 : vector<16xf32>
      %get3A_1297 = arith.constant 4 : i32
      %get3A_1298 = arith.index_cast %get3A_1297 : i32 to index
      %get3A_1299 = arith.constant 0 : index
      %get3A_1300 = tpu.vector_load %arg9[%get3A_1298, %get3A_1299] {strides = array<i32>} : memref<6x128xf32, #tpu.memory_space<vmem>>, vector<1x16xf32>,
      %get3A_1301 = vector.shape_cast %get3A_1300 : vector<1x16xf32> to vector<16xf32>
      %eq3A_1302 = arith.constant 4 : i32
      %eq3A_1303 = arith.cmpi eq, %min3A_1194, %eq3A_1302 : i32
      %convert_element_type3A_1304 = arith.extui %eq3A_1303 : i1 to i32
      %convert_element_type3A_1305 = arith.sitofp %convert_element_type3A_1304 : i32 to f32
      %mul3A_1306 = vector.broadcast %convert_element_type3A_1305 : f32 to vector<16xf32>
      %mul3A_1307 = arith.mulf %get3A_1301, %mul3A_1306 : vector<16xf32>
      %add3A_1308 = arith.addf %add3A_1296, %mul3A_1307 : vector<16xf32>
      %get3A_1309 = arith.constant 5 : i32
      %get3A_1310 = arith.index_cast %get3A_1309 : i32 to index
      %get3A_1311 = arith.constant 0 : index
      %get3A_1312 = tpu.vector_load %arg9[%get3A_1310, %get3A_1311] {strides = array<i32>} : memref<6x128xf32, #tpu.memory_space<vmem>>, vector<1x16xf32>,
      %get3A_1313 = vector.shape_cast %get3A_1312 : vector<1x16xf32> to vector<16xf32>
      %eq3A_1314 = arith.constant 5 : i32
      %eq3A_1315 = arith.cmpi eq, %min3A_1194, %eq3A_1314 : i32
      %convert_element_type3A_1316 = arith.extui %eq3A_1315 : i1 to i32
      %convert_element_type3A_1317 = arith.sitofp %convert_element_type3A_1316 : i32 to f32
      %mul3A_1318 = vector.broadcast %convert_element_type3A_1317 : f32 to vector<16xf32>
      %mul3A_1319 = arith.mulf %get3A_1313, %mul3A_1318 : vector<16xf32>
      %add3A_1320 = arith.addf %add3A_1308, %mul3A_1319 : vector<16xf32>
      %get3A_1321 = arith.constant 0 : i32
      %get3A_1322 = arith.index_cast %get3A_1321 : i32 to index
      %get3A_1323 = arith.constant 0 : index
      %get3A_1324 = tpu.vector_load %arg10[%get3A_1322, %get3A_1323] {strides = array<i32>} : memref<7x128xf32, #tpu.memory_space<vmem>>, vector<1x16xf32>,
      %get3A_1325 = vector.shape_cast %get3A_1324 : vector<1x16xf32> to vector<16xf32>
      %eq3A_1326 = arith.constant 0 : i32
      %eq3A_1327 = arith.cmpi eq, %select_n3A_1232, %eq3A_1326 : i32
      %convert_element_type3A_1328 = arith.extui %eq3A_1327 : i1 to i32
      %convert_element_type3A_1329 = arith.sitofp %convert_element_type3A_1328 : i32 to f32
      %mul3A_1330 = vector.broadcast %convert_element_type3A_1329 : f32 to vector<16xf32>
      %mul3A_1331 = arith.mulf %get3A_1325, %mul3A_1330 : vector<16xf32>
      %add3A_1332 = arith.addf %add3A_1320, %mul3A_1331 : vector<16xf32>
      %get3A_1333 = arith.constant 1 : i32
      %get3A_1334 = arith.index_cast %get3A_1333 : i32 to index
      %get3A_1335 = arith.constant 0 : index
      %get3A_1336 = tpu.vector_load %arg10[%get3A_1334, %get3A_1335] {strides = array<i32>} : memref<7x128xf32, #tpu.memory_space<vmem>>, vector<1x16xf32>,
      %get3A_1337 = vector.shape_cast %get3A_1336 : vector<1x16xf32> to vector<16xf32>
      %eq3A_1338 = arith.constant 1 : i32
      %eq3A_1339 = arith.cmpi eq, %select_n3A_1232, %eq3A_1338 : i32
      %convert_element_type3A_1340 = arith.extui %eq3A_1339 : i1 to i32
      %convert_element_type3A_1341 = arith.sitofp %convert_element_type3A_1340 : i32 to f32
      %mul3A_1342 = vector.broadcast %convert_element_type3A_1341 : f32 to vector<16xf32>
      %mul3A_1343 = arith.mulf %get3A_1337, %mul3A_1342 : vector<16xf32>
      %add3A_1344 = arith.addf %add3A_1332, %mul3A_1343 : vector<16xf32>
      %get3A_1345 = arith.constant 2 : i32
      %get3A_1346 = arith.index_cast %get3A_1345 : i32 to index
      %get3A_1347 = arith.constant 0 : index
      %get3A_1348 = tpu.vector_load %arg10[%get3A_1346, %get3A_1347] {strides = array<i32>} : memref<7x128xf32, #tpu.memory_space<vmem>>, vector<1x16xf32>,
      %get3A_1349 = vector.shape_cast %get3A_1348 : vector<1x16xf32> to vector<16xf32>
      %eq3A_1350 = arith.constant 2 : i32
      %eq3A_1351 = arith.cmpi eq, %select_n3A_1232, %eq3A_1350 : i32
      %convert_element_type3A_1352 = arith.extui %eq3A_1351 : i1 to i32
      %convert_element_type3A_1353 = arith.sitofp %convert_element_type3A_1352 : i32 to f32
      %mul3A_1354 = vector.broadcast %convert_element_type3A_1353 : f32 to vector<16xf32>
      %mul3A_1355 = arith.mulf %get3A_1349, %mul3A_1354 : vector<16xf32>
      %add3A_1356 = arith.addf %add3A_1344, %mul3A_1355 : vector<16xf32>
      %get3A_1357 = arith.constant 3 : i32
      %get3A_1358 = arith.index_cast %get3A_1357 : i32 to index
      %get3A_1359 = arith.constant 0 : index
      %get3A_1360 = tpu.vector_load %arg10[%get3A_1358, %get3A_1359] {strides = array<i32>} : memref<7x128xf32, #tpu.memory_space<vmem>>, vector<1x16xf32>,
      %get3A_1361 = vector.shape_cast %get3A_1360 : vector<1x16xf32> to vector<16xf32>
      %eq3A_1362 = arith.constant 3 : i32
      %eq3A_1363 = arith.cmpi eq, %select_n3A_1232, %eq3A_1362 : i32
      %convert_element_type3A_1364 = arith.extui %eq3A_1363 : i1 to i32
      %convert_element_type3A_1365 = arith.sitofp %convert_element_type3A_1364 : i32 to f32
      %mul3A_1366 = vector.broadcast %convert_element_type3A_1365 : f32 to vector<16xf32>
      %mul3A_1367 = arith.mulf %get3A_1361, %mul3A_1366 : vector<16xf32>
      %add3A_1368 = arith.addf %add3A_1356, %mul3A_1367 : vector<16xf32>
      %get3A_1369 = arith.constant 4 : i32
      %get3A_1370 = arith.index_cast %get3A_1369 : i32 to index
      %get3A_1371 = arith.constant 0 : index
      %get3A_1372 = tpu.vector_load %arg10[%get3A_1370, %get3A_1371] {strides = array<i32>} : memref<7x128xf32, #tpu.memory_space<vmem>>, vector<1x16xf32>,
      %get3A_1373 = vector.shape_cast %get3A_1372 : vector<1x16xf32> to vector<16xf32>
      %eq3A_1374 = arith.constant 4 : i32
      %eq3A_1375 = arith.cmpi eq, %select_n3A_1232, %eq3A_1374 : i32
      %convert_element_type3A_1376 = arith.extui %eq3A_1375 : i1 to i32
      %convert_element_type3A_1377 = arith.sitofp %convert_element_type3A_1376 : i32 to f32
      %mul3A_1378 = vector.broadcast %convert_element_type3A_1377 : f32 to vector<16xf32>
      %mul3A_1379 = arith.mulf %get3A_1373, %mul3A_1378 : vector<16xf32>
      %add3A_1380 = arith.addf %add3A_1368, %mul3A_1379 : vector<16xf32>
      %get3A_1381 = arith.constant 5 : i32
      %get3A_1382 = arith.index_cast %get3A_1381 : i32 to index
      %get3A_1383 = arith.constant 0 : index
      %get3A_1384 = tpu.vector_load %arg10[%get3A_1382, %get3A_1383] {strides = array<i32>} : memref<7x128xf32, #tpu.memory_space<vmem>>, vector<1x16xf32>,
      %get3A_1385 = vector.shape_cast %get3A_1384 : vector<1x16xf32> to vector<16xf32>
      %eq3A_1386 = arith.constant 5 : i32
      %eq3A_1387 = arith.cmpi eq, %select_n3A_1232, %eq3A_1386 : i32
      %convert_element_type3A_1388 = arith.extui %eq3A_1387 : i1 to i32
      %convert_element_type3A_1389 = arith.sitofp %convert_element_type3A_1388 : i32 to f32
      %mul3A_1390 = vector.broadcast %convert_element_type3A_1389 : f32 to vector<16xf32>
      %mul3A_1391 = arith.mulf %get3A_1385, %mul3A_1390 : vector<16xf32>
      %add3A_1392 = arith.addf %add3A_1380, %mul3A_1391 : vector<16xf32>
      %get3A_1393 = arith.constant 6 : i32
      %get3A_1394 = arith.index_cast %get3A_1393 : i32 to index
      %get3A_1395 = arith.constant 0 : index
      %get3A_1396 = tpu.vector_load %arg10[%get3A_1394, %get3A_1395] {strides = array<i32>} : memref<7x128xf32, #tpu.memory_space<vmem>>, vector<1x16xf32>,
      %get3A_1397 = vector.shape_cast %get3A_1396 : vector<1x16xf32> to vector<16xf32>
      %eq3A_1398 = arith.constant 6 : i32
      %eq3A_1399 = arith.cmpi eq, %select_n3A_1232, %eq3A_1398 : i32
      %convert_element_type3A_1400 = arith.extui %eq3A_1399 : i1 to i32
      %convert_element_type3A_1401 = arith.sitofp %convert_element_type3A_1400 : i32 to f32
      %mul3A_1402 = vector.broadcast %convert_element_type3A_1401 : f32 to vector<16xf32>
      %mul3A_1403 = arith.mulf %get3A_1397, %mul3A_1402 : vector<16xf32>
      %add3A_1404 = arith.addf %add3A_1392, %mul3A_1403 : vector<16xf32>
      %get3A_1405 = arith.constant 0 : i32
      %get3A_1406 = arith.index_cast %get3A_1405 : i32 to index
      %get3A_1407 = arith.constant 0 : index
      %get3A_1408 = tpu.vector_load %arg11[%get3A_1406, %get3A_1407] {strides = array<i32>} : memref<3x128xf32, #tpu.memory_space<vmem>>, vector<1x16xf32>,
      %get3A_1409 = vector.shape_cast %get3A_1408 : vector<1x16xf32> to vector<16xf32>
      %eq3A_1410 = arith.constant 0 : i32
      %eq3A_1411 = arith.cmpi eq, %select_n3A_1248, %eq3A_1410 : i32
      %convert_element_type3A_1412 = arith.extui %eq3A_1411 : i1 to i32
      %convert_element_type3A_1413 = arith.sitofp %convert_element_type3A_1412 : i32 to f32
      %mul3A_1414 = vector.broadcast %convert_element_type3A_1413 : f32 to vector<16xf32>
      %mul3A_1415 = arith.mulf %get3A_1409, %mul3A_1414 : vector<16xf32>
      %add3A_1416 = arith.addf %add3A_1404, %mul3A_1415 : vector<16xf32>
      %get3A_1417 = arith.constant 1 : i32
      %get3A_1418 = arith.index_cast %get3A_1417 : i32 to index
      %get3A_1419 = arith.constant 0 : index
      %get3A_1420 = tpu.vector_load %arg11[%get3A_1418, %get3A_1419] {strides = array<i32>} : memref<3x128xf32, #tpu.memory_space<vmem>>, vector<1x16xf32>,
      %get3A_1421 = vector.shape_cast %get3A_1420 : vector<1x16xf32> to vector<16xf32>
      %eq3A_1422 = arith.constant 1 : i32
      %eq3A_1423 = arith.cmpi eq, %select_n3A_1248, %eq3A_1422 : i32
      %convert_element_type3A_1424 = arith.extui %eq3A_1423 : i1 to i32
      %convert_element_type3A_1425 = arith.sitofp %convert_element_type3A_1424 : i32 to f32
      %mul3A_1426 = vector.broadcast %convert_element_type3A_1425 : f32 to vector<16xf32>
      %mul3A_1427 = arith.mulf %get3A_1421, %mul3A_1426 : vector<16xf32>
      %add3A_1428 = arith.addf %add3A_1416, %mul3A_1427 : vector<16xf32>
      %get3A_1429 = arith.constant 2 : i32
      %get3A_1430 = arith.index_cast %get3A_1429 : i32 to index
      %get3A_1431 = arith.constant 0 : index
      %get3A_1432 = tpu.vector_load %arg11[%get3A_1430, %get3A_1431] {strides = array<i32>} : memref<3x128xf32, #tpu.memory_space<vmem>>, vector<1x16xf32>,
      %get3A_1433 = vector.shape_cast %get3A_1432 : vector<1x16xf32> to vector<16xf32>
      %eq3A_1434 = arith.constant 2 : i32
      %eq3A_1435 = arith.cmpi eq, %select_n3A_1248, %eq3A_1434 : i32
      %convert_element_type3A_1436 = arith.extui %eq3A_1435 : i1 to i32
      %convert_element_type3A_1437 = arith.sitofp %convert_element_type3A_1436 : i32 to f32
      %mul3A_1438 = vector.broadcast %convert_element_type3A_1437 : f32 to vector<16xf32>
      %mul3A_1439 = arith.mulf %get3A_1433, %mul3A_1438 : vector<16xf32>
      %add3A_1440 = arith.addf %add3A_1428, %mul3A_1439 : vector<16xf32>
      %swap3A_1441 = arith.constant 0 : index
      %swap3A_1442 = tpu.vector_load %arg12[%swap3A_1441] {strides = array<i32>} : memref<128xf32, #tpu.memory_space<vmem>>, vector<16xf32>,
      %swap3A_1443 = vector.shape_cast %swap3A_1442 : vector<16xf32> to vector<16xf32>
      %swap3A_1444 = vector.shape_cast %add3A_1440 : vector<16xf32> to vector<16xf32>
      tpu.vector_store %arg12[%swap3A_1441], %swap3A_1444 {strides = array<i32>} : memref<128xf32, #tpu.memory_space<vmem>>, vector<16xf32>,
      %broadcast_in_dim3A_1445 = arith.constant 0.000000e+00 : f32
      %broadcast_in_dim3A_1446 = vector.broadcast %broadcast_in_dim3A_1445 : f32 to vector<16xf32>
      %get3A_1447 = arith.constant 0 : i32
      %get3A_1448 = arith.index_cast %get3A_1447 : i32 to index
      %get3A_1449 = arith.constant 16 : index
      %get3A_1450 = tpu.vector_load %arg9[%get3A_1448, %get3A_1449] {strides = array<i32>} : memref<6x128xf32, #tpu.memory_space<vmem>>, vector<1x16xf32>,
      %get3A_1451 = vector.shape_cast %get3A_1450 : vector<1x16xf32> to vector<16xf32>
      %eq3A_1452 = arith.constant 0 : i32
      %eq3A_1453 = arith.cmpi eq, %min3A_1194, %eq3A_1452 : i32
      %convert_element_type3A_1454 = arith.extui %eq3A_1453 : i1 to i32
      %convert_element_type3A_1455 = arith.sitofp %convert_element_type3A_1454 : i32 to f32
      %mul3A_1456 = vector.broadcast %convert_element_type3A_1455 : f32 to vector<16xf32>
      %mul3A_1457 = arith.mulf %get3A_1451, %mul3A_1456 : vector<16xf32>
      %add3A_1458 = arith.addf %broadcast_in_dim3A_1446, %mul3A_1457 : vector<16xf32>
      %get3A_1459 = arith.constant 1 : i32
      %get3A_1460 = arith.index_cast %get3A_1459 : i32 to index
      %get3A_1461 = arith.constant 16 : index
      %get3A_1462 = tpu.vector_load %arg9[%get3A_1460, %get3A_1461] {strides = array<i32>} : memref<6x128xf32, #tpu.memory_space<vmem>>, vector<1x16xf32>,
      %get3A_1463 = vector.shape_cast %get3A_1462 : vector<1x16xf32> to vector<16xf32>
      %eq3A_1464 = arith.constant 1 : i32
      %eq3A_1465 = arith.cmpi eq, %min3A_1194, %eq3A_1464 : i32
      %convert_element_type3A_1466 = arith.extui %eq3A_1465 : i1 to i32
      %convert_element_type3A_1467 = arith.sitofp %convert_element_type3A_1466 : i32 to f32
      %mul3A_1468 = vector.broadcast %convert_element_type3A_1467 : f32 to vector<16xf32>
      %mul3A_1469 = arith.mulf %get3A_1463, %mul3A_1468 : vector<16xf32>
      %add3A_1470 = arith.addf %add3A_1458, %mul3A_1469 : vector<16xf32>
      %get3A_1471 = arith.constant 2 : i32
      %get3A_1472 = arith.index_cast %get3A_1471 : i32 to index
      %get3A_1473 = arith.constant 16 : index
      %get3A_1474 = tpu.vector_load %arg9[%get3A_1472, %get3A_1473] {strides = array<i32>} : memref<6x128xf32, #tpu.memory_space<vmem>>, vector<1x16xf32>,
      %get3A_1475 = vector.shape_cast %get3A_1474 : vector<1x16xf32> to vector<16xf32>
      %eq3A_1476 = arith.constant 2 : i32
      %eq3A_1477 = arith.cmpi eq, %min3A_1194, %eq3A_1476 : i32
      %convert_element_type3A_1478 = arith.extui %eq3A_1477 : i1 to i32
      %convert_element_type3A_1479 = arith.sitofp %convert_element_type3A_1478 : i32 to f32
      %mul3A_1480 = vector.broadcast %convert_element_type3A_1479 : f32 to vector<16xf32>
      %mul3A_1481 = arith.mulf %get3A_1475, %mul3A_1480 : vector<16xf32>
      %add3A_1482 = arith.addf %add3A_1470, %mul3A_1481 : vector<16xf32>
      %get3A_1483 = arith.constant 3 : i32
      %get3A_1484 = arith.index_cast %get3A_1483 : i32 to index
      %get3A_1485 = arith.constant 16 : index
      %get3A_1486 = tpu.vector_load %arg9[%get3A_1484, %get3A_1485] {strides = array<i32>} : memref<6x128xf32, #tpu.memory_space<vmem>>, vector<1x16xf32>,
      %get3A_1487 = vector.shape_cast %get3A_1486 : vector<1x16xf32> to vector<16xf32>
      %eq3A_1488 = arith.constant 3 : i32
      %eq3A_1489 = arith.cmpi eq, %min3A_1194, %eq3A_1488 : i32
      %convert_element_type3A_1490 = arith.extui %eq3A_1489 : i1 to i32
      %convert_element_type3A_1491 = arith.sitofp %convert_element_type3A_1490 : i32 to f32
      %mul3A_1492 = vector.broadcast %convert_element_type3A_1491 : f32 to vector<16xf32>
      %mul3A_1493 = arith.mulf %get3A_1487, %mul3A_1492 : vector<16xf32>
      %add3A_1494 = arith.addf %add3A_1482, %mul3A_1493 : vector<16xf32>
      %get3A_1495 = arith.constant 4 : i32
      %get3A_1496 = arith.index_cast %get3A_1495 : i32 to index
      %get3A_1497 = arith.constant 16 : index
      %get3A_1498 = tpu.vector_load %arg9[%get3A_1496, %get3A_1497] {strides = array<i32>} : memref<6x128xf32, #tpu.memory_space<vmem>>, vector<1x16xf32>,
      %get3A_1499 = vector.shape_cast %get3A_1498 : vector<1x16xf32> to vector<16xf32>
      %eq3A_1500 = arith.constant 4 : i32
      %eq3A_1501 = arith.cmpi eq, %min3A_1194, %eq3A_1500 : i32
      %convert_element_type3A_1502 = arith.extui %eq3A_1501 : i1 to i32
      %convert_element_type3A_1503 = arith.sitofp %convert_element_type3A_1502 : i32 to f32
      %mul3A_1504 = vector.broadcast %convert_element_type3A_1503 : f32 to vector<16xf32>
      %mul3A_1505 = arith.mulf %get3A_1499, %mul3A_1504 : vector<16xf32>
      %add3A_1506 = arith.addf %add3A_1494, %mul3A_1505 : vector<16xf32>
      %get3A_1507 = arith.constant 5 : i32
      %get3A_1508 = arith.index_cast %get3A_1507 : i32 to index
      %get3A_1509 = arith.constant 16 : index
      %get3A_1510 = tpu.vector_load %arg9[%get3A_1508, %get3A_1509] {strides = array<i32>} : memref<6x128xf32, #tpu.memory_space<vmem>>, vector<1x16xf32>,
      %get3A_1511 = vector.shape_cast %get3A_1510 : vector<1x16xf32> to vector<16xf32>
      %eq3A_1512 = arith.constant 5 : i32
      %eq3A_1513 = arith.cmpi eq, %min3A_1194, %eq3A_1512 : i32
      %convert_element_type3A_1514 = arith.extui %eq3A_1513 : i1 to i32
      %convert_element_type3A_1515 = arith.sitofp %convert_element_type3A_1514 : i32 to f32
      %mul3A_1516 = vector.broadcast %convert_element_type3A_1515 : f32 to vector<16xf32>
      %mul3A_1517 = arith.mulf %get3A_1511, %mul3A_1516 : vector<16xf32>
      %add3A_1518 = arith.addf %add3A_1506, %mul3A_1517 : vector<16xf32>
      %get3A_1519 = arith.constant 0 : i32
      %get3A_1520 = arith.index_cast %get3A_1519 : i32 to index
      %get3A_1521 = arith.constant 16 : index
      %get3A_1522 = tpu.vector_load %arg10[%get3A_1520, %get3A_1521] {strides = array<i32>} : memref<7x128xf32, #tpu.memory_space<vmem>>, vector<1x16xf32>,
      %get3A_1523 = vector.shape_cast %get3A_1522 : vector<1x16xf32> to vector<16xf32>
      %eq3A_1524 = arith.constant 0 : i32
      %eq3A_1525 = arith.cmpi eq, %select_n3A_1232, %eq3A_1524 : i32
      %convert_element_type3A_1526 = arith.extui %eq3A_1525 : i1 to i32
      %convert_element_type3A_1527 = arith.sitofp %convert_element_type3A_1526 : i32 to f32
      %mul3A_1528 = vector.broadcast %convert_element_type3A_1527 : f32 to vector<16xf32>
      %mul3A_1529 = arith.mulf %get3A_1523, %mul3A_1528 : vector<16xf32>
      %add3A_1530 = arith.addf %add3A_1518, %mul3A_1529 : vector<16xf32>
      %get3A_1531 = arith.constant 1 : i32
      %get3A_1532 = arith.index_cast %get3A_1531 : i32 to index
      %get3A_1533 = arith.constant 16 : index
      %get3A_1534 = tpu.vector_load %arg10[%get3A_1532, %get3A_1533] {strides = array<i32>} : memref<7x128xf32, #tpu.memory_space<vmem>>, vector<1x16xf32>,
      %get3A_1535 = vector.shape_cast %get3A_1534 : vector<1x16xf32> to vector<16xf32>
      %eq3A_1536 = arith.constant 1 : i32
      %eq3A_1537 = arith.cmpi eq, %select_n3A_1232, %eq3A_1536 : i32
      %convert_element_type3A_1538 = arith.extui %eq3A_1537 : i1 to i32
      %convert_element_type3A_1539 = arith.sitofp %convert_element_type3A_1538 : i32 to f32
      %mul3A_1540 = vector.broadcast %convert_element_type3A_1539 : f32 to vector<16xf32>
      %mul3A_1541 = arith.mulf %get3A_1535, %mul3A_1540 : vector<16xf32>
      %add3A_1542 = arith.addf %add3A_1530, %mul3A_1541 : vector<16xf32>
      %get3A_1543 = arith.constant 2 : i32
      %get3A_1544 = arith.index_cast %get3A_1543 : i32 to index
      %get3A_1545 = arith.constant 16 : index
      %get3A_1546 = tpu.vector_load %arg10[%get3A_1544, %get3A_1545] {strides = array<i32>} : memref<7x128xf32, #tpu.memory_space<vmem>>, vector<1x16xf32>,
      %get3A_1547 = vector.shape_cast %get3A_1546 : vector<1x16xf32> to vector<16xf32>
      %eq3A_1548 = arith.constant 2 : i32
      %eq3A_1549 = arith.cmpi eq, %select_n3A_1232, %eq3A_1548 : i32
      %convert_element_type3A_1550 = arith.extui %eq3A_1549 : i1 to i32
      %convert_element_type3A_1551 = arith.sitofp %convert_element_type3A_1550 : i32 to f32
      %mul3A_1552 = vector.broadcast %convert_element_type3A_1551 : f32 to vector<16xf32>
      %mul3A_1553 = arith.mulf %get3A_1547, %mul3A_1552 : vector<16xf32>
      %add3A_1554 = arith.addf %add3A_1542, %mul3A_1553 : vector<16xf32>
      %get3A_1555 = arith.constant 3 : i32
      %get3A_1556 = arith.index_cast %get3A_1555 : i32 to index
      %get3A_1557 = arith.constant 16 : index
      %get3A_1558 = tpu.vector_load %arg10[%get3A_1556, %get3A_1557] {strides = array<i32>} : memref<7x128xf32, #tpu.memory_space<vmem>>, vector<1x16xf32>,
      %get3A_1559 = vector.shape_cast %get3A_1558 : vector<1x16xf32> to vector<16xf32>
      %eq3A_1560 = arith.constant 3 : i32
      %eq3A_1561 = arith.cmpi eq, %select_n3A_1232, %eq3A_1560 : i32
      %convert_element_type3A_1562 = arith.extui %eq3A_1561 : i1 to i32
      %convert_element_type3A_1563 = arith.sitofp %convert_element_type3A_1562 : i32 to f32
      %mul3A_1564 = vector.broadcast %convert_element_type3A_1563 : f32 to vector<16xf32>
      %mul3A_1565 = arith.mulf %get3A_1559, %mul3A_1564 : vector<16xf32>
      %add3A_1566 = arith.addf %add3A_1554, %mul3A_1565 : vector<16xf32>
      %get3A_1567 = arith.constant 4 : i32
      %get3A_1568 = arith.index_cast %get3A_1567 : i32 to index
      %get3A_1569 = arith.constant 16 : index
      %get3A_1570 = tpu.vector_load %arg10[%get3A_1568, %get3A_1569] {strides = array<i32>} : memref<7x128xf32, #tpu.memory_space<vmem>>, vector<1x16xf32>,
      %get3A_1571 = vector.shape_cast %get3A_1570 : vector<1x16xf32> to vector<16xf32>
      %eq3A_1572 = arith.constant 4 : i32
      %eq3A_1573 = arith.cmpi eq, %select_n3A_1232, %eq3A_1572 : i32
      %convert_element_type3A_1574 = arith.extui %eq3A_1573 : i1 to i32
      %convert_element_type3A_1575 = arith.sitofp %convert_element_type3A_1574 : i32 to f32
      %mul3A_1576 = vector.broadcast %convert_element_type3A_1575 : f32 to vector<16xf32>
      %mul3A_1577 = arith.mulf %get3A_1571, %mul3A_1576 : vector<16xf32>
      %add3A_1578 = arith.addf %add3A_1566, %mul3A_1577 : vector<16xf32>
      %get3A_1579 = arith.constant 5 : i32
      %get3A_1580 = arith.index_cast %get3A_1579 : i32 to index
      %get3A_1581 = arith.constant 16 : index
      %get3A_1582 = tpu.vector_load %arg10[%get3A_1580, %get3A_1581] {strides = array<i32>} : memref<7x128xf32, #tpu.memory_space<vmem>>, vector<1x16xf32>,
      %get3A_1583 = vector.shape_cast %get3A_1582 : vector<1x16xf32> to vector<16xf32>
      %eq3A_1584 = arith.constant 5 : i32
      %eq3A_1585 = arith.cmpi eq, %select_n3A_1232, %eq3A_1584 : i32
      %convert_element_type3A_1586 = arith.extui %eq3A_1585 : i1 to i32
      %convert_element_type3A_1587 = arith.sitofp %convert_element_type3A_1586 : i32 to f32
      %mul3A_1588 = vector.broadcast %convert_element_type3A_1587 : f32 to vector<16xf32>
      %mul3A_1589 = arith.mulf %get3A_1583, %mul3A_1588 : vector<16xf32>
      %add3A_1590 = arith.addf %add3A_1578, %mul3A_1589 : vector<16xf32>
      %get3A_1591 = arith.constant 6 : i32
      %get3A_1592 = arith.index_cast %get3A_1591 : i32 to index
      %get3A_1593 = arith.constant 16 : index
      %get3A_1594 = tpu.vector_load %arg10[%get3A_1592, %get3A_1593] {strides = array<i32>} : memref<7x128xf32, #tpu.memory_space<vmem>>, vector<1x16xf32>,
      %get3A_1595 = vector.shape_cast %get3A_1594 : vector<1x16xf32> to vector<16xf32>
      %eq3A_1596 = arith.constant 6 : i32
      %eq3A_1597 = arith.cmpi eq, %select_n3A_1232, %eq3A_1596 : i32
      %convert_element_type3A_1598 = arith.extui %eq3A_1597 : i1 to i32
      %convert_element_type3A_1599 = arith.sitofp %convert_element_type3A_1598 : i32 to f32
      %mul3A_1600 = vector.broadcast %convert_element_type3A_1599 : f32 to vector<16xf32>
      %mul3A_1601 = arith.mulf %get3A_1595, %mul3A_1600 : vector<16xf32>
      %add3A_1602 = arith.addf %add3A_1590, %mul3A_1601 : vector<16xf32>
      %get3A_1603 = arith.constant 0 : i32
      %get3A_1604 = arith.index_cast %get3A_1603 : i32 to index
      %get3A_1605 = arith.constant 16 : index
      %get3A_1606 = tpu.vector_load %arg11[%get3A_1604, %get3A_1605] {strides = array<i32>} : memref<3x128xf32, #tpu.memory_space<vmem>>, vector<1x16xf32>,
      %get3A_1607 = vector.shape_cast %get3A_1606 : vector<1x16xf32> to vector<16xf32>
      %eq3A_1608 = arith.constant 0 : i32
      %eq3A_1609 = arith.cmpi eq, %select_n3A_1248, %eq3A_1608 : i32
      %convert_element_type3A_1610 = arith.extui %eq3A_1609 : i1 to i32
      %convert_element_type3A_1611 = arith.sitofp %convert_element_type3A_1610 : i32 to f32
      %mul3A_1612 = vector.broadcast %convert_element_type3A_1611 : f32 to vector<16xf32>
      %mul3A_1613 = arith.mulf %get3A_1607, %mul3A_1612 : vector<16xf32>
      %add3A_1614 = arith.addf %add3A_1602, %mul3A_1613 : vector<16xf32>
      %get3A_1615 = arith.constant 1 : i32
      %get3A_1616 = arith.index_cast %get3A_1615 : i32 to index
      %get3A_1617 = arith.constant 16 : index
      %get3A_1618 = tpu.vector_load %arg11[%get3A_1616, %get3A_1617] {strides = array<i32>} : memref<3x128xf32, #tpu.memory_space<vmem>>, vector<1x16xf32>,
      %get3A_1619 = vector.shape_cast %get3A_1618 : vector<1x16xf32> to vector<16xf32>
      %eq3A_1620 = arith.constant 1 : i32
      %eq3A_1621 = arith.cmpi eq, %select_n3A_1248, %eq3A_1620 : i32
      %convert_element_type3A_1622 = arith.extui %eq3A_1621 : i1 to i32
      %convert_element_type3A_1623 = arith.sitofp %convert_element_type3A_1622 : i32 to f32
      %mul3A_1624 = vector.broadcast %convert_element_type3A_1623 : f32 to vector<16xf32>
      %mul3A_1625 = arith.mulf %get3A_1619, %mul3A_1624 : vector<16xf32>
      %add3A_1626 = arith.addf %add3A_1614, %mul3A_1625 : vector<16xf32>
      %get3A_1627 = arith.constant 2 : i32
      %get3A_1628 = arith.index_cast %get3A_1627 : i32 to index
      %get3A_1629 = arith.constant 16 : index
      %get3A_1630 = tpu.vector_load %arg11[%get3A_1628, %get3A_1629] {strides = array<i32>} : memref<3x128xf32, #tpu.memory_space<vmem>>, vector<1x16xf32>,
      %get3A_1631 = vector.shape_cast %get3A_1630 : vector<1x16xf32> to vector<16xf32>
      %eq3A_1632 = arith.constant 2 : i32
      %eq3A_1633 = arith.cmpi eq, %select_n3A_1248, %eq3A_1632 : i32
      %convert_element_type3A_1634 = arith.extui %eq3A_1633 : i1 to i32
      %convert_element_type3A_1635 = arith.sitofp %convert_element_type3A_1634 : i32 to f32
      %mul3A_1636 = vector.broadcast %convert_element_type3A_1635 : f32 to vector<16xf32>
      %mul3A_1637 = arith.mulf %get3A_1631, %mul3A_1636 : vector<16xf32>
      %add3A_1638 = arith.addf %add3A_1626, %mul3A_1637 : vector<16xf32>
      %swap3A_1639 = arith.constant 16 : index
      %swap3A_1640 = tpu.vector_load %arg12[%swap3A_1639] {strides = array<i32>} : memref<128xf32, #tpu.memory_space<vmem>>, vector<16xf32>,
      %swap3A_1641 = vector.shape_cast %swap3A_1640 : vector<16xf32> to vector<16xf32>
      %swap3A_1642 = vector.shape_cast %add3A_1638 : vector<16xf32> to vector<16xf32>
      tpu.vector_store %arg12[%swap3A_1639], %swap3A_1642 {strides = array<i32>} : memref<128xf32, #tpu.memory_space<vmem>>, vector<16xf32>,
      %broadcast_in_dim3A_1643 = arith.constant 0.000000e+00 : f32
      %broadcast_in_dim3A_1644 = vector.broadcast %broadcast_in_dim3A_1643 : f32 to vector<16xf32>
      %get3A_1645 = arith.constant 0 : i32
      %get3A_1646 = arith.index_cast %get3A_1645 : i32 to index
      %get3A_1647 = arith.constant 32 : index
      %get3A_1648 = tpu.vector_load %arg9[%get3A_1646, %get3A_1647] {strides = array<i32>} : memref<6x128xf32, #tpu.memory_space<vmem>>, vector<1x16xf32>,
      %get3A_1649 = vector.shape_cast %get3A_1648 : vector<1x16xf32> to vector<16xf32>
      %eq3A_1650 = arith.constant 0 : i32
      %eq3A_1651 = arith.cmpi eq, %min3A_1194, %eq3A_1650 : i32
      %convert_element_type3A_1652 = arith.extui %eq3A_1651 : i1 to i32
      %convert_element_type3A_1653 = arith.sitofp %convert_element_type3A_1652 : i32 to f32
      %mul3A_1654 = vector.broadcast %convert_element_type3A_1653 : f32 to vector<16xf32>
      %mul3A_1655 = arith.mulf %get3A_1649, %mul3A_1654 : vector<16xf32>
      %add3A_1656 = arith.addf %broadcast_in_dim3A_1644, %mul3A_1655 : vector<16xf32>
      %get3A_1657 = arith.constant 1 : i32
      %get3A_1658 = arith.index_cast %get3A_1657 : i32 to index
      %get3A_1659 = arith.constant 32 : index
      %get3A_1660 = tpu.vector_load %arg9[%get3A_1658, %get3A_1659] {strides = array<i32>} : memref<6x128xf32, #tpu.memory_space<vmem>>, vector<1x16xf32>,
      %get3A_1661 = vector.shape_cast %get3A_1660 : vector<1x16xf32> to vector<16xf32>
      %eq3A_1662 = arith.constant 1 : i32
      %eq3A_1663 = arith.cmpi eq, %min3A_1194, %eq3A_1662 : i32
      %convert_element_type3A_1664 = arith.extui %eq3A_1663 : i1 to i32
      %convert_element_type3A_1665 = arith.sitofp %convert_element_type3A_1664 : i32 to f32
      %mul3A_1666 = vector.broadcast %convert_element_type3A_1665 : f32 to vector<16xf32>
      %mul3A_1667 = arith.mulf %get3A_1661, %mul3A_1666 : vector<16xf32>
      %add3A_1668 = arith.addf %add3A_1656, %mul3A_1667 : vector<16xf32>
      %get3A_1669 = arith.constant 2 : i32
      %get3A_1670 = arith.index_cast %get3A_1669 : i32 to index
      %get3A_1671 = arith.constant 32 : index
      %get3A_1672 = tpu.vector_load %arg9[%get3A_1670, %get3A_1671] {strides = array<i32>} : memref<6x128xf32, #tpu.memory_space<vmem>>, vector<1x16xf32>,
      %get3A_1673 = vector.shape_cast %get3A_1672 : vector<1x16xf32> to vector<16xf32>
      %eq3A_1674 = arith.constant 2 : i32
      %eq3A_1675 = arith.cmpi eq, %min3A_1194, %eq3A_1674 : i32
      %convert_element_type3A_1676 = arith.extui %eq3A_1675 : i1 to i32
      %convert_element_type3A_1677 = arith.sitofp %convert_element_type3A_1676 : i32 to f32
      %mul3A_1678 = vector.broadcast %convert_element_type3A_1677 : f32 to vector<16xf32>
      %mul3A_1679 = arith.mulf %get3A_1673, %mul3A_1678 : vector<16xf32>
      %add3A_1680 = arith.addf %add3A_1668, %mul3A_1679 : vector<16xf32>
      %get3A_1681 = arith.constant 3 : i32
      %get3A_1682 = arith.index_cast %get3A_1681 : i32 to index
      %get3A_1683 = arith.constant 32 : index
      %get3A_1684 = tpu.vector_load %arg9[%get3A_1682, %get3A_1683] {strides = array<i32>} : memref<6x128xf32, #tpu.memory_space<vmem>>, vector<1x16xf32>,
      %get3A_1685 = vector.shape_cast %get3A_1684 : vector<1x16xf32> to vector<16xf32>
      %eq3A_1686 = arith.constant 3 : i32
      %eq3A_1687 = arith.cmpi eq, %min3A_1194, %eq3A_1686 : i32
      %convert_element_type3A_1688 = arith.extui %eq3A_1687 : i1 to i32
      %convert_element_type3A_1689 = arith.sitofp %convert_element_type3A_1688 : i32 to f32
      %mul3A_1690 = vector.broadcast %convert_element_type3A_1689 : f32 to vector<16xf32>
      %mul3A_1691 = arith.mulf %get3A_1685, %mul3A_1690 : vector<16xf32>
      %add3A_1692 = arith.addf %add3A_1680, %mul3A_1691 : vector<16xf32>
      %get3A_1693 = arith.constant 4 : i32
      %get3A_1694 = arith.index_cast %get3A_1693 : i32 to index
      %get3A_1695 = arith.constant 32 : index
      %get3A_1696 = tpu.vector_load %arg9[%get3A_1694, %get3A_1695] {strides = array<i32>} : memref<6x128xf32, #tpu.memory_space<vmem>>, vector<1x16xf32>,
      %get3A_1697 = vector.shape_cast %get3A_1696 : vector<1x16xf32> to vector<16xf32>
      %eq3A_1698 = arith.constant 4 : i32
      %eq3A_1699 = arith.cmpi eq, %min3A_1194, %eq3A_1698 : i32
      %convert_element_type3A_1700 = arith.extui %eq3A_1699 : i1 to i32
      %convert_element_type3A_1701 = arith.sitofp %convert_element_type3A_1700 : i32 to f32
      %mul3A_1702 = vector.broadcast %convert_element_type3A_1701 : f32 to vector<16xf32>
      %mul3A_1703 = arith.mulf %get3A_1697, %mul3A_1702 : vector<16xf32>
      %add3A_1704 = arith.addf %add3A_1692, %mul3A_1703 : vector<16xf32>
      %get3A_1705 = arith.constant 5 : i32
      %get3A_1706 = arith.index_cast %get3A_1705 : i32 to index
      %get3A_1707 = arith.constant 32 : index
      %get3A_1708 = tpu.vector_load %arg9[%get3A_1706, %get3A_1707] {strides = array<i32>} : memref<6x128xf32, #tpu.memory_space<vmem>>, vector<1x16xf32>,
      %get3A_1709 = vector.shape_cast %get3A_1708 : vector<1x16xf32> to vector<16xf32>
      %eq3A_1710 = arith.constant 5 : i32
      %eq3A_1711 = arith.cmpi eq, %min3A_1194, %eq3A_1710 : i32
      %convert_element_type3A_1712 = arith.extui %eq3A_1711 : i1 to i32
      %convert_element_type3A_1713 = arith.sitofp %convert_element_type3A_1712 : i32 to f32
      %mul3A_1714 = vector.broadcast %convert_element_type3A_1713 : f32 to vector<16xf32>
      %mul3A_1715 = arith.mulf %get3A_1709, %mul3A_1714 : vector<16xf32>
      %add3A_1716 = arith.addf %add3A_1704, %mul3A_1715 : vector<16xf32>
      %get3A_1717 = arith.constant 0 : i32
      %get3A_1718 = arith.index_cast %get3A_1717 : i32 to index
      %get3A_1719 = arith.constant 32 : index
      %get3A_1720 = tpu.vector_load %arg10[%get3A_1718, %get3A_1719] {strides = array<i32>} : memref<7x128xf32, #tpu.memory_space<vmem>>, vector<1x16xf32>,
      %get3A_1721 = vector.shape_cast %get3A_1720 : vector<1x16xf32> to vector<16xf32>
      %eq3A_1722 = arith.constant 0 : i32
      %eq3A_1723 = arith.cmpi eq, %select_n3A_1232, %eq3A_1722 : i32
      %convert_element_type3A_1724 = arith.extui %eq3A_1723 : i1 to i32
      %convert_element_type3A_1725 = arith.sitofp %convert_element_type3A_1724 : i32 to f32
      %mul3A_1726 = vector.broadcast %convert_element_type3A_1725 : f32 to vector<16xf32>
      %mul3A_1727 = arith.mulf %get3A_1721, %mul3A_1726 : vector<16xf32>
      %add3A_1728 = arith.addf %add3A_1716, %mul3A_1727 : vector<16xf32>
      %get3A_1729 = arith.constant 1 : i32
      %get3A_1730 = arith.index_cast %get3A_1729 : i32 to index
      %get3A_1731 = arith.constant 32 : index
      %get3A_1732 = tpu.vector_load %arg10[%get3A_1730, %get3A_1731] {strides = array<i32>} : memref<7x128xf32, #tpu.memory_space<vmem>>, vector<1x16xf32>,
      %get3A_1733 = vector.shape_cast %get3A_1732 : vector<1x16xf32> to vector<16xf32>
      %eq3A_1734 = arith.constant 1 : i32
      %eq3A_1735 = arith.cmpi eq, %select_n3A_1232, %eq3A_1734 : i32
      %convert_element_type3A_1736 = arith.extui %eq3A_1735 : i1 to i32
      %convert_element_type3A_1737 = arith.sitofp %convert_element_type3A_1736 : i32 to f32
      %mul3A_1738 = vector.broadcast %convert_element_type3A_1737 : f32 to vector<16xf32>
      %mul3A_1739 = arith.mulf %get3A_1733, %mul3A_1738 : vector<16xf32>
      %add3A_1740 = arith.addf %add3A_1728, %mul3A_1739 : vector<16xf32>
      %get3A_1741 = arith.constant 2 : i32
      %get3A_1742 = arith.index_cast %get3A_1741 : i32 to index
      %get3A_1743 = arith.constant 32 : index
      %get3A_1744 = tpu.vector_load %arg10[%get3A_1742, %get3A_1743] {strides = array<i32>} : memref<7x128xf32, #tpu.memory_space<vmem>>, vector<1x16xf32>,
      %get3A_1745 = vector.shape_cast %get3A_1744 : vector<1x16xf32> to vector<16xf32>
      %eq3A_1746 = arith.constant 2 : i32
      %eq3A_1747 = arith.cmpi eq, %select_n3A_1232, %eq3A_1746 : i32
      %convert_element_type3A_1748 = arith.extui %eq3A_1747 : i1 to i32
      %convert_element_type3A_1749 = arith.sitofp %convert_element_type3A_1748 : i32 to f32
      %mul3A_1750 = vector.broadcast %convert_element_type3A_1749 : f32 to vector<16xf32>
      %mul3A_1751 = arith.mulf %get3A_1745, %mul3A_1750 : vector<16xf32>
      %add3A_1752 = arith.addf %add3A_1740, %mul3A_1751 : vector<16xf32>
      %get3A_1753 = arith.constant 3 : i32
      %get3A_1754 = arith.index_cast %get3A_1753 : i32 to index
      %get3A_1755 = arith.constant 32 : index
      %get3A_1756 = tpu.vector_load %arg10[%get3A_1754, %get3A_1755] {strides = array<i32>} : memref<7x128xf32, #tpu.memory_space<vmem>>, vector<1x16xf32>,
      %get3A_1757 = vector.shape_cast %get3A_1756 : vector<1x16xf32> to vector<16xf32>
      %eq3A_1758 = arith.constant 3 : i32
      %eq3A_1759 = arith.cmpi eq, %select_n3A_1232, %eq3A_1758 : i32
      %convert_element_type3A_1760 = arith.extui %eq3A_1759 : i1 to i32
      %convert_element_type3A_1761 = arith.sitofp %convert_element_type3A_1760 : i32 to f32
      %mul3A_1762 = vector.broadcast %convert_element_type3A_1761 : f32 to vector<16xf32>
      %mul3A_1763 = arith.mulf %get3A_1757, %mul3A_1762 : vector<16xf32>
      %add3A_1764 = arith.addf %add3A_1752, %mul3A_1763 : vector<16xf32>
      %get3A_1765 = arith.constant 4 : i32
      %get3A_1766 = arith.index_cast %get3A_1765 : i32 to index
      %get3A_1767 = arith.constant 32 : index
      %get3A_1768 = tpu.vector_load %arg10[%get3A_1766, %get3A_1767] {strides = array<i32>} : memref<7x128xf32, #tpu.memory_space<vmem>>, vector<1x16xf32>,
      %get3A_1769 = vector.shape_cast %get3A_1768 : vector<1x16xf32> to vector<16xf32>
      %eq3A_1770 = arith.constant 4 : i32
      %eq3A_1771 = arith.cmpi eq, %select_n3A_1232, %eq3A_1770 : i32
      %convert_element_type3A_1772 = arith.extui %eq3A_1771 : i1 to i32
      %convert_element_type3A_1773 = arith.sitofp %convert_element_type3A_1772 : i32 to f32
      %mul3A_1774 = vector.broadcast %convert_element_type3A_1773 : f32 to vector<16xf32>
      %mul3A_1775 = arith.mulf %get3A_1769, %mul3A_1774 : vector<16xf32>
      %add3A_1776 = arith.addf %add3A_1764, %mul3A_1775 : vector<16xf32>
      %get3A_1777 = arith.constant 5 : i32
      %get3A_1778 = arith.index_cast %get3A_1777 : i32 to index
      %get3A_1779 = arith.constant 32 : index
      %get3A_1780 = tpu.vector_load %arg10[%get3A_1778, %get3A_1779] {strides = array<i32>} : memref<7x128xf32, #tpu.memory_space<vmem>>, vector<1x16xf32>,
      %get3A_1781 = vector.shape_cast %get3A_1780 : vector<1x16xf32> to vector<16xf32>
      %eq3A_1782 = arith.constant 5 : i32
      %eq3A_1783 = arith.cmpi eq, %select_n3A_1232, %eq3A_1782 : i32
      %convert_element_type3A_1784 = arith.extui %eq3A_1783 : i1 to i32
      %convert_element_type3A_1785 = arith.sitofp %convert_element_type3A_1784 : i32 to f32
      %mul3A_1786 = vector.broadcast %convert_element_type3A_1785 : f32 to vector<16xf32>
      %mul3A_1787 = arith.mulf %get3A_1781, %mul3A_1786 : vector<16xf32>
      %add3A_1788 = arith.addf %add3A_1776, %mul3A_1787 : vector<16xf32>
      %get3A_1789 = arith.constant 6 : i32
      %get3A_1790 = arith.index_cast %get3A_1789 : i32 to index
      %get3A_1791 = arith.constant 32 : index
      %get3A_1792 = tpu.vector_load %arg10[%get3A_1790, %get3A_1791] {strides = array<i32>} : memref<7x128xf32, #tpu.memory_space<vmem>>, vector<1x16xf32>,
      %get3A_1793 = vector.shape_cast %get3A_1792 : vector<1x16xf32> to vector<16xf32>
      %eq3A_1794 = arith.constant 6 : i32
      %eq3A_1795 = arith.cmpi eq, %select_n3A_1232, %eq3A_1794 : i32
      %convert_element_type3A_1796 = arith.extui %eq3A_1795 : i1 to i32
      %convert_element_type3A_1797 = arith.sitofp %convert_element_type3A_1796 : i32 to f32
      %mul3A_1798 = vector.broadcast %convert_element_type3A_1797 : f32 to vector<16xf32>
      %mul3A_1799 = arith.mulf %get3A_1793, %mul3A_1798 : vector<16xf32>
      %add3A_1800 = arith.addf %add3A_1788, %mul3A_1799 : vector<16xf32>
      %get3A_1801 = arith.constant 0 : i32
      %get3A_1802 = arith.index_cast %get3A_1801 : i32 to index
      %get3A_1803 = arith.constant 32 : index
      %get3A_1804 = tpu.vector_load %arg11[%get3A_1802, %get3A_1803] {strides = array<i32>} : memref<3x128xf32, #tpu.memory_space<vmem>>, vector<1x16xf32>,
      %get3A_1805 = vector.shape_cast %get3A_1804 : vector<1x16xf32> to vector<16xf32>
      %eq3A_1806 = arith.constant 0 : i32
      %eq3A_1807 = arith.cmpi eq, %select_n3A_1248, %eq3A_1806 : i32
      %convert_element_type3A_1808 = arith.extui %eq3A_1807 : i1 to i32
      %convert_element_type3A_1809 = arith.sitofp %convert_element_type3A_1808 : i32 to f32
      %mul3A_1810 = vector.broadcast %convert_element_type3A_1809 : f32 to vector<16xf32>
      %mul3A_1811 = arith.mulf %get3A_1805, %mul3A_1810 : vector<16xf32>
      %add3A_1812 = arith.addf %add3A_1800, %mul3A_1811 : vector<16xf32>
      %get3A_1813 = arith.constant 1 : i32
      %get3A_1814 = arith.index_cast %get3A_1813 : i32 to index
      %get3A_1815 = arith.constant 32 : index
      %get3A_1816 = tpu.vector_load %arg11[%get3A_1814, %get3A_1815] {strides = array<i32>} : memref<3x128xf32, #tpu.memory_space<vmem>>, vector<1x16xf32>,
      %get3A_1817 = vector.shape_cast %get3A_1816 : vector<1x16xf32> to vector<16xf32>
      %eq3A_1818 = arith.constant 1 : i32
      %eq3A_1819 = arith.cmpi eq, %select_n3A_1248, %eq3A_1818 : i32
      %convert_element_type3A_1820 = arith.extui %eq3A_1819 : i1 to i32
      %convert_element_type3A_1821 = arith.sitofp %convert_element_type3A_1820 : i32 to f32
      %mul3A_1822 = vector.broadcast %convert_element_type3A_1821 : f32 to vector<16xf32>
      %mul3A_1823 = arith.mulf %get3A_1817, %mul3A_1822 : vector<16xf32>
      %add3A_1824 = arith.addf %add3A_1812, %mul3A_1823 : vector<16xf32>
      %get3A_1825 = arith.constant 2 : i32
      %get3A_1826 = arith.index_cast %get3A_1825 : i32 to index
      %get3A_1827 = arith.constant 32 : index
      %get3A_1828 = tpu.vector_load %arg11[%get3A_1826, %get3A_1827] {strides = array<i32>} : memref<3x128xf32, #tpu.memory_space<vmem>>, vector<1x16xf32>,
      %get3A_1829 = vector.shape_cast %get3A_1828 : vector<1x16xf32> to vector<16xf32>
      %eq3A_1830 = arith.constant 2 : i32
      %eq3A_1831 = arith.cmpi eq, %select_n3A_1248, %eq3A_1830 : i32
      %convert_element_type3A_1832 = arith.extui %eq3A_1831 : i1 to i32
      %convert_element_type3A_1833 = arith.sitofp %convert_element_type3A_1832 : i32 to f32
      %mul3A_1834 = vector.broadcast %convert_element_type3A_1833 : f32 to vector<16xf32>
      %mul3A_1835 = arith.mulf %get3A_1829, %mul3A_1834 : vector<16xf32>
      %add3A_1836 = arith.addf %add3A_1824, %mul3A_1835 : vector<16xf32>
      %swap3A_1837 = arith.constant 32 : index
      %swap3A_1838 = tpu.vector_load %arg12[%swap3A_1837] {strides = array<i32>} : memref<128xf32, #tpu.memory_space<vmem>>, vector<16xf32>,
      %swap3A_1839 = vector.shape_cast %swap3A_1838 : vector<16xf32> to vector<16xf32>
      %swap3A_1840 = vector.shape_cast %add3A_1836 : vector<16xf32> to vector<16xf32>
      tpu.vector_store %arg12[%swap3A_1837], %swap3A_1840 {strides = array<i32>} : memref<128xf32, #tpu.memory_space<vmem>>, vector<16xf32>,
      %broadcast_in_dim3A_1841 = arith.constant 0.000000e+00 : f32
      %broadcast_in_dim3A_1842 = vector.broadcast %broadcast_in_dim3A_1841 : f32 to vector<16xf32>
      %get3A_1843 = arith.constant 0 : i32
      %get3A_1844 = arith.index_cast %get3A_1843 : i32 to index
      %get3A_1845 = arith.constant 48 : index
      %get3A_1846 = tpu.vector_load %arg9[%get3A_1844, %get3A_1845] {strides = array<i32>} : memref<6x128xf32, #tpu.memory_space<vmem>>, vector<1x16xf32>,
      %get3A_1847 = vector.shape_cast %get3A_1846 : vector<1x16xf32> to vector<16xf32>
      %eq3A_1848 = arith.constant 0 : i32
      %eq3A_1849 = arith.cmpi eq, %min3A_1194, %eq3A_1848 : i32
      %convert_element_type3A_1850 = arith.extui %eq3A_1849 : i1 to i32
      %convert_element_type3A_1851 = arith.sitofp %convert_element_type3A_1850 : i32 to f32
      %mul3A_1852 = vector.broadcast %convert_element_type3A_1851 : f32 to vector<16xf32>
      %mul3A_1853 = arith.mulf %get3A_1847, %mul3A_1852 : vector<16xf32>
      %add3A_1854 = arith.addf %broadcast_in_dim3A_1842, %mul3A_1853 : vector<16xf32>
      %get3A_1855 = arith.constant 1 : i32
      %get3A_1856 = arith.index_cast %get3A_1855 : i32 to index
      %get3A_1857 = arith.constant 48 : index
      %get3A_1858 = tpu.vector_load %arg9[%get3A_1856, %get3A_1857] {strides = array<i32>} : memref<6x128xf32, #tpu.memory_space<vmem>>, vector<1x16xf32>,
      %get3A_1859 = vector.shape_cast %get3A_1858 : vector<1x16xf32> to vector<16xf32>
      %eq3A_1860 = arith.constant 1 : i32
      %eq3A_1861 = arith.cmpi eq, %min3A_1194, %eq3A_1860 : i32
      %convert_element_type3A_1862 = arith.extui %eq3A_1861 : i1 to i32
      %convert_element_type3A_1863 = arith.sitofp %convert_element_type3A_1862 : i32 to f32
      %mul3A_1864 = vector.broadcast %convert_element_type3A_1863 : f32 to vector<16xf32>
      %mul3A_1865 = arith.mulf %get3A_1859, %mul3A_1864 : vector<16xf32>
      %add3A_1866 = arith.addf %add3A_1854, %mul3A_1865 : vector<16xf32>
      %get3A_1867 = arith.constant 2 : i32
      %get3A_1868 = arith.index_cast %get3A_1867 : i32 to index
      %get3A_1869 = arith.constant 48 : index
      %get3A_1870 = tpu.vector_load %arg9[%get3A_1868, %get3A_1869] {strides = array<i32>} : memref<6x128xf32, #tpu.memory_space<vmem>>, vector<1x16xf32>,
      %get3A_1871 = vector.shape_cast %get3A_1870 : vector<1x16xf32> to vector<16xf32>
      %eq3A_1872 = arith.constant 2 : i32
      %eq3A_1873 = arith.cmpi eq, %min3A_1194, %eq3A_1872 : i32
      %convert_element_type3A_1874 = arith.extui %eq3A_1873 : i1 to i32
      %convert_element_type3A_1875 = arith.sitofp %convert_element_type3A_1874 : i32 to f32
      %mul3A_1876 = vector.broadcast %convert_element_type3A_1875 : f32 to vector<16xf32>
      %mul3A_1877 = arith.mulf %get3A_1871, %mul3A_1876 : vector<16xf32>
      %add3A_1878 = arith.addf %add3A_1866, %mul3A_1877 : vector<16xf32>
      %get3A_1879 = arith.constant 3 : i32
      %get3A_1880 = arith.index_cast %get3A_1879 : i32 to index
      %get3A_1881 = arith.constant 48 : index
      %get3A_1882 = tpu.vector_load %arg9[%get3A_1880, %get3A_1881] {strides = array<i32>} : memref<6x128xf32, #tpu.memory_space<vmem>>, vector<1x16xf32>,
      %get3A_1883 = vector.shape_cast %get3A_1882 : vector<1x16xf32> to vector<16xf32>
      %eq3A_1884 = arith.constant 3 : i32
      %eq3A_1885 = arith.cmpi eq, %min3A_1194, %eq3A_1884 : i32
      %convert_element_type3A_1886 = arith.extui %eq3A_1885 : i1 to i32
      %convert_element_type3A_1887 = arith.sitofp %convert_element_type3A_1886 : i32 to f32
      %mul3A_1888 = vector.broadcast %convert_element_type3A_1887 : f32 to vector<16xf32>
      %mul3A_1889 = arith.mulf %get3A_1883, %mul3A_1888 : vector<16xf32>
      %add3A_1890 = arith.addf %add3A_1878, %mul3A_1889 : vector<16xf32>
      %get3A_1891 = arith.constant 4 : i32
      %get3A_1892 = arith.index_cast %get3A_1891 : i32 to index
      %get3A_1893 = arith.constant 48 : index
      %get3A_1894 = tpu.vector_load %arg9[%get3A_1892, %get3A_1893] {strides = array<i32>} : memref<6x128xf32, #tpu.memory_space<vmem>>, vector<1x16xf32>,
      %get3A_1895 = vector.shape_cast %get3A_1894 : vector<1x16xf32> to vector<16xf32>
      %eq3A_1896 = arith.constant 4 : i32
      %eq3A_1897 = arith.cmpi eq, %min3A_1194, %eq3A_1896 : i32
      %convert_element_type3A_1898 = arith.extui %eq3A_1897 : i1 to i32
      %convert_element_type3A_1899 = arith.sitofp %convert_element_type3A_1898 : i32 to f32
      %mul3A_1900 = vector.broadcast %convert_element_type3A_1899 : f32 to vector<16xf32>
      %mul3A_1901 = arith.mulf %get3A_1895, %mul3A_1900 : vector<16xf32>
      %add3A_1902 = arith.addf %add3A_1890, %mul3A_1901 : vector<16xf32>
      %get3A_1903 = arith.constant 5 : i32
      %get3A_1904 = arith.index_cast %get3A_1903 : i32 to index
      %get3A_1905 = arith.constant 48 : index
      %get3A_1906 = tpu.vector_load %arg9[%get3A_1904, %get3A_1905] {strides = array<i32>} : memref<6x128xf32, #tpu.memory_space<vmem>>, vector<1x16xf32>,
      %get3A_1907 = vector.shape_cast %get3A_1906 : vector<1x16xf32> to vector<16xf32>
      %eq3A_1908 = arith.constant 5 : i32
      %eq3A_1909 = arith.cmpi eq, %min3A_1194, %eq3A_1908 : i32
      %convert_element_type3A_1910 = arith.extui %eq3A_1909 : i1 to i32
      %convert_element_type3A_1911 = arith.sitofp %convert_element_type3A_1910 : i32 to f32
      %mul3A_1912 = vector.broadcast %convert_element_type3A_1911 : f32 to vector<16xf32>
      %mul3A_1913 = arith.mulf %get3A_1907, %mul3A_1912 : vector<16xf32>
      %add3A_1914 = arith.addf %add3A_1902, %mul3A_1913 : vector<16xf32>
      %get3A_1915 = arith.constant 0 : i32
      %get3A_1916 = arith.index_cast %get3A_1915 : i32 to index
      %get3A_1917 = arith.constant 48 : index
      %get3A_1918 = tpu.vector_load %arg10[%get3A_1916, %get3A_1917] {strides = array<i32>} : memref<7x128xf32, #tpu.memory_space<vmem>>, vector<1x16xf32>,
      %get3A_1919 = vector.shape_cast %get3A_1918 : vector<1x16xf32> to vector<16xf32>
      %eq3A_1920 = arith.constant 0 : i32
      %eq3A_1921 = arith.cmpi eq, %select_n3A_1232, %eq3A_1920 : i32
      %convert_element_type3A_1922 = arith.extui %eq3A_1921 : i1 to i32
      %convert_element_type3A_1923 = arith.sitofp %convert_element_type3A_1922 : i32 to f32
      %mul3A_1924 = vector.broadcast %convert_element_type3A_1923 : f32 to vector<16xf32>
      %mul3A_1925 = arith.mulf %get3A_1919, %mul3A_1924 : vector<16xf32>
      %add3A_1926 = arith.addf %add3A_1914, %mul3A_1925 : vector<16xf32>
      %get3A_1927 = arith.constant 1 : i32
      %get3A_1928 = arith.index_cast %get3A_1927 : i32 to index
      %get3A_1929 = arith.constant 48 : index
      %get3A_1930 = tpu.vector_load %arg10[%get3A_1928, %get3A_1929] {strides = array<i32>} : memref<7x128xf32, #tpu.memory_space<vmem>>, vector<1x16xf32>,
      %get3A_1931 = vector.shape_cast %get3A_1930 : vector<1x16xf32> to vector<16xf32>
      %eq3A_1932 = arith.constant 1 : i32
      %eq3A_1933 = arith.cmpi eq, %select_n3A_1232, %eq3A_1932 : i32
      %convert_element_type3A_1934 = arith.extui %eq3A_1933 : i1 to i32
      %convert_element_type3A_1935 = arith.sitofp %convert_element_type3A_1934 : i32 to f32
      %mul3A_1936 = vector.broadcast %convert_element_type3A_1935 : f32 to vector<16xf32>
      %mul3A_1937 = arith.mulf %get3A_1931, %mul3A_1936 : vector<16xf32>
      %add3A_1938 = arith.addf %add3A_1926, %mul3A_1937 : vector<16xf32>
      %get3A_1939 = arith.constant 2 : i32
      %get3A_1940 = arith.index_cast %get3A_1939 : i32 to index
      %get3A_1941 = arith.constant 48 : index
      %get3A_1942 = tpu.vector_load %arg10[%get3A_1940, %get3A_1941] {strides = array<i32>} : memref<7x128xf32, #tpu.memory_space<vmem>>, vector<1x16xf32>,
      %get3A_1943 = vector.shape_cast %get3A_1942 : vector<1x16xf32> to vector<16xf32>
      %eq3A_1944 = arith.constant 2 : i32
      %eq3A_1945 = arith.cmpi eq, %select_n3A_1232, %eq3A_1944 : i32
      %convert_element_type3A_1946 = arith.extui %eq3A_1945 : i1 to i32
      %convert_element_type3A_1947 = arith.sitofp %convert_element_type3A_1946 : i32 to f32
      %mul3A_1948 = vector.broadcast %convert_element_type3A_1947 : f32 to vector<16xf32>
      %mul3A_1949 = arith.mulf %get3A_1943, %mul3A_1948 : vector<16xf32>
      %add3A_1950 = arith.addf %add3A_1938, %mul3A_1949 : vector<16xf32>
      %get3A_1951 = arith.constant 3 : i32
      %get3A_1952 = arith.index_cast %get3A_1951 : i32 to index
      %get3A_1953 = arith.constant 48 : index
      %get3A_1954 = tpu.vector_load %arg10[%get3A_1952, %get3A_1953] {strides = array<i32>} : memref<7x128xf32, #tpu.memory_space<vmem>>, vector<1x16xf32>,
      %get3A_1955 = vector.shape_cast %get3A_1954 : vector<1x16xf32> to vector<16xf32>
      %eq3A_1956 = arith.constant 3 : i32
      %eq3A_1957 = arith.cmpi eq, %select_n3A_1232, %eq3A_1956 : i32
      %convert_element_type3A_1958 = arith.extui %eq3A_1957 : i1 to i32
      %convert_element_type3A_1959 = arith.sitofp %convert_element_type3A_1958 : i32 to f32
      %mul3A_1960 = vector.broadcast %convert_element_type3A_1959 : f32 to vector<16xf32>
      %mul3A_1961 = arith.mulf %get3A_1955, %mul3A_1960 : vector<16xf32>
      %add3A_1962 = arith.addf %add3A_1950, %mul3A_1961 : vector<16xf32>
      %get3A_1963 = arith.constant 4 : i32
      %get3A_1964 = arith.index_cast %get3A_1963 : i32 to index
      %get3A_1965 = arith.constant 48 : index
      %get3A_1966 = tpu.vector_load %arg10[%get3A_1964, %get3A_1965] {strides = array<i32>} : memref<7x128xf32, #tpu.memory_space<vmem>>, vector<1x16xf32>,
      %get3A_1967 = vector.shape_cast %get3A_1966 : vector<1x16xf32> to vector<16xf32>
      %eq3A_1968 = arith.constant 4 : i32
      %eq3A_1969 = arith.cmpi eq, %select_n3A_1232, %eq3A_1968 : i32
      %convert_element_type3A_1970 = arith.extui %eq3A_1969 : i1 to i32
      %convert_element_type3A_1971 = arith.sitofp %convert_element_type3A_1970 : i32 to f32
      %mul3A_1972 = vector.broadcast %convert_element_type3A_1971 : f32 to vector<16xf32>
      %mul3A_1973 = arith.mulf %get3A_1967, %mul3A_1972 : vector<16xf32>
      %add3A_1974 = arith.addf %add3A_1962, %mul3A_1973 : vector<16xf32>
      %get3A_1975 = arith.constant 5 : i32
      %get3A_1976 = arith.index_cast %get3A_1975 : i32 to index
      %get3A_1977 = arith.constant 48 : index
      %get3A_1978 = tpu.vector_load %arg10[%get3A_1976, %get3A_1977] {strides = array<i32>} : memref<7x128xf32, #tpu.memory_space<vmem>>, vector<1x16xf32>,
      %get3A_1979 = vector.shape_cast %get3A_1978 : vector<1x16xf32> to vector<16xf32>
      %eq3A_1980 = arith.constant 5 : i32
      %eq3A_1981 = arith.cmpi eq, %select_n3A_1232, %eq3A_1980 : i32
      %convert_element_type3A_1982 = arith.extui %eq3A_1981 : i1 to i32
      %convert_element_type3A_1983 = arith.sitofp %convert_element_type3A_1982 : i32 to f32
      %mul3A_1984 = vector.broadcast %convert_element_type3A_1983 : f32 to vector<16xf32>
      %mul3A_1985 = arith.mulf %get3A_1979, %mul3A_1984 : vector<16xf32>
      %add3A_1986 = arith.addf %add3A_1974, %mul3A_1985 : vector<16xf32>
      %get3A_1987 = arith.constant 6 : i32
      %get3A_1988 = arith.index_cast %get3A_1987 : i32 to index
      %get3A_1989 = arith.constant 48 : index
      %get3A_1990 = tpu.vector_load %arg10[%get3A_1988, %get3A_1989] {strides = array<i32>} : memref<7x128xf32, #tpu.memory_space<vmem>>, vector<1x16xf32>,
      %get3A_1991 = vector.shape_cast %get3A_1990 : vector<1x16xf32> to vector<16xf32>
      %eq3A_1992 = arith.constant 6 : i32
      %eq3A_1993 = arith.cmpi eq, %select_n3A_1232, %eq3A_1992 : i32
      %convert_element_type3A_1994 = arith.extui %eq3A_1993 : i1 to i32
      %convert_element_type3A_1995 = arith.sitofp %convert_element_type3A_1994 : i32 to f32
      %mul3A_1996 = vector.broadcast %convert_element_type3A_1995 : f32 to vector<16xf32>
      %mul3A_1997 = arith.mulf %get3A_1991, %mul3A_1996 : vector<16xf32>
      %add3A_1998 = arith.addf %add3A_1986, %mul3A_1997 : vector<16xf32>
      %get3A_1999 = arith.constant 0 : i32
      %get3A_2000 = arith.index_cast %get3A_1999 : i32 to index
      %get3A_2001 = arith.constant 48 : index
      %get3A_2002 = tpu.vector_load %arg11[%get3A_2000, %get3A_2001] {strides = array<i32>} : memref<3x128xf32, #tpu.memory_space<vmem>>, vector<1x16xf32>,
      %get3A_2003 = vector.shape_cast %get3A_2002 : vector<1x16xf32> to vector<16xf32>
      %eq3A_2004 = arith.constant 0 : i32
      %eq3A_2005 = arith.cmpi eq, %select_n3A_1248, %eq3A_2004 : i32
      %convert_element_type3A_2006 = arith.extui %eq3A_2005 : i1 to i32
      %convert_element_type3A_2007 = arith.sitofp %convert_element_type3A_2006 : i32 to f32
      %mul3A_2008 = vector.broadcast %convert_element_type3A_2007 : f32 to vector<16xf32>
      %mul3A_2009 = arith.mulf %get3A_2003, %mul3A_2008 : vector<16xf32>
      %add3A_2010 = arith.addf %add3A_1998, %mul3A_2009 : vector<16xf32>
      %get3A_2011 = arith.constant 1 : i32
      %get3A_2012 = arith.index_cast %get3A_2011 : i32 to index
      %get3A_2013 = arith.constant 48 : index
      %get3A_2014 = tpu.vector_load %arg11[%get3A_2012, %get3A_2013] {strides = array<i32>} : memref<3x128xf32, #tpu.memory_space<vmem>>, vector<1x16xf32>,
      %get3A_2015 = vector.shape_cast %get3A_2014 : vector<1x16xf32> to vector<16xf32>
      %eq3A_2016 = arith.constant 1 : i32
      %eq3A_2017 = arith.cmpi eq, %select_n3A_1248, %eq3A_2016 : i32
      %convert_element_type3A_2018 = arith.extui %eq3A_2017 : i1 to i32
      %convert_element_type3A_2019 = arith.sitofp %convert_element_type3A_2018 : i32 to f32
      %mul3A_2020 = vector.broadcast %convert_element_type3A_2019 : f32 to vector<16xf32>
      %mul3A_2021 = arith.mulf %get3A_2015, %mul3A_2020 : vector<16xf32>
      %add3A_2022 = arith.addf %add3A_2010, %mul3A_2021 : vector<16xf32>
      %get3A_2023 = arith.constant 2 : i32
      %get3A_2024 = arith.index_cast %get3A_2023 : i32 to index
      %get3A_2025 = arith.constant 48 : index
      %get3A_2026 = tpu.vector_load %arg11[%get3A_2024, %get3A_2025] {strides = array<i32>} : memref<3x128xf32, #tpu.memory_space<vmem>>, vector<1x16xf32>,
      %get3A_2027 = vector.shape_cast %get3A_2026 : vector<1x16xf32> to vector<16xf32>
      %eq3A_2028 = arith.constant 2 : i32
      %eq3A_2029 = arith.cmpi eq, %select_n3A_1248, %eq3A_2028 : i32
      %convert_element_type3A_2030 = arith.extui %eq3A_2029 : i1 to i32
      %convert_element_type3A_2031 = arith.sitofp %convert_element_type3A_2030 : i32 to f32
      %mul3A_2032 = vector.broadcast %convert_element_type3A_2031 : f32 to vector<16xf32>
      %mul3A_2033 = arith.mulf %get3A_2027, %mul3A_2032 : vector<16xf32>
      %add3A_2034 = arith.addf %add3A_2022, %mul3A_2033 : vector<16xf32>
      %swap3A_2035 = arith.constant 48 : index
      %swap3A_2036 = tpu.vector_load %arg12[%swap3A_2035] {strides = array<i32>} : memref<128xf32, #tpu.memory_space<vmem>>, vector<16xf32>,
      %swap3A_2037 = vector.shape_cast %swap3A_2036 : vector<16xf32> to vector<16xf32>
      %swap3A_2038 = vector.shape_cast %add3A_2034 : vector<16xf32> to vector<16xf32>
      tpu.vector_store %arg12[%swap3A_2035], %swap3A_2038 {strides = array<i32>} : memref<128xf32, #tpu.memory_space<vmem>>, vector<16xf32>,
      %broadcast_in_dim3A_2039 = arith.constant 0.000000e+00 : f32
      %broadcast_in_dim3A_2040 = vector.broadcast %broadcast_in_dim3A_2039 : f32 to vector<16xf32>
      %get3A_2041 = arith.constant 0 : i32
      %get3A_2042 = arith.index_cast %get3A_2041 : i32 to index
      %get3A_2043 = arith.constant 64 : index
      %get3A_2044 = tpu.vector_load %arg9[%get3A_2042, %get3A_2043] {strides = array<i32>} : memref<6x128xf32, #tpu.memory_space<vmem>>, vector<1x16xf32>,
      %get3A_2045 = vector.shape_cast %get3A_2044 : vector<1x16xf32> to vector<16xf32>
      %eq3A_2046 = arith.constant 0 : i32
      %eq3A_2047 = arith.cmpi eq, %min3A_1194, %eq3A_2046 : i32
      %convert_element_type3A_2048 = arith.extui %eq3A_2047 : i1 to i32
      %convert_element_type3A_2049 = arith.sitofp %convert_element_type3A_2048 : i32 to f32
      %mul3A_2050 = vector.broadcast %convert_element_type3A_2049 : f32 to vector<16xf32>
      %mul3A_2051 = arith.mulf %get3A_2045, %mul3A_2050 : vector<16xf32>
      %add3A_2052 = arith.addf %broadcast_in_dim3A_2040, %mul3A_2051 : vector<16xf32>
      %get3A_2053 = arith.constant 1 : i32
      %get3A_2054 = arith.index_cast %get3A_2053 : i32 to index
      %get3A_2055 = arith.constant 64 : index
      %get3A_2056 = tpu.vector_load %arg9[%get3A_2054, %get3A_2055] {strides = array<i32>} : memref<6x128xf32, #tpu.memory_space<vmem>>, vector<1x16xf32>,
      %get3A_2057 = vector.shape_cast %get3A_2056 : vector<1x16xf32> to vector<16xf32>
      %eq3A_2058 = arith.constant 1 : i32
      %eq3A_2059 = arith.cmpi eq, %min3A_1194, %eq3A_2058 : i32
      %convert_element_type3A_2060 = arith.extui %eq3A_2059 : i1 to i32
      %convert_element_type3A_2061 = arith.sitofp %convert_element_type3A_2060 : i32 to f32
      %mul3A_2062 = vector.broadcast %convert_element_type3A_2061 : f32 to vector<16xf32>
      %mul3A_2063 = arith.mulf %get3A_2057, %mul3A_2062 : vector<16xf32>
      %add3A_2064 = arith.addf %add3A_2052, %mul3A_2063 : vector<16xf32>
      %get3A_2065 = arith.constant 2 : i32
      %get3A_2066 = arith.index_cast %get3A_2065 : i32 to index
      %get3A_2067 = arith.constant 64 : index
      %get3A_2068 = tpu.vector_load %arg9[%get3A_2066, %get3A_2067] {strides = array<i32>} : memref<6x128xf32, #tpu.memory_space<vmem>>, vector<1x16xf32>,
      %get3A_2069 = vector.shape_cast %get3A_2068 : vector<1x16xf32> to vector<16xf32>
      %eq3A_2070 = arith.constant 2 : i32
      %eq3A_2071 = arith.cmpi eq, %min3A_1194, %eq3A_2070 : i32
      %convert_element_type3A_2072 = arith.extui %eq3A_2071 : i1 to i32
      %convert_element_type3A_2073 = arith.sitofp %convert_element_type3A_2072 : i32 to f32
      %mul3A_2074 = vector.broadcast %convert_element_type3A_2073 : f32 to vector<16xf32>
      %mul3A_2075 = arith.mulf %get3A_2069, %mul3A_2074 : vector<16xf32>
      %add3A_2076 = arith.addf %add3A_2064, %mul3A_2075 : vector<16xf32>
      %get3A_2077 = arith.constant 3 : i32
      %get3A_2078 = arith.index_cast %get3A_2077 : i32 to index
      %get3A_2079 = arith.constant 64 : index
      %get3A_2080 = tpu.vector_load %arg9[%get3A_2078, %get3A_2079] {strides = array<i32>} : memref<6x128xf32, #tpu.memory_space<vmem>>, vector<1x16xf32>,
      %get3A_2081 = vector.shape_cast %get3A_2080 : vector<1x16xf32> to vector<16xf32>
      %eq3A_2082 = arith.constant 3 : i32
      %eq3A_2083 = arith.cmpi eq, %min3A_1194, %eq3A_2082 : i32
      %convert_element_type3A_2084 = arith.extui %eq3A_2083 : i1 to i32
      %convert_element_type3A_2085 = arith.sitofp %convert_element_type3A_2084 : i32 to f32
      %mul3A_2086 = vector.broadcast %convert_element_type3A_2085 : f32 to vector<16xf32>
      %mul3A_2087 = arith.mulf %get3A_2081, %mul3A_2086 : vector<16xf32>
      %add3A_2088 = arith.addf %add3A_2076, %mul3A_2087 : vector<16xf32>
      %get3A_2089 = arith.constant 4 : i32
      %get3A_2090 = arith.index_cast %get3A_2089 : i32 to index
      %get3A_2091 = arith.constant 64 : index
      %get3A_2092 = tpu.vector_load %arg9[%get3A_2090, %get3A_2091] {strides = array<i32>} : memref<6x128xf32, #tpu.memory_space<vmem>>, vector<1x16xf32>,
      %get3A_2093 = vector.shape_cast %get3A_2092 : vector<1x16xf32> to vector<16xf32>
      %eq3A_2094 = arith.constant 4 : i32
      %eq3A_2095 = arith.cmpi eq, %min3A_1194, %eq3A_2094 : i32
      %convert_element_type3A_2096 = arith.extui %eq3A_2095 : i1 to i32
      %convert_element_type3A_2097 = arith.sitofp %convert_element_type3A_2096 : i32 to f32
      %mul3A_2098 = vector.broadcast %convert_element_type3A_2097 : f32 to vector<16xf32>
      %mul3A_2099 = arith.mulf %get3A_2093, %mul3A_2098 : vector<16xf32>
      %add3A_2100 = arith.addf %add3A_2088, %mul3A_2099 : vector<16xf32>
      %get3A_2101 = arith.constant 5 : i32
      %get3A_2102 = arith.index_cast %get3A_2101 : i32 to index
      %get3A_2103 = arith.constant 64 : index
      %get3A_2104 = tpu.vector_load %arg9[%get3A_2102, %get3A_2103] {strides = array<i32>} : memref<6x128xf32, #tpu.memory_space<vmem>>, vector<1x16xf32>,
      %get3A_2105 = vector.shape_cast %get3A_2104 : vector<1x16xf32> to vector<16xf32>
      %eq3A_2106 = arith.constant 5 : i32
      %eq3A_2107 = arith.cmpi eq, %min3A_1194, %eq3A_2106 : i32
      %convert_element_type3A_2108 = arith.extui %eq3A_2107 : i1 to i32
      %convert_element_type3A_2109 = arith.sitofp %convert_element_type3A_2108 : i32 to f32
      %mul3A_2110 = vector.broadcast %convert_element_type3A_2109 : f32 to vector<16xf32>
      %mul3A_2111 = arith.mulf %get3A_2105, %mul3A_2110 : vector<16xf32>
      %add3A_2112 = arith.addf %add3A_2100, %mul3A_2111 : vector<16xf32>
      %get3A_2113 = arith.constant 0 : i32
      %get3A_2114 = arith.index_cast %get3A_2113 : i32 to index
      %get3A_2115 = arith.constant 64 : index
      %get3A_2116 = tpu.vector_load %arg10[%get3A_2114, %get3A_2115] {strides = array<i32>} : memref<7x128xf32, #tpu.memory_space<vmem>>, vector<1x16xf32>,
      %get3A_2117 = vector.shape_cast %get3A_2116 : vector<1x16xf32> to vector<16xf32>
      %eq3A_2118 = arith.constant 0 : i32
      %eq3A_2119 = arith.cmpi eq, %select_n3A_1232, %eq3A_2118 : i32
      %convert_element_type3A_2120 = arith.extui %eq3A_2119 : i1 to i32
      %convert_element_type3A_2121 = arith.sitofp %convert_element_type3A_2120 : i32 to f32
      %mul3A_2122 = vector.broadcast %convert_element_type3A_2121 : f32 to vector<16xf32>
      %mul3A_2123 = arith.mulf %get3A_2117, %mul3A_2122 : vector<16xf32>
      %add3A_2124 = arith.addf %add3A_2112, %mul3A_2123 : vector<16xf32>
      %get3A_2125 = arith.constant 1 : i32
      %get3A_2126 = arith.index_cast %get3A_2125 : i32 to index
      %get3A_2127 = arith.constant 64 : index
      %get3A_2128 = tpu.vector_load %arg10[%get3A_2126, %get3A_2127] {strides = array<i32>} : memref<7x128xf32, #tpu.memory_space<vmem>>, vector<1x16xf32>,
      %get3A_2129 = vector.shape_cast %get3A_2128 : vector<1x16xf32> to vector<16xf32>
      %eq3A_2130 = arith.constant 1 : i32
      %eq3A_2131 = arith.cmpi eq, %select_n3A_1232, %eq3A_2130 : i32
      %convert_element_type3A_2132 = arith.extui %eq3A_2131 : i1 to i32
      %convert_element_type3A_2133 = arith.sitofp %convert_element_type3A_2132 : i32 to f32
      %mul3A_2134 = vector.broadcast %convert_element_type3A_2133 : f32 to vector<16xf32>
      %mul3A_2135 = arith.mulf %get3A_2129, %mul3A_2134 : vector<16xf32>
      %add3A_2136 = arith.addf %add3A_2124, %mul3A_2135 : vector<16xf32>
      %get3A_2137 = arith.constant 2 : i32
      %get3A_2138 = arith.index_cast %get3A_2137 : i32 to index
      %get3A_2139 = arith.constant 64 : index
      %get3A_2140 = tpu.vector_load %arg10[%get3A_2138, %get3A_2139] {strides = array<i32>} : memref<7x128xf32, #tpu.memory_space<vmem>>, vector<1x16xf32>,
      %get3A_2141 = vector.shape_cast %get3A_2140 : vector<1x16xf32> to vector<16xf32>
      %eq3A_2142 = arith.constant 2 : i32
      %eq3A_2143 = arith.cmpi eq, %select_n3A_1232, %eq3A_2142 : i32
      %convert_element_type3A_2144 = arith.extui %eq3A_2143 : i1 to i32
      %convert_element_type3A_2145 = arith.sitofp %convert_element_type3A_2144 : i32 to f32
      %mul3A_2146 = vector.broadcast %convert_element_type3A_2145 : f32 to vector<16xf32>
      %mul3A_2147 = arith.mulf %get3A_2141, %mul3A_2146 : vector<16xf32>
      %add3A_2148 = arith.addf %add3A_2136, %mul3A_2147 : vector<16xf32>
      %get3A_2149 = arith.constant 3 : i32
      %get3A_2150 = arith.index_cast %get3A_2149 : i32 to index
      %get3A_2151 = arith.constant 64 : index
      %get3A_2152 = tpu.vector_load %arg10[%get3A_2150, %get3A_2151] {strides = array<i32>} : memref<7x128xf32, #tpu.memory_space<vmem>>, vector<1x16xf32>,
      %get3A_2153 = vector.shape_cast %get3A_2152 : vector<1x16xf32> to vector<16xf32>
      %eq3A_2154 = arith.constant 3 : i32
      %eq3A_2155 = arith.cmpi eq, %select_n3A_1232, %eq3A_2154 : i32
      %convert_element_type3A_2156 = arith.extui %eq3A_2155 : i1 to i32
      %convert_element_type3A_2157 = arith.sitofp %convert_element_type3A_2156 : i32 to f32
      %mul3A_2158 = vector.broadcast %convert_element_type3A_2157 : f32 to vector<16xf32>
      %mul3A_2159 = arith.mulf %get3A_2153, %mul3A_2158 : vector<16xf32>
      %add3A_2160 = arith.addf %add3A_2148, %mul3A_2159 : vector<16xf32>
      %get3A_2161 = arith.constant 4 : i32
      %get3A_2162 = arith.index_cast %get3A_2161 : i32 to index
      %get3A_2163 = arith.constant 64 : index
      %get3A_2164 = tpu.vector_load %arg10[%get3A_2162, %get3A_2163] {strides = array<i32>} : memref<7x128xf32, #tpu.memory_space<vmem>>, vector<1x16xf32>,
      %get3A_2165 = vector.shape_cast %get3A_2164 : vector<1x16xf32> to vector<16xf32>
      %eq3A_2166 = arith.constant 4 : i32
      %eq3A_2167 = arith.cmpi eq, %select_n3A_1232, %eq3A_2166 : i32
      %convert_element_type3A_2168 = arith.extui %eq3A_2167 : i1 to i32
      %convert_element_type3A_2169 = arith.sitofp %convert_element_type3A_2168 : i32 to f32
      %mul3A_2170 = vector.broadcast %convert_element_type3A_2169 : f32 to vector<16xf32>
      %mul3A_2171 = arith.mulf %get3A_2165, %mul3A_2170 : vector<16xf32>
      %add3A_2172 = arith.addf %add3A_2160, %mul3A_2171 : vector<16xf32>
      %get3A_2173 = arith.constant 5 : i32
      %get3A_2174 = arith.index_cast %get3A_2173 : i32 to index
      %get3A_2175 = arith.constant 64 : index
      %get3A_2176 = tpu.vector_load %arg10[%get3A_2174, %get3A_2175] {strides = array<i32>} : memref<7x128xf32, #tpu.memory_space<vmem>>, vector<1x16xf32>,
      %get3A_2177 = vector.shape_cast %get3A_2176 : vector<1x16xf32> to vector<16xf32>
      %eq3A_2178 = arith.constant 5 : i32
      %eq3A_2179 = arith.cmpi eq, %select_n3A_1232, %eq3A_2178 : i32
      %convert_element_type3A_2180 = arith.extui %eq3A_2179 : i1 to i32
      %convert_element_type3A_2181 = arith.sitofp %convert_element_type3A_2180 : i32 to f32
      %mul3A_2182 = vector.broadcast %convert_element_type3A_2181 : f32 to vector<16xf32>
      %mul3A_2183 = arith.mulf %get3A_2177, %mul3A_2182 : vector<16xf32>
      %add3A_2184 = arith.addf %add3A_2172, %mul3A_2183 : vector<16xf32>
      %get3A_2185 = arith.constant 6 : i32
      %get3A_2186 = arith.index_cast %get3A_2185 : i32 to index
      %get3A_2187 = arith.constant 64 : index
      %get3A_2188 = tpu.vector_load %arg10[%get3A_2186, %get3A_2187] {strides = array<i32>} : memref<7x128xf32, #tpu.memory_space<vmem>>, vector<1x16xf32>,
      %get3A_2189 = vector.shape_cast %get3A_2188 : vector<1x16xf32> to vector<16xf32>
      %eq3A_2190 = arith.constant 6 : i32
      %eq3A_2191 = arith.cmpi eq, %select_n3A_1232, %eq3A_2190 : i32
      %convert_element_type3A_2192 = arith.extui %eq3A_2191 : i1 to i32
      %convert_element_type3A_2193 = arith.sitofp %convert_element_type3A_2192 : i32 to f32
      %mul3A_2194 = vector.broadcast %convert_element_type3A_2193 : f32 to vector<16xf32>
      %mul3A_2195 = arith.mulf %get3A_2189, %mul3A_2194 : vector<16xf32>
      %add3A_2196 = arith.addf %add3A_2184, %mul3A_2195 : vector<16xf32>
      %get3A_2197 = arith.constant 0 : i32
      %get3A_2198 = arith.index_cast %get3A_2197 : i32 to index
      %get3A_2199 = arith.constant 64 : index
      %get3A_2200 = tpu.vector_load %arg11[%get3A_2198, %get3A_2199] {strides = array<i32>} : memref<3x128xf32, #tpu.memory_space<vmem>>, vector<1x16xf32>,
      %get3A_2201 = vector.shape_cast %get3A_2200 : vector<1x16xf32> to vector<16xf32>
      %eq3A_2202 = arith.constant 0 : i32
      %eq3A_2203 = arith.cmpi eq, %select_n3A_1248, %eq3A_2202 : i32
      %convert_element_type3A_2204 = arith.extui %eq3A_2203 : i1 to i32
      %convert_element_type3A_2205 = arith.sitofp %convert_element_type3A_2204 : i32 to f32
      %mul3A_2206 = vector.broadcast %convert_element_type3A_2205 : f32 to vector<16xf32>
      %mul3A_2207 = arith.mulf %get3A_2201, %mul3A_2206 : vector<16xf32>
      %add3A_2208 = arith.addf %add3A_2196, %mul3A_2207 : vector<16xf32>
      %get3A_2209 = arith.constant 1 : i32
      %get3A_2210 = arith.index_cast %get3A_2209 : i32 to index
      %get3A_2211 = arith.constant 64 : index
      %get3A_2212 = tpu.vector_load %arg11[%get3A_2210, %get3A_2211] {strides = array<i32>} : memref<3x128xf32, #tpu.memory_space<vmem>>, vector<1x16xf32>,
      %get3A_2213 = vector.shape_cast %get3A_2212 : vector<1x16xf32> to vector<16xf32>
      %eq3A_2214 = arith.constant 1 : i32
      %eq3A_2215 = arith.cmpi eq, %select_n3A_1248, %eq3A_2214 : i32
      %convert_element_type3A_2216 = arith.extui %eq3A_2215 : i1 to i32
      %convert_element_type3A_2217 = arith.sitofp %convert_element_type3A_2216 : i32 to f32
      %mul3A_2218 = vector.broadcast %convert_element_type3A_2217 : f32 to vector<16xf32>
      %mul3A_2219 = arith.mulf %get3A_2213, %mul3A_2218 : vector<16xf32>
      %add3A_2220 = arith.addf %add3A_2208, %mul3A_2219 : vector<16xf32>
      %get3A_2221 = arith.constant 2 : i32
      %get3A_2222 = arith.index_cast %get3A_2221 : i32 to index
      %get3A_2223 = arith.constant 64 : index
      %get3A_2224 = tpu.vector_load %arg11[%get3A_2222, %get3A_2223] {strides = array<i32>} : memref<3x128xf32, #tpu.memory_space<vmem>>, vector<1x16xf32>,
      %get3A_2225 = vector.shape_cast %get3A_2224 : vector<1x16xf32> to vector<16xf32>
      %eq3A_2226 = arith.constant 2 : i32
      %eq3A_2227 = arith.cmpi eq, %select_n3A_1248, %eq3A_2226 : i32
      %convert_element_type3A_2228 = arith.extui %eq3A_2227 : i1 to i32
      %convert_element_type3A_2229 = arith.sitofp %convert_element_type3A_2228 : i32 to f32
      %mul3A_2230 = vector.broadcast %convert_element_type3A_2229 : f32 to vector<16xf32>
      %mul3A_2231 = arith.mulf %get3A_2225, %mul3A_2230 : vector<16xf32>
      %add3A_2232 = arith.addf %add3A_2220, %mul3A_2231 : vector<16xf32>
      %swap3A_2233 = arith.constant 64 : index
      %swap3A_2234 = tpu.vector_load %arg12[%swap3A_2233] {strides = array<i32>} : memref<128xf32, #tpu.memory_space<vmem>>, vector<16xf32>,
      %swap3A_2235 = vector.shape_cast %swap3A_2234 : vector<16xf32> to vector<16xf32>
      %swap3A_2236 = vector.shape_cast %add3A_2232 : vector<16xf32> to vector<16xf32>
      tpu.vector_store %arg12[%swap3A_2233], %swap3A_2236 {strides = array<i32>} : memref<128xf32, #tpu.memory_space<vmem>>, vector<16xf32>,
      %broadcast_in_dim3A_2237 = arith.constant 0.000000e+00 : f32
      %broadcast_in_dim3A_2238 = vector.broadcast %broadcast_in_dim3A_2237 : f32 to vector<16xf32>
      %get3A_2239 = arith.constant 0 : i32
      %get3A_2240 = arith.index_cast %get3A_2239 : i32 to index
      %get3A_2241 = arith.constant 80 : index
      %get3A_2242 = tpu.vector_load %arg9[%get3A_2240, %get3A_2241] {strides = array<i32>} : memref<6x128xf32, #tpu.memory_space<vmem>>, vector<1x16xf32>,
      %get3A_2243 = vector.shape_cast %get3A_2242 : vector<1x16xf32> to vector<16xf32>
      %eq3A_2244 = arith.constant 0 : i32
      %eq3A_2245 = arith.cmpi eq, %min3A_1194, %eq3A_2244 : i32
      %convert_element_type3A_2246 = arith.extui %eq3A_2245 : i1 to i32
      %convert_element_type3A_2247 = arith.sitofp %convert_element_type3A_2246 : i32 to f32
      %mul3A_2248 = vector.broadcast %convert_element_type3A_2247 : f32 to vector<16xf32>
      %mul3A_2249 = arith.mulf %get3A_2243, %mul3A_2248 : vector<16xf32>
      %add3A_2250 = arith.addf %broadcast_in_dim3A_2238, %mul3A_2249 : vector<16xf32>
      %get3A_2251 = arith.constant 1 : i32
      %get3A_2252 = arith.index_cast %get3A_2251 : i32 to index
      %get3A_2253 = arith.constant 80 : index
      %get3A_2254 = tpu.vector_load %arg9[%get3A_2252, %get3A_2253] {strides = array<i32>} : memref<6x128xf32, #tpu.memory_space<vmem>>, vector<1x16xf32>,
      %get3A_2255 = vector.shape_cast %get3A_2254 : vector<1x16xf32> to vector<16xf32>
      %eq3A_2256 = arith.constant 1 : i32
      %eq3A_2257 = arith.cmpi eq, %min3A_1194, %eq3A_2256 : i32
      %convert_element_type3A_2258 = arith.extui %eq3A_2257 : i1 to i32
      %convert_element_type3A_2259 = arith.sitofp %convert_element_type3A_2258 : i32 to f32
      %mul3A_2260 = vector.broadcast %convert_element_type3A_2259 : f32 to vector<16xf32>
      %mul3A_2261 = arith.mulf %get3A_2255, %mul3A_2260 : vector<16xf32>
      %add3A_2262 = arith.addf %add3A_2250, %mul3A_2261 : vector<16xf32>
      %get3A_2263 = arith.constant 2 : i32
      %get3A_2264 = arith.index_cast %get3A_2263 : i32 to index
      %get3A_2265 = arith.constant 80 : index
      %get3A_2266 = tpu.vector_load %arg9[%get3A_2264, %get3A_2265] {strides = array<i32>} : memref<6x128xf32, #tpu.memory_space<vmem>>, vector<1x16xf32>,
      %get3A_2267 = vector.shape_cast %get3A_2266 : vector<1x16xf32> to vector<16xf32>
      %eq3A_2268 = arith.constant 2 : i32
      %eq3A_2269 = arith.cmpi eq, %min3A_1194, %eq3A_2268 : i32
      %convert_element_type3A_2270 = arith.extui %eq3A_2269 : i1 to i32
      %convert_element_type3A_2271 = arith.sitofp %convert_element_type3A_2270 : i32 to f32
      %mul3A_2272 = vector.broadcast %convert_element_type3A_2271 : f32 to vector<16xf32>
      %mul3A_2273 = arith.mulf %get3A_2267, %mul3A_2272 : vector<16xf32>
      %add3A_2274 = arith.addf %add3A_2262, %mul3A_2273 : vector<16xf32>
      %get3A_2275 = arith.constant 3 : i32
      %get3A_2276 = arith.index_cast %get3A_2275 : i32 to index
      %get3A_2277 = arith.constant 80 : index
      %get3A_2278 = tpu.vector_load %arg9[%get3A_2276, %get3A_2277] {strides = array<i32>} : memref<6x128xf32, #tpu.memory_space<vmem>>, vector<1x16xf32>,
      %get3A_2279 = vector.shape_cast %get3A_2278 : vector<1x16xf32> to vector<16xf32>
      %eq3A_2280 = arith.constant 3 : i32
      %eq3A_2281 = arith.cmpi eq, %min3A_1194, %eq3A_2280 : i32
      %convert_element_type3A_2282 = arith.extui %eq3A_2281 : i1 to i32
      %convert_element_type3A_2283 = arith.sitofp %convert_element_type3A_2282 : i32 to f32
      %mul3A_2284 = vector.broadcast %convert_element_type3A_2283 : f32 to vector<16xf32>
      %mul3A_2285 = arith.mulf %get3A_2279, %mul3A_2284 : vector<16xf32>
      %add3A_2286 = arith.addf %add3A_2274, %mul3A_2285 : vector<16xf32>
      %get3A_2287 = arith.constant 4 : i32
      %get3A_2288 = arith.index_cast %get3A_2287 : i32 to index
      %get3A_2289 = arith.constant 80 : index
      %get3A_2290 = tpu.vector_load %arg9[%get3A_2288, %get3A_2289] {strides = array<i32>} : memref<6x128xf32, #tpu.memory_space<vmem>>, vector<1x16xf32>,
      %get3A_2291 = vector.shape_cast %get3A_2290 : vector<1x16xf32> to vector<16xf32>
      %eq3A_2292 = arith.constant 4 : i32
      %eq3A_2293 = arith.cmpi eq, %min3A_1194, %eq3A_2292 : i32
      %convert_element_type3A_2294 = arith.extui %eq3A_2293 : i1 to i32
      %convert_element_type3A_2295 = arith.sitofp %convert_element_type3A_2294 : i32 to f32
      %mul3A_2296 = vector.broadcast %convert_element_type3A_2295 : f32 to vector<16xf32>
      %mul3A_2297 = arith.mulf %get3A_2291, %mul3A_2296 : vector<16xf32>
      %add3A_2298 = arith.addf %add3A_2286, %mul3A_2297 : vector<16xf32>
      %get3A_2299 = arith.constant 5 : i32
      %get3A_2300 = arith.index_cast %get3A_2299 : i32 to index
      %get3A_2301 = arith.constant 80 : index
      %get3A_2302 = tpu.vector_load %arg9[%get3A_2300, %get3A_2301] {strides = array<i32>} : memref<6x128xf32, #tpu.memory_space<vmem>>, vector<1x16xf32>,
      %get3A_2303 = vector.shape_cast %get3A_2302 : vector<1x16xf32> to vector<16xf32>
      %eq3A_2304 = arith.constant 5 : i32
      %eq3A_2305 = arith.cmpi eq, %min3A_1194, %eq3A_2304 : i32
      %convert_element_type3A_2306 = arith.extui %eq3A_2305 : i1 to i32
      %convert_element_type3A_2307 = arith.sitofp %convert_element_type3A_2306 : i32 to f32
      %mul3A_2308 = vector.broadcast %convert_element_type3A_2307 : f32 to vector<16xf32>
      %mul3A_2309 = arith.mulf %get3A_2303, %mul3A_2308 : vector<16xf32>
      %add3A_2310 = arith.addf %add3A_2298, %mul3A_2309 : vector<16xf32>
      %get3A_2311 = arith.constant 0 : i32
      %get3A_2312 = arith.index_cast %get3A_2311 : i32 to index
      %get3A_2313 = arith.constant 80 : index
      %get3A_2314 = tpu.vector_load %arg10[%get3A_2312, %get3A_2313] {strides = array<i32>} : memref<7x128xf32, #tpu.memory_space<vmem>>, vector<1x16xf32>,
      %get3A_2315 = vector.shape_cast %get3A_2314 : vector<1x16xf32> to vector<16xf32>
      %eq3A_2316 = arith.constant 0 : i32
      %eq3A_2317 = arith.cmpi eq, %select_n3A_1232, %eq3A_2316 : i32
      %convert_element_type3A_2318 = arith.extui %eq3A_2317 : i1 to i32
      %convert_element_type3A_2319 = arith.sitofp %convert_element_type3A_2318 : i32 to f32
      %mul3A_2320 = vector.broadcast %convert_element_type3A_2319 : f32 to vector<16xf32>
      %mul3A_2321 = arith.mulf %get3A_2315, %mul3A_2320 : vector<16xf32>
      %add3A_2322 = arith.addf %add3A_2310, %mul3A_2321 : vector<16xf32>
      %get3A_2323 = arith.constant 1 : i32
      %get3A_2324 = arith.index_cast %get3A_2323 : i32 to index
      %get3A_2325 = arith.constant 80 : index
      %get3A_2326 = tpu.vector_load %arg10[%get3A_2324, %get3A_2325] {strides = array<i32>} : memref<7x128xf32, #tpu.memory_space<vmem>>, vector<1x16xf32>,
      %get3A_2327 = vector.shape_cast %get3A_2326 : vector<1x16xf32> to vector<16xf32>
      %eq3A_2328 = arith.constant 1 : i32
      %eq3A_2329 = arith.cmpi eq, %select_n3A_1232, %eq3A_2328 : i32
      %convert_element_type3A_2330 = arith.extui %eq3A_2329 : i1 to i32
      %convert_element_type3A_2331 = arith.sitofp %convert_element_type3A_2330 : i32 to f32
      %mul3A_2332 = vector.broadcast %convert_element_type3A_2331 : f32 to vector<16xf32>
      %mul3A_2333 = arith.mulf %get3A_2327, %mul3A_2332 : vector<16xf32>
      %add3A_2334 = arith.addf %add3A_2322, %mul3A_2333 : vector<16xf32>
      %get3A_2335 = arith.constant 2 : i32
      %get3A_2336 = arith.index_cast %get3A_2335 : i32 to index
      %get3A_2337 = arith.constant 80 : index
      %get3A_2338 = tpu.vector_load %arg10[%get3A_2336, %get3A_2337] {strides = array<i32>} : memref<7x128xf32, #tpu.memory_space<vmem>>, vector<1x16xf32>,
      %get3A_2339 = vector.shape_cast %get3A_2338 : vector<1x16xf32> to vector<16xf32>
      %eq3A_2340 = arith.constant 2 : i32
      %eq3A_2341 = arith.cmpi eq, %select_n3A_1232, %eq3A_2340 : i32
      %convert_element_type3A_2342 = arith.extui %eq3A_2341 : i1 to i32
      %convert_element_type3A_2343 = arith.sitofp %convert_element_type3A_2342 : i32 to f32
      %mul3A_2344 = vector.broadcast %convert_element_type3A_2343 : f32 to vector<16xf32>
      %mul3A_2345 = arith.mulf %get3A_2339, %mul3A_2344 : vector<16xf32>
      %add3A_2346 = arith.addf %add3A_2334, %mul3A_2345 : vector<16xf32>
      %get3A_2347 = arith.constant 3 : i32
      %get3A_2348 = arith.index_cast %get3A_2347 : i32 to index
      %get3A_2349 = arith.constant 80 : index
      %get3A_2350 = tpu.vector_load %arg10[%get3A_2348, %get3A_2349] {strides = array<i32>} : memref<7x128xf32, #tpu.memory_space<vmem>>, vector<1x16xf32>,
      %get3A_2351 = vector.shape_cast %get3A_2350 : vector<1x16xf32> to vector<16xf32>
      %eq3A_2352 = arith.constant 3 : i32
      %eq3A_2353 = arith.cmpi eq, %select_n3A_1232, %eq3A_2352 : i32
      %convert_element_type3A_2354 = arith.extui %eq3A_2353 : i1 to i32
      %convert_element_type3A_2355 = arith.sitofp %convert_element_type3A_2354 : i32 to f32
      %mul3A_2356 = vector.broadcast %convert_element_type3A_2355 : f32 to vector<16xf32>
      %mul3A_2357 = arith.mulf %get3A_2351, %mul3A_2356 : vector<16xf32>
      %add3A_2358 = arith.addf %add3A_2346, %mul3A_2357 : vector<16xf32>
      %get3A_2359 = arith.constant 4 : i32
      %get3A_2360 = arith.index_cast %get3A_2359 : i32 to index
      %get3A_2361 = arith.constant 80 : index
      %get3A_2362 = tpu.vector_load %arg10[%get3A_2360, %get3A_2361] {strides = array<i32>} : memref<7x128xf32, #tpu.memory_space<vmem>>, vector<1x16xf32>,
      %get3A_2363 = vector.shape_cast %get3A_2362 : vector<1x16xf32> to vector<16xf32>
      %eq3A_2364 = arith.constant 4 : i32
      %eq3A_2365 = arith.cmpi eq, %select_n3A_1232, %eq3A_2364 : i32
      %convert_element_type3A_2366 = arith.extui %eq3A_2365 : i1 to i32
      %convert_element_type3A_2367 = arith.sitofp %convert_element_type3A_2366 : i32 to f32
      %mul3A_2368 = vector.broadcast %convert_element_type3A_2367 : f32 to vector<16xf32>
      %mul3A_2369 = arith.mulf %get3A_2363, %mul3A_2368 : vector<16xf32>
      %add3A_2370 = arith.addf %add3A_2358, %mul3A_2369 : vector<16xf32>
      %get3A_2371 = arith.constant 5 : i32
      %get3A_2372 = arith.index_cast %get3A_2371 : i32 to index
      %get3A_2373 = arith.constant 80 : index
      %get3A_2374 = tpu.vector_load %arg10[%get3A_2372, %get3A_2373] {strides = array<i32>} : memref<7x128xf32, #tpu.memory_space<vmem>>, vector<1x16xf32>,
      %get3A_2375 = vector.shape_cast %get3A_2374 : vector<1x16xf32> to vector<16xf32>
      %eq3A_2376 = arith.constant 5 : i32
      %eq3A_2377 = arith.cmpi eq, %select_n3A_1232, %eq3A_2376 : i32
      %convert_element_type3A_2378 = arith.extui %eq3A_2377 : i1 to i32
      %convert_element_type3A_2379 = arith.sitofp %convert_element_type3A_2378 : i32 to f32
      %mul3A_2380 = vector.broadcast %convert_element_type3A_2379 : f32 to vector<16xf32>
      %mul3A_2381 = arith.mulf %get3A_2375, %mul3A_2380 : vector<16xf32>
      %add3A_2382 = arith.addf %add3A_2370, %mul3A_2381 : vector<16xf32>
      %get3A_2383 = arith.constant 6 : i32
      %get3A_2384 = arith.index_cast %get3A_2383 : i32 to index
      %get3A_2385 = arith.constant 80 : index
      %get3A_2386 = tpu.vector_load %arg10[%get3A_2384, %get3A_2385] {strides = array<i32>} : memref<7x128xf32, #tpu.memory_space<vmem>>, vector<1x16xf32>,
      %get3A_2387 = vector.shape_cast %get3A_2386 : vector<1x16xf32> to vector<16xf32>
      %eq3A_2388 = arith.constant 6 : i32
      %eq3A_2389 = arith.cmpi eq, %select_n3A_1232, %eq3A_2388 : i32
      %convert_element_type3A_2390 = arith.extui %eq3A_2389 : i1 to i32
      %convert_element_type3A_2391 = arith.sitofp %convert_element_type3A_2390 : i32 to f32
      %mul3A_2392 = vector.broadcast %convert_element_type3A_2391 : f32 to vector<16xf32>
      %mul3A_2393 = arith.mulf %get3A_2387, %mul3A_2392 : vector<16xf32>
      %add3A_2394 = arith.addf %add3A_2382, %mul3A_2393 : vector<16xf32>
      %get3A_2395 = arith.constant 0 : i32
      %get3A_2396 = arith.index_cast %get3A_2395 : i32 to index
      %get3A_2397 = arith.constant 80 : index
      %get3A_2398 = tpu.vector_load %arg11[%get3A_2396, %get3A_2397] {strides = array<i32>} : memref<3x128xf32, #tpu.memory_space<vmem>>, vector<1x16xf32>,
      %get3A_2399 = vector.shape_cast %get3A_2398 : vector<1x16xf32> to vector<16xf32>
      %eq3A_2400 = arith.constant 0 : i32
      %eq3A_2401 = arith.cmpi eq, %select_n3A_1248, %eq3A_2400 : i32
      %convert_element_type3A_2402 = arith.extui %eq3A_2401 : i1 to i32
      %convert_element_type3A_2403 = arith.sitofp %convert_element_type3A_2402 : i32 to f32
      %mul3A_2404 = vector.broadcast %convert_element_type3A_2403 : f32 to vector<16xf32>
      %mul3A_2405 = arith.mulf %get3A_2399, %mul3A_2404 : vector<16xf32>
      %add3A_2406 = arith.addf %add3A_2394, %mul3A_2405 : vector<16xf32>
      %get3A_2407 = arith.constant 1 : i32
      %get3A_2408 = arith.index_cast %get3A_2407 : i32 to index
      %get3A_2409 = arith.constant 80 : index
      %get3A_2410 = tpu.vector_load %arg11[%get3A_2408, %get3A_2409] {strides = array<i32>} : memref<3x128xf32, #tpu.memory_space<vmem>>, vector<1x16xf32>,
      %get3A_2411 = vector.shape_cast %get3A_2410 : vector<1x16xf32> to vector<16xf32>
      %eq3A_2412 = arith.constant 1 : i32
      %eq3A_2413 = arith.cmpi eq, %select_n3A_1248, %eq3A_2412 : i32
      %convert_element_type3A_2414 = arith.extui %eq3A_2413 : i1 to i32
      %convert_element_type3A_2415 = arith.sitofp %convert_element_type3A_2414 : i32 to f32
      %mul3A_2416 = vector.broadcast %convert_element_type3A_2415 : f32 to vector<16xf32>
      %mul3A_2417 = arith.mulf %get3A_2411, %mul3A_2416 : vector<16xf32>
      %add3A_2418 = arith.addf %add3A_2406, %mul3A_2417 : vector<16xf32>
      %get3A_2419 = arith.constant 2 : i32
      %get3A_2420 = arith.index_cast %get3A_2419 : i32 to index
      %get3A_2421 = arith.constant 80 : index
      %get3A_2422 = tpu.vector_load %arg11[%get3A_2420, %get3A_2421] {strides = array<i32>} : memref<3x128xf32, #tpu.memory_space<vmem>>, vector<1x16xf32>,
      %get3A_2423 = vector.shape_cast %get3A_2422 : vector<1x16xf32> to vector<16xf32>
      %eq3A_2424 = arith.constant 2 : i32
      %eq3A_2425 = arith.cmpi eq, %select_n3A_1248, %eq3A_2424 : i32
      %convert_element_type3A_2426 = arith.extui %eq3A_2425 : i1 to i32
      %convert_element_type3A_2427 = arith.sitofp %convert_element_type3A_2426 : i32 to f32
      %mul3A_2428 = vector.broadcast %convert_element_type3A_2427 : f32 to vector<16xf32>
      %mul3A_2429 = arith.mulf %get3A_2423, %mul3A_2428 : vector<16xf32>
      %add3A_2430 = arith.addf %add3A_2418, %mul3A_2429 : vector<16xf32>
      %swap3A_2431 = arith.constant 80 : index
      %swap3A_2432 = tpu.vector_load %arg12[%swap3A_2431] {strides = array<i32>} : memref<128xf32, #tpu.memory_space<vmem>>, vector<16xf32>,
      %swap3A_2433 = vector.shape_cast %swap3A_2432 : vector<16xf32> to vector<16xf32>
      %swap3A_2434 = vector.shape_cast %add3A_2430 : vector<16xf32> to vector<16xf32>
      tpu.vector_store %arg12[%swap3A_2431], %swap3A_2434 {strides = array<i32>} : memref<128xf32, #tpu.memory_space<vmem>>, vector<16xf32>,
      %broadcast_in_dim3A_2435 = arith.constant 0.000000e+00 : f32
      %broadcast_in_dim3A_2436 = vector.broadcast %broadcast_in_dim3A_2435 : f32 to vector<16xf32>
      %get3A_2437 = arith.constant 0 : i32
      %get3A_2438 = arith.index_cast %get3A_2437 : i32 to index
      %get3A_2439 = arith.constant 96 : index
      %get3A_2440 = tpu.vector_load %arg9[%get3A_2438, %get3A_2439] {strides = array<i32>} : memref<6x128xf32, #tpu.memory_space<vmem>>, vector<1x16xf32>,
      %get3A_2441 = vector.shape_cast %get3A_2440 : vector<1x16xf32> to vector<16xf32>
      %eq3A_2442 = arith.constant 0 : i32
      %eq3A_2443 = arith.cmpi eq, %min3A_1194, %eq3A_2442 : i32
      %convert_element_type3A_2444 = arith.extui %eq3A_2443 : i1 to i32
      %convert_element_type3A_2445 = arith.sitofp %convert_element_type3A_2444 : i32 to f32
      %mul3A_2446 = vector.broadcast %convert_element_type3A_2445 : f32 to vector<16xf32>
      %mul3A_2447 = arith.mulf %get3A_2441, %mul3A_2446 : vector<16xf32>
      %add3A_2448 = arith.addf %broadcast_in_dim3A_2436, %mul3A_2447 : vector<16xf32>
      %get3A_2449 = arith.constant 1 : i32
      %get3A_2450 = arith.index_cast %get3A_2449 : i32 to index
      %get3A_2451 = arith.constant 96 : index
      %get3A_2452 = tpu.vector_load %arg9[%get3A_2450, %get3A_2451] {strides = array<i32>} : memref<6x128xf32, #tpu.memory_space<vmem>>, vector<1x16xf32>,
      %get3A_2453 = vector.shape_cast %get3A_2452 : vector<1x16xf32> to vector<16xf32>
      %eq3A_2454 = arith.constant 1 : i32
      %eq3A_2455 = arith.cmpi eq, %min3A_1194, %eq3A_2454 : i32
      %convert_element_type3A_2456 = arith.extui %eq3A_2455 : i1 to i32
      %convert_element_type3A_2457 = arith.sitofp %convert_element_type3A_2456 : i32 to f32
      %mul3A_2458 = vector.broadcast %convert_element_type3A_2457 : f32 to vector<16xf32>
      %mul3A_2459 = arith.mulf %get3A_2453, %mul3A_2458 : vector<16xf32>
      %add3A_2460 = arith.addf %add3A_2448, %mul3A_2459 : vector<16xf32>
      %get3A_2461 = arith.constant 2 : i32
      %get3A_2462 = arith.index_cast %get3A_2461 : i32 to index
      %get3A_2463 = arith.constant 96 : index
      %get3A_2464 = tpu.vector_load %arg9[%get3A_2462, %get3A_2463] {strides = array<i32>} : memref<6x128xf32, #tpu.memory_space<vmem>>, vector<1x16xf32>,
      %get3A_2465 = vector.shape_cast %get3A_2464 : vector<1x16xf32> to vector<16xf32>
      %eq3A_2466 = arith.constant 2 : i32
      %eq3A_2467 = arith.cmpi eq, %min3A_1194, %eq3A_2466 : i32
      %convert_element_type3A_2468 = arith.extui %eq3A_2467 : i1 to i32
      %convert_element_type3A_2469 = arith.sitofp %convert_element_type3A_2468 : i32 to f32
      %mul3A_2470 = vector.broadcast %convert_element_type3A_2469 : f32 to vector<16xf32>
      %mul3A_2471 = arith.mulf %get3A_2465, %mul3A_2470 : vector<16xf32>
      %add3A_2472 = arith.addf %add3A_2460, %mul3A_2471 : vector<16xf32>
      %get3A_2473 = arith.constant 3 : i32
      %get3A_2474 = arith.index_cast %get3A_2473 : i32 to index
      %get3A_2475 = arith.constant 96 : index
      %get3A_2476 = tpu.vector_load %arg9[%get3A_2474, %get3A_2475] {strides = array<i32>} : memref<6x128xf32, #tpu.memory_space<vmem>>, vector<1x16xf32>,
      %get3A_2477 = vector.shape_cast %get3A_2476 : vector<1x16xf32> to vector<16xf32>
      %eq3A_2478 = arith.constant 3 : i32
      %eq3A_2479 = arith.cmpi eq, %min3A_1194, %eq3A_2478 : i32
      %convert_element_type3A_2480 = arith.extui %eq3A_2479 : i1 to i32
      %convert_element_type3A_2481 = arith.sitofp %convert_element_type3A_2480 : i32 to f32
      %mul3A_2482 = vector.broadcast %convert_element_type3A_2481 : f32 to vector<16xf32>
      %mul3A_2483 = arith.mulf %get3A_2477, %mul3A_2482 : vector<16xf32>
      %add3A_2484 = arith.addf %add3A_2472, %mul3A_2483 : vector<16xf32>
      %get3A_2485 = arith.constant 4 : i32
      %get3A_2486 = arith.index_cast %get3A_2485 : i32 to index
      %get3A_2487 = arith.constant 96 : index
      %get3A_2488 = tpu.vector_load %arg9[%get3A_2486, %get3A_2487] {strides = array<i32>} : memref<6x128xf32, #tpu.memory_space<vmem>>, vector<1x16xf32>,
      %get3A_2489 = vector.shape_cast %get3A_2488 : vector<1x16xf32> to vector<16xf32>
      %eq3A_2490 = arith.constant 4 : i32
      %eq3A_2491 = arith.cmpi eq, %min3A_1194, %eq3A_2490 : i32
      %convert_element_type3A_2492 = arith.extui %eq3A_2491 : i1 to i32
      %convert_element_type3A_2493 = arith.sitofp %convert_element_type3A_2492 : i32 to f32
      %mul3A_2494 = vector.broadcast %convert_element_type3A_2493 : f32 to vector<16xf32>
      %mul3A_2495 = arith.mulf %get3A_2489, %mul3A_2494 : vector<16xf32>
      %add3A_2496 = arith.addf %add3A_2484, %mul3A_2495 : vector<16xf32>
      %get3A_2497 = arith.constant 5 : i32
      %get3A_2498 = arith.index_cast %get3A_2497 : i32 to index
      %get3A_2499 = arith.constant 96 : index
      %get3A_2500 = tpu.vector_load %arg9[%get3A_2498, %get3A_2499] {strides = array<i32>} : memref<6x128xf32, #tpu.memory_space<vmem>>, vector<1x16xf32>,
      %get3A_2501 = vector.shape_cast %get3A_2500 : vector<1x16xf32> to vector<16xf32>
      %eq3A_2502 = arith.constant 5 : i32
      %eq3A_2503 = arith.cmpi eq, %min3A_1194, %eq3A_2502 : i32
      %convert_element_type3A_2504 = arith.extui %eq3A_2503 : i1 to i32
      %convert_element_type3A_2505 = arith.sitofp %convert_element_type3A_2504 : i32 to f32
      %mul3A_2506 = vector.broadcast %convert_element_type3A_2505 : f32 to vector<16xf32>
      %mul3A_2507 = arith.mulf %get3A_2501, %mul3A_2506 : vector<16xf32>
      %add3A_2508 = arith.addf %add3A_2496, %mul3A_2507 : vector<16xf32>
      %get3A_2509 = arith.constant 0 : i32
      %get3A_2510 = arith.index_cast %get3A_2509 : i32 to index
      %get3A_2511 = arith.constant 96 : index
      %get3A_2512 = tpu.vector_load %arg10[%get3A_2510, %get3A_2511] {strides = array<i32>} : memref<7x128xf32, #tpu.memory_space<vmem>>, vector<1x16xf32>,
      %get3A_2513 = vector.shape_cast %get3A_2512 : vector<1x16xf32> to vector<16xf32>
      %eq3A_2514 = arith.constant 0 : i32
      %eq3A_2515 = arith.cmpi eq, %select_n3A_1232, %eq3A_2514 : i32
      %convert_element_type3A_2516 = arith.extui %eq3A_2515 : i1 to i32
      %convert_element_type3A_2517 = arith.sitofp %convert_element_type3A_2516 : i32 to f32
      %mul3A_2518 = vector.broadcast %convert_element_type3A_2517 : f32 to vector<16xf32>
      %mul3A_2519 = arith.mulf %get3A_2513, %mul3A_2518 : vector<16xf32>
      %add3A_2520 = arith.addf %add3A_2508, %mul3A_2519 : vector<16xf32>
      %get3A_2521 = arith.constant 1 : i32
      %get3A_2522 = arith.index_cast %get3A_2521 : i32 to index
      %get3A_2523 = arith.constant 96 : index
      %get3A_2524 = tpu.vector_load %arg10[%get3A_2522, %get3A_2523] {strides = array<i32>} : memref<7x128xf32, #tpu.memory_space<vmem>>, vector<1x16xf32>,
      %get3A_2525 = vector.shape_cast %get3A_2524 : vector<1x16xf32> to vector<16xf32>
      %eq3A_2526 = arith.constant 1 : i32
      %eq3A_2527 = arith.cmpi eq, %select_n3A_1232, %eq3A_2526 : i32
      %convert_element_type3A_2528 = arith.extui %eq3A_2527 : i1 to i32
      %convert_element_type3A_2529 = arith.sitofp %convert_element_type3A_2528 : i32 to f32
      %mul3A_2530 = vector.broadcast %convert_element_type3A_2529 : f32 to vector<16xf32>
      %mul3A_2531 = arith.mulf %get3A_2525, %mul3A_2530 : vector<16xf32>
      %add3A_2532 = arith.addf %add3A_2520, %mul3A_2531 : vector<16xf32>
      %get3A_2533 = arith.constant 2 : i32
      %get3A_2534 = arith.index_cast %get3A_2533 : i32 to index
      %get3A_2535 = arith.constant 96 : index
      %get3A_2536 = tpu.vector_load %arg10[%get3A_2534, %get3A_2535] {strides = array<i32>} : memref<7x128xf32, #tpu.memory_space<vmem>>, vector<1x16xf32>,
      %get3A_2537 = vector.shape_cast %get3A_2536 : vector<1x16xf32> to vector<16xf32>
      %eq3A_2538 = arith.constant 2 : i32
      %eq3A_2539 = arith.cmpi eq, %select_n3A_1232, %eq3A_2538 : i32
      %convert_element_type3A_2540 = arith.extui %eq3A_2539 : i1 to i32
      %convert_element_type3A_2541 = arith.sitofp %convert_element_type3A_2540 : i32 to f32
      %mul3A_2542 = vector.broadcast %convert_element_type3A_2541 : f32 to vector<16xf32>
      %mul3A_2543 = arith.mulf %get3A_2537, %mul3A_2542 : vector<16xf32>
      %add3A_2544 = arith.addf %add3A_2532, %mul3A_2543 : vector<16xf32>
      %get3A_2545 = arith.constant 3 : i32
      %get3A_2546 = arith.index_cast %get3A_2545 : i32 to index
      %get3A_2547 = arith.constant 96 : index
      %get3A_2548 = tpu.vector_load %arg10[%get3A_2546, %get3A_2547] {strides = array<i32>} : memref<7x128xf32, #tpu.memory_space<vmem>>, vector<1x16xf32>,
      %get3A_2549 = vector.shape_cast %get3A_2548 : vector<1x16xf32> to vector<16xf32>
      %eq3A_2550 = arith.constant 3 : i32
      %eq3A_2551 = arith.cmpi eq, %select_n3A_1232, %eq3A_2550 : i32
      %convert_element_type3A_2552 = arith.extui %eq3A_2551 : i1 to i32
      %convert_element_type3A_2553 = arith.sitofp %convert_element_type3A_2552 : i32 to f32
      %mul3A_2554 = vector.broadcast %convert_element_type3A_2553 : f32 to vector<16xf32>
      %mul3A_2555 = arith.mulf %get3A_2549, %mul3A_2554 : vector<16xf32>
      %add3A_2556 = arith.addf %add3A_2544, %mul3A_2555 : vector<16xf32>
      %get3A_2557 = arith.constant 4 : i32
      %get3A_2558 = arith.index_cast %get3A_2557 : i32 to index
      %get3A_2559 = arith.constant 96 : index
      %get3A_2560 = tpu.vector_load %arg10[%get3A_2558, %get3A_2559] {strides = array<i32>} : memref<7x128xf32, #tpu.memory_space<vmem>>, vector<1x16xf32>,
      %get3A_2561 = vector.shape_cast %get3A_2560 : vector<1x16xf32> to vector<16xf32>
      %eq3A_2562 = arith.constant 4 : i32
      %eq3A_2563 = arith.cmpi eq, %select_n3A_1232, %eq3A_2562 : i32
      %convert_element_type3A_2564 = arith.extui %eq3A_2563 : i1 to i32
      %convert_element_type3A_2565 = arith.sitofp %convert_element_type3A_2564 : i32 to f32
      %mul3A_2566 = vector.broadcast %convert_element_type3A_2565 : f32 to vector<16xf32>
      %mul3A_2567 = arith.mulf %get3A_2561, %mul3A_2566 : vector<16xf32>
      %add3A_2568 = arith.addf %add3A_2556, %mul3A_2567 : vector<16xf32>
      %get3A_2569 = arith.constant 5 : i32
      %get3A_2570 = arith.index_cast %get3A_2569 : i32 to index
      %get3A_2571 = arith.constant 96 : index
      %get3A_2572 = tpu.vector_load %arg10[%get3A_2570, %get3A_2571] {strides = array<i32>} : memref<7x128xf32, #tpu.memory_space<vmem>>, vector<1x16xf32>,
      %get3A_2573 = vector.shape_cast %get3A_2572 : vector<1x16xf32> to vector<16xf32>
      %eq3A_2574 = arith.constant 5 : i32
      %eq3A_2575 = arith.cmpi eq, %select_n3A_1232, %eq3A_2574 : i32
      %convert_element_type3A_2576 = arith.extui %eq3A_2575 : i1 to i32
      %convert_element_type3A_2577 = arith.sitofp %convert_element_type3A_2576 : i32 to f32
      %mul3A_2578 = vector.broadcast %convert_element_type3A_2577 : f32 to vector<16xf32>
      %mul3A_2579 = arith.mulf %get3A_2573, %mul3A_2578 : vector<16xf32>
      %add3A_2580 = arith.addf %add3A_2568, %mul3A_2579 : vector<16xf32>
      %get3A_2581 = arith.constant 6 : i32
      %get3A_2582 = arith.index_cast %get3A_2581 : i32 to index
      %get3A_2583 = arith.constant 96 : index
      %get3A_2584 = tpu.vector_load %arg10[%get3A_2582, %get3A_2583] {strides = array<i32>} : memref<7x128xf32, #tpu.memory_space<vmem>>, vector<1x16xf32>,
      %get3A_2585 = vector.shape_cast %get3A_2584 : vector<1x16xf32> to vector<16xf32>
      %eq3A_2586 = arith.constant 6 : i32
      %eq3A_2587 = arith.cmpi eq, %select_n3A_1232, %eq3A_2586 : i32
      %convert_element_type3A_2588 = arith.extui %eq3A_2587 : i1 to i32
      %convert_element_type3A_2589 = arith.sitofp %convert_element_type3A_2588 : i32 to f32
      %mul3A_2590 = vector.broadcast %convert_element_type3A_2589 : f32 to vector<16xf32>
      %mul3A_2591 = arith.mulf %get3A_2585, %mul3A_2590 : vector<16xf32>
      %add3A_2592 = arith.addf %add3A_2580, %mul3A_2591 : vector<16xf32>
      %get3A_2593 = arith.constant 0 : i32
      %get3A_2594 = arith.index_cast %get3A_2593 : i32 to index
      %get3A_2595 = arith.constant 96 : index
      %get3A_2596 = tpu.vector_load %arg11[%get3A_2594, %get3A_2595] {strides = array<i32>} : memref<3x128xf32, #tpu.memory_space<vmem>>, vector<1x16xf32>,
      %get3A_2597 = vector.shape_cast %get3A_2596 : vector<1x16xf32> to vector<16xf32>
      %eq3A_2598 = arith.constant 0 : i32
      %eq3A_2599 = arith.cmpi eq, %select_n3A_1248, %eq3A_2598 : i32
      %convert_element_type3A_2600 = arith.extui %eq3A_2599 : i1 to i32
      %convert_element_type3A_2601 = arith.sitofp %convert_element_type3A_2600 : i32 to f32
      %mul3A_2602 = vector.broadcast %convert_element_type3A_2601 : f32 to vector<16xf32>
      %mul3A_2603 = arith.mulf %get3A_2597, %mul3A_2602 : vector<16xf32>
      %add3A_2604 = arith.addf %add3A_2592, %mul3A_2603 : vector<16xf32>
      %get3A_2605 = arith.constant 1 : i32
      %get3A_2606 = arith.index_cast %get3A_2605 : i32 to index
      %get3A_2607 = arith.constant 96 : index
      %get3A_2608 = tpu.vector_load %arg11[%get3A_2606, %get3A_2607] {strides = array<i32>} : memref<3x128xf32, #tpu.memory_space<vmem>>, vector<1x16xf32>,
      %get3A_2609 = vector.shape_cast %get3A_2608 : vector<1x16xf32> to vector<16xf32>
      %eq3A_2610 = arith.constant 1 : i32
      %eq3A_2611 = arith.cmpi eq, %select_n3A_1248, %eq3A_2610 : i32
      %convert_element_type3A_2612 = arith.extui %eq3A_2611 : i1 to i32
      %convert_element_type3A_2613 = arith.sitofp %convert_element_type3A_2612 : i32 to f32
      %mul3A_2614 = vector.broadcast %convert_element_type3A_2613 : f32 to vector<16xf32>
      %mul3A_2615 = arith.mulf %get3A_2609, %mul3A_2614 : vector<16xf32>
      %add3A_2616 = arith.addf %add3A_2604, %mul3A_2615 : vector<16xf32>
      %get3A_2617 = arith.constant 2 : i32
      %get3A_2618 = arith.index_cast %get3A_2617 : i32 to index
      %get3A_2619 = arith.constant 96 : index
      %get3A_2620 = tpu.vector_load %arg11[%get3A_2618, %get3A_2619] {strides = array<i32>} : memref<3x128xf32, #tpu.memory_space<vmem>>, vector<1x16xf32>,
      %get3A_2621 = vector.shape_cast %get3A_2620 : vector<1x16xf32> to vector<16xf32>
      %eq3A_2622 = arith.constant 2 : i32
      %eq3A_2623 = arith.cmpi eq, %select_n3A_1248, %eq3A_2622 : i32
      %convert_element_type3A_2624 = arith.extui %eq3A_2623 : i1 to i32
      %convert_element_type3A_2625 = arith.sitofp %convert_element_type3A_2624 : i32 to f32
      %mul3A_2626 = vector.broadcast %convert_element_type3A_2625 : f32 to vector<16xf32>
      %mul3A_2627 = arith.mulf %get3A_2621, %mul3A_2626 : vector<16xf32>
      %add3A_2628 = arith.addf %add3A_2616, %mul3A_2627 : vector<16xf32>
      %swap3A_2629 = arith.constant 96 : index
      %swap3A_2630 = tpu.vector_load %arg12[%swap3A_2629] {strides = array<i32>} : memref<128xf32, #tpu.memory_space<vmem>>, vector<16xf32>,
      %swap3A_2631 = vector.shape_cast %swap3A_2630 : vector<16xf32> to vector<16xf32>
      %swap3A_2632 = vector.shape_cast %add3A_2628 : vector<16xf32> to vector<16xf32>
      tpu.vector_store %arg12[%swap3A_2629], %swap3A_2632 {strides = array<i32>} : memref<128xf32, #tpu.memory_space<vmem>>, vector<16xf32>,
      %broadcast_in_dim3A_2633 = arith.constant 0.000000e+00 : f32
      %broadcast_in_dim3A_2634 = vector.broadcast %broadcast_in_dim3A_2633 : f32 to vector<16xf32>
      %get3A_2635 = arith.constant 0 : i32
      %get3A_2636 = arith.index_cast %get3A_2635 : i32 to index
      %get3A_2637 = arith.constant 112 : index
      %get3A_2638 = tpu.vector_load %arg9[%get3A_2636, %get3A_2637] {strides = array<i32>} : memref<6x128xf32, #tpu.memory_space<vmem>>, vector<1x16xf32>,
      %get3A_2639 = vector.shape_cast %get3A_2638 : vector<1x16xf32> to vector<16xf32>
      %eq3A_2640 = arith.constant 0 : i32
      %eq3A_2641 = arith.cmpi eq, %min3A_1194, %eq3A_2640 : i32
      %convert_element_type3A_2642 = arith.extui %eq3A_2641 : i1 to i32
      %convert_element_type3A_2643 = arith.sitofp %convert_element_type3A_2642 : i32 to f32
      %mul3A_2644 = vector.broadcast %convert_element_type3A_2643 : f32 to vector<16xf32>
      %mul3A_2645 = arith.mulf %get3A_2639, %mul3A_2644 : vector<16xf32>
      %add3A_2646 = arith.addf %broadcast_in_dim3A_2634, %mul3A_2645 : vector<16xf32>
      %get3A_2647 = arith.constant 1 : i32
      %get3A_2648 = arith.index_cast %get3A_2647 : i32 to index
      %get3A_2649 = arith.constant 112 : index
      %get3A_2650 = tpu.vector_load %arg9[%get3A_2648, %get3A_2649] {strides = array<i32>} : memref<6x128xf32, #tpu.memory_space<vmem>>, vector<1x16xf32>,
      %get3A_2651 = vector.shape_cast %get3A_2650 : vector<1x16xf32> to vector<16xf32>
      %eq3A_2652 = arith.constant 1 : i32
      %eq3A_2653 = arith.cmpi eq, %min3A_1194, %eq3A_2652 : i32
      %convert_element_type3A_2654 = arith.extui %eq3A_2653 : i1 to i32
      %convert_element_type3A_2655 = arith.sitofp %convert_element_type3A_2654 : i32 to f32
      %mul3A_2656 = vector.broadcast %convert_element_type3A_2655 : f32 to vector<16xf32>
      %mul3A_2657 = arith.mulf %get3A_2651, %mul3A_2656 : vector<16xf32>
      %add3A_2658 = arith.addf %add3A_2646, %mul3A_2657 : vector<16xf32>
      %get3A_2659 = arith.constant 2 : i32
      %get3A_2660 = arith.index_cast %get3A_2659 : i32 to index
      %get3A_2661 = arith.constant 112 : index
      %get3A_2662 = tpu.vector_load %arg9[%get3A_2660, %get3A_2661] {strides = array<i32>} : memref<6x128xf32, #tpu.memory_space<vmem>>, vector<1x16xf32>,
      %get3A_2663 = vector.shape_cast %get3A_2662 : vector<1x16xf32> to vector<16xf32>
      %eq3A_2664 = arith.constant 2 : i32
      %eq3A_2665 = arith.cmpi eq, %min3A_1194, %eq3A_2664 : i32
      %convert_element_type3A_2666 = arith.extui %eq3A_2665 : i1 to i32
      %convert_element_type3A_2667 = arith.sitofp %convert_element_type3A_2666 : i32 to f32
      %mul3A_2668 = vector.broadcast %convert_element_type3A_2667 : f32 to vector<16xf32>
      %mul3A_2669 = arith.mulf %get3A_2663, %mul3A_2668 : vector<16xf32>
      %add3A_2670 = arith.addf %add3A_2658, %mul3A_2669 : vector<16xf32>
      %get3A_2671 = arith.constant 3 : i32
      %get3A_2672 = arith.index_cast %get3A_2671 : i32 to index
      %get3A_2673 = arith.constant 112 : index
      %get3A_2674 = tpu.vector_load %arg9[%get3A_2672, %get3A_2673] {strides = array<i32>} : memref<6x128xf32, #tpu.memory_space<vmem>>, vector<1x16xf32>,
      %get3A_2675 = vector.shape_cast %get3A_2674 : vector<1x16xf32> to vector<16xf32>
      %eq3A_2676 = arith.constant 3 : i32
      %eq3A_2677 = arith.cmpi eq, %min3A_1194, %eq3A_2676 : i32
      %convert_element_type3A_2678 = arith.extui %eq3A_2677 : i1 to i32
      %convert_element_type3A_2679 = arith.sitofp %convert_element_type3A_2678 : i32 to f32
      %mul3A_2680 = vector.broadcast %convert_element_type3A_2679 : f32 to vector<16xf32>
      %mul3A_2681 = arith.mulf %get3A_2675, %mul3A_2680 : vector<16xf32>
      %add3A_2682 = arith.addf %add3A_2670, %mul3A_2681 : vector<16xf32>
      %get3A_2683 = arith.constant 4 : i32
      %get3A_2684 = arith.index_cast %get3A_2683 : i32 to index
      %get3A_2685 = arith.constant 112 : index
      %get3A_2686 = tpu.vector_load %arg9[%get3A_2684, %get3A_2685] {strides = array<i32>} : memref<6x128xf32, #tpu.memory_space<vmem>>, vector<1x16xf32>,
      %get3A_2687 = vector.shape_cast %get3A_2686 : vector<1x16xf32> to vector<16xf32>
      %eq3A_2688 = arith.constant 4 : i32
      %eq3A_2689 = arith.cmpi eq, %min3A_1194, %eq3A_2688 : i32
      %convert_element_type3A_2690 = arith.extui %eq3A_2689 : i1 to i32
      %convert_element_type3A_2691 = arith.sitofp %convert_element_type3A_2690 : i32 to f32
      %mul3A_2692 = vector.broadcast %convert_element_type3A_2691 : f32 to vector<16xf32>
      %mul3A_2693 = arith.mulf %get3A_2687, %mul3A_2692 : vector<16xf32>
      %add3A_2694 = arith.addf %add3A_2682, %mul3A_2693 : vector<16xf32>
      %get3A_2695 = arith.constant 5 : i32
      %get3A_2696 = arith.index_cast %get3A_2695 : i32 to index
      %get3A_2697 = arith.constant 112 : index
      %get3A_2698 = tpu.vector_load %arg9[%get3A_2696, %get3A_2697] {strides = array<i32>} : memref<6x128xf32, #tpu.memory_space<vmem>>, vector<1x16xf32>,
      %get3A_2699 = vector.shape_cast %get3A_2698 : vector<1x16xf32> to vector<16xf32>
      %eq3A_2700 = arith.constant 5 : i32
      %eq3A_2701 = arith.cmpi eq, %min3A_1194, %eq3A_2700 : i32
      %convert_element_type3A_2702 = arith.extui %eq3A_2701 : i1 to i32
      %convert_element_type3A_2703 = arith.sitofp %convert_element_type3A_2702 : i32 to f32
      %mul3A_2704 = vector.broadcast %convert_element_type3A_2703 : f32 to vector<16xf32>
      %mul3A_2705 = arith.mulf %get3A_2699, %mul3A_2704 : vector<16xf32>
      %add3A_2706 = arith.addf %add3A_2694, %mul3A_2705 : vector<16xf32>
      %get3A_2707 = arith.constant 0 : i32
      %get3A_2708 = arith.index_cast %get3A_2707 : i32 to index
      %get3A_2709 = arith.constant 112 : index
      %get3A_2710 = tpu.vector_load %arg10[%get3A_2708, %get3A_2709] {strides = array<i32>} : memref<7x128xf32, #tpu.memory_space<vmem>>, vector<1x16xf32>,
      %get3A_2711 = vector.shape_cast %get3A_2710 : vector<1x16xf32> to vector<16xf32>
      %eq3A_2712 = arith.constant 0 : i32
      %eq3A_2713 = arith.cmpi eq, %select_n3A_1232, %eq3A_2712 : i32
      %convert_element_type3A_2714 = arith.extui %eq3A_2713 : i1 to i32
      %convert_element_type3A_2715 = arith.sitofp %convert_element_type3A_2714 : i32 to f32
      %mul3A_2716 = vector.broadcast %convert_element_type3A_2715 : f32 to vector<16xf32>
      %mul3A_2717 = arith.mulf %get3A_2711, %mul3A_2716 : vector<16xf32>
      %add3A_2718 = arith.addf %add3A_2706, %mul3A_2717 : vector<16xf32>
      %get3A_2719 = arith.constant 1 : i32
      %get3A_2720 = arith.index_cast %get3A_2719 : i32 to index
      %get3A_2721 = arith.constant 112 : index
      %get3A_2722 = tpu.vector_load %arg10[%get3A_2720, %get3A_2721] {strides = array<i32>} : memref<7x128xf32, #tpu.memory_space<vmem>>, vector<1x16xf32>,
      %get3A_2723 = vector.shape_cast %get3A_2722 : vector<1x16xf32> to vector<16xf32>
      %eq3A_2724 = arith.constant 1 : i32
      %eq3A_2725 = arith.cmpi eq, %select_n3A_1232, %eq3A_2724 : i32
      %convert_element_type3A_2726 = arith.extui %eq3A_2725 : i1 to i32
      %convert_element_type3A_2727 = arith.sitofp %convert_element_type3A_2726 : i32 to f32
      %mul3A_2728 = vector.broadcast %convert_element_type3A_2727 : f32 to vector<16xf32>
      %mul3A_2729 = arith.mulf %get3A_2723, %mul3A_2728 : vector<16xf32>
      %add3A_2730 = arith.addf %add3A_2718, %mul3A_2729 : vector<16xf32>
      %get3A_2731 = arith.constant 2 : i32
      %get3A_2732 = arith.index_cast %get3A_2731 : i32 to index
      %get3A_2733 = arith.constant 112 : index
      %get3A_2734 = tpu.vector_load %arg10[%get3A_2732, %get3A_2733] {strides = array<i32>} : memref<7x128xf32, #tpu.memory_space<vmem>>, vector<1x16xf32>,
      %get3A_2735 = vector.shape_cast %get3A_2734 : vector<1x16xf32> to vector<16xf32>
      %eq3A_2736 = arith.constant 2 : i32
      %eq3A_2737 = arith.cmpi eq, %select_n3A_1232, %eq3A_2736 : i32
      %convert_element_type3A_2738 = arith.extui %eq3A_2737 : i1 to i32
      %convert_element_type3A_2739 = arith.sitofp %convert_element_type3A_2738 : i32 to f32
      %mul3A_2740 = vector.broadcast %convert_element_type3A_2739 : f32 to vector<16xf32>
      %mul3A_2741 = arith.mulf %get3A_2735, %mul3A_2740 : vector<16xf32>
      %add3A_2742 = arith.addf %add3A_2730, %mul3A_2741 : vector<16xf32>
      %get3A_2743 = arith.constant 3 : i32
      %get3A_2744 = arith.index_cast %get3A_2743 : i32 to index
      %get3A_2745 = arith.constant 112 : index
      %get3A_2746 = tpu.vector_load %arg10[%get3A_2744, %get3A_2745] {strides = array<i32>} : memref<7x128xf32, #tpu.memory_space<vmem>>, vector<1x16xf32>,
      %get3A_2747 = vector.shape_cast %get3A_2746 : vector<1x16xf32> to vector<16xf32>
      %eq3A_2748 = arith.constant 3 : i32
      %eq3A_2749 = arith.cmpi eq, %select_n3A_1232, %eq3A_2748 : i32
      %convert_element_type3A_2750 = arith.extui %eq3A_2749 : i1 to i32
      %convert_element_type3A_2751 = arith.sitofp %convert_element_type3A_2750 : i32 to f32
      %mul3A_2752 = vector.broadcast %convert_element_type3A_2751 : f32 to vector<16xf32>
      %mul3A_2753 = arith.mulf %get3A_2747, %mul3A_2752 : vector<16xf32>
      %add3A_2754 = arith.addf %add3A_2742, %mul3A_2753 : vector<16xf32>
      %get3A_2755 = arith.constant 4 : i32
      %get3A_2756 = arith.index_cast %get3A_2755 : i32 to index
      %get3A_2757 = arith.constant 112 : index
      %get3A_2758 = tpu.vector_load %arg10[%get3A_2756, %get3A_2757] {strides = array<i32>} : memref<7x128xf32, #tpu.memory_space<vmem>>, vector<1x16xf32>,
      %get3A_2759 = vector.shape_cast %get3A_2758 : vector<1x16xf32> to vector<16xf32>
      %eq3A_2760 = arith.constant 4 : i32
      %eq3A_2761 = arith.cmpi eq, %select_n3A_1232, %eq3A_2760 : i32
      %convert_element_type3A_2762 = arith.extui %eq3A_2761 : i1 to i32
      %convert_element_type3A_2763 = arith.sitofp %convert_element_type3A_2762 : i32 to f32
      %mul3A_2764 = vector.broadcast %convert_element_type3A_2763 : f32 to vector<16xf32>
      %mul3A_2765 = arith.mulf %get3A_2759, %mul3A_2764 : vector<16xf32>
      %add3A_2766 = arith.addf %add3A_2754, %mul3A_2765 : vector<16xf32>
      %get3A_2767 = arith.constant 5 : i32
      %get3A_2768 = arith.index_cast %get3A_2767 : i32 to index
      %get3A_2769 = arith.constant 112 : index
      %get3A_2770 = tpu.vector_load %arg10[%get3A_2768, %get3A_2769] {strides = array<i32>} : memref<7x128xf32, #tpu.memory_space<vmem>>, vector<1x16xf32>,
      %get3A_2771 = vector.shape_cast %get3A_2770 : vector<1x16xf32> to vector<16xf32>
      %eq3A_2772 = arith.constant 5 : i32
      %eq3A_2773 = arith.cmpi eq, %select_n3A_1232, %eq3A_2772 : i32
      %convert_element_type3A_2774 = arith.extui %eq3A_2773 : i1 to i32
      %convert_element_type3A_2775 = arith.sitofp %convert_element_type3A_2774 : i32 to f32
      %mul3A_2776 = vector.broadcast %convert_element_type3A_2775 : f32 to vector<16xf32>
      %mul3A_2777 = arith.mulf %get3A_2771, %mul3A_2776 : vector<16xf32>
      %add3A_2778 = arith.addf %add3A_2766, %mul3A_2777 : vector<16xf32>
      %get3A_2779 = arith.constant 6 : i32
      %get3A_2780 = arith.index_cast %get3A_2779 : i32 to index
      %get3A_2781 = arith.constant 112 : index
      %get3A_2782 = tpu.vector_load %arg10[%get3A_2780, %get3A_2781] {strides = array<i32>} : memref<7x128xf32, #tpu.memory_space<vmem>>, vector<1x16xf32>,
      %get3A_2783 = vector.shape_cast %get3A_2782 : vector<1x16xf32> to vector<16xf32>
      %eq3A_2784 = arith.constant 6 : i32
      %eq3A_2785 = arith.cmpi eq, %select_n3A_1232, %eq3A_2784 : i32
      %convert_element_type3A_2786 = arith.extui %eq3A_2785 : i1 to i32
      %convert_element_type3A_2787 = arith.sitofp %convert_element_type3A_2786 : i32 to f32
      %mul3A_2788 = vector.broadcast %convert_element_type3A_2787 : f32 to vector<16xf32>
      %mul3A_2789 = arith.mulf %get3A_2783, %mul3A_2788 : vector<16xf32>
      %add3A_2790 = arith.addf %add3A_2778, %mul3A_2789 : vector<16xf32>
      %get3A_2791 = arith.constant 0 : i32
      %get3A_2792 = arith.index_cast %get3A_2791 : i32 to index
      %get3A_2793 = arith.constant 112 : index
      %get3A_2794 = tpu.vector_load %arg11[%get3A_2792, %get3A_2793] {strides = array<i32>} : memref<3x128xf32, #tpu.memory_space<vmem>>, vector<1x16xf32>,
      %get3A_2795 = vector.shape_cast %get3A_2794 : vector<1x16xf32> to vector<16xf32>
      %eq3A_2796 = arith.constant 0 : i32
      %eq3A_2797 = arith.cmpi eq, %select_n3A_1248, %eq3A_2796 : i32
      %convert_element_type3A_2798 = arith.extui %eq3A_2797 : i1 to i32
      %convert_element_type3A_2799 = arith.sitofp %convert_element_type3A_2798 : i32 to f32
      %mul3A_2800 = vector.broadcast %convert_element_type3A_2799 : f32 to vector<16xf32>
      %mul3A_2801 = arith.mulf %get3A_2795, %mul3A_2800 : vector<16xf32>
      %add3A_2802 = arith.addf %add3A_2790, %mul3A_2801 : vector<16xf32>
      %get3A_2803 = arith.constant 1 : i32
      %get3A_2804 = arith.index_cast %get3A_2803 : i32 to index
      %get3A_2805 = arith.constant 112 : index
      %get3A_2806 = tpu.vector_load %arg11[%get3A_2804, %get3A_2805] {strides = array<i32>} : memref<3x128xf32, #tpu.memory_space<vmem>>, vector<1x16xf32>,
      %get3A_2807 = vector.shape_cast %get3A_2806 : vector<1x16xf32> to vector<16xf32>
      %eq3A_2808 = arith.constant 1 : i32
      %eq3A_2809 = arith.cmpi eq, %select_n3A_1248, %eq3A_2808 : i32
      %convert_element_type3A_2810 = arith.extui %eq3A_2809 : i1 to i32
      %convert_element_type3A_2811 = arith.sitofp %convert_element_type3A_2810 : i32 to f32
      %mul3A_2812 = vector.broadcast %convert_element_type3A_2811 : f32 to vector<16xf32>
      %mul3A_2813 = arith.mulf %get3A_2807, %mul3A_2812 : vector<16xf32>
      %add3A_2814 = arith.addf %add3A_2802, %mul3A_2813 : vector<16xf32>
      %get3A_2815 = arith.constant 2 : i32
      %get3A_2816 = arith.index_cast %get3A_2815 : i32 to index
      %get3A_2817 = arith.constant 112 : index
      %get3A_2818 = tpu.vector_load %arg11[%get3A_2816, %get3A_2817] {strides = array<i32>} : memref<3x128xf32, #tpu.memory_space<vmem>>, vector<1x16xf32>,
      %get3A_2819 = vector.shape_cast %get3A_2818 : vector<1x16xf32> to vector<16xf32>
      %eq3A_2820 = arith.constant 2 : i32
      %eq3A_2821 = arith.cmpi eq, %select_n3A_1248, %eq3A_2820 : i32
      %convert_element_type3A_2822 = arith.extui %eq3A_2821 : i1 to i32
      %convert_element_type3A_2823 = arith.sitofp %convert_element_type3A_2822 : i32 to f32
      %mul3A_2824 = vector.broadcast %convert_element_type3A_2823 : f32 to vector<16xf32>
      %mul3A_2825 = arith.mulf %get3A_2819, %mul3A_2824 : vector<16xf32>
      %add3A_2826 = arith.addf %add3A_2814, %mul3A_2825 : vector<16xf32>
      %swap3A_2827 = arith.constant 112 : index
      %swap3A_2828 = tpu.vector_load %arg12[%swap3A_2827] {strides = array<i32>} : memref<128xf32, #tpu.memory_space<vmem>>, vector<16xf32>,
      %swap3A_2829 = vector.shape_cast %swap3A_2828 : vector<16xf32> to vector<16xf32>
      %swap3A_2830 = vector.shape_cast %add3A_2826 : vector<16xf32> to vector<16xf32>
      tpu.vector_store %arg12[%swap3A_2827], %swap3A_2830 {strides = array<i32>} : memref<128xf32, #tpu.memory_space<vmem>>, vector<16xf32>,
      "tpu.region"() ({
        %run_scoped3A = tpu.sem_alloc : memref<!tpu.dma_semaphore, #tpu.memory_space<semaphore_mem>>
        %dma_start3A_2831 = arith.constant 0 : i32
        %dma_start3A_2832 = tpu.memref_slice %arg18[%add3A_1175, %dma_start3A_2831] : memref<128x128xf32, #tpu.memory_space<vmem_shared>> -> memref<1x128xf32, #tpu.memory_space<vmem_shared>>
        %dma_start3A_2833 = tpu.memref_squeeze %dma_start3A_2832 : memref<1x128xf32, #tpu.memory_space<vmem_shared>> -> memref<128xf32, #tpu.memory_space<vmem_shared>>
        %dma_start3A_2834 = arith.constant 0 : i32
        %dma_start3A_2835 = tpu.memref_slice %arg18[%add3A_1175, %dma_start3A_2834] : memref<128x128xf32, #tpu.memory_space<vmem_shared>> -> memref<1x128xf32, #tpu.memory_space<vmem_shared>>
        %dma_start3A_2836 = tpu.memref_squeeze %dma_start3A_2835 : memref<1x128xf32, #tpu.memory_space<vmem_shared>> -> memref<128xf32, #tpu.memory_space<vmem_shared>>
        tpu.enqueue_dma source(%arg12 : memref<128xf32, #tpu.memory_space<vmem>>) target(%dma_start3A_2836 : memref<128xf32, #tpu.memory_space<vmem_shared>>) target_semaphore(%run_scoped3A : memref<!tpu.dma_semaphore, #tpu.memory_space<semaphore_mem>>)
        %dma_wait3A_2837 = arith.constant 0 : i32
        %dma_wait3A_2838 = tpu.memref_slice %arg18[%add3A_1175, %dma_wait3A_2837] : memref<128x128xf32, #tpu.memory_space<vmem_shared>> -> memref<1x128xf32, #tpu.memory_space<vmem_shared>>
        %dma_wait3A_2839 = tpu.memref_squeeze %dma_wait3A_2838 : memref<1x128xf32, #tpu.memory_space<vmem_shared>> -> memref<128xf32, #tpu.memory_space<vmem_shared>>
        %dma_wait3A_2840 = arith.constant 0 : i32
        %dma_wait3A_2841 = tpu.memref_slice %arg18[%add3A_1175, %dma_wait3A_2840] : memref<128x128xf32, #tpu.memory_space<vmem_shared>> -> memref<1x128xf32, #tpu.memory_space<vmem_shared>>
        %dma_wait3A_2842 = tpu.memref_squeeze %dma_wait3A_2841 : memref<1x128xf32, #tpu.memory_space<vmem_shared>> -> memref<128xf32, #tpu.memory_space<vmem_shared>>
        tpu.wait_dma2 semaphore(%run_scoped3A : memref<!tpu.dma_semaphore, #tpu.memory_space<semaphore_mem>>) src(%arg12 : memref<128xf32, #tpu.memory_space<vmem>>) dst(%dma_wait3A_2842 : memref<128xf32, #tpu.memory_space<vmem_shared>>)
        tpu.yield
      }) : () -> ()
    }
    %scan3A_11 = arith.constant 8 : i32
    %barrier3A = arith.constant 0 : index
    tpu.barrier barrier_id(%barrier3A)
    %dma_wait3A = tpu.memref_slice %arg2[%mul3A_2] : memref<320000xi32, #tpu.memory_space<hbm>> -> memref<10000xi32, #tpu.memory_space<hbm>>
    %dma_wait3A_12 = tpu.memref_slice %arg2[%mul3A_2] : memref<320000xi32, #tpu.memory_space<hbm>> -> memref<10000xi32, #tpu.memory_space<hbm>>
    tpu.wait_dma2 semaphore(%arg19 : memref<!tpu.dma_semaphore, #tpu.memory_space<semaphore_mem>>) src(%dma_wait3A_12 : memref<10000xi32, #tpu.memory_space<hbm>>) dst(%arg13 : memref<10000xi32, #tpu.memory_space<vmem>>)
    %dma_wait3A_13 = tpu.memref_slice %arg3[%mul3A_2] : memref<320000xi32, #tpu.memory_space<hbm>> -> memref<10000xi32, #tpu.memory_space<hbm>>
    %dma_wait3A_14 = tpu.memref_slice %arg3[%mul3A_2] : memref<320000xi32, #tpu.memory_space<hbm>> -> memref<10000xi32, #tpu.memory_space<hbm>>
    tpu.wait_dma2 semaphore(%arg19 : memref<!tpu.dma_semaphore, #tpu.memory_space<semaphore_mem>>) src(%dma_wait3A_14 : memref<10000xi32, #tpu.memory_space<hbm>>) dst(%arg14 : memref<10000xi32, #tpu.memory_space<vmem>>)
    %dma_wait3A_15 = tpu.memref_slice %arg4[%mul3A_2] : memref<320000xi32, #tpu.memory_space<hbm>> -> memref<10000xi32, #tpu.memory_space<hbm>>
    %dma_wait3A_16 = tpu.memref_slice %arg4[%mul3A_2] : memref<320000xi32, #tpu.memory_space<hbm>> -> memref<10000xi32, #tpu.memory_space<hbm>>
    tpu.wait_dma2 semaphore(%arg19 : memref<!tpu.dma_semaphore, #tpu.memory_space<semaphore_mem>>) src(%dma_wait3A_16 : memref<10000xi32, #tpu.memory_space<hbm>>) dst(%arg15 : memref<10000xi32, #tpu.memory_space<vmem>>)
    %get3A = arith.constant 0 : index
    %get3A_17 = tpu.vector_load %arg13[%get3A] {strides = array<i32>} : memref<10000xi32, #tpu.memory_space<vmem>>, vector<16xi32>,
    %get3A_18 = vector.shape_cast %get3A_17 : vector<16xi32> to vector<16xi32>
    %jit3A = arith.constant 0 : i32
    %jit3A_19 = arith.constant 5 : i32
    %max3A = vector.broadcast %jit3A : i32 to vector<16xi32>
    %max3A_20 = arith.maxsi %max3A, %get3A_18 : vector<16xi32>
    %min3A = vector.broadcast %jit3A_19 : i32 to vector<16xi32>
    %min3A_21 = arith.minsi %min3A, %max3A_20 : vector<16xi32>
    %mul3A_22 = arith.constant 21 : i32
    %mul3A_23 = vector.broadcast %mul3A_22 : i32 to vector<16xi32>
    %mul3A_24 = arith.muli %min3A_21, %mul3A_23 : vector<16xi32>
    %get3A_25 = arith.constant 0 : index
    %get3A_26 = tpu.vector_load %arg14[%get3A_25] {strides = array<i32>} : memref<10000xi32, #tpu.memory_space<vmem>>, vector<16xi32>,
    %get3A_27 = vector.shape_cast %get3A_26 : vector<16xi32> to vector<16xi32>
    %jit3A_28 = arith.constant 0 : i32
    %jit3A_29 = arith.constant 6 : i32
    %max3A_30 = vector.broadcast %jit3A_28 : i32 to vector<16xi32>
    %max3A_31 = arith.maxsi %max3A_30, %get3A_27 : vector<16xi32>
    %min3A_32 = vector.broadcast %jit3A_29 : i32 to vector<16xi32>
    %min3A_33 = arith.minsi %min3A_32, %max3A_31 : vector<16xi32>
    %mul3A_34 = arith.constant 3 : i32
    %mul3A_35 = vector.broadcast %mul3A_34 : i32 to vector<16xi32>
    %mul3A_36 = arith.muli %min3A_33, %mul3A_35 : vector<16xi32>
    %add3A_37 = arith.addi %mul3A_24, %mul3A_36 : vector<16xi32>
    %get3A_38 = arith.constant 0 : index
    %get3A_39 = tpu.vector_load %arg15[%get3A_38] {strides = array<i32>} : memref<10000xi32, #tpu.memory_space<vmem>>, vector<16xi32>,
    %get3A_40 = vector.shape_cast %get3A_39 : vector<16xi32> to vector<16xi32>
    %jit3A_41 = arith.constant 0 : i32
    %jit3A_42 = arith.constant 2 : i32
    %max3A_43 = vector.broadcast %jit3A_41 : i32 to vector<16xi32>
    %max3A_44 = arith.maxsi %max3A_43, %get3A_40 : vector<16xi32>
    %min3A_45 = vector.broadcast %jit3A_42 : i32 to vector<16xi32>
    %min3A_46 = arith.minsi %min3A_45, %max3A_44 : vector<16xi32>
    %add3A_47 = arith.addi %add3A_37, %min3A_46 : vector<16xi32>
    %swap3A = arith.constant 0 : index
    %swap3A_48 = tpu.vector_load %arg16[%swap3A] {strides = array<i32>} : memref<10000xi32, #tpu.memory_space<vmem>>, vector<16xi32>,
    %swap3A_49 = vector.shape_cast %swap3A_48 : vector<16xi32> to vector<16xi32>
    %swap3A_50 = vector.shape_cast %add3A_47 : vector<16xi32> to vector<16xi32>
    tpu.vector_store %arg16[%swap3A], %swap3A_50 {strides = array<i32>} : memref<10000xi32, #tpu.memory_space<vmem>>, vector<16xi32>,
    %get3A_51 = arith.constant 16 : index
    %get3A_52 = tpu.vector_load %arg13[%get3A_51] {strides = array<i32>} : memref<10000xi32, #tpu.memory_space<vmem>>, vector<16xi32>,
    %get3A_53 = vector.shape_cast %get3A_52 : vector<16xi32> to vector<16xi32>
    %jit3A_54 = arith.constant 0 : i32
    %jit3A_55 = arith.constant 5 : i32
    %max3A_56 = vector.broadcast %jit3A_54 : i32 to vector<16xi32>
    %max3A_57 = arith.maxsi %max3A_56, %get3A_53 : vector<16xi32>
    %min3A_58 = vector.broadcast %jit3A_55 : i32 to vector<16xi32>
    %min3A_59 = arith.minsi %min3A_58, %max3A_57 : vector<16xi32>
    %mul3A_60 = arith.constant 21 : i32
    %mul3A_61 = vector.broadcast %mul3A_60 : i32 to vector<16xi32>
    %mul3A_62 = arith.muli %min3A_59, %mul3A_61 : vector<16xi32>
    %get3A_63 = arith.constant 16 : index
    %get3A_64 = tpu.vector_load %arg14[%get3A_63] {strides = array<i32>} : memref<10000xi32, #tpu.memory_space<vmem>>, vector<16xi32>,
    %get3A_65 = vector.shape_cast %get3A_64 : vector<16xi32> to vector<16xi32>
    %jit3A_66 = arith.constant 0 : i32
    %jit3A_67 = arith.constant 6 : i32
    %max3A_68 = vector.broadcast %jit3A_66 : i32 to vector<16xi32>
    %max3A_69 = arith.maxsi %max3A_68, %get3A_65 : vector<16xi32>
    %min3A_70 = vector.broadcast %jit3A_67 : i32 to vector<16xi32>
    %min3A_71 = arith.minsi %min3A_70, %max3A_69 : vector<16xi32>
    %mul3A_72 = arith.constant 3 : i32
    %mul3A_73 = vector.broadcast %mul3A_72 : i32 to vector<16xi32>
    %mul3A_74 = arith.muli %min3A_71, %mul3A_73 : vector<16xi32>
    %add3A_75 = arith.addi %mul3A_62, %mul3A_74 : vector<16xi32>
    %get3A_76 = arith.constant 16 : index
    %get3A_77 = tpu.vector_load %arg15[%get3A_76] {strides = array<i32>} : memref<10000xi32, #tpu.memory_space<vmem>>, vector<16xi32>,
    %get3A_78 = vector.shape_cast %get3A_77 : vector<16xi32> to vector<16xi32>
    %jit3A_79 = arith.constant 0 : i32
    %jit3A_80 = arith.constant 2 : i32
    %max3A_81 = vector.broadcast %jit3A_79 : i32 to vector<16xi32>
    %max3A_82 = arith.maxsi %max3A_81, %get3A_78 : vector<16xi32>
    %min3A_83 = vector.broadcast %jit3A_80 : i32 to vector<16xi32>
    %min3A_84 = arith.minsi %min3A_83, %max3A_82 : vector<16xi32>
    %add3A_85 = arith.addi %add3A_75, %min3A_84 : vector<16xi32>
    %swap3A_86 = arith.constant 16 : index
    %swap3A_87 = tpu.vector_load %arg16[%swap3A_86] {strides = array<i32>} : memref<10000xi32, #tpu.memory_space<vmem>>, vector<16xi32>,
    %swap3A_88 = vector.shape_cast %swap3A_87 : vector<16xi32> to vector<16xi32>
    %swap3A_89 = vector.shape_cast %add3A_85 : vector<16xi32> to vector<16xi32>
    tpu.vector_store %arg16[%swap3A_86], %swap3A_89 {strides = array<i32>} : memref<10000xi32, #tpu.memory_space<vmem>>, vector<16xi32>,
    %get3A_90 = arith.constant 32 : index
    %get3A_91 = tpu.vector_load %arg13[%get3A_90] {strides = array<i32>} : memref<10000xi32, #tpu.memory_space<vmem>>, vector<16xi32>,
    %get3A_92 = vector.shape_cast %get3A_91 : vector<16xi32> to vector<16xi32>
    %jit3A_93 = arith.constant 0 : i32
    %jit3A_94 = arith.constant 5 : i32
    %max3A_95 = vector.broadcast %jit3A_93 : i32 to vector<16xi32>
    %max3A_96 = arith.maxsi %max3A_95, %get3A_92 : vector<16xi32>
    %min3A_97 = vector.broadcast %jit3A_94 : i32 to vector<16xi32>
    %min3A_98 = arith.minsi %min3A_97, %max3A_96 : vector<16xi32>
    %mul3A_99 = arith.constant 21 : i32
    %mul3A_100 = vector.broadcast %mul3A_99 : i32 to vector<16xi32>
    %mul3A_101 = arith.muli %min3A_98, %mul3A_100 : vector<16xi32>
    %get3A_102 = arith.constant 32 : index
    %get3A_103 = tpu.vector_load %arg14[%get3A_102] {strides = array<i32>} : memref<10000xi32, #tpu.memory_space<vmem>>, vector<16xi32>,
    %get3A_104 = vector.shape_cast %get3A_103 : vector<16xi32> to vector<16xi32>
    %jit3A_105 = arith.constant 0 : i32
    %jit3A_106 = arith.constant 6 : i32
    %max3A_107 = vector.broadcast %jit3A_105 : i32 to vector<16xi32>
    %max3A_108 = arith.maxsi %max3A_107, %get3A_104 : vector<16xi32>
    %min3A_109 = vector.broadcast %jit3A_106 : i32 to vector<16xi32>
    %min3A_110 = arith.minsi %min3A_109, %max3A_108 : vector<16xi32>
    %mul3A_111 = arith.constant 3 : i32
    %mul3A_112 = vector.broadcast %mul3A_111 : i32 to vector<16xi32>
    %mul3A_113 = arith.muli %min3A_110, %mul3A_112 : vector<16xi32>
    %add3A_114 = arith.addi %mul3A_101, %mul3A_113 : vector<16xi32>
    %get3A_115 = arith.constant 32 : index
    %get3A_116 = tpu.vector_load %arg15[%get3A_115] {strides = array<i32>} : memref<10000xi32, #tpu.memory_space<vmem>>, vector<16xi32>,
    %get3A_117 = vector.shape_cast %get3A_116 : vector<16xi32> to vector<16xi32>
    %jit3A_118 = arith.constant 0 : i32
    %jit3A_119 = arith.constant 2 : i32
    %max3A_120 = vector.broadcast %jit3A_118 : i32 to vector<16xi32>
    %max3A_121 = arith.maxsi %max3A_120, %get3A_117 : vector<16xi32>
    %min3A_122 = vector.broadcast %jit3A_119 : i32 to vector<16xi32>
    %min3A_123 = arith.minsi %min3A_122, %max3A_121 : vector<16xi32>
    %add3A_124 = arith.addi %add3A_114, %min3A_123 : vector<16xi32>
    %swap3A_125 = arith.constant 32 : index
    %swap3A_126 = tpu.vector_load %arg16[%swap3A_125] {strides = array<i32>} : memref<10000xi32, #tpu.memory_space<vmem>>, vector<16xi32>,
    %swap3A_127 = vector.shape_cast %swap3A_126 : vector<16xi32> to vector<16xi32>
    %swap3A_128 = vector.shape_cast %add3A_124 : vector<16xi32> to vector<16xi32>
    tpu.vector_store %arg16[%swap3A_125], %swap3A_128 {strides = array<i32>} : memref<10000xi32, #tpu.memory_space<vmem>>, vector<16xi32>,
    %get3A_129 = arith.constant 48 : index
    %get3A_130 = tpu.vector_load %arg13[%get3A_129] {strides = array<i32>} : memref<10000xi32, #tpu.memory_space<vmem>>, vector<16xi32>,
    %get3A_131 = vector.shape_cast %get3A_130 : vector<16xi32> to vector<16xi32>
    %jit3A_132 = arith.constant 0 : i32
    %jit3A_133 = arith.constant 5 : i32
    %max3A_134 = vector.broadcast %jit3A_132 : i32 to vector<16xi32>
    %max3A_135 = arith.maxsi %max3A_134, %get3A_131 : vector<16xi32>
    %min3A_136 = vector.broadcast %jit3A_133 : i32 to vector<16xi32>
    %min3A_137 = arith.minsi %min3A_136, %max3A_135 : vector<16xi32>
    %mul3A_138 = arith.constant 21 : i32
    %mul3A_139 = vector.broadcast %mul3A_138 : i32 to vector<16xi32>
    %mul3A_140 = arith.muli %min3A_137, %mul3A_139 : vector<16xi32>
    %get3A_141 = arith.constant 48 : index
    %get3A_142 = tpu.vector_load %arg14[%get3A_141] {strides = array<i32>} : memref<10000xi32, #tpu.memory_space<vmem>>, vector<16xi32>,
    %get3A_143 = vector.shape_cast %get3A_142 : vector<16xi32> to vector<16xi32>
    %jit3A_144 = arith.constant 0 : i32
    %jit3A_145 = arith.constant 6 : i32
    %max3A_146 = vector.broadcast %jit3A_144 : i32 to vector<16xi32>
    %max3A_147 = arith.maxsi %max3A_146, %get3A_143 : vector<16xi32>
    %min3A_148 = vector.broadcast %jit3A_145 : i32 to vector<16xi32>
    %min3A_149 = arith.minsi %min3A_148, %max3A_147 : vector<16xi32>
    %mul3A_150 = arith.constant 3 : i32
    %mul3A_151 = vector.broadcast %mul3A_150 : i32 to vector<16xi32>
    %mul3A_152 = arith.muli %min3A_149, %mul3A_151 : vector<16xi32>
    %add3A_153 = arith.addi %mul3A_140, %mul3A_152 : vector<16xi32>
    %get3A_154 = arith.constant 48 : index
    %get3A_155 = tpu.vector_load %arg15[%get3A_154] {strides = array<i32>} : memref<10000xi32, #tpu.memory_space<vmem>>, vector<16xi32>,
    %get3A_156 = vector.shape_cast %get3A_155 : vector<16xi32> to vector<16xi32>
    %jit3A_157 = arith.constant 0 : i32
    %jit3A_158 = arith.constant 2 : i32
    %max3A_159 = vector.broadcast %jit3A_157 : i32 to vector<16xi32>
    %max3A_160 = arith.maxsi %max3A_159, %get3A_156 : vector<16xi32>
    %min3A_161 = vector.broadcast %jit3A_158 : i32 to vector<16xi32>
    %min3A_162 = arith.minsi %min3A_161, %max3A_160 : vector<16xi32>
    %add3A_163 = arith.addi %add3A_153, %min3A_162 : vector<16xi32>
    %swap3A_164 = arith.constant 48 : index
    %swap3A_165 = tpu.vector_load %arg16[%swap3A_164] {strides = array<i32>} : memref<10000xi32, #tpu.memory_space<vmem>>, vector<16xi32>,
    %swap3A_166 = vector.shape_cast %swap3A_165 : vector<16xi32> to vector<16xi32>
    %swap3A_167 = vector.shape_cast %add3A_163 : vector<16xi32> to vector<16xi32>
    tpu.vector_store %arg16[%swap3A_164], %swap3A_167 {strides = array<i32>} : memref<10000xi32, #tpu.memory_space<vmem>>, vector<16xi32>,
    %get3A_168 = arith.constant 64 : index
    %get3A_169 = tpu.vector_load %arg13[%get3A_168] {strides = array<i32>} : memref<10000xi32, #tpu.memory_space<vmem>>, vector<16xi32>,
    %get3A_170 = vector.shape_cast %get3A_169 : vector<16xi32> to vector<16xi32>
    %jit3A_171 = arith.constant 0 : i32
    %jit3A_172 = arith.constant 5 : i32
    %max3A_173 = vector.broadcast %jit3A_171 : i32 to vector<16xi32>
    %max3A_174 = arith.maxsi %max3A_173, %get3A_170 : vector<16xi32>
    %min3A_175 = vector.broadcast %jit3A_172 : i32 to vector<16xi32>
    %min3A_176 = arith.minsi %min3A_175, %max3A_174 : vector<16xi32>
    %mul3A_177 = arith.constant 21 : i32
    %mul3A_178 = vector.broadcast %mul3A_177 : i32 to vector<16xi32>
    %mul3A_179 = arith.muli %min3A_176, %mul3A_178 : vector<16xi32>
    %get3A_180 = arith.constant 64 : index
    %get3A_181 = tpu.vector_load %arg14[%get3A_180] {strides = array<i32>} : memref<10000xi32, #tpu.memory_space<vmem>>, vector<16xi32>,
    %get3A_182 = vector.shape_cast %get3A_181 : vector<16xi32> to vector<16xi32>
    %jit3A_183 = arith.constant 0 : i32
    %jit3A_184 = arith.constant 6 : i32
    %max3A_185 = vector.broadcast %jit3A_183 : i32 to vector<16xi32>
    %max3A_186 = arith.maxsi %max3A_185, %get3A_182 : vector<16xi32>
    %min3A_187 = vector.broadcast %jit3A_184 : i32 to vector<16xi32>
    %min3A_188 = arith.minsi %min3A_187, %max3A_186 : vector<16xi32>
    %mul3A_189 = arith.constant 3 : i32
    %mul3A_190 = vector.broadcast %mul3A_189 : i32 to vector<16xi32>
    %mul3A_191 = arith.muli %min3A_188, %mul3A_190 : vector<16xi32>
    %add3A_192 = arith.addi %mul3A_179, %mul3A_191 : vector<16xi32>
    %get3A_193 = arith.constant 64 : index
    %get3A_194 = tpu.vector_load %arg15[%get3A_193] {strides = array<i32>} : memref<10000xi32, #tpu.memory_space<vmem>>, vector<16xi32>,
    %get3A_195 = vector.shape_cast %get3A_194 : vector<16xi32> to vector<16xi32>
    %jit3A_196 = arith.constant 0 : i32
    %jit3A_197 = arith.constant 2 : i32
    %max3A_198 = vector.broadcast %jit3A_196 : i32 to vector<16xi32>
    %max3A_199 = arith.maxsi %max3A_198, %get3A_195 : vector<16xi32>
    %min3A_200 = vector.broadcast %jit3A_197 : i32 to vector<16xi32>
    %min3A_201 = arith.minsi %min3A_200, %max3A_199 : vector<16xi32>
    %add3A_202 = arith.addi %add3A_192, %min3A_201 : vector<16xi32>
    %swap3A_203 = arith.constant 64 : index
    %swap3A_204 = tpu.vector_load %arg16[%swap3A_203] {strides = array<i32>} : memref<10000xi32, #tpu.memory_space<vmem>>, vector<16xi32>,
    %swap3A_205 = vector.shape_cast %swap3A_204 : vector<16xi32> to vector<16xi32>
    %swap3A_206 = vector.shape_cast %add3A_202 : vector<16xi32> to vector<16xi32>
    tpu.vector_store %arg16[%swap3A_203], %swap3A_206 {strides = array<i32>} : memref<10000xi32, #tpu.memory_space<vmem>>, vector<16xi32>,
    %get3A_207 = arith.constant 80 : index
    %get3A_208 = tpu.vector_load %arg13[%get3A_207] {strides = array<i32>} : memref<10000xi32, #tpu.memory_space<vmem>>, vector<16xi32>,
    %get3A_209 = vector.shape_cast %get3A_208 : vector<16xi32> to vector<16xi32>
    %jit3A_210 = arith.constant 0 : i32
    %jit3A_211 = arith.constant 5 : i32
    %max3A_212 = vector.broadcast %jit3A_210 : i32 to vector<16xi32>
    %max3A_213 = arith.maxsi %max3A_212, %get3A_209 : vector<16xi32>
    %min3A_214 = vector.broadcast %jit3A_211 : i32 to vector<16xi32>
    %min3A_215 = arith.minsi %min3A_214, %max3A_213 : vector<16xi32>
    %mul3A_216 = arith.constant 21 : i32
    %mul3A_217 = vector.broadcast %mul3A_216 : i32 to vector<16xi32>
    %mul3A_218 = arith.muli %min3A_215, %mul3A_217 : vector<16xi32>
    %get3A_219 = arith.constant 80 : index
    %get3A_220 = tpu.vector_load %arg14[%get3A_219] {strides = array<i32>} : memref<10000xi32, #tpu.memory_space<vmem>>, vector<16xi32>,
    %get3A_221 = vector.shape_cast %get3A_220 : vector<16xi32> to vector<16xi32>
    %jit3A_222 = arith.constant 0 : i32
    %jit3A_223 = arith.constant 6 : i32
    %max3A_224 = vector.broadcast %jit3A_222 : i32 to vector<16xi32>
    %max3A_225 = arith.maxsi %max3A_224, %get3A_221 : vector<16xi32>
    %min3A_226 = vector.broadcast %jit3A_223 : i32 to vector<16xi32>
    %min3A_227 = arith.minsi %min3A_226, %max3A_225 : vector<16xi32>
    %mul3A_228 = arith.constant 3 : i32
    %mul3A_229 = vector.broadcast %mul3A_228 : i32 to vector<16xi32>
    %mul3A_230 = arith.muli %min3A_227, %mul3A_229 : vector<16xi32>
    %add3A_231 = arith.addi %mul3A_218, %mul3A_230 : vector<16xi32>
    %get3A_232 = arith.constant 80 : index
    %get3A_233 = tpu.vector_load %arg15[%get3A_232] {strides = array<i32>} : memref<10000xi32, #tpu.memory_space<vmem>>, vector<16xi32>,
    %get3A_234 = vector.shape_cast %get3A_233 : vector<16xi32> to vector<16xi32>
    %jit3A_235 = arith.constant 0 : i32
    %jit3A_236 = arith.constant 2 : i32
    %max3A_237 = vector.broadcast %jit3A_235 : i32 to vector<16xi32>
    %max3A_238 = arith.maxsi %max3A_237, %get3A_234 : vector<16xi32>
    %min3A_239 = vector.broadcast %jit3A_236 : i32 to vector<16xi32>
    %min3A_240 = arith.minsi %min3A_239, %max3A_238 : vector<16xi32>
    %add3A_241 = arith.addi %add3A_231, %min3A_240 : vector<16xi32>
    %swap3A_242 = arith.constant 80 : index
    %swap3A_243 = tpu.vector_load %arg16[%swap3A_242] {strides = array<i32>} : memref<10000xi32, #tpu.memory_space<vmem>>, vector<16xi32>,
    %swap3A_244 = vector.shape_cast %swap3A_243 : vector<16xi32> to vector<16xi32>
    %swap3A_245 = vector.shape_cast %add3A_241 : vector<16xi32> to vector<16xi32>
    tpu.vector_store %arg16[%swap3A_242], %swap3A_245 {strides = array<i32>} : memref<10000xi32, #tpu.memory_space<vmem>>, vector<16xi32>,
    %get3A_246 = arith.constant 96 : index
    %get3A_247 = tpu.vector_load %arg13[%get3A_246] {strides = array<i32>} : memref<10000xi32, #tpu.memory_space<vmem>>, vector<16xi32>,
    %get3A_248 = vector.shape_cast %get3A_247 : vector<16xi32> to vector<16xi32>
    %jit3A_249 = arith.constant 0 : i32
    %jit3A_250 = arith.constant 5 : i32
    %max3A_251 = vector.broadcast %jit3A_249 : i32 to vector<16xi32>
    %max3A_252 = arith.maxsi %max3A_251, %get3A_248 : vector<16xi32>
    %min3A_253 = vector.broadcast %jit3A_250 : i32 to vector<16xi32>
    %min3A_254 = arith.minsi %min3A_253, %max3A_252 : vector<16xi32>
    %mul3A_255 = arith.constant 21 : i32
    %mul3A_256 = vector.broadcast %mul3A_255 : i32 to vector<16xi32>
    %mul3A_257 = arith.muli %min3A_254, %mul3A_256 : vector<16xi32>
    %get3A_258 = arith.constant 96 : index
    %get3A_259 = tpu.vector_load %arg14[%get3A_258] {strides = array<i32>} : memref<10000xi32, #tpu.memory_space<vmem>>, vector<16xi32>,
    %get3A_260 = vector.shape_cast %get3A_259 : vector<16xi32> to vector<16xi32>
    %jit3A_261 = arith.constant 0 : i32
    %jit3A_262 = arith.constant 6 : i32
    %max3A_263 = vector.broadcast %jit3A_261 : i32 to vector<16xi32>
    %max3A_264 = arith.maxsi %max3A_263, %get3A_260 : vector<16xi32>
    %min3A_265 = vector.broadcast %jit3A_262 : i32 to vector<16xi32>
    %min3A_266 = arith.minsi %min3A_265, %max3A_264 : vector<16xi32>
    %mul3A_267 = arith.constant 3 : i32
    %mul3A_268 = vector.broadcast %mul3A_267 : i32 to vector<16xi32>
    %mul3A_269 = arith.muli %min3A_266, %mul3A_268 : vector<16xi32>
    %add3A_270 = arith.addi %mul3A_257, %mul3A_269 : vector<16xi32>
    %get3A_271 = arith.constant 96 : index
    %get3A_272 = tpu.vector_load %arg15[%get3A_271] {strides = array<i32>} : memref<10000xi32, #tpu.memory_space<vmem>>, vector<16xi32>,
    %get3A_273 = vector.shape_cast %get3A_272 : vector<16xi32> to vector<16xi32>
    %jit3A_274 = arith.constant 0 : i32
    %jit3A_275 = arith.constant 2 : i32
    %max3A_276 = vector.broadcast %jit3A_274 : i32 to vector<16xi32>
    %max3A_277 = arith.maxsi %max3A_276, %get3A_273 : vector<16xi32>
    %min3A_278 = vector.broadcast %jit3A_275 : i32 to vector<16xi32>
    %min3A_279 = arith.minsi %min3A_278, %max3A_277 : vector<16xi32>
    %add3A_280 = arith.addi %add3A_270, %min3A_279 : vector<16xi32>
    %swap3A_281 = arith.constant 96 : index
    %swap3A_282 = tpu.vector_load %arg16[%swap3A_281] {strides = array<i32>} : memref<10000xi32, #tpu.memory_space<vmem>>, vector<16xi32>,
    %swap3A_283 = vector.shape_cast %swap3A_282 : vector<16xi32> to vector<16xi32>
    %swap3A_284 = vector.shape_cast %add3A_280 : vector<16xi32> to vector<16xi32>
    tpu.vector_store %arg16[%swap3A_281], %swap3A_284 {strides = array<i32>} : memref<10000xi32, #tpu.memory_space<vmem>>, vector<16xi32>,
    %get3A_285 = arith.constant 112 : index
    %get3A_286 = tpu.vector_load %arg13[%get3A_285] {strides = array<i32>} : memref<10000xi32, #tpu.memory_space<vmem>>, vector<16xi32>,
    %get3A_287 = vector.shape_cast %get3A_286 : vector<16xi32> to vector<16xi32>
    %jit3A_288 = arith.constant 0 : i32
    %jit3A_289 = arith.constant 5 : i32
    %max3A_290 = vector.broadcast %jit3A_288 : i32 to vector<16xi32>
    %max3A_291 = arith.maxsi %max3A_290, %get3A_287 : vector<16xi32>
    %min3A_292 = vector.broadcast %jit3A_289 : i32 to vector<16xi32>
    %min3A_293 = arith.minsi %min3A_292, %max3A_291 : vector<16xi32>
    %mul3A_294 = arith.constant 21 : i32
    %mul3A_295 = vector.broadcast %mul3A_294 : i32 to vector<16xi32>
    %mul3A_296 = arith.muli %min3A_293, %mul3A_295 : vector<16xi32>
    %get3A_297 = arith.constant 112 : index
    %get3A_298 = tpu.vector_load %arg14[%get3A_297] {strides = array<i32>} : memref<10000xi32, #tpu.memory_space<vmem>>, vector<16xi32>,
    %get3A_299 = vector.shape_cast %get3A_298 : vector<16xi32> to vector<16xi32>
    %jit3A_300 = arith.constant 0 : i32
    %jit3A_301 = arith.constant 6 : i32
    %max3A_302 = vector.broadcast %jit3A_300 : i32 to vector<16xi32>
    %max3A_303 = arith.maxsi %max3A_302, %get3A_299 : vector<16xi32>
    %min3A_304 = vector.broadcast %jit3A_301 : i32 to vector<16xi32>
    %min3A_305 = arith.minsi %min3A_304, %max3A_303 : vector<16xi32>
    %mul3A_306 = arith.constant 3 : i32
    %mul3A_307 = vector.broadcast %mul3A_306 : i32 to vector<16xi32>
    %mul3A_308 = arith.muli %min3A_305, %mul3A_307 : vector<16xi32>
    %add3A_309 = arith.addi %mul3A_296, %mul3A_308 : vector<16xi32>
    %get3A_310 = arith.constant 112 : index
    %get3A_311 = tpu.vector_load %arg15[%get3A_310] {strides = array<i32>} : memref<10000xi32, #tpu.memory_space<vmem>>, vector<16xi32>,
    %get3A_312 = vector.shape_cast %get3A_311 : vector<16xi32> to vector<16xi32>
    %jit3A_313 = arith.constant 0 : i32
    %jit3A_314 = arith.constant 2 : i32
    %max3A_315 = vector.broadcast %jit3A_313 : i32 to vector<16xi32>
    %max3A_316 = arith.maxsi %max3A_315, %get3A_312 : vector<16xi32>
    %min3A_317 = vector.broadcast %jit3A_314 : i32 to vector<16xi32>
    %min3A_318 = arith.minsi %min3A_317, %max3A_316 : vector<16xi32>
    %add3A_319 = arith.addi %add3A_309, %min3A_318 : vector<16xi32>
    %swap3A_320 = arith.constant 112 : index
    %swap3A_321 = tpu.vector_load %arg16[%swap3A_320] {strides = array<i32>} : memref<10000xi32, #tpu.memory_space<vmem>>, vector<16xi32>,
    %swap3A_322 = vector.shape_cast %swap3A_321 : vector<16xi32> to vector<16xi32>
    %swap3A_323 = vector.shape_cast %add3A_319 : vector<16xi32> to vector<16xi32>
    tpu.vector_store %arg16[%swap3A_320], %swap3A_323 {strides = array<i32>} : memref<10000xi32, #tpu.memory_space<vmem>>, vector<16xi32>,
    %get3A_324 = arith.constant 128 : index
    %get3A_325 = tpu.vector_load %arg13[%get3A_324] {strides = array<i32>} : memref<10000xi32, #tpu.memory_space<vmem>>, vector<16xi32>,
    %get3A_326 = vector.shape_cast %get3A_325 : vector<16xi32> to vector<16xi32>
    %jit3A_327 = arith.constant 0 : i32
    %jit3A_328 = arith.constant 5 : i32
    %max3A_329 = vector.broadcast %jit3A_327 : i32 to vector<16xi32>
    %max3A_330 = arith.maxsi %max3A_329, %get3A_326 : vector<16xi32>
    %min3A_331 = vector.broadcast %jit3A_328 : i32 to vector<16xi32>
    %min3A_332 = arith.minsi %min3A_331, %max3A_330 : vector<16xi32>
    %mul3A_333 = arith.constant 21 : i32
    %mul3A_334 = vector.broadcast %mul3A_333 : i32 to vector<16xi32>
    %mul3A_335 = arith.muli %min3A_332, %mul3A_334 : vector<16xi32>
    %get3A_336 = arith.constant 128 : index
    %get3A_337 = tpu.vector_load %arg14[%get3A_336] {strides = array<i32>} : memref<10000xi32, #tpu.memory_space<vmem>>, vector<16xi32>,
    %get3A_338 = vector.shape_cast %get3A_337 : vector<16xi32> to vector<16xi32>
    %jit3A_339 = arith.constant 0 : i32
    %jit3A_340 = arith.constant 6 : i32
    %max3A_341 = vector.broadcast %jit3A_339 : i32 to vector<16xi32>
    %max3A_342 = arith.maxsi %max3A_341, %get3A_338 : vector<16xi32>
    %min3A_343 = vector.broadcast %jit3A_340 : i32 to vector<16xi32>
    %min3A_344 = arith.minsi %min3A_343, %max3A_342 : vector<16xi32>
    %mul3A_345 = arith.constant 3 : i32
    %mul3A_346 = vector.broadcast %mul3A_345 : i32 to vector<16xi32>
    %mul3A_347 = arith.muli %min3A_344, %mul3A_346 : vector<16xi32>
    %add3A_348 = arith.addi %mul3A_335, %mul3A_347 : vector<16xi32>
    %get3A_349 = arith.constant 128 : index
    %get3A_350 = tpu.vector_load %arg15[%get3A_349] {strides = array<i32>} : memref<10000xi32, #tpu.memory_space<vmem>>, vector<16xi32>,
    %get3A_351 = vector.shape_cast %get3A_350 : vector<16xi32> to vector<16xi32>
    %jit3A_352 = arith.constant 0 : i32
    %jit3A_353 = arith.constant 2 : i32
    %max3A_354 = vector.broadcast %jit3A_352 : i32 to vector<16xi32>
    %max3A_355 = arith.maxsi %max3A_354, %get3A_351 : vector<16xi32>
    %min3A_356 = vector.broadcast %jit3A_353 : i32 to vector<16xi32>
    %min3A_357 = arith.minsi %min3A_356, %max3A_355 : vector<16xi32>
    %add3A_358 = arith.addi %add3A_348, %min3A_357 : vector<16xi32>
    %swap3A_359 = arith.constant 128 : index
    %swap3A_360 = tpu.vector_load %arg16[%swap3A_359] {strides = array<i32>} : memref<10000xi32, #tpu.memory_space<vmem>>, vector<16xi32>,
    %swap3A_361 = vector.shape_cast %swap3A_360 : vector<16xi32> to vector<16xi32>
    %swap3A_362 = vector.shape_cast %add3A_358 : vector<16xi32> to vector<16xi32>
    tpu.vector_store %arg16[%swap3A_359], %swap3A_362 {strides = array<i32>} : memref<10000xi32, #tpu.memory_space<vmem>>, vector<16xi32>,
    %get3A_363 = arith.constant 144 : index
    %get3A_364 = tpu.vector_load %arg13[%get3A_363] {strides = array<i32>} : memref<10000xi32, #tpu.memory_space<vmem>>, vector<16xi32>,
    %get3A_365 = vector.shape_cast %get3A_364 : vector<16xi32> to vector<16xi32>
    %jit3A_366 = arith.constant 0 : i32
    %jit3A_367 = arith.constant 5 : i32
    %max3A_368 = vector.broadcast %jit3A_366 : i32 to vector<16xi32>
    %max3A_369 = arith.maxsi %max3A_368, %get3A_365 : vector<16xi32>
    %min3A_370 = vector.broadcast %jit3A_367 : i32 to vector<16xi32>
    %min3A_371 = arith.minsi %min3A_370, %max3A_369 : vector<16xi32>
    %mul3A_372 = arith.constant 21 : i32
    %mul3A_373 = vector.broadcast %mul3A_372 : i32 to vector<16xi32>
    %mul3A_374 = arith.muli %min3A_371, %mul3A_373 : vector<16xi32>
    %get3A_375 = arith.constant 144 : index
    %get3A_376 = tpu.vector_load %arg14[%get3A_375] {strides = array<i32>} : memref<10000xi32, #tpu.memory_space<vmem>>, vector<16xi32>,
    %get3A_377 = vector.shape_cast %get3A_376 : vector<16xi32> to vector<16xi32>
    %jit3A_378 = arith.constant 0 : i32
    %jit3A_379 = arith.constant 6 : i32
    %max3A_380 = vector.broadcast %jit3A_378 : i32 to vector<16xi32>
    %max3A_381 = arith.maxsi %max3A_380, %get3A_377 : vector<16xi32>
    %min3A_382 = vector.broadcast %jit3A_379 : i32 to vector<16xi32>
    %min3A_383 = arith.minsi %min3A_382, %max3A_381 : vector<16xi32>
    %mul3A_384 = arith.constant 3 : i32
    %mul3A_385 = vector.broadcast %mul3A_384 : i32 to vector<16xi32>
    %mul3A_386 = arith.muli %min3A_383, %mul3A_385 : vector<16xi32>
    %add3A_387 = arith.addi %mul3A_374, %mul3A_386 : vector<16xi32>
    %get3A_388 = arith.constant 144 : index
    %get3A_389 = tpu.vector_load %arg15[%get3A_388] {strides = array<i32>} : memref<10000xi32, #tpu.memory_space<vmem>>, vector<16xi32>,
    %get3A_390 = vector.shape_cast %get3A_389 : vector<16xi32> to vector<16xi32>
    %jit3A_391 = arith.constant 0 : i32
    %jit3A_392 = arith.constant 2 : i32
    %max3A_393 = vector.broadcast %jit3A_391 : i32 to vector<16xi32>
    %max3A_394 = arith.maxsi %max3A_393, %get3A_390 : vector<16xi32>
    %min3A_395 = vector.broadcast %jit3A_392 : i32 to vector<16xi32>
    %min3A_396 = arith.minsi %min3A_395, %max3A_394 : vector<16xi32>
    %add3A_397 = arith.addi %add3A_387, %min3A_396 : vector<16xi32>
    %swap3A_398 = arith.constant 144 : index
    %swap3A_399 = tpu.vector_load %arg16[%swap3A_398] {strides = array<i32>} : memref<10000xi32, #tpu.memory_space<vmem>>, vector<16xi32>,
    %swap3A_400 = vector.shape_cast %swap3A_399 : vector<16xi32> to vector<16xi32>
    %swap3A_401 = vector.shape_cast %add3A_397 : vector<16xi32> to vector<16xi32>
    tpu.vector_store %arg16[%swap3A_398], %swap3A_401 {strides = array<i32>} : memref<10000xi32, #tpu.memory_space<vmem>>, vector<16xi32>,
    %get3A_402 = arith.constant 160 : index
    %get3A_403 = tpu.vector_load %arg13[%get3A_402] {strides = array<i32>} : memref<10000xi32, #tpu.memory_space<vmem>>, vector<16xi32>,
    %get3A_404 = vector.shape_cast %get3A_403 : vector<16xi32> to vector<16xi32>
    %jit3A_405 = arith.constant 0 : i32
    %jit3A_406 = arith.constant 5 : i32
    %max3A_407 = vector.broadcast %jit3A_405 : i32 to vector<16xi32>
    %max3A_408 = arith.maxsi %max3A_407, %get3A_404 : vector<16xi32>
    %min3A_409 = vector.broadcast %jit3A_406 : i32 to vector<16xi32>
    %min3A_410 = arith.minsi %min3A_409, %max3A_408 : vector<16xi32>
    %mul3A_411 = arith.constant 21 : i32
    %mul3A_412 = vector.broadcast %mul3A_411 : i32 to vector<16xi32>
    %mul3A_413 = arith.muli %min3A_410, %mul3A_412 : vector<16xi32>
    %get3A_414 = arith.constant 160 : index
    %get3A_415 = tpu.vector_load %arg14[%get3A_414] {strides = array<i32>} : memref<10000xi32, #tpu.memory_space<vmem>>, vector<16xi32>,
    %get3A_416 = vector.shape_cast %get3A_415 : vector<16xi32> to vector<16xi32>
    %jit3A_417 = arith.constant 0 : i32
    %jit3A_418 = arith.constant 6 : i32
    %max3A_419 = vector.broadcast %jit3A_417 : i32 to vector<16xi32>
    %max3A_420 = arith.maxsi %max3A_419, %get3A_416 : vector<16xi32>
    %min3A_421 = vector.broadcast %jit3A_418 : i32 to vector<16xi32>
    %min3A_422 = arith.minsi %min3A_421, %max3A_420 : vector<16xi32>
    %mul3A_423 = arith.constant 3 : i32
    %mul3A_424 = vector.broadcast %mul3A_423 : i32 to vector<16xi32>
    %mul3A_425 = arith.muli %min3A_422, %mul3A_424 : vector<16xi32>
    %add3A_426 = arith.addi %mul3A_413, %mul3A_425 : vector<16xi32>
    %get3A_427 = arith.constant 160 : index
    %get3A_428 = tpu.vector_load %arg15[%get3A_427] {strides = array<i32>} : memref<10000xi32, #tpu.memory_space<vmem>>, vector<16xi32>,
    %get3A_429 = vector.shape_cast %get3A_428 : vector<16xi32> to vector<16xi32>
    %jit3A_430 = arith.constant 0 : i32
    %jit3A_431 = arith.constant 2 : i32
    %max3A_432 = vector.broadcast %jit3A_430 : i32 to vector<16xi32>
    %max3A_433 = arith.maxsi %max3A_432, %get3A_429 : vector<16xi32>
    %min3A_434 = vector.broadcast %jit3A_431 : i32 to vector<16xi32>
    %min3A_435 = arith.minsi %min3A_434, %max3A_433 : vector<16xi32>
    %add3A_436 = arith.addi %add3A_426, %min3A_435 : vector<16xi32>
    %swap3A_437 = arith.constant 160 : index
    %swap3A_438 = tpu.vector_load %arg16[%swap3A_437] {strides = array<i32>} : memref<10000xi32, #tpu.memory_space<vmem>>, vector<16xi32>,
    %swap3A_439 = vector.shape_cast %swap3A_438 : vector<16xi32> to vector<16xi32>
    %swap3A_440 = vector.shape_cast %add3A_436 : vector<16xi32> to vector<16xi32>
    tpu.vector_store %arg16[%swap3A_437], %swap3A_440 {strides = array<i32>} : memref<10000xi32, #tpu.memory_space<vmem>>, vector<16xi32>,
    %get3A_441 = arith.constant 176 : index
    %get3A_442 = tpu.vector_load %arg13[%get3A_441] {strides = array<i32>} : memref<10000xi32, #tpu.memory_space<vmem>>, vector<16xi32>,
    %get3A_443 = vector.shape_cast %get3A_442 : vector<16xi32> to vector<16xi32>
    %jit3A_444 = arith.constant 0 : i32
    %jit3A_445 = arith.constant 5 : i32
    %max3A_446 = vector.broadcast %jit3A_444 : i32 to vector<16xi32>
    %max3A_447 = arith.maxsi %max3A_446, %get3A_443 : vector<16xi32>
    %min3A_448 = vector.broadcast %jit3A_445 : i32 to vector<16xi32>
    %min3A_449 = arith.minsi %min3A_448, %max3A_447 : vector<16xi32>
    %mul3A_450 = arith.constant 21 : i32
    %mul3A_451 = vector.broadcast %mul3A_450 : i32 to vector<16xi32>
    %mul3A_452 = arith.muli %min3A_449, %mul3A_451 : vector<16xi32>
    %get3A_453 = arith.constant 176 : index
    %get3A_454 = tpu.vector_load %arg14[%get3A_453] {strides = array<i32>} : memref<10000xi32, #tpu.memory_space<vmem>>, vector<16xi32>,
    %get3A_455 = vector.shape_cast %get3A_454 : vector<16xi32> to vector<16xi32>
    %jit3A_456 = arith.constant 0 : i32
    %jit3A_457 = arith.constant 6 : i32
    %max3A_458 = vector.broadcast %jit3A_456 : i32 to vector<16xi32>
    %max3A_459 = arith.maxsi %max3A_458, %get3A_455 : vector<16xi32>
    %min3A_460 = vector.broadcast %jit3A_457 : i32 to vector<16xi32>
    %min3A_461 = arith.minsi %min3A_460, %max3A_459 : vector<16xi32>
    %mul3A_462 = arith.constant 3 : i32
    %mul3A_463 = vector.broadcast %mul3A_462 : i32 to vector<16xi32>
    %mul3A_464 = arith.muli %min3A_461, %mul3A_463 : vector<16xi32>
    %add3A_465 = arith.addi %mul3A_452, %mul3A_464 : vector<16xi32>
    %get3A_466 = arith.constant 176 : index
    %get3A_467 = tpu.vector_load %arg15[%get3A_466] {strides = array<i32>} : memref<10000xi32, #tpu.memory_space<vmem>>, vector<16xi32>,
    %get3A_468 = vector.shape_cast %get3A_467 : vector<16xi32> to vector<16xi32>
    %jit3A_469 = arith.constant 0 : i32
    %jit3A_470 = arith.constant 2 : i32
    %max3A_471 = vector.broadcast %jit3A_469 : i32 to vector<16xi32>
    %max3A_472 = arith.maxsi %max3A_471, %get3A_468 : vector<16xi32>
    %min3A_473 = vector.broadcast %jit3A_470 : i32 to vector<16xi32>
    %min3A_474 = arith.minsi %min3A_473, %max3A_472 : vector<16xi32>
    %add3A_475 = arith.addi %add3A_465, %min3A_474 : vector<16xi32>
    %swap3A_476 = arith.constant 176 : index
    %swap3A_477 = tpu.vector_load %arg16[%swap3A_476] {strides = array<i32>} : memref<10000xi32, #tpu.memory_space<vmem>>, vector<16xi32>,
    %swap3A_478 = vector.shape_cast %swap3A_477 : vector<16xi32> to vector<16xi32>
    %swap3A_479 = vector.shape_cast %add3A_475 : vector<16xi32> to vector<16xi32>
    tpu.vector_store %arg16[%swap3A_476], %swap3A_479 {strides = array<i32>} : memref<10000xi32, #tpu.memory_space<vmem>>, vector<16xi32>,
    %get3A_480 = arith.constant 192 : index
    %get3A_481 = tpu.vector_load %arg13[%get3A_480] {strides = array<i32>} : memref<10000xi32, #tpu.memory_space<vmem>>, vector<16xi32>,
    %get3A_482 = vector.shape_cast %get3A_481 : vector<16xi32> to vector<16xi32>
    %jit3A_483 = arith.constant 0 : i32
    %jit3A_484 = arith.constant 5 : i32
    %max3A_485 = vector.broadcast %jit3A_483 : i32 to vector<16xi32>
    %max3A_486 = arith.maxsi %max3A_485, %get3A_482 : vector<16xi32>
    %min3A_487 = vector.broadcast %jit3A_484 : i32 to vector<16xi32>
    %min3A_488 = arith.minsi %min3A_487, %max3A_486 : vector<16xi32>
    %mul3A_489 = arith.constant 21 : i32
    %mul3A_490 = vector.broadcast %mul3A_489 : i32 to vector<16xi32>
    %mul3A_491 = arith.muli %min3A_488, %mul3A_490 : vector<16xi32>
    %get3A_492 = arith.constant 192 : index
    %get3A_493 = tpu.vector_load %arg14[%get3A_492] {strides = array<i32>} : memref<10000xi32, #tpu.memory_space<vmem>>, vector<16xi32>,
    %get3A_494 = vector.shape_cast %get3A_493 : vector<16xi32> to vector<16xi32>
    %jit3A_495 = arith.constant 0 : i32
    %jit3A_496 = arith.constant 6 : i32
    %max3A_497 = vector.broadcast %jit3A_495 : i32 to vector<16xi32>
    %max3A_498 = arith.maxsi %max3A_497, %get3A_494 : vector<16xi32>
    %min3A_499 = vector.broadcast %jit3A_496 : i32 to vector<16xi32>
    %min3A_500 = arith.minsi %min3A_499, %max3A_498 : vector<16xi32>
    %mul3A_501 = arith.constant 3 : i32
    %mul3A_502 = vector.broadcast %mul3A_501 : i32 to vector<16xi32>
    %mul3A_503 = arith.muli %min3A_500, %mul3A_502 : vector<16xi32>
    %add3A_504 = arith.addi %mul3A_491, %mul3A_503 : vector<16xi32>
    %get3A_505 = arith.constant 192 : index
    %get3A_506 = tpu.vector_load %arg15[%get3A_505] {strides = array<i32>} : memref<10000xi32, #tpu.memory_space<vmem>>, vector<16xi32>,
    %get3A_507 = vector.shape_cast %get3A_506 : vector<16xi32> to vector<16xi32>
    %jit3A_508 = arith.constant 0 : i32
    %jit3A_509 = arith.constant 2 : i32
    %max3A_510 = vector.broadcast %jit3A_508 : i32 to vector<16xi32>
    %max3A_511 = arith.maxsi %max3A_510, %get3A_507 : vector<16xi32>
    %min3A_512 = vector.broadcast %jit3A_509 : i32 to vector<16xi32>
    %min3A_513 = arith.minsi %min3A_512, %max3A_511 : vector<16xi32>
    %add3A_514 = arith.addi %add3A_504, %min3A_513 : vector<16xi32>
    %swap3A_515 = arith.constant 192 : index
    %swap3A_516 = tpu.vector_load %arg16[%swap3A_515] {strides = array<i32>} : memref<10000xi32, #tpu.memory_space<vmem>>, vector<16xi32>,
    %swap3A_517 = vector.shape_cast %swap3A_516 : vector<16xi32> to vector<16xi32>
    %swap3A_518 = vector.shape_cast %add3A_514 : vector<16xi32> to vector<16xi32>
    tpu.vector_store %arg16[%swap3A_515], %swap3A_518 {strides = array<i32>} : memref<10000xi32, #tpu.memory_space<vmem>>, vector<16xi32>,
    %get3A_519 = arith.constant 208 : index
    %get3A_520 = tpu.vector_load %arg13[%get3A_519] {strides = array<i32>} : memref<10000xi32, #tpu.memory_space<vmem>>, vector<16xi32>,
    %get3A_521 = vector.shape_cast %get3A_520 : vector<16xi32> to vector<16xi32>
    %jit3A_522 = arith.constant 0 : i32
    %jit3A_523 = arith.constant 5 : i32
    %max3A_524 = vector.broadcast %jit3A_522 : i32 to vector<16xi32>
    %max3A_525 = arith.maxsi %max3A_524, %get3A_521 : vector<16xi32>
    %min3A_526 = vector.broadcast %jit3A_523 : i32 to vector<16xi32>
    %min3A_527 = arith.minsi %min3A_526, %max3A_525 : vector<16xi32>
    %mul3A_528 = arith.constant 21 : i32
    %mul3A_529 = vector.broadcast %mul3A_528 : i32 to vector<16xi32>
    %mul3A_530 = arith.muli %min3A_527, %mul3A_529 : vector<16xi32>
    %get3A_531 = arith.constant 208 : index
    %get3A_532 = tpu.vector_load %arg14[%get3A_531] {strides = array<i32>} : memref<10000xi32, #tpu.memory_space<vmem>>, vector<16xi32>,
    %get3A_533 = vector.shape_cast %get3A_532 : vector<16xi32> to vector<16xi32>
    %jit3A_534 = arith.constant 0 : i32
    %jit3A_535 = arith.constant 6 : i32
    %max3A_536 = vector.broadcast %jit3A_534 : i32 to vector<16xi32>
    %max3A_537 = arith.maxsi %max3A_536, %get3A_533 : vector<16xi32>
    %min3A_538 = vector.broadcast %jit3A_535 : i32 to vector<16xi32>
    %min3A_539 = arith.minsi %min3A_538, %max3A_537 : vector<16xi32>
    %mul3A_540 = arith.constant 3 : i32
    %mul3A_541 = vector.broadcast %mul3A_540 : i32 to vector<16xi32>
    %mul3A_542 = arith.muli %min3A_539, %mul3A_541 : vector<16xi32>
    %add3A_543 = arith.addi %mul3A_530, %mul3A_542 : vector<16xi32>
    %get3A_544 = arith.constant 208 : index
    %get3A_545 = tpu.vector_load %arg15[%get3A_544] {strides = array<i32>} : memref<10000xi32, #tpu.memory_space<vmem>>, vector<16xi32>,
    %get3A_546 = vector.shape_cast %get3A_545 : vector<16xi32> to vector<16xi32>
    %jit3A_547 = arith.constant 0 : i32
    %jit3A_548 = arith.constant 2 : i32
    %max3A_549 = vector.broadcast %jit3A_547 : i32 to vector<16xi32>
    %max3A_550 = arith.maxsi %max3A_549, %get3A_546 : vector<16xi32>
    %min3A_551 = vector.broadcast %jit3A_548 : i32 to vector<16xi32>
    %min3A_552 = arith.minsi %min3A_551, %max3A_550 : vector<16xi32>
    %add3A_553 = arith.addi %add3A_543, %min3A_552 : vector<16xi32>
    %swap3A_554 = arith.constant 208 : index
    %swap3A_555 = tpu.vector_load %arg16[%swap3A_554] {strides = array<i32>} : memref<10000xi32, #tpu.memory_space<vmem>>, vector<16xi32>,
    %swap3A_556 = vector.shape_cast %swap3A_555 : vector<16xi32> to vector<16xi32>
    %swap3A_557 = vector.shape_cast %add3A_553 : vector<16xi32> to vector<16xi32>
    tpu.vector_store %arg16[%swap3A_554], %swap3A_557 {strides = array<i32>} : memref<10000xi32, #tpu.memory_space<vmem>>, vector<16xi32>,
    %get3A_558 = arith.constant 224 : index
    %get3A_559 = tpu.vector_load %arg13[%get3A_558] {strides = array<i32>} : memref<10000xi32, #tpu.memory_space<vmem>>, vector<16xi32>,
    %get3A_560 = vector.shape_cast %get3A_559 : vector<16xi32> to vector<16xi32>
    %jit3A_561 = arith.constant 0 : i32
    %jit3A_562 = arith.constant 5 : i32
    %max3A_563 = vector.broadcast %jit3A_561 : i32 to vector<16xi32>
    %max3A_564 = arith.maxsi %max3A_563, %get3A_560 : vector<16xi32>
    %min3A_565 = vector.broadcast %jit3A_562 : i32 to vector<16xi32>
    %min3A_566 = arith.minsi %min3A_565, %max3A_564 : vector<16xi32>
    %mul3A_567 = arith.constant 21 : i32
    %mul3A_568 = vector.broadcast %mul3A_567 : i32 to vector<16xi32>
    %mul3A_569 = arith.muli %min3A_566, %mul3A_568 : vector<16xi32>
    %get3A_570 = arith.constant 224 : index
    %get3A_571 = tpu.vector_load %arg14[%get3A_570] {strides = array<i32>} : memref<10000xi32, #tpu.memory_space<vmem>>, vector<16xi32>,
    %get3A_572 = vector.shape_cast %get3A_571 : vector<16xi32> to vector<16xi32>
    %jit3A_573 = arith.constant 0 : i32
    %jit3A_574 = arith.constant 6 : i32
    %max3A_575 = vector.broadcast %jit3A_573 : i32 to vector<16xi32>
    %max3A_576 = arith.maxsi %max3A_575, %get3A_572 : vector<16xi32>
    %min3A_577 = vector.broadcast %jit3A_574 : i32 to vector<16xi32>
    %min3A_578 = arith.minsi %min3A_577, %max3A_576 : vector<16xi32>
    %mul3A_579 = arith.constant 3 : i32
    %mul3A_580 = vector.broadcast %mul3A_579 : i32 to vector<16xi32>
    %mul3A_581 = arith.muli %min3A_578, %mul3A_580 : vector<16xi32>
    %add3A_582 = arith.addi %mul3A_569, %mul3A_581 : vector<16xi32>
    %get3A_583 = arith.constant 224 : index
    %get3A_584 = tpu.vector_load %arg15[%get3A_583] {strides = array<i32>} : memref<10000xi32, #tpu.memory_space<vmem>>, vector<16xi32>,
    %get3A_585 = vector.shape_cast %get3A_584 : vector<16xi32> to vector<16xi32>
    %jit3A_586 = arith.constant 0 : i32
    %jit3A_587 = arith.constant 2 : i32
    %max3A_588 = vector.broadcast %jit3A_586 : i32 to vector<16xi32>
    %max3A_589 = arith.maxsi %max3A_588, %get3A_585 : vector<16xi32>
    %min3A_590 = vector.broadcast %jit3A_587 : i32 to vector<16xi32>
    %min3A_591 = arith.minsi %min3A_590, %max3A_589 : vector<16xi32>
    %add3A_592 = arith.addi %add3A_582, %min3A_591 : vector<16xi32>
    %swap3A_593 = arith.constant 224 : index
    %swap3A_594 = tpu.vector_load %arg16[%swap3A_593] {strides = array<i32>} : memref<10000xi32, #tpu.memory_space<vmem>>, vector<16xi32>,
    %swap3A_595 = vector.shape_cast %swap3A_594 : vector<16xi32> to vector<16xi32>
    %swap3A_596 = vector.shape_cast %add3A_592 : vector<16xi32> to vector<16xi32>
    tpu.vector_store %arg16[%swap3A_593], %swap3A_596 {strides = array<i32>} : memref<10000xi32, #tpu.memory_space<vmem>>, vector<16xi32>,
    %get3A_597 = arith.constant 240 : index
    %get3A_598 = tpu.vector_load %arg13[%get3A_597] {strides = array<i32>} : memref<10000xi32, #tpu.memory_space<vmem>>, vector<16xi32>,
    %get3A_599 = vector.shape_cast %get3A_598 : vector<16xi32> to vector<16xi32>
    %jit3A_600 = arith.constant 0 : i32
    %jit3A_601 = arith.constant 5 : i32
    %max3A_602 = vector.broadcast %jit3A_600 : i32 to vector<16xi32>
    %max3A_603 = arith.maxsi %max3A_602, %get3A_599 : vector<16xi32>
    %min3A_604 = vector.broadcast %jit3A_601 : i32 to vector<16xi32>
    %min3A_605 = arith.minsi %min3A_604, %max3A_603 : vector<16xi32>
    %mul3A_606 = arith.constant 21 : i32
    %mul3A_607 = vector.broadcast %mul3A_606 : i32 to vector<16xi32>
    %mul3A_608 = arith.muli %min3A_605, %mul3A_607 : vector<16xi32>
    %get3A_609 = arith.constant 240 : index
    %get3A_610 = tpu.vector_load %arg14[%get3A_609] {strides = array<i32>} : memref<10000xi32, #tpu.memory_space<vmem>>, vector<16xi32>,
    %get3A_611 = vector.shape_cast %get3A_610 : vector<16xi32> to vector<16xi32>
    %jit3A_612 = arith.constant 0 : i32
    %jit3A_613 = arith.constant 6 : i32
    %max3A_614 = vector.broadcast %jit3A_612 : i32 to vector<16xi32>
    %max3A_615 = arith.maxsi %max3A_614, %get3A_611 : vector<16xi32>
    %min3A_616 = vector.broadcast %jit3A_613 : i32 to vector<16xi32>
    %min3A_617 = arith.minsi %min3A_616, %max3A_615 : vector<16xi32>
    %mul3A_618 = arith.constant 3 : i32
    %mul3A_619 = vector.broadcast %mul3A_618 : i32 to vector<16xi32>
    %mul3A_620 = arith.muli %min3A_617, %mul3A_619 : vector<16xi32>
    %add3A_621 = arith.addi %mul3A_608, %mul3A_620 : vector<16xi32>
    %get3A_622 = arith.constant 240 : index
    %get3A_623 = tpu.vector_load %arg15[%get3A_622] {strides = array<i32>} : memref<10000xi32, #tpu.memory_space<vmem>>, vector<16xi32>,
    %get3A_624 = vector.shape_cast %get3A_623 : vector<16xi32> to vector<16xi32>
    %jit3A_625 = arith.constant 0 : i32
    %jit3A_626 = arith.constant 2 : i32
    %max3A_627 = vector.broadcast %jit3A_625 : i32 to vector<16xi32>
    %max3A_628 = arith.maxsi %max3A_627, %get3A_624 : vector<16xi32>
    %min3A_629 = vector.broadcast %jit3A_626 : i32 to vector<16xi32>
    %min3A_630 = arith.minsi %min3A_629, %max3A_628 : vector<16xi32>
    %add3A_631 = arith.addi %add3A_621, %min3A_630 : vector<16xi32>
    %swap3A_632 = arith.constant 240 : index
    %swap3A_633 = tpu.vector_load %arg16[%swap3A_632] {strides = array<i32>} : memref<10000xi32, #tpu.memory_space<vmem>>, vector<16xi32>,
    %swap3A_634 = vector.shape_cast %swap3A_633 : vector<16xi32> to vector<16xi32>
    %swap3A_635 = vector.shape_cast %add3A_631 : vector<16xi32> to vector<16xi32>
    tpu.vector_store %arg16[%swap3A_632], %swap3A_635 {strides = array<i32>} : memref<10000xi32, #tpu.memory_space<vmem>>, vector<16xi32>,
    %get3A_636 = arith.constant 256 : index
    %get3A_637 = tpu.vector_load %arg13[%get3A_636] {strides = array<i32>} : memref<10000xi32, #tpu.memory_space<vmem>>, vector<16xi32>,
    %get3A_638 = vector.shape_cast %get3A_637 : vector<16xi32> to vector<16xi32>
    %jit3A_639 = arith.constant 0 : i32
    %jit3A_640 = arith.constant 5 : i32
    %max3A_641 = vector.broadcast %jit3A_639 : i32 to vector<16xi32>
    %max3A_642 = arith.maxsi %max3A_641, %get3A_638 : vector<16xi32>
    %min3A_643 = vector.broadcast %jit3A_640 : i32 to vector<16xi32>
    %min3A_644 = arith.minsi %min3A_643, %max3A_642 : vector<16xi32>
    %mul3A_645 = arith.constant 21 : i32
    %mul3A_646 = vector.broadcast %mul3A_645 : i32 to vector<16xi32>
    %mul3A_647 = arith.muli %min3A_644, %mul3A_646 : vector<16xi32>
    %get3A_648 = arith.constant 256 : index
    %get3A_649 = tpu.vector_load %arg14[%get3A_648] {strides = array<i32>} : memref<10000xi32, #tpu.memory_space<vmem>>, vector<16xi32>,
    %get3A_650 = vector.shape_cast %get3A_649 : vector<16xi32> to vector<16xi32>
    %jit3A_651 = arith.constant 0 : i32
    %jit3A_652 = arith.constant 6 : i32
    %max3A_653 = vector.broadcast %jit3A_651 : i32 to vector<16xi32>
    %max3A_654 = arith.maxsi %max3A_653, %get3A_650 : vector<16xi32>
    %min3A_655 = vector.broadcast %jit3A_652 : i32 to vector<16xi32>
    %min3A_656 = arith.minsi %min3A_655, %max3A_654 : vector<16xi32>
    %mul3A_657 = arith.constant 3 : i32
    %mul3A_658 = vector.broadcast %mul3A_657 : i32 to vector<16xi32>
    %mul3A_659 = arith.muli %min3A_656, %mul3A_658 : vector<16xi32>
    %add3A_660 = arith.addi %mul3A_647, %mul3A_659 : vector<16xi32>
    %get3A_661 = arith.constant 256 : index
    %get3A_662 = tpu.vector_load %arg15[%get3A_661] {strides = array<i32>} : memref<10000xi32, #tpu.memory_space<vmem>>, vector<16xi32>,
    %get3A_663 = vector.shape_cast %get3A_662 : vector<16xi32> to vector<16xi32>
    %jit3A_664 = arith.constant 0 : i32
    %jit3A_665 = arith.constant 2 : i32
    %max3A_666 = vector.broadcast %jit3A_664 : i32 to vector<16xi32>
    %max3A_667 = arith.maxsi %max3A_666, %get3A_663 : vector<16xi32>
    %min3A_668 = vector.broadcast %jit3A_665 : i32 to vector<16xi32>
    %min3A_669 = arith.minsi %min3A_668, %max3A_667 : vector<16xi32>
    %add3A_670 = arith.addi %add3A_660, %min3A_669 : vector<16xi32>
    %swap3A_671 = arith.constant 256 : index
    %swap3A_672 = tpu.vector_load %arg16[%swap3A_671] {strides = array<i32>} : memref<10000xi32, #tpu.memory_space<vmem>>, vector<16xi32>,
    %swap3A_673 = vector.shape_cast %swap3A_672 : vector<16xi32> to vector<16xi32>
    %swap3A_674 = vector.shape_cast %add3A_670 : vector<16xi32> to vector<16xi32>
    tpu.vector_store %arg16[%swap3A_671], %swap3A_674 {strides = array<i32>} : memref<10000xi32, #tpu.memory_space<vmem>>, vector<16xi32>,
    %get3A_675 = arith.constant 272 : index
    %get3A_676 = tpu.vector_load %arg13[%get3A_675] {strides = array<i32>} : memref<10000xi32, #tpu.memory_space<vmem>>, vector<16xi32>,
    %get3A_677 = vector.shape_cast %get3A_676 : vector<16xi32> to vector<16xi32>
    %jit3A_678 = arith.constant 0 : i32
    %jit3A_679 = arith.constant 5 : i32
    %max3A_680 = vector.broadcast %jit3A_678 : i32 to vector<16xi32>
    %max3A_681 = arith.maxsi %max3A_680, %get3A_677 : vector<16xi32>
    %min3A_682 = vector.broadcast %jit3A_679 : i32 to vector<16xi32>
    %min3A_683 = arith.minsi %min3A_682, %max3A_681 : vector<16xi32>
    %mul3A_684 = arith.constant 21 : i32
    %mul3A_685 = vector.broadcast %mul3A_684 : i32 to vector<16xi32>
    %mul3A_686 = arith.muli %min3A_683, %mul3A_685 : vector<16xi32>
    %get3A_687 = arith.constant 272 : index
    %get3A_688 = tpu.vector_load %arg14[%get3A_687] {strides = array<i32>} : memref<10000xi32, #tpu.memory_space<vmem>>, vector<16xi32>,
    %get3A_689 = vector.shape_cast %get3A_688 : vector<16xi32> to vector<16xi32>
    %jit3A_690 = arith.constant 0 : i32
    %jit3A_691 = arith.constant 6 : i32
    %max3A_692 = vector.broadcast %jit3A_690 : i32 to vector<16xi32>
    %max3A_693 = arith.maxsi %max3A_692, %get3A_689 : vector<16xi32>
    %min3A_694 = vector.broadcast %jit3A_691 : i32 to vector<16xi32>
    %min3A_695 = arith.minsi %min3A_694, %max3A_693 : vector<16xi32>
    %mul3A_696 = arith.constant 3 : i32
    %mul3A_697 = vector.broadcast %mul3A_696 : i32 to vector<16xi32>
    %mul3A_698 = arith.muli %min3A_695, %mul3A_697 : vector<16xi32>
    %add3A_699 = arith.addi %mul3A_686, %mul3A_698 : vector<16xi32>
    %get3A_700 = arith.constant 272 : index
    %get3A_701 = tpu.vector_load %arg15[%get3A_700] {strides = array<i32>} : memref<10000xi32, #tpu.memory_space<vmem>>, vector<16xi32>,
    %get3A_702 = vector.shape_cast %get3A_701 : vector<16xi32> to vector<16xi32>
    %jit3A_703 = arith.constant 0 : i32
    %jit3A_704 = arith.constant 2 : i32
    %max3A_705 = vector.broadcast %jit3A_703 : i32 to vector<16xi32>
    %max3A_706 = arith.maxsi %max3A_705, %get3A_702 : vector<16xi32>
    %min3A_707 = vector.broadcast %jit3A_704 : i32 to vector<16xi32>
    %min3A_708 = arith.minsi %min3A_707, %max3A_706 : vector<16xi32>
    %add3A_709 = arith.addi %add3A_699, %min3A_708 : vector<16xi32>
    %swap3A_710 = arith.constant 272 : index
    %swap3A_711 = tpu.vector_load %arg16[%swap3A_710] {strides = array<i32>} : memref<10000xi32, #tpu.memory_space<vmem>>, vector<16xi32>,
    %swap3A_712 = vector.shape_cast %swap3A_711 : vector<16xi32> to vector<16xi32>
    %swap3A_713 = vector.shape_cast %add3A_709 : vector<16xi32> to vector<16xi32>
    tpu.vector_store %arg16[%swap3A_710], %swap3A_713 {strides = array<i32>} : memref<10000xi32, #tpu.memory_space<vmem>>, vector<16xi32>,
    %get3A_714 = arith.constant 288 : index
    %get3A_715 = tpu.vector_load %arg13[%get3A_714] {strides = array<i32>} : memref<10000xi32, #tpu.memory_space<vmem>>, vector<16xi32>,
    %get3A_716 = vector.shape_cast %get3A_715 : vector<16xi32> to vector<16xi32>
    %jit3A_717 = arith.constant 0 : i32
    %jit3A_718 = arith.constant 5 : i32
    %max3A_719 = vector.broadcast %jit3A_717 : i32 to vector<16xi32>
    %max3A_720 = arith.maxsi %max3A_719, %get3A_716 : vector<16xi32>
    %min3A_721 = vector.broadcast %jit3A_718 : i32 to vector<16xi32>
    %min3A_722 = arith.minsi %min3A_721, %max3A_720 : vector<16xi32>
    %mul3A_723 = arith.constant 21 : i32
    %mul3A_724 = vector.broadcast %mul3A_723 : i32 to vector<16xi32>
    %mul3A_725 = arith.muli %min3A_722, %mul3A_724 : vector<16xi32>
    %get3A_726 = arith.constant 288 : index
    %get3A_727 = tpu.vector_load %arg14[%get3A_726] {strides = array<i32>} : memref<10000xi32, #tpu.memory_space<vmem>>, vector<16xi32>,
    %get3A_728 = vector.shape_cast %get3A_727 : vector<16xi32> to vector<16xi32>
    %jit3A_729 = arith.constant 0 : i32
    %jit3A_730 = arith.constant 6 : i32
    %max3A_731 = vector.broadcast %jit3A_729 : i32 to vector<16xi32>
    %max3A_732 = arith.maxsi %max3A_731, %get3A_728 : vector<16xi32>
    %min3A_733 = vector.broadcast %jit3A_730 : i32 to vector<16xi32>
    %min3A_734 = arith.minsi %min3A_733, %max3A_732 : vector<16xi32>
    %mul3A_735 = arith.constant 3 : i32
    %mul3A_736 = vector.broadcast %mul3A_735 : i32 to vector<16xi32>
    %mul3A_737 = arith.muli %min3A_734, %mul3A_736 : vector<16xi32>
    %add3A_738 = arith.addi %mul3A_725, %mul3A_737 : vector<16xi32>
    %get3A_739 = arith.constant 288 : index
    %get3A_740 = tpu.vector_load %arg15[%get3A_739] {strides = array<i32>} : memref<10000xi32, #tpu.memory_space<vmem>>, vector<16xi32>,
    %get3A_741 = vector.shape_cast %get3A_740 : vector<16xi32> to vector<16xi32>
    %jit3A_742 = arith.constant 0 : i32
    %jit3A_743 = arith.constant 2 : i32
    %max3A_744 = vector.broadcast %jit3A_742 : i32 to vector<16xi32>
    %max3A_745 = arith.maxsi %max3A_744, %get3A_741 : vector<16xi32>
    %min3A_746 = vector.broadcast %jit3A_743 : i32 to vector<16xi32>
    %min3A_747 = arith.minsi %min3A_746, %max3A_745 : vector<16xi32>
    %add3A_748 = arith.addi %add3A_738, %min3A_747 : vector<16xi32>
    %swap3A_749 = arith.constant 288 : index
    %swap3A_750 = tpu.vector_load %arg16[%swap3A_749] {strides = array<i32>} : memref<10000xi32, #tpu.memory_space<vmem>>, vector<16xi32>,
    %swap3A_751 = vector.shape_cast %swap3A_750 : vector<16xi32> to vector<16xi32>
    %swap3A_752 = vector.shape_cast %add3A_748 : vector<16xi32> to vector<16xi32>
    tpu.vector_store %arg16[%swap3A_749], %swap3A_752 {strides = array<i32>} : memref<10000xi32, #tpu.memory_space<vmem>>, vector<16xi32>,
    %get3A_753 = arith.constant 304 : index
    %get3A_754 = tpu.vector_load %arg13[%get3A_753] {strides = array<i32>} : memref<10000xi32, #tpu.memory_space<vmem>>, vector<16xi32>,
    %get3A_755 = vector.shape_cast %get3A_754 : vector<16xi32> to vector<16xi32>
    %jit3A_756 = arith.constant 0 : i32
    %jit3A_757 = arith.constant 5 : i32
    %max3A_758 = vector.broadcast %jit3A_756 : i32 to vector<16xi32>
    %max3A_759 = arith.maxsi %max3A_758, %get3A_755 : vector<16xi32>
    %min3A_760 = vector.broadcast %jit3A_757 : i32 to vector<16xi32>
    %min3A_761 = arith.minsi %min3A_760, %max3A_759 : vector<16xi32>
    %mul3A_762 = arith.constant 21 : i32
    %mul3A_763 = vector.broadcast %mul3A_762 : i32 to vector<16xi32>
    %mul3A_764 = arith.muli %min3A_761, %mul3A_763 : vector<16xi32>
    %get3A_765 = arith.constant 304 : index
    %get3A_766 = tpu.vector_load %arg14[%get3A_765] {strides = array<i32>} : memref<10000xi32, #tpu.memory_space<vmem>>, vector<16xi32>,
    %get3A_767 = vector.shape_cast %get3A_766 : vector<16xi32> to vector<16xi32>
    %jit3A_768 = arith.constant 0 : i32
    %jit3A_769 = arith.constant 6 : i32
    %max3A_770 = vector.broadcast %jit3A_768 : i32 to vector<16xi32>
    %max3A_771 = arith.maxsi %max3A_770, %get3A_767 : vector<16xi32>
    %min3A_772 = vector.broadcast %jit3A_769 : i32 to vector<16xi32>
    %min3A_773 = arith.minsi %min3A_772, %max3A_771 : vector<16xi32>
    %mul3A_774 = arith.constant 3 : i32
    %mul3A_775 = vector.broadcast %mul3A_774 : i32 to vector<16xi32>
    %mul3A_776 = arith.muli %min3A_773, %mul3A_775 : vector<16xi32>
    %add3A_777 = arith.addi %mul3A_764, %mul3A_776 : vector<16xi32>
    %get3A_778 = arith.constant 304 : index
    %get3A_779 = tpu.vector_load %arg15[%get3A_778] {strides = array<i32>} : memref<10000xi32, #tpu.memory_space<vmem>>, vector<16xi32>,
    %get3A_780 = vector.shape_cast %get3A_779 : vector<16xi32> to vector<16xi32>
    %jit3A_781 = arith.constant 0 : i32
    %jit3A_782 = arith.constant 2 : i32
    %max3A_783 = vector.broadcast %jit3A_781 : i32 to vector<16xi32>
    %max3A_784 = arith.maxsi %max3A_783, %get3A_780 : vector<16xi32>
    %min3A_785 = vector.broadcast %jit3A_782 : i32 to vector<16xi32>
    %min3A_786 = arith.minsi %min3A_785, %max3A_784 : vector<16xi32>
    %add3A_787 = arith.addi %add3A_777, %min3A_786 : vector<16xi32>
    %swap3A_788 = arith.constant 304 : index
    %swap3A_789 = tpu.vector_load %arg16[%swap3A_788] {strides = array<i32>} : memref<10000xi32, #tpu.memory_space<vmem>>, vector<16xi32>,
    %swap3A_790 = vector.shape_cast %swap3A_789 : vector<16xi32> to vector<16xi32>
    %swap3A_791 = vector.shape_cast %add3A_787 : vector<16xi32> to vector<16xi32>
    tpu.vector_store %arg16[%swap3A_788], %swap3A_791 {strides = array<i32>} : memref<10000xi32, #tpu.memory_space<vmem>>, vector<16xi32>,
    %get3A_792 = arith.constant 320 : index
    %get3A_793 = tpu.vector_load %arg13[%get3A_792] {strides = array<i32>} : memref<10000xi32, #tpu.memory_space<vmem>>, vector<16xi32>,
    %get3A_794 = vector.shape_cast %get3A_793 : vector<16xi32> to vector<16xi32>
    %jit3A_795 = arith.constant 0 : i32
    %jit3A_796 = arith.constant 5 : i32
    %max3A_797 = vector.broadcast %jit3A_795 : i32 to vector<16xi32>
    %max3A_798 = arith.maxsi %max3A_797, %get3A_794 : vector<16xi32>
    %min3A_799 = vector.broadcast %jit3A_796 : i32 to vector<16xi32>
    %min3A_800 = arith.minsi %min3A_799, %max3A_798 : vector<16xi32>
    %mul3A_801 = arith.constant 21 : i32
    %mul3A_802 = vector.broadcast %mul3A_801 : i32 to vector<16xi32>
    %mul3A_803 = arith.muli %min3A_800, %mul3A_802 : vector<16xi32>
    %get3A_804 = arith.constant 320 : index
    %get3A_805 = tpu.vector_load %arg14[%get3A_804] {strides = array<i32>} : memref<10000xi32, #tpu.memory_space<vmem>>, vector<16xi32>,
    %get3A_806 = vector.shape_cast %get3A_805 : vector<16xi32> to vector<16xi32>
    %jit3A_807 = arith.constant 0 : i32
    %jit3A_808 = arith.constant 6 : i32
    %max3A_809 = vector.broadcast %jit3A_807 : i32 to vector<16xi32>
    %max3A_810 = arith.maxsi %max3A_809, %get3A_806 : vector<16xi32>
    %min3A_811 = vector.broadcast %jit3A_808 : i32 to vector<16xi32>
    %min3A_812 = arith.minsi %min3A_811, %max3A_810 : vector<16xi32>
    %mul3A_813 = arith.constant 3 : i32
    %mul3A_814 = vector.broadcast %mul3A_813 : i32 to vector<16xi32>
    %mul3A_815 = arith.muli %min3A_812, %mul3A_814 : vector<16xi32>
    %add3A_816 = arith.addi %mul3A_803, %mul3A_815 : vector<16xi32>
    %get3A_817 = arith.constant 320 : index
    %get3A_818 = tpu.vector_load %arg15[%get3A_817] {strides = array<i32>} : memref<10000xi32, #tpu.memory_space<vmem>>, vector<16xi32>,
    %get3A_819 = vector.shape_cast %get3A_818 : vector<16xi32> to vector<16xi32>
    %jit3A_820 = arith.constant 0 : i32
    %jit3A_821 = arith.constant 2 : i32
    %max3A_822 = vector.broadcast %jit3A_820 : i32 to vector<16xi32>
    %max3A_823 = arith.maxsi %max3A_822, %get3A_819 : vector<16xi32>
    %min3A_824 = vector.broadcast %jit3A_821 : i32 to vector<16xi32>
    %min3A_825 = arith.minsi %min3A_824, %max3A_823 : vector<16xi32>
    %add3A_826 = arith.addi %add3A_816, %min3A_825 : vector<16xi32>
    %swap3A_827 = arith.constant 320 : index
    %swap3A_828 = tpu.vector_load %arg16[%swap3A_827] {strides = array<i32>} : memref<10000xi32, #tpu.memory_space<vmem>>, vector<16xi32>,
    %swap3A_829 = vector.shape_cast %swap3A_828 : vector<16xi32> to vector<16xi32>
    %swap3A_830 = vector.shape_cast %add3A_826 : vector<16xi32> to vector<16xi32>
    tpu.vector_store %arg16[%swap3A_827], %swap3A_830 {strides = array<i32>} : memref<10000xi32, #tpu.memory_space<vmem>>, vector<16xi32>,
    %get3A_831 = arith.constant 336 : index
    %get3A_832 = tpu.vector_load %arg13[%get3A_831] {strides = array<i32>} : memref<10000xi32, #tpu.memory_space<vmem>>, vector<16xi32>,
    %get3A_833 = vector.shape_cast %get3A_832 : vector<16xi32> to vector<16xi32>
    %jit3A_834 = arith.constant 0 : i32
    %jit3A_835 = arith.constant 5 : i32
    %max3A_836 = vector.broadcast %jit3A_834 : i32 to vector<16xi32>
    %max3A_837 = arith.maxsi %max3A_836, %get3A_833 : vector<16xi32>
    %min3A_838 = vector.broadcast %jit3A_835 : i32 to vector<16xi32>
    %min3A_839 = arith.minsi %min3A_838, %max3A_837 : vector<16xi32>
    %mul3A_840 = arith.constant 21 : i32
    %mul3A_841 = vector.broadcast %mul3A_840 : i32 to vector<16xi32>
    %mul3A_842 = arith.muli %min3A_839, %mul3A_841 : vector<16xi32>
    %get3A_843 = arith.constant 336 : index
    %get3A_844 = tpu.vector_load %arg14[%get3A_843] {strides = array<i32>} : memref<10000xi32, #tpu.memory_space<vmem>>, vector<16xi32>,
    %get3A_845 = vector.shape_cast %get3A_844 : vector<16xi32> to vector<16xi32>
    %jit3A_846 = arith.constant 0 : i32
    %jit3A_847 = arith.constant 6 : i32
    %max3A_848 = vector.broadcast %jit3A_846 : i32 to vector<16xi32>
    %max3A_849 = arith.maxsi %max3A_848, %get3A_845 : vector<16xi32>
    %min3A_850 = vector.broadcast %jit3A_847 : i32 to vector<16xi32>
    %min3A_851 = arith.minsi %min3A_850, %max3A_849 : vector<16xi32>
    %mul3A_852 = arith.constant 3 : i32
    %mul3A_853 = vector.broadcast %mul3A_852 : i32 to vector<16xi32>
    %mul3A_854 = arith.muli %min3A_851, %mul3A_853 : vector<16xi32>
    %add3A_855 = arith.addi %mul3A_842, %mul3A_854 : vector<16xi32>
    %get3A_856 = arith.constant 336 : index
    %get3A_857 = tpu.vector_load %arg15[%get3A_856] {strides = array<i32>} : memref<10000xi32, #tpu.memory_space<vmem>>, vector<16xi32>,
    %get3A_858 = vector.shape_cast %get3A_857 : vector<16xi32> to vector<16xi32>
    %jit3A_859 = arith.constant 0 : i32
    %jit3A_860 = arith.constant 2 : i32
    %max3A_861 = vector.broadcast %jit3A_859 : i32 to vector<16xi32>
    %max3A_862 = arith.maxsi %max3A_861, %get3A_858 : vector<16xi32>
    %min3A_863 = vector.broadcast %jit3A_860 : i32 to vector<16xi32>
    %min3A_864 = arith.minsi %min3A_863, %max3A_862 : vector<16xi32>
    %add3A_865 = arith.addi %add3A_855, %min3A_864 : vector<16xi32>
    %swap3A_866 = arith.constant 336 : index
    %swap3A_867 = tpu.vector_load %arg16[%swap3A_866] {strides = array<i32>} : memref<10000xi32, #tpu.memory_space<vmem>>, vector<16xi32>,
    %swap3A_868 = vector.shape_cast %swap3A_867 : vector<16xi32> to vector<16xi32>
    %swap3A_869 = vector.shape_cast %add3A_865 : vector<16xi32> to vector<16xi32>
    tpu.vector_store %arg16[%swap3A_866], %swap3A_869 {strides = array<i32>} : memref<10000xi32, #tpu.memory_space<vmem>>, vector<16xi32>,
    %get3A_870 = arith.constant 352 : index
    %get3A_871 = tpu.vector_load %arg13[%get3A_870] {strides = array<i32>} : memref<10000xi32, #tpu.memory_space<vmem>>, vector<16xi32>,
    %get3A_872 = vector.shape_cast %get3A_871 : vector<16xi32> to vector<16xi32>
    %jit3A_873 = arith.constant 0 : i32
    %jit3A_874 = arith.constant 5 : i32
    %max3A_875 = vector.broadcast %jit3A_873 : i32 to vector<16xi32>
    %max3A_876 = arith.maxsi %max3A_875, %get3A_872 : vector<16xi32>
    %min3A_877 = vector.broadcast %jit3A_874 : i32 to vector<16xi32>
    %min3A_878 = arith.minsi %min3A_877, %max3A_876 : vector<16xi32>
    %mul3A_879 = arith.constant 21 : i32
    %mul3A_880 = vector.broadcast %mul3A_879 : i32 to vector<16xi32>
    %mul3A_881 = arith.muli %min3A_878, %mul3A_880 : vector<16xi32>
    %get3A_882 = arith.constant 352 : index
    %get3A_883 = tpu.vector_load %arg14[%get3A_882] {strides = array<i32>} : memref<10000xi32, #tpu.memory_space<vmem>>, vector<16xi32>,
    %get3A_884 = vector.shape_cast %get3A_883 : vector<16xi32> to vector<16xi32>
    %jit3A_885 = arith.constant 0 : i32
    %jit3A_886 = arith.constant 6 : i32
    %max3A_887 = vector.broadcast %jit3A_885 : i32 to vector<16xi32>
    %max3A_888 = arith.maxsi %max3A_887, %get3A_884 : vector<16xi32>
    %min3A_889 = vector.broadcast %jit3A_886 : i32 to vector<16xi32>
    %min3A_890 = arith.minsi %min3A_889, %max3A_888 : vector<16xi32>
    %mul3A_891 = arith.constant 3 : i32
    %mul3A_892 = vector.broadcast %mul3A_891 : i32 to vector<16xi32>
    %mul3A_893 = arith.muli %min3A_890, %mul3A_892 : vector<16xi32>
    %add3A_894 = arith.addi %mul3A_881, %mul3A_893 : vector<16xi32>
    %get3A_895 = arith.constant 352 : index
    %get3A_896 = tpu.vector_load %arg15[%get3A_895] {strides = array<i32>} : memref<10000xi32, #tpu.memory_space<vmem>>, vector<16xi32>,
    %get3A_897 = vector.shape_cast %get3A_896 : vector<16xi32> to vector<16xi32>
    %jit3A_898 = arith.constant 0 : i32
    %jit3A_899 = arith.constant 2 : i32
    %max3A_900 = vector.broadcast %jit3A_898 : i32 to vector<16xi32>
    %max3A_901 = arith.maxsi %max3A_900, %get3A_897 : vector<16xi32>
    %min3A_902 = vector.broadcast %jit3A_899 : i32 to vector<16xi32>
    %min3A_903 = arith.minsi %min3A_902, %max3A_901 : vector<16xi32>
    %add3A_904 = arith.addi %add3A_894, %min3A_903 : vector<16xi32>
    %swap3A_905 = arith.constant 352 : index
    %swap3A_906 = tpu.vector_load %arg16[%swap3A_905] {strides = array<i32>} : memref<10000xi32, #tpu.memory_space<vmem>>, vector<16xi32>,
    %swap3A_907 = vector.shape_cast %swap3A_906 : vector<16xi32> to vector<16xi32>
    %swap3A_908 = vector.shape_cast %add3A_904 : vector<16xi32> to vector<16xi32>
    tpu.vector_store %arg16[%swap3A_905], %swap3A_908 {strides = array<i32>} : memref<10000xi32, #tpu.memory_space<vmem>>, vector<16xi32>,
    %get3A_909 = arith.constant 368 : index
    %get3A_910 = tpu.vector_load %arg13[%get3A_909] {strides = array<i32>} : memref<10000xi32, #tpu.memory_space<vmem>>, vector<16xi32>,
    %get3A_911 = vector.shape_cast %get3A_910 : vector<16xi32> to vector<16xi32>
    %jit3A_912 = arith.constant 0 : i32
    %jit3A_913 = arith.constant 5 : i32
    %max3A_914 = vector.broadcast %jit3A_912 : i32 to vector<16xi32>
    %max3A_915 = arith.maxsi %max3A_914, %get3A_911 : vector<16xi32>
    %min3A_916 = vector.broadcast %jit3A_913 : i32 to vector<16xi32>
    %min3A_917 = arith.minsi %min3A_916, %max3A_915 : vector<16xi32>
    %mul3A_918 = arith.constant 21 : i32
    %mul3A_919 = vector.broadcast %mul3A_918 : i32 to vector<16xi32>
    %mul3A_920 = arith.muli %min3A_917, %mul3A_919 : vector<16xi32>
    %get3A_921 = arith.constant 368 : index
    %get3A_922 = tpu.vector_load %arg14[%get3A_921] {strides = array<i32>} : memref<10000xi32, #tpu.memory_space<vmem>>, vector<16xi32>,
    %get3A_923 = vector.shape_cast %get3A_922 : vector<16xi32> to vector<16xi32>
    %jit3A_924 = arith.constant 0 : i32
    %jit3A_925 = arith.constant 6 : i32
    %max3A_926 = vector.broadcast %jit3A_924 : i32 to vector<16xi32>
    %max3A_927 = arith.maxsi %max3A_926, %get3A_923 : vector<16xi32>
    %min3A_928 = vector.broadcast %jit3A_925 : i32 to vector<16xi32>
    %min3A_929 = arith.minsi %min3A_928, %max3A_927 : vector<16xi32>
    %mul3A_930 = arith.constant 3 : i32
    %mul3A_931 = vector.broadcast %mul3A_930 : i32 to vector<16xi32>
    %mul3A_932 = arith.muli %min3A_929, %mul3A_931 : vector<16xi32>
    %add3A_933 = arith.addi %mul3A_920, %mul3A_932 : vector<16xi32>
    %get3A_934 = arith.constant 368 : index
    %get3A_935 = tpu.vector_load %arg15[%get3A_934] {strides = array<i32>} : memref<10000xi32, #tpu.memory_space<vmem>>, vector<16xi32>,
    %get3A_936 = vector.shape_cast %get3A_935 : vector<16xi32> to vector<16xi32>
    %jit3A_937 = arith.constant 0 : i32
    %jit3A_938 = arith.constant 2 : i32
    %max3A_939 = vector.broadcast %jit3A_937 : i32 to vector<16xi32>
    %max3A_940 = arith.maxsi %max3A_939, %get3A_936 : vector<16xi32>
    %min3A_941 = vector.broadcast %jit3A_938 : i32 to vector<16xi32>
    %min3A_942 = arith.minsi %min3A_941, %max3A_940 : vector<16xi32>
    %add3A_943 = arith.addi %add3A_933, %min3A_942 : vector<16xi32>
    %swap3A_944 = arith.constant 368 : index
    %swap3A_945 = tpu.vector_load %arg16[%swap3A_944] {strides = array<i32>} : memref<10000xi32, #tpu.memory_space<vmem>>, vector<16xi32>,
    %swap3A_946 = vector.shape_cast %swap3A_945 : vector<16xi32> to vector<16xi32>
    %swap3A_947 = vector.shape_cast %add3A_943 : vector<16xi32> to vector<16xi32>
    tpu.vector_store %arg16[%swap3A_944], %swap3A_947 {strides = array<i32>} : memref<10000xi32, #tpu.memory_space<vmem>>, vector<16xi32>,
    %get3A_948 = arith.constant 384 : index
    %get3A_949 = tpu.vector_load %arg13[%get3A_948] {strides = array<i32>} : memref<10000xi32, #tpu.memory_space<vmem>>, vector<16xi32>,
    %get3A_950 = vector.shape_cast %get3A_949 : vector<16xi32> to vector<16xi32>
    %jit3A_951 = arith.constant 0 : i32
    %jit3A_952 = arith.constant 5 : i32
    %max3A_953 = vector.broadcast %jit3A_951 : i32 to vector<16xi32>
    %max3A_954 = arith.maxsi %max3A_953, %get3A_950 : vector<16xi32>
    %min3A_955 = vector.broadcast %jit3A_952 : i32 to vector<16xi32>
    %min3A_956 = arith.minsi %min3A_955, %max3A_954 : vector<16xi32>
    %mul3A_957 = arith.constant 21 : i32
    %mul3A_958 = vector.broadcast %mul3A_957 : i32 to vector<16xi32>
    %mul3A_959 = arith.muli %min3A_956, %mul3A_958 : vector<16xi32>
    %get3A_960 = arith.constant 384 : index
    %get3A_961 = tpu.vector_load %arg14[%get3A_960] {strides = array<i32>} : memref<10000xi32, #tpu.memory_space<vmem>>, vector<16xi32>,
    %get3A_962 = vector.shape_cast %get3A_961 : vector<16xi32> to vector<16xi32>
    %jit3A_963 = arith.constant 0 : i32
    %jit3A_964 = arith.constant 6 : i32
    %max3A_965 = vector.broadcast %jit3A_963 : i32 to vector<16xi32>
    %max3A_966 = arith.maxsi %max3A_965, %get3A_962 : vector<16xi32>
    %min3A_967 = vector.broadcast %jit3A_964 : i32 to vector<16xi32>
    %min3A_968 = arith.minsi %min3A_967, %max3A_966 : vector<16xi32>
    %mul3A_969 = arith.constant 3 : i32
    %mul3A_970 = vector.broadcast %mul3A_969 : i32 to vector<16xi32>
    %mul3A_971 = arith.muli %min3A_968, %mul3A_970 : vector<16xi32>
    %add3A_972 = arith.addi %mul3A_959, %mul3A_971 : vector<16xi32>
    %get3A_973 = arith.constant 384 : index
    %get3A_974 = tpu.vector_load %arg15[%get3A_973] {strides = array<i32>} : memref<10000xi32, #tpu.memory_space<vmem>>, vector<16xi32>,
    %get3A_975 = vector.shape_cast %get3A_974 : vector<16xi32> to vector<16xi32>
    %jit3A_976 = arith.constant 0 : i32
    %jit3A_977 = arith.constant 2 : i32
    %max3A_978 = vector.broadcast %jit3A_976 : i32 to vector<16xi32>
    %max3A_979 = arith.maxsi %max3A_978, %get3A_975 : vector<16xi32>
    %min3A_980 = vector.broadcast %jit3A_977 : i32 to vector<16xi32>
    %min3A_981 = arith.minsi %min3A_980, %max3A_979 : vector<16xi32>
    %add3A_982 = arith.addi %add3A_972, %min3A_981 : vector<16xi32>
    %swap3A_983 = arith.constant 384 : index
    %swap3A_984 = tpu.vector_load %arg16[%swap3A_983] {strides = array<i32>} : memref<10000xi32, #tpu.memory_space<vmem>>, vector<16xi32>,
    %swap3A_985 = vector.shape_cast %swap3A_984 : vector<16xi32> to vector<16xi32>
    %swap3A_986 = vector.shape_cast %add3A_982 : vector<16xi32> to vector<16xi32>
    tpu.vector_store %arg16[%swap3A_983], %swap3A_986 {strides = array<i32>} : memref<10000xi32, #tpu.memory_space<vmem>>, vector<16xi32>,
    %scan3A_987 = arith.constant 0 : i32
    %scan3A_988 = arith.constant 25 : i32
    %scan3A_989 = arith.addi %scan3A_987, %scan3A_988 : i32
    %scan3A_990 = arith.constant 1 : i32
    scf.for %scan3A_1172 = %scan3A_987 to %scan3A_989 step %scan3A_990  : i32 {
      %mul3A_1173 = arith.constant 10 : i32
      %mul3A_1174 = arith.muli %scan3A_1172, %mul3A_1173 : i32
      %gt3A = arith.constant 0 : i32
      %gt3A_1175 = arith.cmpi sgt, %scan3A_1172, %gt3A : i32
      %convert_element_type3A = arith.extui %gt3A_1175 : i1 to i32
      %cond3A = arith.constant 0 : i32
      %cond3A_1176 = arith.cmpi ne, %convert_element_type3A, %cond3A : i32
      scf.if %cond3A_1176 {
        %dma_wait3A_1716 = arith.constant 0 : i32
        %dma_wait3A_1717 = arith.constant 0 : i32
        %dma_wait3A_1718 = arith.constant 0 : i32
        %dma_wait3A_1719 = arith.constant 0 : i32
        %dma_wait3A_1720 = tpu.memref_slice %arg17[%dma_wait3A_1716, %dma_wait3A_1718, %dma_wait3A_1719] : memref<10x40x128xf32, #tpu.memory_space<vmem>> -> memref<1x40x128xf32, #tpu.memory_space<vmem>>
        %dma_wait3A_1721 = tpu.memref_squeeze %dma_wait3A_1720 : memref<1x40x128xf32, #tpu.memory_space<vmem>> -> memref<40x128xf32, #tpu.memory_space<vmem>>
        %dma_wait3A_1722 = arith.constant 0 : i32
        %dma_wait3A_1723 = arith.constant 0 : i32
        %dma_wait3A_1724 = tpu.memref_slice %arg8[%dma_wait3A_1722, %dma_wait3A_1723] : memref<320000x128xf32, #tpu.memory_space<hbm>> -> memref<40x128xf32, #tpu.memory_space<hbm>>
        %dma_wait3A_1725 = tpu.memref_slice %arg21[%dma_wait3A_1717] : memref<10x!tpu.dma_semaphore, #tpu.memory_space<semaphore_mem>> -> memref<1x!tpu.dma_semaphore, #tpu.memory_space<semaphore_mem>>
        %dma_wait3A_1726 = tpu.memref_squeeze %dma_wait3A_1725 : memref<1x!tpu.dma_semaphore, #tpu.memory_space<semaphore_mem>> -> memref<!tpu.dma_semaphore, #tpu.memory_space<semaphore_mem>>
        %dma_wait3A_1727 = arith.constant 0 : i32
        %dma_wait3A_1728 = arith.constant 0 : i32
        %dma_wait3A_1729 = tpu.memref_slice %arg8[%dma_wait3A_1727, %dma_wait3A_1728] : memref<320000x128xf32, #tpu.memory_space<hbm>> -> memref<40x128xf32, #tpu.memory_space<hbm>>
        %dma_wait3A_1730 = arith.constant 0 : i32
        %dma_wait3A_1731 = arith.constant 0 : i32
        %dma_wait3A_1732 = tpu.memref_slice %arg17[%dma_wait3A_1716, %dma_wait3A_1730, %dma_wait3A_1731] : memref<10x40x128xf32, #tpu.memory_space<vmem>> -> memref<1x40x128xf32, #tpu.memory_space<vmem>>
        %dma_wait3A_1733 = tpu.memref_squeeze %dma_wait3A_1732 : memref<1x40x128xf32, #tpu.memory_space<vmem>> -> memref<40x128xf32, #tpu.memory_space<vmem>>
        tpu.wait_dma2 semaphore(%dma_wait3A_1726 : memref<!tpu.dma_semaphore, #tpu.memory_space<semaphore_mem>>) src(%dma_wait3A_1733 : memref<40x128xf32, #tpu.memory_space<vmem>>) dst(%dma_wait3A_1729 : memref<40x128xf32, #tpu.memory_space<hbm>>)
      } else {
      }
      %add3A_1177 = arith.constant 0 : i32
      %add3A_1178 = arith.addi %mul3A_1174, %add3A_1177 : i32
      %mul3A_1179 = arith.constant 40 : i32
      %mul3A_1180 = arith.muli %add3A_1178, %mul3A_1179 : i32
      %dma_start3A_1181 = arith.constant 0 : i32
      %dma_start3A_1182 = arith.constant 0 : i32
      %dma_start3A_1183 = arith.constant 0 : i32
      %dma_start3A_1184 = arith.constant 0 : i32
      %dma_start3A_1185 = tpu.memref_slice %arg17[%dma_start3A_1181, %dma_start3A_1183, %dma_start3A_1184] : memref<10x40x128xf32, #tpu.memory_space<vmem>> -> memref<1x40x128xf32, #tpu.memory_space<vmem>>
      %dma_start3A_1186 = tpu.memref_squeeze %dma_start3A_1185 : memref<1x40x128xf32, #tpu.memory_space<vmem>> -> memref<40x128xf32, #tpu.memory_space<vmem>>
      %dma_start3A_1187 = tpu.memref_slice %arg16[%mul3A_1180] : memref<10000xi32, #tpu.memory_space<vmem>> -> memref<40xi32, #tpu.memory_space<vmem>>
      %dma_start3A_1188 = arith.constant 0 : i32
      %dma_start3A_1189 = arith.constant 0 : i32
      %dma_start3A_1190 = tpu.memref_slice %arg18[%dma_start3A_1188, %dma_start3A_1189] : memref<128x128xf32, #tpu.memory_space<vmem_shared>> -> memref<128x128xf32, #tpu.memory_space<vmem_shared>>
      %dma_start3A_1191 = tpu.memref_slice %arg20[%dma_start3A_1182] : memref<10x!tpu.dma_semaphore, #tpu.memory_space<semaphore_mem>> -> memref<1x!tpu.dma_semaphore, #tpu.memory_space<semaphore_mem>>
      %dma_start3A_1192 = tpu.memref_squeeze %dma_start3A_1191 : memref<1x!tpu.dma_semaphore, #tpu.memory_space<semaphore_mem>> -> memref<!tpu.dma_semaphore, #tpu.memory_space<semaphore_mem>>
      tpu.enqueue_indirect_dma source(%dma_start3A_1190 : memref<128x128xf32, #tpu.memory_space<vmem_shared>>) target(%dma_start3A_1186 : memref<40x128xf32, #tpu.memory_space<vmem>>) offsets(%dma_start3A_1187 : memref<40xi32, #tpu.memory_space<vmem>>) semaphore(%dma_start3A_1192 : memref<!tpu.dma_semaphore, #tpu.memory_space<semaphore_mem>>)
      %gt3A_1193 = arith.constant 0 : i32
      %gt3A_1194 = arith.cmpi sgt, %scan3A_1172, %gt3A_1193 : i32
      %convert_element_type3A_1195 = arith.extui %gt3A_1194 : i1 to i32
      %cond3A_1196 = arith.constant 0 : i32
      %cond3A_1197 = arith.cmpi ne, %convert_element_type3A_1195, %cond3A_1196 : i32
      scf.if %cond3A_1197 {
        %dma_wait3A_1716 = arith.constant 1 : i32
        %dma_wait3A_1717 = arith.constant 1 : i32
        %dma_wait3A_1718 = arith.constant 0 : i32
        %dma_wait3A_1719 = arith.constant 0 : i32
        %dma_wait3A_1720 = tpu.memref_slice %arg17[%dma_wait3A_1716, %dma_wait3A_1718, %dma_wait3A_1719] : memref<10x40x128xf32, #tpu.memory_space<vmem>> -> memref<1x40x128xf32, #tpu.memory_space<vmem>>
        %dma_wait3A_1721 = tpu.memref_squeeze %dma_wait3A_1720 : memref<1x40x128xf32, #tpu.memory_space<vmem>> -> memref<40x128xf32, #tpu.memory_space<vmem>>
        %dma_wait3A_1722 = arith.constant 0 : i32
        %dma_wait3A_1723 = arith.constant 0 : i32
        %dma_wait3A_1724 = tpu.memref_slice %arg8[%dma_wait3A_1722, %dma_wait3A_1723] : memref<320000x128xf32, #tpu.memory_space<hbm>> -> memref<40x128xf32, #tpu.memory_space<hbm>>
        %dma_wait3A_1725 = tpu.memref_slice %arg21[%dma_wait3A_1717] : memref<10x!tpu.dma_semaphore, #tpu.memory_space<semaphore_mem>> -> memref<1x!tpu.dma_semaphore, #tpu.memory_space<semaphore_mem>>
        %dma_wait3A_1726 = tpu.memref_squeeze %dma_wait3A_1725 : memref<1x!tpu.dma_semaphore, #tpu.memory_space<semaphore_mem>> -> memref<!tpu.dma_semaphore, #tpu.memory_space<semaphore_mem>>
        %dma_wait3A_1727 = arith.constant 0 : i32
        %dma_wait3A_1728 = arith.constant 0 : i32
        %dma_wait3A_1729 = tpu.memref_slice %arg8[%dma_wait3A_1727, %dma_wait3A_1728] : memref<320000x128xf32, #tpu.memory_space<hbm>> -> memref<40x128xf32, #tpu.memory_space<hbm>>
        %dma_wait3A_1730 = arith.constant 0 : i32
        %dma_wait3A_1731 = arith.constant 0 : i32
        %dma_wait3A_1732 = tpu.memref_slice %arg17[%dma_wait3A_1716, %dma_wait3A_1730, %dma_wait3A_1731] : memref<10x40x128xf32, #tpu.memory_space<vmem>> -> memref<1x40x128xf32, #tpu.memory_space<vmem>>
        %dma_wait3A_1733 = tpu.memref_squeeze %dma_wait3A_1732 : memref<1x40x128xf32, #tpu.memory_space<vmem>> -> memref<40x128xf32, #tpu.memory_space<vmem>>
        tpu.wait_dma2 semaphore(%dma_wait3A_1726 : memref<!tpu.dma_semaphore, #tpu.memory_space<semaphore_mem>>) src(%dma_wait3A_1733 : memref<40x128xf32, #tpu.memory_space<vmem>>) dst(%dma_wait3A_1729 : memref<40x128xf32, #tpu.memory_space<hbm>>)
      } else {
      }
      %add3A_1198 = arith.constant 1 : i32
      %add3A_1199 = arith.addi %mul3A_1174, %add3A_1198 : i32
      %mul3A_1200 = arith.constant 40 : i32
      %mul3A_1201 = arith.muli %add3A_1199, %mul3A_1200 : i32
      %dma_start3A_1202 = arith.constant 1 : i32
      %dma_start3A_1203 = arith.constant 1 : i32
      %dma_start3A_1204 = arith.constant 0 : i32
      %dma_start3A_1205 = arith.constant 0 : i32
      %dma_start3A_1206 = tpu.memref_slice %arg17[%dma_start3A_1202, %dma_start3A_1204, %dma_start3A_1205] : memref<10x40x128xf32, #tpu.memory_space<vmem>> -> memref<1x40x128xf32, #tpu.memory_space<vmem>>
      %dma_start3A_1207 = tpu.memref_squeeze %dma_start3A_1206 : memref<1x40x128xf32, #tpu.memory_space<vmem>> -> memref<40x128xf32, #tpu.memory_space<vmem>>
      %dma_start3A_1208 = tpu.memref_slice %arg16[%mul3A_1201] : memref<10000xi32, #tpu.memory_space<vmem>> -> memref<40xi32, #tpu.memory_space<vmem>>
      %dma_start3A_1209 = arith.constant 0 : i32
      %dma_start3A_1210 = arith.constant 0 : i32
      %dma_start3A_1211 = tpu.memref_slice %arg18[%dma_start3A_1209, %dma_start3A_1210] : memref<128x128xf32, #tpu.memory_space<vmem_shared>> -> memref<128x128xf32, #tpu.memory_space<vmem_shared>>
      %dma_start3A_1212 = tpu.memref_slice %arg20[%dma_start3A_1203] : memref<10x!tpu.dma_semaphore, #tpu.memory_space<semaphore_mem>> -> memref<1x!tpu.dma_semaphore, #tpu.memory_space<semaphore_mem>>
      %dma_start3A_1213 = tpu.memref_squeeze %dma_start3A_1212 : memref<1x!tpu.dma_semaphore, #tpu.memory_space<semaphore_mem>> -> memref<!tpu.dma_semaphore, #tpu.memory_space<semaphore_mem>>
      tpu.enqueue_indirect_dma source(%dma_start3A_1211 : memref<128x128xf32, #tpu.memory_space<vmem_shared>>) target(%dma_start3A_1207 : memref<40x128xf32, #tpu.memory_space<vmem>>) offsets(%dma_start3A_1208 : memref<40xi32, #tpu.memory_space<vmem>>) semaphore(%dma_start3A_1213 : memref<!tpu.dma_semaphore, #tpu.memory_space<semaphore_mem>>)
      %gt3A_1214 = arith.constant 0 : i32
      %gt3A_1215 = arith.cmpi sgt, %scan3A_1172, %gt3A_1214 : i32
      %convert_element_type3A_1216 = arith.extui %gt3A_1215 : i1 to i32
      %cond3A_1217 = arith.constant 0 : i32
      %cond3A_1218 = arith.cmpi ne, %convert_element_type3A_1216, %cond3A_1217 : i32
      scf.if %cond3A_1218 {
        %dma_wait3A_1716 = arith.constant 2 : i32
        %dma_wait3A_1717 = arith.constant 2 : i32
        %dma_wait3A_1718 = arith.constant 0 : i32
        %dma_wait3A_1719 = arith.constant 0 : i32
        %dma_wait3A_1720 = tpu.memref_slice %arg17[%dma_wait3A_1716, %dma_wait3A_1718, %dma_wait3A_1719] : memref<10x40x128xf32, #tpu.memory_space<vmem>> -> memref<1x40x128xf32, #tpu.memory_space<vmem>>
        %dma_wait3A_1721 = tpu.memref_squeeze %dma_wait3A_1720 : memref<1x40x128xf32, #tpu.memory_space<vmem>> -> memref<40x128xf32, #tpu.memory_space<vmem>>
        %dma_wait3A_1722 = arith.constant 0 : i32
        %dma_wait3A_1723 = arith.constant 0 : i32
        %dma_wait3A_1724 = tpu.memref_slice %arg8[%dma_wait3A_1722, %dma_wait3A_1723] : memref<320000x128xf32, #tpu.memory_space<hbm>> -> memref<40x128xf32, #tpu.memory_space<hbm>>
        %dma_wait3A_1725 = tpu.memref_slice %arg21[%dma_wait3A_1717] : memref<10x!tpu.dma_semaphore, #tpu.memory_space<semaphore_mem>> -> memref<1x!tpu.dma_semaphore, #tpu.memory_space<semaphore_mem>>
        %dma_wait3A_1726 = tpu.memref_squeeze %dma_wait3A_1725 : memref<1x!tpu.dma_semaphore, #tpu.memory_space<semaphore_mem>> -> memref<!tpu.dma_semaphore, #tpu.memory_space<semaphore_mem>>
        %dma_wait3A_1727 = arith.constant 0 : i32
        %dma_wait3A_1728 = arith.constant 0 : i32
        %dma_wait3A_1729 = tpu.memref_slice %arg8[%dma_wait3A_1727, %dma_wait3A_1728] : memref<320000x128xf32, #tpu.memory_space<hbm>> -> memref<40x128xf32, #tpu.memory_space<hbm>>
        %dma_wait3A_1730 = arith.constant 0 : i32
        %dma_wait3A_1731 = arith.constant 0 : i32
        %dma_wait3A_1732 = tpu.memref_slice %arg17[%dma_wait3A_1716, %dma_wait3A_1730, %dma_wait3A_1731] : memref<10x40x128xf32, #tpu.memory_space<vmem>> -> memref<1x40x128xf32, #tpu.memory_space<vmem>>
        %dma_wait3A_1733 = tpu.memref_squeeze %dma_wait3A_1732 : memref<1x40x128xf32, #tpu.memory_space<vmem>> -> memref<40x128xf32, #tpu.memory_space<vmem>>
        tpu.wait_dma2 semaphore(%dma_wait3A_1726 : memref<!tpu.dma_semaphore, #tpu.memory_space<semaphore_mem>>) src(%dma_wait3A_1733 : memref<40x128xf32, #tpu.memory_space<vmem>>) dst(%dma_wait3A_1729 : memref<40x128xf32, #tpu.memory_space<hbm>>)
      } else {
      }
      %add3A_1219 = arith.constant 2 : i32
      %add3A_1220 = arith.addi %mul3A_1174, %add3A_1219 : i32
      %mul3A_1221 = arith.constant 40 : i32
      %mul3A_1222 = arith.muli %add3A_1220, %mul3A_1221 : i32
      %dma_start3A_1223 = arith.constant 2 : i32
      %dma_start3A_1224 = arith.constant 2 : i32
      %dma_start3A_1225 = arith.constant 0 : i32
      %dma_start3A_1226 = arith.constant 0 : i32
      %dma_start3A_1227 = tpu.memref_slice %arg17[%dma_start3A_1223, %dma_start3A_1225, %dma_start3A_1226] : memref<10x40x128xf32, #tpu.memory_space<vmem>> -> memref<1x40x128xf32, #tpu.memory_space<vmem>>
      %dma_start3A_1228 = tpu.memref_squeeze %dma_start3A_1227 : memref<1x40x128xf32, #tpu.memory_space<vmem>> -> memref<40x128xf32, #tpu.memory_space<vmem>>
      %dma_start3A_1229 = tpu.memref_slice %arg16[%mul3A_1222] : memref<10000xi32, #tpu.memory_space<vmem>> -> memref<40xi32, #tpu.memory_space<vmem>>
      %dma_start3A_1230 = arith.constant 0 : i32
      %dma_start3A_1231 = arith.constant 0 : i32
      %dma_start3A_1232 = tpu.memref_slice %arg18[%dma_start3A_1230, %dma_start3A_1231] : memref<128x128xf32, #tpu.memory_space<vmem_shared>> -> memref<128x128xf32, #tpu.memory_space<vmem_shared>>
      %dma_start3A_1233 = tpu.memref_slice %arg20[%dma_start3A_1224] : memref<10x!tpu.dma_semaphore, #tpu.memory_space<semaphore_mem>> -> memref<1x!tpu.dma_semaphore, #tpu.memory_space<semaphore_mem>>
      %dma_start3A_1234 = tpu.memref_squeeze %dma_start3A_1233 : memref<1x!tpu.dma_semaphore, #tpu.memory_space<semaphore_mem>> -> memref<!tpu.dma_semaphore, #tpu.memory_space<semaphore_mem>>
      tpu.enqueue_indirect_dma source(%dma_start3A_1232 : memref<128x128xf32, #tpu.memory_space<vmem_shared>>) target(%dma_start3A_1228 : memref<40x128xf32, #tpu.memory_space<vmem>>) offsets(%dma_start3A_1229 : memref<40xi32, #tpu.memory_space<vmem>>) semaphore(%dma_start3A_1234 : memref<!tpu.dma_semaphore, #tpu.memory_space<semaphore_mem>>)
      %gt3A_1235 = arith.constant 0 : i32
      %gt3A_1236 = arith.cmpi sgt, %scan3A_1172, %gt3A_1235 : i32
      %convert_element_type3A_1237 = arith.extui %gt3A_1236 : i1 to i32
      %cond3A_1238 = arith.constant 0 : i32
      %cond3A_1239 = arith.cmpi ne, %convert_element_type3A_1237, %cond3A_1238 : i32
      scf.if %cond3A_1239 {
        %dma_wait3A_1716 = arith.constant 3 : i32
        %dma_wait3A_1717 = arith.constant 3 : i32
        %dma_wait3A_1718 = arith.constant 0 : i32
        %dma_wait3A_1719 = arith.constant 0 : i32
        %dma_wait3A_1720 = tpu.memref_slice %arg17[%dma_wait3A_1716, %dma_wait3A_1718, %dma_wait3A_1719] : memref<10x40x128xf32, #tpu.memory_space<vmem>> -> memref<1x40x128xf32, #tpu.memory_space<vmem>>
        %dma_wait3A_1721 = tpu.memref_squeeze %dma_wait3A_1720 : memref<1x40x128xf32, #tpu.memory_space<vmem>> -> memref<40x128xf32, #tpu.memory_space<vmem>>
        %dma_wait3A_1722 = arith.constant 0 : i32
        %dma_wait3A_1723 = arith.constant 0 : i32
        %dma_wait3A_1724 = tpu.memref_slice %arg8[%dma_wait3A_1722, %dma_wait3A_1723] : memref<320000x128xf32, #tpu.memory_space<hbm>> -> memref<40x128xf32, #tpu.memory_space<hbm>>
        %dma_wait3A_1725 = tpu.memref_slice %arg21[%dma_wait3A_1717] : memref<10x!tpu.dma_semaphore, #tpu.memory_space<semaphore_mem>> -> memref<1x!tpu.dma_semaphore, #tpu.memory_space<semaphore_mem>>
        %dma_wait3A_1726 = tpu.memref_squeeze %dma_wait3A_1725 : memref<1x!tpu.dma_semaphore, #tpu.memory_space<semaphore_mem>> -> memref<!tpu.dma_semaphore, #tpu.memory_space<semaphore_mem>>
        %dma_wait3A_1727 = arith.constant 0 : i32
        %dma_wait3A_1728 = arith.constant 0 : i32
        %dma_wait3A_1729 = tpu.memref_slice %arg8[%dma_wait3A_1727, %dma_wait3A_1728] : memref<320000x128xf32, #tpu.memory_space<hbm>> -> memref<40x128xf32, #tpu.memory_space<hbm>>
        %dma_wait3A_1730 = arith.constant 0 : i32
        %dma_wait3A_1731 = arith.constant 0 : i32
        %dma_wait3A_1732 = tpu.memref_slice %arg17[%dma_wait3A_1716, %dma_wait3A_1730, %dma_wait3A_1731] : memref<10x40x128xf32, #tpu.memory_space<vmem>> -> memref<1x40x128xf32, #tpu.memory_space<vmem>>
        %dma_wait3A_1733 = tpu.memref_squeeze %dma_wait3A_1732 : memref<1x40x128xf32, #tpu.memory_space<vmem>> -> memref<40x128xf32, #tpu.memory_space<vmem>>
        tpu.wait_dma2 semaphore(%dma_wait3A_1726 : memref<!tpu.dma_semaphore, #tpu.memory_space<semaphore_mem>>) src(%dma_wait3A_1733 : memref<40x128xf32, #tpu.memory_space<vmem>>) dst(%dma_wait3A_1729 : memref<40x128xf32, #tpu.memory_space<hbm>>)
      } else {
      }
      %add3A_1240 = arith.constant 3 : i32
      %add3A_1241 = arith.addi %mul3A_1174, %add3A_1240 : i32
      %mul3A_1242 = arith.constant 40 : i32
      %mul3A_1243 = arith.muli %add3A_1241, %mul3A_1242 : i32
      %dma_start3A_1244 = arith.constant 3 : i32
      %dma_start3A_1245 = arith.constant 3 : i32
      %dma_start3A_1246 = arith.constant 0 : i32
      %dma_start3A_1247 = arith.constant 0 : i32
      %dma_start3A_1248 = tpu.memref_slice %arg17[%dma_start3A_1244, %dma_start3A_1246, %dma_start3A_1247] : memref<10x40x128xf32, #tpu.memory_space<vmem>> -> memref<1x40x128xf32, #tpu.memory_space<vmem>>
      %dma_start3A_1249 = tpu.memref_squeeze %dma_start3A_1248 : memref<1x40x128xf32, #tpu.memory_space<vmem>> -> memref<40x128xf32, #tpu.memory_space<vmem>>
      %dma_start3A_1250 = tpu.memref_slice %arg16[%mul3A_1243] : memref<10000xi32, #tpu.memory_space<vmem>> -> memref<40xi32, #tpu.memory_space<vmem>>
      %dma_start3A_1251 = arith.constant 0 : i32
      %dma_start3A_1252 = arith.constant 0 : i32
      %dma_start3A_1253 = tpu.memref_slice %arg18[%dma_start3A_1251, %dma_start3A_1252] : memref<128x128xf32, #tpu.memory_space<vmem_shared>> -> memref<128x128xf32, #tpu.memory_space<vmem_shared>>
      %dma_start3A_1254 = tpu.memref_slice %arg20[%dma_start3A_1245] : memref<10x!tpu.dma_semaphore, #tpu.memory_space<semaphore_mem>> -> memref<1x!tpu.dma_semaphore, #tpu.memory_space<semaphore_mem>>
      %dma_start3A_1255 = tpu.memref_squeeze %dma_start3A_1254 : memref<1x!tpu.dma_semaphore, #tpu.memory_space<semaphore_mem>> -> memref<!tpu.dma_semaphore, #tpu.memory_space<semaphore_mem>>
      tpu.enqueue_indirect_dma source(%dma_start3A_1253 : memref<128x128xf32, #tpu.memory_space<vmem_shared>>) target(%dma_start3A_1249 : memref<40x128xf32, #tpu.memory_space<vmem>>) offsets(%dma_start3A_1250 : memref<40xi32, #tpu.memory_space<vmem>>) semaphore(%dma_start3A_1255 : memref<!tpu.dma_semaphore, #tpu.memory_space<semaphore_mem>>)
      %gt3A_1256 = arith.constant 0 : i32
      %gt3A_1257 = arith.cmpi sgt, %scan3A_1172, %gt3A_1256 : i32
      %convert_element_type3A_1258 = arith.extui %gt3A_1257 : i1 to i32
      %cond3A_1259 = arith.constant 0 : i32
      %cond3A_1260 = arith.cmpi ne, %convert_element_type3A_1258, %cond3A_1259 : i32
      scf.if %cond3A_1260 {
        %dma_wait3A_1716 = arith.constant 4 : i32
        %dma_wait3A_1717 = arith.constant 4 : i32
        %dma_wait3A_1718 = arith.constant 0 : i32
        %dma_wait3A_1719 = arith.constant 0 : i32
        %dma_wait3A_1720 = tpu.memref_slice %arg17[%dma_wait3A_1716, %dma_wait3A_1718, %dma_wait3A_1719] : memref<10x40x128xf32, #tpu.memory_space<vmem>> -> memref<1x40x128xf32, #tpu.memory_space<vmem>>
        %dma_wait3A_1721 = tpu.memref_squeeze %dma_wait3A_1720 : memref<1x40x128xf32, #tpu.memory_space<vmem>> -> memref<40x128xf32, #tpu.memory_space<vmem>>
        %dma_wait3A_1722 = arith.constant 0 : i32
        %dma_wait3A_1723 = arith.constant 0 : i32
        %dma_wait3A_1724 = tpu.memref_slice %arg8[%dma_wait3A_1722, %dma_wait3A_1723] : memref<320000x128xf32, #tpu.memory_space<hbm>> -> memref<40x128xf32, #tpu.memory_space<hbm>>
        %dma_wait3A_1725 = tpu.memref_slice %arg21[%dma_wait3A_1717] : memref<10x!tpu.dma_semaphore, #tpu.memory_space<semaphore_mem>> -> memref<1x!tpu.dma_semaphore, #tpu.memory_space<semaphore_mem>>
        %dma_wait3A_1726 = tpu.memref_squeeze %dma_wait3A_1725 : memref<1x!tpu.dma_semaphore, #tpu.memory_space<semaphore_mem>> -> memref<!tpu.dma_semaphore, #tpu.memory_space<semaphore_mem>>
        %dma_wait3A_1727 = arith.constant 0 : i32
        %dma_wait3A_1728 = arith.constant 0 : i32
        %dma_wait3A_1729 = tpu.memref_slice %arg8[%dma_wait3A_1727, %dma_wait3A_1728] : memref<320000x128xf32, #tpu.memory_space<hbm>> -> memref<40x128xf32, #tpu.memory_space<hbm>>
        %dma_wait3A_1730 = arith.constant 0 : i32
        %dma_wait3A_1731 = arith.constant 0 : i32
        %dma_wait3A_1732 = tpu.memref_slice %arg17[%dma_wait3A_1716, %dma_wait3A_1730, %dma_wait3A_1731] : memref<10x40x128xf32, #tpu.memory_space<vmem>> -> memref<1x40x128xf32, #tpu.memory_space<vmem>>
        %dma_wait3A_1733 = tpu.memref_squeeze %dma_wait3A_1732 : memref<1x40x128xf32, #tpu.memory_space<vmem>> -> memref<40x128xf32, #tpu.memory_space<vmem>>
        tpu.wait_dma2 semaphore(%dma_wait3A_1726 : memref<!tpu.dma_semaphore, #tpu.memory_space<semaphore_mem>>) src(%dma_wait3A_1733 : memref<40x128xf32, #tpu.memory_space<vmem>>) dst(%dma_wait3A_1729 : memref<40x128xf32, #tpu.memory_space<hbm>>)
      } else {
      }
      %add3A_1261 = arith.constant 4 : i32
      %add3A_1262 = arith.addi %mul3A_1174, %add3A_1261 : i32
      %mul3A_1263 = arith.constant 40 : i32
      %mul3A_1264 = arith.muli %add3A_1262, %mul3A_1263 : i32
      %dma_start3A_1265 = arith.constant 4 : i32
      %dma_start3A_1266 = arith.constant 4 : i32
      %dma_start3A_1267 = arith.constant 0 : i32
      %dma_start3A_1268 = arith.constant 0 : i32
      %dma_start3A_1269 = tpu.memref_slice %arg17[%dma_start3A_1265, %dma_start3A_1267, %dma_start3A_1268] : memref<10x40x128xf32, #tpu.memory_space<vmem>> -> memref<1x40x128xf32, #tpu.memory_space<vmem>>
      %dma_start3A_1270 = tpu.memref_squeeze %dma_start3A_1269 : memref<1x40x128xf32, #tpu.memory_space<vmem>> -> memref<40x128xf32, #tpu.memory_space<vmem>>
      %dma_start3A_1271 = tpu.memref_slice %arg16[%mul3A_1264] : memref<10000xi32, #tpu.memory_space<vmem>> -> memref<40xi32, #tpu.memory_space<vmem>>
      %dma_start3A_1272 = arith.constant 0 : i32
      %dma_start3A_1273 = arith.constant 0 : i32
      %dma_start3A_1274 = tpu.memref_slice %arg18[%dma_start3A_1272, %dma_start3A_1273] : memref<128x128xf32, #tpu.memory_space<vmem_shared>> -> memref<128x128xf32, #tpu.memory_space<vmem_shared>>
      %dma_start3A_1275 = tpu.memref_slice %arg20[%dma_start3A_1266] : memref<10x!tpu.dma_semaphore, #tpu.memory_space<semaphore_mem>> -> memref<1x!tpu.dma_semaphore, #tpu.memory_space<semaphore_mem>>
      %dma_start3A_1276 = tpu.memref_squeeze %dma_start3A_1275 : memref<1x!tpu.dma_semaphore, #tpu.memory_space<semaphore_mem>> -> memref<!tpu.dma_semaphore, #tpu.memory_space<semaphore_mem>>
      tpu.enqueue_indirect_dma source(%dma_start3A_1274 : memref<128x128xf32, #tpu.memory_space<vmem_shared>>) target(%dma_start3A_1270 : memref<40x128xf32, #tpu.memory_space<vmem>>) offsets(%dma_start3A_1271 : memref<40xi32, #tpu.memory_space<vmem>>) semaphore(%dma_start3A_1276 : memref<!tpu.dma_semaphore, #tpu.memory_space<semaphore_mem>>)
      %gt3A_1277 = arith.constant 0 : i32
      %gt3A_1278 = arith.cmpi sgt, %scan3A_1172, %gt3A_1277 : i32
      %convert_element_type3A_1279 = arith.extui %gt3A_1278 : i1 to i32
      %cond3A_1280 = arith.constant 0 : i32
      %cond3A_1281 = arith.cmpi ne, %convert_element_type3A_1279, %cond3A_1280 : i32
      scf.if %cond3A_1281 {
        %dma_wait3A_1716 = arith.constant 5 : i32
        %dma_wait3A_1717 = arith.constant 5 : i32
        %dma_wait3A_1718 = arith.constant 0 : i32
        %dma_wait3A_1719 = arith.constant 0 : i32
        %dma_wait3A_1720 = tpu.memref_slice %arg17[%dma_wait3A_1716, %dma_wait3A_1718, %dma_wait3A_1719] : memref<10x40x128xf32, #tpu.memory_space<vmem>> -> memref<1x40x128xf32, #tpu.memory_space<vmem>>
        %dma_wait3A_1721 = tpu.memref_squeeze %dma_wait3A_1720 : memref<1x40x128xf32, #tpu.memory_space<vmem>> -> memref<40x128xf32, #tpu.memory_space<vmem>>
        %dma_wait3A_1722 = arith.constant 0 : i32
        %dma_wait3A_1723 = arith.constant 0 : i32
        %dma_wait3A_1724 = tpu.memref_slice %arg8[%dma_wait3A_1722, %dma_wait3A_1723] : memref<320000x128xf32, #tpu.memory_space<hbm>> -> memref<40x128xf32, #tpu.memory_space<hbm>>
        %dma_wait3A_1725 = tpu.memref_slice %arg21[%dma_wait3A_1717] : memref<10x!tpu.dma_semaphore, #tpu.memory_space<semaphore_mem>> -> memref<1x!tpu.dma_semaphore, #tpu.memory_space<semaphore_mem>>
        %dma_wait3A_1726 = tpu.memref_squeeze %dma_wait3A_1725 : memref<1x!tpu.dma_semaphore, #tpu.memory_space<semaphore_mem>> -> memref<!tpu.dma_semaphore, #tpu.memory_space<semaphore_mem>>
        %dma_wait3A_1727 = arith.constant 0 : i32
        %dma_wait3A_1728 = arith.constant 0 : i32
        %dma_wait3A_1729 = tpu.memref_slice %arg8[%dma_wait3A_1727, %dma_wait3A_1728] : memref<320000x128xf32, #tpu.memory_space<hbm>> -> memref<40x128xf32, #tpu.memory_space<hbm>>
        %dma_wait3A_1730 = arith.constant 0 : i32
        %dma_wait3A_1731 = arith.constant 0 : i32
        %dma_wait3A_1732 = tpu.memref_slice %arg17[%dma_wait3A_1716, %dma_wait3A_1730, %dma_wait3A_1731] : memref<10x40x128xf32, #tpu.memory_space<vmem>> -> memref<1x40x128xf32, #tpu.memory_space<vmem>>
        %dma_wait3A_1733 = tpu.memref_squeeze %dma_wait3A_1732 : memref<1x40x128xf32, #tpu.memory_space<vmem>> -> memref<40x128xf32, #tpu.memory_space<vmem>>
        tpu.wait_dma2 semaphore(%dma_wait3A_1726 : memref<!tpu.dma_semaphore, #tpu.memory_space<semaphore_mem>>) src(%dma_wait3A_1733 : memref<40x128xf32, #tpu.memory_space<vmem>>) dst(%dma_wait3A_1729 : memref<40x128xf32, #tpu.memory_space<hbm>>)
      } else {
      }
      %add3A_1282 = arith.constant 5 : i32
      %add3A_1283 = arith.addi %mul3A_1174, %add3A_1282 : i32
      %mul3A_1284 = arith.constant 40 : i32
      %mul3A_1285 = arith.muli %add3A_1283, %mul3A_1284 : i32
      %dma_start3A_1286 = arith.constant 5 : i32
      %dma_start3A_1287 = arith.constant 5 : i32
      %dma_start3A_1288 = arith.constant 0 : i32
      %dma_start3A_1289 = arith.constant 0 : i32
      %dma_start3A_1290 = tpu.memref_slice %arg17[%dma_start3A_1286, %dma_start3A_1288, %dma_start3A_1289] : memref<10x40x128xf32, #tpu.memory_space<vmem>> -> memref<1x40x128xf32, #tpu.memory_space<vmem>>
      %dma_start3A_1291 = tpu.memref_squeeze %dma_start3A_1290 : memref<1x40x128xf32, #tpu.memory_space<vmem>> -> memref<40x128xf32, #tpu.memory_space<vmem>>
      %dma_start3A_1292 = tpu.memref_slice %arg16[%mul3A_1285] : memref<10000xi32, #tpu.memory_space<vmem>> -> memref<40xi32, #tpu.memory_space<vmem>>
      %dma_start3A_1293 = arith.constant 0 : i32
      %dma_start3A_1294 = arith.constant 0 : i32
      %dma_start3A_1295 = tpu.memref_slice %arg18[%dma_start3A_1293, %dma_start3A_1294] : memref<128x128xf32, #tpu.memory_space<vmem_shared>> -> memref<128x128xf32, #tpu.memory_space<vmem_shared>>
      %dma_start3A_1296 = tpu.memref_slice %arg20[%dma_start3A_1287] : memref<10x!tpu.dma_semaphore, #tpu.memory_space<semaphore_mem>> -> memref<1x!tpu.dma_semaphore, #tpu.memory_space<semaphore_mem>>
      %dma_start3A_1297 = tpu.memref_squeeze %dma_start3A_1296 : memref<1x!tpu.dma_semaphore, #tpu.memory_space<semaphore_mem>> -> memref<!tpu.dma_semaphore, #tpu.memory_space<semaphore_mem>>
      tpu.enqueue_indirect_dma source(%dma_start3A_1295 : memref<128x128xf32, #tpu.memory_space<vmem_shared>>) target(%dma_start3A_1291 : memref<40x128xf32, #tpu.memory_space<vmem>>) offsets(%dma_start3A_1292 : memref<40xi32, #tpu.memory_space<vmem>>) semaphore(%dma_start3A_1297 : memref<!tpu.dma_semaphore, #tpu.memory_space<semaphore_mem>>)
      %gt3A_1298 = arith.constant 0 : i32
      %gt3A_1299 = arith.cmpi sgt, %scan3A_1172, %gt3A_1298 : i32
      %convert_element_type3A_1300 = arith.extui %gt3A_1299 : i1 to i32
      %cond3A_1301 = arith.constant 0 : i32
      %cond3A_1302 = arith.cmpi ne, %convert_element_type3A_1300, %cond3A_1301 : i32
      scf.if %cond3A_1302 {
        %dma_wait3A_1716 = arith.constant 6 : i32
        %dma_wait3A_1717 = arith.constant 6 : i32
        %dma_wait3A_1718 = arith.constant 0 : i32
        %dma_wait3A_1719 = arith.constant 0 : i32
        %dma_wait3A_1720 = tpu.memref_slice %arg17[%dma_wait3A_1716, %dma_wait3A_1718, %dma_wait3A_1719] : memref<10x40x128xf32, #tpu.memory_space<vmem>> -> memref<1x40x128xf32, #tpu.memory_space<vmem>>
        %dma_wait3A_1721 = tpu.memref_squeeze %dma_wait3A_1720 : memref<1x40x128xf32, #tpu.memory_space<vmem>> -> memref<40x128xf32, #tpu.memory_space<vmem>>
        %dma_wait3A_1722 = arith.constant 0 : i32
        %dma_wait3A_1723 = arith.constant 0 : i32
        %dma_wait3A_1724 = tpu.memref_slice %arg8[%dma_wait3A_1722, %dma_wait3A_1723] : memref<320000x128xf32, #tpu.memory_space<hbm>> -> memref<40x128xf32, #tpu.memory_space<hbm>>
        %dma_wait3A_1725 = tpu.memref_slice %arg21[%dma_wait3A_1717] : memref<10x!tpu.dma_semaphore, #tpu.memory_space<semaphore_mem>> -> memref<1x!tpu.dma_semaphore, #tpu.memory_space<semaphore_mem>>
        %dma_wait3A_1726 = tpu.memref_squeeze %dma_wait3A_1725 : memref<1x!tpu.dma_semaphore, #tpu.memory_space<semaphore_mem>> -> memref<!tpu.dma_semaphore, #tpu.memory_space<semaphore_mem>>
        %dma_wait3A_1727 = arith.constant 0 : i32
        %dma_wait3A_1728 = arith.constant 0 : i32
        %dma_wait3A_1729 = tpu.memref_slice %arg8[%dma_wait3A_1727, %dma_wait3A_1728] : memref<320000x128xf32, #tpu.memory_space<hbm>> -> memref<40x128xf32, #tpu.memory_space<hbm>>
        %dma_wait3A_1730 = arith.constant 0 : i32
        %dma_wait3A_1731 = arith.constant 0 : i32
        %dma_wait3A_1732 = tpu.memref_slice %arg17[%dma_wait3A_1716, %dma_wait3A_1730, %dma_wait3A_1731] : memref<10x40x128xf32, #tpu.memory_space<vmem>> -> memref<1x40x128xf32, #tpu.memory_space<vmem>>
        %dma_wait3A_1733 = tpu.memref_squeeze %dma_wait3A_1732 : memref<1x40x128xf32, #tpu.memory_space<vmem>> -> memref<40x128xf32, #tpu.memory_space<vmem>>
        tpu.wait_dma2 semaphore(%dma_wait3A_1726 : memref<!tpu.dma_semaphore, #tpu.memory_space<semaphore_mem>>) src(%dma_wait3A_1733 : memref<40x128xf32, #tpu.memory_space<vmem>>) dst(%dma_wait3A_1729 : memref<40x128xf32, #tpu.memory_space<hbm>>)
      } else {
      }
      %add3A_1303 = arith.constant 6 : i32
      %add3A_1304 = arith.addi %mul3A_1174, %add3A_1303 : i32
      %mul3A_1305 = arith.constant 40 : i32
      %mul3A_1306 = arith.muli %add3A_1304, %mul3A_1305 : i32
      %dma_start3A_1307 = arith.constant 6 : i32
      %dma_start3A_1308 = arith.constant 6 : i32
      %dma_start3A_1309 = arith.constant 0 : i32
      %dma_start3A_1310 = arith.constant 0 : i32
      %dma_start3A_1311 = tpu.memref_slice %arg17[%dma_start3A_1307, %dma_start3A_1309, %dma_start3A_1310] : memref<10x40x128xf32, #tpu.memory_space<vmem>> -> memref<1x40x128xf32, #tpu.memory_space<vmem>>
      %dma_start3A_1312 = tpu.memref_squeeze %dma_start3A_1311 : memref<1x40x128xf32, #tpu.memory_space<vmem>> -> memref<40x128xf32, #tpu.memory_space<vmem>>
      %dma_start3A_1313 = tpu.memref_slice %arg16[%mul3A_1306] : memref<10000xi32, #tpu.memory_space<vmem>> -> memref<40xi32, #tpu.memory_space<vmem>>
      %dma_start3A_1314 = arith.constant 0 : i32
      %dma_start3A_1315 = arith.constant 0 : i32
      %dma_start3A_1316 = tpu.memref_slice %arg18[%dma_start3A_1314, %dma_start3A_1315] : memref<128x128xf32, #tpu.memory_space<vmem_shared>> -> memref<128x128xf32, #tpu.memory_space<vmem_shared>>
      %dma_start3A_1317 = tpu.memref_slice %arg20[%dma_start3A_1308] : memref<10x!tpu.dma_semaphore, #tpu.memory_space<semaphore_mem>> -> memref<1x!tpu.dma_semaphore, #tpu.memory_space<semaphore_mem>>
      %dma_start3A_1318 = tpu.memref_squeeze %dma_start3A_1317 : memref<1x!tpu.dma_semaphore, #tpu.memory_space<semaphore_mem>> -> memref<!tpu.dma_semaphore, #tpu.memory_space<semaphore_mem>>
      tpu.enqueue_indirect_dma source(%dma_start3A_1316 : memref<128x128xf32, #tpu.memory_space<vmem_shared>>) target(%dma_start3A_1312 : memref<40x128xf32, #tpu.memory_space<vmem>>) offsets(%dma_start3A_1313 : memref<40xi32, #tpu.memory_space<vmem>>) semaphore(%dma_start3A_1318 : memref<!tpu.dma_semaphore, #tpu.memory_space<semaphore_mem>>)
      %gt3A_1319 = arith.constant 0 : i32
      %gt3A_1320 = arith.cmpi sgt, %scan3A_1172, %gt3A_1319 : i32
      %convert_element_type3A_1321 = arith.extui %gt3A_1320 : i1 to i32
      %cond3A_1322 = arith.constant 0 : i32
      %cond3A_1323 = arith.cmpi ne, %convert_element_type3A_1321, %cond3A_1322 : i32
      scf.if %cond3A_1323 {
        %dma_wait3A_1716 = arith.constant 7 : i32
        %dma_wait3A_1717 = arith.constant 7 : i32
        %dma_wait3A_1718 = arith.constant 0 : i32
        %dma_wait3A_1719 = arith.constant 0 : i32
        %dma_wait3A_1720 = tpu.memref_slice %arg17[%dma_wait3A_1716, %dma_wait3A_1718, %dma_wait3A_1719] : memref<10x40x128xf32, #tpu.memory_space<vmem>> -> memref<1x40x128xf32, #tpu.memory_space<vmem>>
        %dma_wait3A_1721 = tpu.memref_squeeze %dma_wait3A_1720 : memref<1x40x128xf32, #tpu.memory_space<vmem>> -> memref<40x128xf32, #tpu.memory_space<vmem>>
        %dma_wait3A_1722 = arith.constant 0 : i32
        %dma_wait3A_1723 = arith.constant 0 : i32
        %dma_wait3A_1724 = tpu.memref_slice %arg8[%dma_wait3A_1722, %dma_wait3A_1723] : memref<320000x128xf32, #tpu.memory_space<hbm>> -> memref<40x128xf32, #tpu.memory_space<hbm>>
        %dma_wait3A_1725 = tpu.memref_slice %arg21[%dma_wait3A_1717] : memref<10x!tpu.dma_semaphore, #tpu.memory_space<semaphore_mem>> -> memref<1x!tpu.dma_semaphore, #tpu.memory_space<semaphore_mem>>
        %dma_wait3A_1726 = tpu.memref_squeeze %dma_wait3A_1725 : memref<1x!tpu.dma_semaphore, #tpu.memory_space<semaphore_mem>> -> memref<!tpu.dma_semaphore, #tpu.memory_space<semaphore_mem>>
        %dma_wait3A_1727 = arith.constant 0 : i32
        %dma_wait3A_1728 = arith.constant 0 : i32
        %dma_wait3A_1729 = tpu.memref_slice %arg8[%dma_wait3A_1727, %dma_wait3A_1728] : memref<320000x128xf32, #tpu.memory_space<hbm>> -> memref<40x128xf32, #tpu.memory_space<hbm>>
        %dma_wait3A_1730 = arith.constant 0 : i32
        %dma_wait3A_1731 = arith.constant 0 : i32
        %dma_wait3A_1732 = tpu.memref_slice %arg17[%dma_wait3A_1716, %dma_wait3A_1730, %dma_wait3A_1731] : memref<10x40x128xf32, #tpu.memory_space<vmem>> -> memref<1x40x128xf32, #tpu.memory_space<vmem>>
        %dma_wait3A_1733 = tpu.memref_squeeze %dma_wait3A_1732 : memref<1x40x128xf32, #tpu.memory_space<vmem>> -> memref<40x128xf32, #tpu.memory_space<vmem>>
        tpu.wait_dma2 semaphore(%dma_wait3A_1726 : memref<!tpu.dma_semaphore, #tpu.memory_space<semaphore_mem>>) src(%dma_wait3A_1733 : memref<40x128xf32, #tpu.memory_space<vmem>>) dst(%dma_wait3A_1729 : memref<40x128xf32, #tpu.memory_space<hbm>>)
      } else {
      }
      %add3A_1324 = arith.constant 7 : i32
      %add3A_1325 = arith.addi %mul3A_1174, %add3A_1324 : i32
      %mul3A_1326 = arith.constant 40 : i32
      %mul3A_1327 = arith.muli %add3A_1325, %mul3A_1326 : i32
      %dma_start3A_1328 = arith.constant 7 : i32
      %dma_start3A_1329 = arith.constant 7 : i32
      %dma_start3A_1330 = arith.constant 0 : i32
      %dma_start3A_1331 = arith.constant 0 : i32
      %dma_start3A_1332 = tpu.memref_slice %arg17[%dma_start3A_1328, %dma_start3A_1330, %dma_start3A_1331] : memref<10x40x128xf32, #tpu.memory_space<vmem>> -> memref<1x40x128xf32, #tpu.memory_space<vmem>>
      %dma_start3A_1333 = tpu.memref_squeeze %dma_start3A_1332 : memref<1x40x128xf32, #tpu.memory_space<vmem>> -> memref<40x128xf32, #tpu.memory_space<vmem>>
      %dma_start3A_1334 = tpu.memref_slice %arg16[%mul3A_1327] : memref<10000xi32, #tpu.memory_space<vmem>> -> memref<40xi32, #tpu.memory_space<vmem>>
      %dma_start3A_1335 = arith.constant 0 : i32
      %dma_start3A_1336 = arith.constant 0 : i32
      %dma_start3A_1337 = tpu.memref_slice %arg18[%dma_start3A_1335, %dma_start3A_1336] : memref<128x128xf32, #tpu.memory_space<vmem_shared>> -> memref<128x128xf32, #tpu.memory_space<vmem_shared>>
      %dma_start3A_1338 = tpu.memref_slice %arg20[%dma_start3A_1329] : memref<10x!tpu.dma_semaphore, #tpu.memory_space<semaphore_mem>> -> memref<1x!tpu.dma_semaphore, #tpu.memory_space<semaphore_mem>>
      %dma_start3A_1339 = tpu.memref_squeeze %dma_start3A_1338 : memref<1x!tpu.dma_semaphore, #tpu.memory_space<semaphore_mem>> -> memref<!tpu.dma_semaphore, #tpu.memory_space<semaphore_mem>>
      tpu.enqueue_indirect_dma source(%dma_start3A_1337 : memref<128x128xf32, #tpu.memory_space<vmem_shared>>) target(%dma_start3A_1333 : memref<40x128xf32, #tpu.memory_space<vmem>>) offsets(%dma_start3A_1334 : memref<40xi32, #tpu.memory_space<vmem>>) semaphore(%dma_start3A_1339 : memref<!tpu.dma_semaphore, #tpu.memory_space<semaphore_mem>>)
      %gt3A_1340 = arith.constant 0 : i32
      %gt3A_1341 = arith.cmpi sgt, %scan3A_1172, %gt3A_1340 : i32
      %convert_element_type3A_1342 = arith.extui %gt3A_1341 : i1 to i32
      %cond3A_1343 = arith.constant 0 : i32
      %cond3A_1344 = arith.cmpi ne, %convert_element_type3A_1342, %cond3A_1343 : i32
      scf.if %cond3A_1344 {
        %dma_wait3A_1716 = arith.constant 8 : i32
        %dma_wait3A_1717 = arith.constant 8 : i32
        %dma_wait3A_1718 = arith.constant 0 : i32
        %dma_wait3A_1719 = arith.constant 0 : i32
        %dma_wait3A_1720 = tpu.memref_slice %arg17[%dma_wait3A_1716, %dma_wait3A_1718, %dma_wait3A_1719] : memref<10x40x128xf32, #tpu.memory_space<vmem>> -> memref<1x40x128xf32, #tpu.memory_space<vmem>>
        %dma_wait3A_1721 = tpu.memref_squeeze %dma_wait3A_1720 : memref<1x40x128xf32, #tpu.memory_space<vmem>> -> memref<40x128xf32, #tpu.memory_space<vmem>>
        %dma_wait3A_1722 = arith.constant 0 : i32
        %dma_wait3A_1723 = arith.constant 0 : i32
        %dma_wait3A_1724 = tpu.memref_slice %arg8[%dma_wait3A_1722, %dma_wait3A_1723] : memref<320000x128xf32, #tpu.memory_space<hbm>> -> memref<40x128xf32, #tpu.memory_space<hbm>>
        %dma_wait3A_1725 = tpu.memref_slice %arg21[%dma_wait3A_1717] : memref<10x!tpu.dma_semaphore, #tpu.memory_space<semaphore_mem>> -> memref<1x!tpu.dma_semaphore, #tpu.memory_space<semaphore_mem>>
        %dma_wait3A_1726 = tpu.memref_squeeze %dma_wait3A_1725 : memref<1x!tpu.dma_semaphore, #tpu.memory_space<semaphore_mem>> -> memref<!tpu.dma_semaphore, #tpu.memory_space<semaphore_mem>>
        %dma_wait3A_1727 = arith.constant 0 : i32
        %dma_wait3A_1728 = arith.constant 0 : i32
        %dma_wait3A_1729 = tpu.memref_slice %arg8[%dma_wait3A_1727, %dma_wait3A_1728] : memref<320000x128xf32, #tpu.memory_space<hbm>> -> memref<40x128xf32, #tpu.memory_space<hbm>>
        %dma_wait3A_1730 = arith.constant 0 : i32
        %dma_wait3A_1731 = arith.constant 0 : i32
        %dma_wait3A_1732 = tpu.memref_slice %arg17[%dma_wait3A_1716, %dma_wait3A_1730, %dma_wait3A_1731] : memref<10x40x128xf32, #tpu.memory_space<vmem>> -> memref<1x40x128xf32, #tpu.memory_space<vmem>>
        %dma_wait3A_1733 = tpu.memref_squeeze %dma_wait3A_1732 : memref<1x40x128xf32, #tpu.memory_space<vmem>> -> memref<40x128xf32, #tpu.memory_space<vmem>>
        tpu.wait_dma2 semaphore(%dma_wait3A_1726 : memref<!tpu.dma_semaphore, #tpu.memory_space<semaphore_mem>>) src(%dma_wait3A_1733 : memref<40x128xf32, #tpu.memory_space<vmem>>) dst(%dma_wait3A_1729 : memref<40x128xf32, #tpu.memory_space<hbm>>)
      } else {
      }
      %add3A_1345 = arith.constant 8 : i32
      %add3A_1346 = arith.addi %mul3A_1174, %add3A_1345 : i32
      %mul3A_1347 = arith.constant 40 : i32
      %mul3A_1348 = arith.muli %add3A_1346, %mul3A_1347 : i32
      %dma_start3A_1349 = arith.constant 8 : i32
      %dma_start3A_1350 = arith.constant 8 : i32
      %dma_start3A_1351 = arith.constant 0 : i32
      %dma_start3A_1352 = arith.constant 0 : i32
      %dma_start3A_1353 = tpu.memref_slice %arg17[%dma_start3A_1349, %dma_start3A_1351, %dma_start3A_1352] : memref<10x40x128xf32, #tpu.memory_space<vmem>> -> memref<1x40x128xf32, #tpu.memory_space<vmem>>
      %dma_start3A_1354 = tpu.memref_squeeze %dma_start3A_1353 : memref<1x40x128xf32, #tpu.memory_space<vmem>> -> memref<40x128xf32, #tpu.memory_space<vmem>>
      %dma_start3A_1355 = tpu.memref_slice %arg16[%mul3A_1348] : memref<10000xi32, #tpu.memory_space<vmem>> -> memref<40xi32, #tpu.memory_space<vmem>>
      %dma_start3A_1356 = arith.constant 0 : i32
      %dma_start3A_1357 = arith.constant 0 : i32
      %dma_start3A_1358 = tpu.memref_slice %arg18[%dma_start3A_1356, %dma_start3A_1357] : memref<128x128xf32, #tpu.memory_space<vmem_shared>> -> memref<128x128xf32, #tpu.memory_space<vmem_shared>>
      %dma_start3A_1359 = tpu.memref_slice %arg20[%dma_start3A_1350] : memref<10x!tpu.dma_semaphore, #tpu.memory_space<semaphore_mem>> -> memref<1x!tpu.dma_semaphore, #tpu.memory_space<semaphore_mem>>
      %dma_start3A_1360 = tpu.memref_squeeze %dma_start3A_1359 : memref<1x!tpu.dma_semaphore, #tpu.memory_space<semaphore_mem>> -> memref<!tpu.dma_semaphore, #tpu.memory_space<semaphore_mem>>
      tpu.enqueue_indirect_dma source(%dma_start3A_1358 : memref<128x128xf32, #tpu.memory_space<vmem_shared>>) target(%dma_start3A_1354 : memref<40x128xf32, #tpu.memory_space<vmem>>) offsets(%dma_start3A_1355 : memref<40xi32, #tpu.memory_space<vmem>>) semaphore(%dma_start3A_1360 : memref<!tpu.dma_semaphore, #tpu.memory_space<semaphore_mem>>)
      %gt3A_1361 = arith.constant 0 : i32
      %gt3A_1362 = arith.cmpi sgt, %scan3A_1172, %gt3A_1361 : i32
      %convert_element_type3A_1363 = arith.extui %gt3A_1362 : i1 to i32
      %cond3A_1364 = arith.constant 0 : i32
      %cond3A_1365 = arith.cmpi ne, %convert_element_type3A_1363, %cond3A_1364 : i32
      scf.if %cond3A_1365 {
        %dma_wait3A_1716 = arith.constant 9 : i32
        %dma_wait3A_1717 = arith.constant 9 : i32
        %dma_wait3A_1718 = arith.constant 0 : i32
        %dma_wait3A_1719 = arith.constant 0 : i32
        %dma_wait3A_1720 = tpu.memref_slice %arg17[%dma_wait3A_1716, %dma_wait3A_1718, %dma_wait3A_1719] : memref<10x40x128xf32, #tpu.memory_space<vmem>> -> memref<1x40x128xf32, #tpu.memory_space<vmem>>
        %dma_wait3A_1721 = tpu.memref_squeeze %dma_wait3A_1720 : memref<1x40x128xf32, #tpu.memory_space<vmem>> -> memref<40x128xf32, #tpu.memory_space<vmem>>
        %dma_wait3A_1722 = arith.constant 0 : i32
        %dma_wait3A_1723 = arith.constant 0 : i32
        %dma_wait3A_1724 = tpu.memref_slice %arg8[%dma_wait3A_1722, %dma_wait3A_1723] : memref<320000x128xf32, #tpu.memory_space<hbm>> -> memref<40x128xf32, #tpu.memory_space<hbm>>
        %dma_wait3A_1725 = tpu.memref_slice %arg21[%dma_wait3A_1717] : memref<10x!tpu.dma_semaphore, #tpu.memory_space<semaphore_mem>> -> memref<1x!tpu.dma_semaphore, #tpu.memory_space<semaphore_mem>>
        %dma_wait3A_1726 = tpu.memref_squeeze %dma_wait3A_1725 : memref<1x!tpu.dma_semaphore, #tpu.memory_space<semaphore_mem>> -> memref<!tpu.dma_semaphore, #tpu.memory_space<semaphore_mem>>
        %dma_wait3A_1727 = arith.constant 0 : i32
        %dma_wait3A_1728 = arith.constant 0 : i32
        %dma_wait3A_1729 = tpu.memref_slice %arg8[%dma_wait3A_1727, %dma_wait3A_1728] : memref<320000x128xf32, #tpu.memory_space<hbm>> -> memref<40x128xf32, #tpu.memory_space<hbm>>
        %dma_wait3A_1730 = arith.constant 0 : i32
        %dma_wait3A_1731 = arith.constant 0 : i32
        %dma_wait3A_1732 = tpu.memref_slice %arg17[%dma_wait3A_1716, %dma_wait3A_1730, %dma_wait3A_1731] : memref<10x40x128xf32, #tpu.memory_space<vmem>> -> memref<1x40x128xf32, #tpu.memory_space<vmem>>
        %dma_wait3A_1733 = tpu.memref_squeeze %dma_wait3A_1732 : memref<1x40x128xf32, #tpu.memory_space<vmem>> -> memref<40x128xf32, #tpu.memory_space<vmem>>
        tpu.wait_dma2 semaphore(%dma_wait3A_1726 : memref<!tpu.dma_semaphore, #tpu.memory_space<semaphore_mem>>) src(%dma_wait3A_1733 : memref<40x128xf32, #tpu.memory_space<vmem>>) dst(%dma_wait3A_1729 : memref<40x128xf32, #tpu.memory_space<hbm>>)
      } else {
      }
      %add3A_1366 = arith.constant 9 : i32
      %add3A_1367 = arith.addi %mul3A_1174, %add3A_1366 : i32
      %mul3A_1368 = arith.constant 40 : i32
      %mul3A_1369 = arith.muli %add3A_1367, %mul3A_1368 : i32
      %dma_start3A_1370 = arith.constant 9 : i32
      %dma_start3A_1371 = arith.constant 9 : i32
      %dma_start3A_1372 = arith.constant 0 : i32
      %dma_start3A_1373 = arith.constant 0 : i32
      %dma_start3A_1374 = tpu.memref_slice %arg17[%dma_start3A_1370, %dma_start3A_1372, %dma_start3A_1373] : memref<10x40x128xf32, #tpu.memory_space<vmem>> -> memref<1x40x128xf32, #tpu.memory_space<vmem>>
      %dma_start3A_1375 = tpu.memref_squeeze %dma_start3A_1374 : memref<1x40x128xf32, #tpu.memory_space<vmem>> -> memref<40x128xf32, #tpu.memory_space<vmem>>
      %dma_start3A_1376 = tpu.memref_slice %arg16[%mul3A_1369] : memref<10000xi32, #tpu.memory_space<vmem>> -> memref<40xi32, #tpu.memory_space<vmem>>
      %dma_start3A_1377 = arith.constant 0 : i32
      %dma_start3A_1378 = arith.constant 0 : i32
      %dma_start3A_1379 = tpu.memref_slice %arg18[%dma_start3A_1377, %dma_start3A_1378] : memref<128x128xf32, #tpu.memory_space<vmem_shared>> -> memref<128x128xf32, #tpu.memory_space<vmem_shared>>
      %dma_start3A_1380 = tpu.memref_slice %arg20[%dma_start3A_1371] : memref<10x!tpu.dma_semaphore, #tpu.memory_space<semaphore_mem>> -> memref<1x!tpu.dma_semaphore, #tpu.memory_space<semaphore_mem>>
      %dma_start3A_1381 = tpu.memref_squeeze %dma_start3A_1380 : memref<1x!tpu.dma_semaphore, #tpu.memory_space<semaphore_mem>> -> memref<!tpu.dma_semaphore, #tpu.memory_space<semaphore_mem>>
      tpu.enqueue_indirect_dma source(%dma_start3A_1379 : memref<128x128xf32, #tpu.memory_space<vmem_shared>>) target(%dma_start3A_1375 : memref<40x128xf32, #tpu.memory_space<vmem>>) offsets(%dma_start3A_1376 : memref<40xi32, #tpu.memory_space<vmem>>) semaphore(%dma_start3A_1381 : memref<!tpu.dma_semaphore, #tpu.memory_space<semaphore_mem>>)
      %lt3A = arith.constant 24 : i32
      %lt3A_1382 = arith.cmpi slt, %scan3A_1172, %lt3A : i32
      %convert_element_type3A_1383 = arith.extui %lt3A_1382 : i1 to i32
      %cond3A_1384 = arith.constant 0 : i32
      %cond3A_1385 = arith.cmpi ne, %convert_element_type3A_1383, %cond3A_1384 : i32
      scf.if %cond3A_1385 {
        %add3A_1716 = arith.constant 1 : i32
        %add3A_1717 = arith.addi %scan3A_1172, %add3A_1716 : i32
        %mul3A_1718 = arith.constant 25 : i32
        %mul3A_1719 = arith.muli %add3A_1717, %mul3A_1718 : i32
        %add3A_1720 = arith.constant 0 : i32
        %add3A_1721 = arith.addi %mul3A_1719, %add3A_1720 : i32
        %mul3A_1722 = arith.constant 16 : i32
        %mul3A_1723 = arith.muli %add3A_1721, %mul3A_1722 : i32
        %get3A_1724 = arith.index_cast %mul3A_1723 : i32 to index
        %get3A_1725 = tpu.vector_load %arg13[%get3A_1724] {strides = array<i32>} : memref<10000xi32, #tpu.memory_space<vmem>>, vector<16xi32>,
        %get3A_1726 = vector.shape_cast %get3A_1725 : vector<16xi32> to vector<16xi32>
        %jit3A_1727 = arith.constant 0 : i32
        %jit3A_1728 = arith.constant 5 : i32
        %max3A_1729 = vector.broadcast %jit3A_1727 : i32 to vector<16xi32>
        %max3A_1730 = arith.maxsi %max3A_1729, %get3A_1726 : vector<16xi32>
        %min3A_1731 = vector.broadcast %jit3A_1728 : i32 to vector<16xi32>
        %min3A_1732 = arith.minsi %min3A_1731, %max3A_1730 : vector<16xi32>
        %mul3A_1733 = arith.constant 21 : i32
        %mul3A_1734 = vector.broadcast %mul3A_1733 : i32 to vector<16xi32>
        %mul3A_1735 = arith.muli %min3A_1732, %mul3A_1734 : vector<16xi32>
        %get3A_1736 = arith.index_cast %mul3A_1723 : i32 to index
        %get3A_1737 = tpu.vector_load %arg14[%get3A_1736] {strides = array<i32>} : memref<10000xi32, #tpu.memory_space<vmem>>, vector<16xi32>,
        %get3A_1738 = vector.shape_cast %get3A_1737 : vector<16xi32> to vector<16xi32>
        %jit3A_1739 = arith.constant 0 : i32
        %jit3A_1740 = arith.constant 6 : i32
        %max3A_1741 = vector.broadcast %jit3A_1739 : i32 to vector<16xi32>
        %max3A_1742 = arith.maxsi %max3A_1741, %get3A_1738 : vector<16xi32>
        %min3A_1743 = vector.broadcast %jit3A_1740 : i32 to vector<16xi32>
        %min3A_1744 = arith.minsi %min3A_1743, %max3A_1742 : vector<16xi32>
        %mul3A_1745 = arith.constant 3 : i32
        %mul3A_1746 = vector.broadcast %mul3A_1745 : i32 to vector<16xi32>
        %mul3A_1747 = arith.muli %min3A_1744, %mul3A_1746 : vector<16xi32>
        %add3A_1748 = arith.addi %mul3A_1735, %mul3A_1747 : vector<16xi32>
        %get3A_1749 = arith.index_cast %mul3A_1723 : i32 to index
        %get3A_1750 = tpu.vector_load %arg15[%get3A_1749] {strides = array<i32>} : memref<10000xi32, #tpu.memory_space<vmem>>, vector<16xi32>,
        %get3A_1751 = vector.shape_cast %get3A_1750 : vector<16xi32> to vector<16xi32>
        %jit3A_1752 = arith.constant 0 : i32
        %jit3A_1753 = arith.constant 2 : i32
        %max3A_1754 = vector.broadcast %jit3A_1752 : i32 to vector<16xi32>
        %max3A_1755 = arith.maxsi %max3A_1754, %get3A_1751 : vector<16xi32>
        %min3A_1756 = vector.broadcast %jit3A_1753 : i32 to vector<16xi32>
        %min3A_1757 = arith.minsi %min3A_1756, %max3A_1755 : vector<16xi32>
        %add3A_1758 = arith.addi %add3A_1748, %min3A_1757 : vector<16xi32>
        %swap3A_1759 = arith.index_cast %mul3A_1723 : i32 to index
        %swap3A_1760 = tpu.vector_load %arg16[%swap3A_1759] {strides = array<i32>} : memref<10000xi32, #tpu.memory_space<vmem>>, vector<16xi32>,
        %swap3A_1761 = vector.shape_cast %swap3A_1760 : vector<16xi32> to vector<16xi32>
        %swap3A_1762 = vector.shape_cast %add3A_1758 : vector<16xi32> to vector<16xi32>
        tpu.vector_store %arg16[%swap3A_1759], %swap3A_1762 {strides = array<i32>} : memref<10000xi32, #tpu.memory_space<vmem>>, vector<16xi32>,
        %add3A_1763 = arith.constant 1 : i32
        %add3A_1764 = arith.addi %mul3A_1719, %add3A_1763 : i32
        %mul3A_1765 = arith.constant 16 : i32
        %mul3A_1766 = arith.muli %add3A_1764, %mul3A_1765 : i32
        %get3A_1767 = arith.index_cast %mul3A_1766 : i32 to index
        %get3A_1768 = tpu.vector_load %arg13[%get3A_1767] {strides = array<i32>} : memref<10000xi32, #tpu.memory_space<vmem>>, vector<16xi32>,
        %get3A_1769 = vector.shape_cast %get3A_1768 : vector<16xi32> to vector<16xi32>
        %jit3A_1770 = arith.constant 0 : i32
        %jit3A_1771 = arith.constant 5 : i32
        %max3A_1772 = vector.broadcast %jit3A_1770 : i32 to vector<16xi32>
        %max3A_1773 = arith.maxsi %max3A_1772, %get3A_1769 : vector<16xi32>
        %min3A_1774 = vector.broadcast %jit3A_1771 : i32 to vector<16xi32>
        %min3A_1775 = arith.minsi %min3A_1774, %max3A_1773 : vector<16xi32>
        %mul3A_1776 = arith.constant 21 : i32
        %mul3A_1777 = vector.broadcast %mul3A_1776 : i32 to vector<16xi32>
        %mul3A_1778 = arith.muli %min3A_1775, %mul3A_1777 : vector<16xi32>
        %get3A_1779 = arith.index_cast %mul3A_1766 : i32 to index
        %get3A_1780 = tpu.vector_load %arg14[%get3A_1779] {strides = array<i32>} : memref<10000xi32, #tpu.memory_space<vmem>>, vector<16xi32>,
        %get3A_1781 = vector.shape_cast %get3A_1780 : vector<16xi32> to vector<16xi32>
        %jit3A_1782 = arith.constant 0 : i32
        %jit3A_1783 = arith.constant 6 : i32
        %max3A_1784 = vector.broadcast %jit3A_1782 : i32 to vector<16xi32>
        %max3A_1785 = arith.maxsi %max3A_1784, %get3A_1781 : vector<16xi32>
        %min3A_1786 = vector.broadcast %jit3A_1783 : i32 to vector<16xi32>
        %min3A_1787 = arith.minsi %min3A_1786, %max3A_1785 : vector<16xi32>
        %mul3A_1788 = arith.constant 3 : i32
        %mul3A_1789 = vector.broadcast %mul3A_1788 : i32 to vector<16xi32>
        %mul3A_1790 = arith.muli %min3A_1787, %mul3A_1789 : vector<16xi32>
        %add3A_1791 = arith.addi %mul3A_1778, %mul3A_1790 : vector<16xi32>
        %get3A_1792 = arith.index_cast %mul3A_1766 : i32 to index
        %get3A_1793 = tpu.vector_load %arg15[%get3A_1792] {strides = array<i32>} : memref<10000xi32, #tpu.memory_space<vmem>>, vector<16xi32>,
        %get3A_1794 = vector.shape_cast %get3A_1793 : vector<16xi32> to vector<16xi32>
        %jit3A_1795 = arith.constant 0 : i32
        %jit3A_1796 = arith.constant 2 : i32
        %max3A_1797 = vector.broadcast %jit3A_1795 : i32 to vector<16xi32>
        %max3A_1798 = arith.maxsi %max3A_1797, %get3A_1794 : vector<16xi32>
        %min3A_1799 = vector.broadcast %jit3A_1796 : i32 to vector<16xi32>
        %min3A_1800 = arith.minsi %min3A_1799, %max3A_1798 : vector<16xi32>
        %add3A_1801 = arith.addi %add3A_1791, %min3A_1800 : vector<16xi32>
        %swap3A_1802 = arith.index_cast %mul3A_1766 : i32 to index
        %swap3A_1803 = tpu.vector_load %arg16[%swap3A_1802] {strides = array<i32>} : memref<10000xi32, #tpu.memory_space<vmem>>, vector<16xi32>,
        %swap3A_1804 = vector.shape_cast %swap3A_1803 : vector<16xi32> to vector<16xi32>
        %swap3A_1805 = vector.shape_cast %add3A_1801 : vector<16xi32> to vector<16xi32>
        tpu.vector_store %arg16[%swap3A_1802], %swap3A_1805 {strides = array<i32>} : memref<10000xi32, #tpu.memory_space<vmem>>, vector<16xi32>,
        %add3A_1806 = arith.constant 2 : i32
        %add3A_1807 = arith.addi %mul3A_1719, %add3A_1806 : i32
        %mul3A_1808 = arith.constant 16 : i32
        %mul3A_1809 = arith.muli %add3A_1807, %mul3A_1808 : i32
        %get3A_1810 = arith.index_cast %mul3A_1809 : i32 to index
        %get3A_1811 = tpu.vector_load %arg13[%get3A_1810] {strides = array<i32>} : memref<10000xi32, #tpu.memory_space<vmem>>, vector<16xi32>,
        %get3A_1812 = vector.shape_cast %get3A_1811 : vector<16xi32> to vector<16xi32>
        %jit3A_1813 = arith.constant 0 : i32
        %jit3A_1814 = arith.constant 5 : i32
        %max3A_1815 = vector.broadcast %jit3A_1813 : i32 to vector<16xi32>
        %max3A_1816 = arith.maxsi %max3A_1815, %get3A_1812 : vector<16xi32>
        %min3A_1817 = vector.broadcast %jit3A_1814 : i32 to vector<16xi32>
        %min3A_1818 = arith.minsi %min3A_1817, %max3A_1816 : vector<16xi32>
        %mul3A_1819 = arith.constant 21 : i32
        %mul3A_1820 = vector.broadcast %mul3A_1819 : i32 to vector<16xi32>
        %mul3A_1821 = arith.muli %min3A_1818, %mul3A_1820 : vector<16xi32>
        %get3A_1822 = arith.index_cast %mul3A_1809 : i32 to index
        %get3A_1823 = tpu.vector_load %arg14[%get3A_1822] {strides = array<i32>} : memref<10000xi32, #tpu.memory_space<vmem>>, vector<16xi32>,
        %get3A_1824 = vector.shape_cast %get3A_1823 : vector<16xi32> to vector<16xi32>
        %jit3A_1825 = arith.constant 0 : i32
        %jit3A_1826 = arith.constant 6 : i32
        %max3A_1827 = vector.broadcast %jit3A_1825 : i32 to vector<16xi32>
        %max3A_1828 = arith.maxsi %max3A_1827, %get3A_1824 : vector<16xi32>
        %min3A_1829 = vector.broadcast %jit3A_1826 : i32 to vector<16xi32>
        %min3A_1830 = arith.minsi %min3A_1829, %max3A_1828 : vector<16xi32>
        %mul3A_1831 = arith.constant 3 : i32
        %mul3A_1832 = vector.broadcast %mul3A_1831 : i32 to vector<16xi32>
        %mul3A_1833 = arith.muli %min3A_1830, %mul3A_1832 : vector<16xi32>
        %add3A_1834 = arith.addi %mul3A_1821, %mul3A_1833 : vector<16xi32>
        %get3A_1835 = arith.index_cast %mul3A_1809 : i32 to index
        %get3A_1836 = tpu.vector_load %arg15[%get3A_1835] {strides = array<i32>} : memref<10000xi32, #tpu.memory_space<vmem>>, vector<16xi32>,
        %get3A_1837 = vector.shape_cast %get3A_1836 : vector<16xi32> to vector<16xi32>
        %jit3A_1838 = arith.constant 0 : i32
        %jit3A_1839 = arith.constant 2 : i32
        %max3A_1840 = vector.broadcast %jit3A_1838 : i32 to vector<16xi32>
        %max3A_1841 = arith.maxsi %max3A_1840, %get3A_1837 : vector<16xi32>
        %min3A_1842 = vector.broadcast %jit3A_1839 : i32 to vector<16xi32>
        %min3A_1843 = arith.minsi %min3A_1842, %max3A_1841 : vector<16xi32>
        %add3A_1844 = arith.addi %add3A_1834, %min3A_1843 : vector<16xi32>
        %swap3A_1845 = arith.index_cast %mul3A_1809 : i32 to index
        %swap3A_1846 = tpu.vector_load %arg16[%swap3A_1845] {strides = array<i32>} : memref<10000xi32, #tpu.memory_space<vmem>>, vector<16xi32>,
        %swap3A_1847 = vector.shape_cast %swap3A_1846 : vector<16xi32> to vector<16xi32>
        %swap3A_1848 = vector.shape_cast %add3A_1844 : vector<16xi32> to vector<16xi32>
        tpu.vector_store %arg16[%swap3A_1845], %swap3A_1848 {strides = array<i32>} : memref<10000xi32, #tpu.memory_space<vmem>>, vector<16xi32>,
        %add3A_1849 = arith.constant 3 : i32
        %add3A_1850 = arith.addi %mul3A_1719, %add3A_1849 : i32
        %mul3A_1851 = arith.constant 16 : i32
        %mul3A_1852 = arith.muli %add3A_1850, %mul3A_1851 : i32
        %get3A_1853 = arith.index_cast %mul3A_1852 : i32 to index
        %get3A_1854 = tpu.vector_load %arg13[%get3A_1853] {strides = array<i32>} : memref<10000xi32, #tpu.memory_space<vmem>>, vector<16xi32>,
        %get3A_1855 = vector.shape_cast %get3A_1854 : vector<16xi32> to vector<16xi32>
        %jit3A_1856 = arith.constant 0 : i32
        %jit3A_1857 = arith.constant 5 : i32
        %max3A_1858 = vector.broadcast %jit3A_1856 : i32 to vector<16xi32>
        %max3A_1859 = arith.maxsi %max3A_1858, %get3A_1855 : vector<16xi32>
        %min3A_1860 = vector.broadcast %jit3A_1857 : i32 to vector<16xi32>
        %min3A_1861 = arith.minsi %min3A_1860, %max3A_1859 : vector<16xi32>
        %mul3A_1862 = arith.constant 21 : i32
        %mul3A_1863 = vector.broadcast %mul3A_1862 : i32 to vector<16xi32>
        %mul3A_1864 = arith.muli %min3A_1861, %mul3A_1863 : vector<16xi32>
        %get3A_1865 = arith.index_cast %mul3A_1852 : i32 to index
        %get3A_1866 = tpu.vector_load %arg14[%get3A_1865] {strides = array<i32>} : memref<10000xi32, #tpu.memory_space<vmem>>, vector<16xi32>,
        %get3A_1867 = vector.shape_cast %get3A_1866 : vector<16xi32> to vector<16xi32>
        %jit3A_1868 = arith.constant 0 : i32
        %jit3A_1869 = arith.constant 6 : i32
        %max3A_1870 = vector.broadcast %jit3A_1868 : i32 to vector<16xi32>
        %max3A_1871 = arith.maxsi %max3A_1870, %get3A_1867 : vector<16xi32>
        %min3A_1872 = vector.broadcast %jit3A_1869 : i32 to vector<16xi32>
        %min3A_1873 = arith.minsi %min3A_1872, %max3A_1871 : vector<16xi32>
        %mul3A_1874 = arith.constant 3 : i32
        %mul3A_1875 = vector.broadcast %mul3A_1874 : i32 to vector<16xi32>
        %mul3A_1876 = arith.muli %min3A_1873, %mul3A_1875 : vector<16xi32>
        %add3A_1877 = arith.addi %mul3A_1864, %mul3A_1876 : vector<16xi32>
        %get3A_1878 = arith.index_cast %mul3A_1852 : i32 to index
        %get3A_1879 = tpu.vector_load %arg15[%get3A_1878] {strides = array<i32>} : memref<10000xi32, #tpu.memory_space<vmem>>, vector<16xi32>,
        %get3A_1880 = vector.shape_cast %get3A_1879 : vector<16xi32> to vector<16xi32>
        %jit3A_1881 = arith.constant 0 : i32
        %jit3A_1882 = arith.constant 2 : i32
        %max3A_1883 = vector.broadcast %jit3A_1881 : i32 to vector<16xi32>
        %max3A_1884 = arith.maxsi %max3A_1883, %get3A_1880 : vector<16xi32>
        %min3A_1885 = vector.broadcast %jit3A_1882 : i32 to vector<16xi32>
        %min3A_1886 = arith.minsi %min3A_1885, %max3A_1884 : vector<16xi32>
        %add3A_1887 = arith.addi %add3A_1877, %min3A_1886 : vector<16xi32>
        %swap3A_1888 = arith.index_cast %mul3A_1852 : i32 to index
        %swap3A_1889 = tpu.vector_load %arg16[%swap3A_1888] {strides = array<i32>} : memref<10000xi32, #tpu.memory_space<vmem>>, vector<16xi32>,
        %swap3A_1890 = vector.shape_cast %swap3A_1889 : vector<16xi32> to vector<16xi32>
        %swap3A_1891 = vector.shape_cast %add3A_1887 : vector<16xi32> to vector<16xi32>
        tpu.vector_store %arg16[%swap3A_1888], %swap3A_1891 {strides = array<i32>} : memref<10000xi32, #tpu.memory_space<vmem>>, vector<16xi32>,
        %add3A_1892 = arith.constant 4 : i32
        %add3A_1893 = arith.addi %mul3A_1719, %add3A_1892 : i32
        %mul3A_1894 = arith.constant 16 : i32
        %mul3A_1895 = arith.muli %add3A_1893, %mul3A_1894 : i32
        %get3A_1896 = arith.index_cast %mul3A_1895 : i32 to index
        %get3A_1897 = tpu.vector_load %arg13[%get3A_1896] {strides = array<i32>} : memref<10000xi32, #tpu.memory_space<vmem>>, vector<16xi32>,
        %get3A_1898 = vector.shape_cast %get3A_1897 : vector<16xi32> to vector<16xi32>
        %jit3A_1899 = arith.constant 0 : i32
        %jit3A_1900 = arith.constant 5 : i32
        %max3A_1901 = vector.broadcast %jit3A_1899 : i32 to vector<16xi32>
        %max3A_1902 = arith.maxsi %max3A_1901, %get3A_1898 : vector<16xi32>
        %min3A_1903 = vector.broadcast %jit3A_1900 : i32 to vector<16xi32>
        %min3A_1904 = arith.minsi %min3A_1903, %max3A_1902 : vector<16xi32>
        %mul3A_1905 = arith.constant 21 : i32
        %mul3A_1906 = vector.broadcast %mul3A_1905 : i32 to vector<16xi32>
        %mul3A_1907 = arith.muli %min3A_1904, %mul3A_1906 : vector<16xi32>
        %get3A_1908 = arith.index_cast %mul3A_1895 : i32 to index
        %get3A_1909 = tpu.vector_load %arg14[%get3A_1908] {strides = array<i32>} : memref<10000xi32, #tpu.memory_space<vmem>>, vector<16xi32>,
        %get3A_1910 = vector.shape_cast %get3A_1909 : vector<16xi32> to vector<16xi32>
        %jit3A_1911 = arith.constant 0 : i32
        %jit3A_1912 = arith.constant 6 : i32
        %max3A_1913 = vector.broadcast %jit3A_1911 : i32 to vector<16xi32>
        %max3A_1914 = arith.maxsi %max3A_1913, %get3A_1910 : vector<16xi32>
        %min3A_1915 = vector.broadcast %jit3A_1912 : i32 to vector<16xi32>
        %min3A_1916 = arith.minsi %min3A_1915, %max3A_1914 : vector<16xi32>
        %mul3A_1917 = arith.constant 3 : i32
        %mul3A_1918 = vector.broadcast %mul3A_1917 : i32 to vector<16xi32>
        %mul3A_1919 = arith.muli %min3A_1916, %mul3A_1918 : vector<16xi32>
        %add3A_1920 = arith.addi %mul3A_1907, %mul3A_1919 : vector<16xi32>
        %get3A_1921 = arith.index_cast %mul3A_1895 : i32 to index
        %get3A_1922 = tpu.vector_load %arg15[%get3A_1921] {strides = array<i32>} : memref<10000xi32, #tpu.memory_space<vmem>>, vector<16xi32>,
        %get3A_1923 = vector.shape_cast %get3A_1922 : vector<16xi32> to vector<16xi32>
        %jit3A_1924 = arith.constant 0 : i32
        %jit3A_1925 = arith.constant 2 : i32
        %max3A_1926 = vector.broadcast %jit3A_1924 : i32 to vector<16xi32>
        %max3A_1927 = arith.maxsi %max3A_1926, %get3A_1923 : vector<16xi32>
        %min3A_1928 = vector.broadcast %jit3A_1925 : i32 to vector<16xi32>
        %min3A_1929 = arith.minsi %min3A_1928, %max3A_1927 : vector<16xi32>
        %add3A_1930 = arith.addi %add3A_1920, %min3A_1929 : vector<16xi32>
        %swap3A_1931 = arith.index_cast %mul3A_1895 : i32 to index
        %swap3A_1932 = tpu.vector_load %arg16[%swap3A_1931] {strides = array<i32>} : memref<10000xi32, #tpu.memory_space<vmem>>, vector<16xi32>,
        %swap3A_1933 = vector.shape_cast %swap3A_1932 : vector<16xi32> to vector<16xi32>
        %swap3A_1934 = vector.shape_cast %add3A_1930 : vector<16xi32> to vector<16xi32>
        tpu.vector_store %arg16[%swap3A_1931], %swap3A_1934 {strides = array<i32>} : memref<10000xi32, #tpu.memory_space<vmem>>, vector<16xi32>,
        %add3A_1935 = arith.constant 5 : i32
        %add3A_1936 = arith.addi %mul3A_1719, %add3A_1935 : i32
        %mul3A_1937 = arith.constant 16 : i32
        %mul3A_1938 = arith.muli %add3A_1936, %mul3A_1937 : i32
        %get3A_1939 = arith.index_cast %mul3A_1938 : i32 to index
        %get3A_1940 = tpu.vector_load %arg13[%get3A_1939] {strides = array<i32>} : memref<10000xi32, #tpu.memory_space<vmem>>, vector<16xi32>,
        %get3A_1941 = vector.shape_cast %get3A_1940 : vector<16xi32> to vector<16xi32>
        %jit3A_1942 = arith.constant 0 : i32
        %jit3A_1943 = arith.constant 5 : i32
        %max3A_1944 = vector.broadcast %jit3A_1942 : i32 to vector<16xi32>
        %max3A_1945 = arith.maxsi %max3A_1944, %get3A_1941 : vector<16xi32>
        %min3A_1946 = vector.broadcast %jit3A_1943 : i32 to vector<16xi32>
        %min3A_1947 = arith.minsi %min3A_1946, %max3A_1945 : vector<16xi32>
        %mul3A_1948 = arith.constant 21 : i32
        %mul3A_1949 = vector.broadcast %mul3A_1948 : i32 to vector<16xi32>
        %mul3A_1950 = arith.muli %min3A_1947, %mul3A_1949 : vector<16xi32>
        %get3A_1951 = arith.index_cast %mul3A_1938 : i32 to index
        %get3A_1952 = tpu.vector_load %arg14[%get3A_1951] {strides = array<i32>} : memref<10000xi32, #tpu.memory_space<vmem>>, vector<16xi32>,
        %get3A_1953 = vector.shape_cast %get3A_1952 : vector<16xi32> to vector<16xi32>
        %jit3A_1954 = arith.constant 0 : i32
        %jit3A_1955 = arith.constant 6 : i32
        %max3A_1956 = vector.broadcast %jit3A_1954 : i32 to vector<16xi32>
        %max3A_1957 = arith.maxsi %max3A_1956, %get3A_1953 : vector<16xi32>
        %min3A_1958 = vector.broadcast %jit3A_1955 : i32 to vector<16xi32>
        %min3A_1959 = arith.minsi %min3A_1958, %max3A_1957 : vector<16xi32>
        %mul3A_1960 = arith.constant 3 : i32
        %mul3A_1961 = vector.broadcast %mul3A_1960 : i32 to vector<16xi32>
        %mul3A_1962 = arith.muli %min3A_1959, %mul3A_1961 : vector<16xi32>
        %add3A_1963 = arith.addi %mul3A_1950, %mul3A_1962 : vector<16xi32>
        %get3A_1964 = arith.index_cast %mul3A_1938 : i32 to index
        %get3A_1965 = tpu.vector_load %arg15[%get3A_1964] {strides = array<i32>} : memref<10000xi32, #tpu.memory_space<vmem>>, vector<16xi32>,
        %get3A_1966 = vector.shape_cast %get3A_1965 : vector<16xi32> to vector<16xi32>
        %jit3A_1967 = arith.constant 0 : i32
        %jit3A_1968 = arith.constant 2 : i32
        %max3A_1969 = vector.broadcast %jit3A_1967 : i32 to vector<16xi32>
        %max3A_1970 = arith.maxsi %max3A_1969, %get3A_1966 : vector<16xi32>
        %min3A_1971 = vector.broadcast %jit3A_1968 : i32 to vector<16xi32>
        %min3A_1972 = arith.minsi %min3A_1971, %max3A_1970 : vector<16xi32>
        %add3A_1973 = arith.addi %add3A_1963, %min3A_1972 : vector<16xi32>
        %swap3A_1974 = arith.index_cast %mul3A_1938 : i32 to index
        %swap3A_1975 = tpu.vector_load %arg16[%swap3A_1974] {strides = array<i32>} : memref<10000xi32, #tpu.memory_space<vmem>>, vector<16xi32>,
        %swap3A_1976 = vector.shape_cast %swap3A_1975 : vector<16xi32> to vector<16xi32>
        %swap3A_1977 = vector.shape_cast %add3A_1973 : vector<16xi32> to vector<16xi32>
        tpu.vector_store %arg16[%swap3A_1974], %swap3A_1977 {strides = array<i32>} : memref<10000xi32, #tpu.memory_space<vmem>>, vector<16xi32>,
        %add3A_1978 = arith.constant 6 : i32
        %add3A_1979 = arith.addi %mul3A_1719, %add3A_1978 : i32
        %mul3A_1980 = arith.constant 16 : i32
        %mul3A_1981 = arith.muli %add3A_1979, %mul3A_1980 : i32
        %get3A_1982 = arith.index_cast %mul3A_1981 : i32 to index
        %get3A_1983 = tpu.vector_load %arg13[%get3A_1982] {strides = array<i32>} : memref<10000xi32, #tpu.memory_space<vmem>>, vector<16xi32>,
        %get3A_1984 = vector.shape_cast %get3A_1983 : vector<16xi32> to vector<16xi32>
        %jit3A_1985 = arith.constant 0 : i32
        %jit3A_1986 = arith.constant 5 : i32
        %max3A_1987 = vector.broadcast %jit3A_1985 : i32 to vector<16xi32>
        %max3A_1988 = arith.maxsi %max3A_1987, %get3A_1984 : vector<16xi32>
        %min3A_1989 = vector.broadcast %jit3A_1986 : i32 to vector<16xi32>
        %min3A_1990 = arith.minsi %min3A_1989, %max3A_1988 : vector<16xi32>
        %mul3A_1991 = arith.constant 21 : i32
        %mul3A_1992 = vector.broadcast %mul3A_1991 : i32 to vector<16xi32>
        %mul3A_1993 = arith.muli %min3A_1990, %mul3A_1992 : vector<16xi32>
        %get3A_1994 = arith.index_cast %mul3A_1981 : i32 to index
        %get3A_1995 = tpu.vector_load %arg14[%get3A_1994] {strides = array<i32>} : memref<10000xi32, #tpu.memory_space<vmem>>, vector<16xi32>,
        %get3A_1996 = vector.shape_cast %get3A_1995 : vector<16xi32> to vector<16xi32>
        %jit3A_1997 = arith.constant 0 : i32
        %jit3A_1998 = arith.constant 6 : i32
        %max3A_1999 = vector.broadcast %jit3A_1997 : i32 to vector<16xi32>
        %max3A_2000 = arith.maxsi %max3A_1999, %get3A_1996 : vector<16xi32>
        %min3A_2001 = vector.broadcast %jit3A_1998 : i32 to vector<16xi32>
        %min3A_2002 = arith.minsi %min3A_2001, %max3A_2000 : vector<16xi32>
        %mul3A_2003 = arith.constant 3 : i32
        %mul3A_2004 = vector.broadcast %mul3A_2003 : i32 to vector<16xi32>
        %mul3A_2005 = arith.muli %min3A_2002, %mul3A_2004 : vector<16xi32>
        %add3A_2006 = arith.addi %mul3A_1993, %mul3A_2005 : vector<16xi32>
        %get3A_2007 = arith.index_cast %mul3A_1981 : i32 to index
        %get3A_2008 = tpu.vector_load %arg15[%get3A_2007] {strides = array<i32>} : memref<10000xi32, #tpu.memory_space<vmem>>, vector<16xi32>,
        %get3A_2009 = vector.shape_cast %get3A_2008 : vector<16xi32> to vector<16xi32>
        %jit3A_2010 = arith.constant 0 : i32
        %jit3A_2011 = arith.constant 2 : i32
        %max3A_2012 = vector.broadcast %jit3A_2010 : i32 to vector<16xi32>
        %max3A_2013 = arith.maxsi %max3A_2012, %get3A_2009 : vector<16xi32>
        %min3A_2014 = vector.broadcast %jit3A_2011 : i32 to vector<16xi32>
        %min3A_2015 = arith.minsi %min3A_2014, %max3A_2013 : vector<16xi32>
        %add3A_2016 = arith.addi %add3A_2006, %min3A_2015 : vector<16xi32>
        %swap3A_2017 = arith.index_cast %mul3A_1981 : i32 to index
        %swap3A_2018 = tpu.vector_load %arg16[%swap3A_2017] {strides = array<i32>} : memref<10000xi32, #tpu.memory_space<vmem>>, vector<16xi32>,
        %swap3A_2019 = vector.shape_cast %swap3A_2018 : vector<16xi32> to vector<16xi32>
        %swap3A_2020 = vector.shape_cast %add3A_2016 : vector<16xi32> to vector<16xi32>
        tpu.vector_store %arg16[%swap3A_2017], %swap3A_2020 {strides = array<i32>} : memref<10000xi32, #tpu.memory_space<vmem>>, vector<16xi32>,
        %add3A_2021 = arith.constant 7 : i32
        %add3A_2022 = arith.addi %mul3A_1719, %add3A_2021 : i32
        %mul3A_2023 = arith.constant 16 : i32
        %mul3A_2024 = arith.muli %add3A_2022, %mul3A_2023 : i32
        %get3A_2025 = arith.index_cast %mul3A_2024 : i32 to index
        %get3A_2026 = tpu.vector_load %arg13[%get3A_2025] {strides = array<i32>} : memref<10000xi32, #tpu.memory_space<vmem>>, vector<16xi32>,
        %get3A_2027 = vector.shape_cast %get3A_2026 : vector<16xi32> to vector<16xi32>
        %jit3A_2028 = arith.constant 0 : i32
        %jit3A_2029 = arith.constant 5 : i32
        %max3A_2030 = vector.broadcast %jit3A_2028 : i32 to vector<16xi32>
        %max3A_2031 = arith.maxsi %max3A_2030, %get3A_2027 : vector<16xi32>
        %min3A_2032 = vector.broadcast %jit3A_2029 : i32 to vector<16xi32>
        %min3A_2033 = arith.minsi %min3A_2032, %max3A_2031 : vector<16xi32>
        %mul3A_2034 = arith.constant 21 : i32
        %mul3A_2035 = vector.broadcast %mul3A_2034 : i32 to vector<16xi32>
        %mul3A_2036 = arith.muli %min3A_2033, %mul3A_2035 : vector<16xi32>
        %get3A_2037 = arith.index_cast %mul3A_2024 : i32 to index
        %get3A_2038 = tpu.vector_load %arg14[%get3A_2037] {strides = array<i32>} : memref<10000xi32, #tpu.memory_space<vmem>>, vector<16xi32>,
        %get3A_2039 = vector.shape_cast %get3A_2038 : vector<16xi32> to vector<16xi32>
        %jit3A_2040 = arith.constant 0 : i32
        %jit3A_2041 = arith.constant 6 : i32
        %max3A_2042 = vector.broadcast %jit3A_2040 : i32 to vector<16xi32>
        %max3A_2043 = arith.maxsi %max3A_2042, %get3A_2039 : vector<16xi32>
        %min3A_2044 = vector.broadcast %jit3A_2041 : i32 to vector<16xi32>
        %min3A_2045 = arith.minsi %min3A_2044, %max3A_2043 : vector<16xi32>
        %mul3A_2046 = arith.constant 3 : i32
        %mul3A_2047 = vector.broadcast %mul3A_2046 : i32 to vector<16xi32>
        %mul3A_2048 = arith.muli %min3A_2045, %mul3A_2047 : vector<16xi32>
        %add3A_2049 = arith.addi %mul3A_2036, %mul3A_2048 : vector<16xi32>
        %get3A_2050 = arith.index_cast %mul3A_2024 : i32 to index
        %get3A_2051 = tpu.vector_load %arg15[%get3A_2050] {strides = array<i32>} : memref<10000xi32, #tpu.memory_space<vmem>>, vector<16xi32>,
        %get3A_2052 = vector.shape_cast %get3A_2051 : vector<16xi32> to vector<16xi32>
        %jit3A_2053 = arith.constant 0 : i32
        %jit3A_2054 = arith.constant 2 : i32
        %max3A_2055 = vector.broadcast %jit3A_2053 : i32 to vector<16xi32>
        %max3A_2056 = arith.maxsi %max3A_2055, %get3A_2052 : vector<16xi32>
        %min3A_2057 = vector.broadcast %jit3A_2054 : i32 to vector<16xi32>
        %min3A_2058 = arith.minsi %min3A_2057, %max3A_2056 : vector<16xi32>
        %add3A_2059 = arith.addi %add3A_2049, %min3A_2058 : vector<16xi32>
        %swap3A_2060 = arith.index_cast %mul3A_2024 : i32 to index
        %swap3A_2061 = tpu.vector_load %arg16[%swap3A_2060] {strides = array<i32>} : memref<10000xi32, #tpu.memory_space<vmem>>, vector<16xi32>,
        %swap3A_2062 = vector.shape_cast %swap3A_2061 : vector<16xi32> to vector<16xi32>
        %swap3A_2063 = vector.shape_cast %add3A_2059 : vector<16xi32> to vector<16xi32>
        tpu.vector_store %arg16[%swap3A_2060], %swap3A_2063 {strides = array<i32>} : memref<10000xi32, #tpu.memory_space<vmem>>, vector<16xi32>,
        %add3A_2064 = arith.constant 8 : i32
        %add3A_2065 = arith.addi %mul3A_1719, %add3A_2064 : i32
        %mul3A_2066 = arith.constant 16 : i32
        %mul3A_2067 = arith.muli %add3A_2065, %mul3A_2066 : i32
        %get3A_2068 = arith.index_cast %mul3A_2067 : i32 to index
        %get3A_2069 = tpu.vector_load %arg13[%get3A_2068] {strides = array<i32>} : memref<10000xi32, #tpu.memory_space<vmem>>, vector<16xi32>,
        %get3A_2070 = vector.shape_cast %get3A_2069 : vector<16xi32> to vector<16xi32>
        %jit3A_2071 = arith.constant 0 : i32
        %jit3A_2072 = arith.constant 5 : i32
        %max3A_2073 = vector.broadcast %jit3A_2071 : i32 to vector<16xi32>
        %max3A_2074 = arith.maxsi %max3A_2073, %get3A_2070 : vector<16xi32>
        %min3A_2075 = vector.broadcast %jit3A_2072 : i32 to vector<16xi32>
        %min3A_2076 = arith.minsi %min3A_2075, %max3A_2074 : vector<16xi32>
        %mul3A_2077 = arith.constant 21 : i32
        %mul3A_2078 = vector.broadcast %mul3A_2077 : i32 to vector<16xi32>
        %mul3A_2079 = arith.muli %min3A_2076, %mul3A_2078 : vector<16xi32>
        %get3A_2080 = arith.index_cast %mul3A_2067 : i32 to index
        %get3A_2081 = tpu.vector_load %arg14[%get3A_2080] {strides = array<i32>} : memref<10000xi32, #tpu.memory_space<vmem>>, vector<16xi32>,
        %get3A_2082 = vector.shape_cast %get3A_2081 : vector<16xi32> to vector<16xi32>
        %jit3A_2083 = arith.constant 0 : i32
        %jit3A_2084 = arith.constant 6 : i32
        %max3A_2085 = vector.broadcast %jit3A_2083 : i32 to vector<16xi32>
        %max3A_2086 = arith.maxsi %max3A_2085, %get3A_2082 : vector<16xi32>
        %min3A_2087 = vector.broadcast %jit3A_2084 : i32 to vector<16xi32>
        %min3A_2088 = arith.minsi %min3A_2087, %max3A_2086 : vector<16xi32>
        %mul3A_2089 = arith.constant 3 : i32
        %mul3A_2090 = vector.broadcast %mul3A_2089 : i32 to vector<16xi32>
        %mul3A_2091 = arith.muli %min3A_2088, %mul3A_2090 : vector<16xi32>
        %add3A_2092 = arith.addi %mul3A_2079, %mul3A_2091 : vector<16xi32>
        %get3A_2093 = arith.index_cast %mul3A_2067 : i32 to index
        %get3A_2094 = tpu.vector_load %arg15[%get3A_2093] {strides = array<i32>} : memref<10000xi32, #tpu.memory_space<vmem>>, vector<16xi32>,
        %get3A_2095 = vector.shape_cast %get3A_2094 : vector<16xi32> to vector<16xi32>
        %jit3A_2096 = arith.constant 0 : i32
        %jit3A_2097 = arith.constant 2 : i32
        %max3A_2098 = vector.broadcast %jit3A_2096 : i32 to vector<16xi32>
        %max3A_2099 = arith.maxsi %max3A_2098, %get3A_2095 : vector<16xi32>
        %min3A_2100 = vector.broadcast %jit3A_2097 : i32 to vector<16xi32>
        %min3A_2101 = arith.minsi %min3A_2100, %max3A_2099 : vector<16xi32>
        %add3A_2102 = arith.addi %add3A_2092, %min3A_2101 : vector<16xi32>
        %swap3A_2103 = arith.index_cast %mul3A_2067 : i32 to index
        %swap3A_2104 = tpu.vector_load %arg16[%swap3A_2103] {strides = array<i32>} : memref<10000xi32, #tpu.memory_space<vmem>>, vector<16xi32>,
        %swap3A_2105 = vector.shape_cast %swap3A_2104 : vector<16xi32> to vector<16xi32>
        %swap3A_2106 = vector.shape_cast %add3A_2102 : vector<16xi32> to vector<16xi32>
        tpu.vector_store %arg16[%swap3A_2103], %swap3A_2106 {strides = array<i32>} : memref<10000xi32, #tpu.memory_space<vmem>>, vector<16xi32>,
        %add3A_2107 = arith.constant 9 : i32
        %add3A_2108 = arith.addi %mul3A_1719, %add3A_2107 : i32
        %mul3A_2109 = arith.constant 16 : i32
        %mul3A_2110 = arith.muli %add3A_2108, %mul3A_2109 : i32
        %get3A_2111 = arith.index_cast %mul3A_2110 : i32 to index
        %get3A_2112 = tpu.vector_load %arg13[%get3A_2111] {strides = array<i32>} : memref<10000xi32, #tpu.memory_space<vmem>>, vector<16xi32>,
        %get3A_2113 = vector.shape_cast %get3A_2112 : vector<16xi32> to vector<16xi32>
        %jit3A_2114 = arith.constant 0 : i32
        %jit3A_2115 = arith.constant 5 : i32
        %max3A_2116 = vector.broadcast %jit3A_2114 : i32 to vector<16xi32>
        %max3A_2117 = arith.maxsi %max3A_2116, %get3A_2113 : vector<16xi32>
        %min3A_2118 = vector.broadcast %jit3A_2115 : i32 to vector<16xi32>
        %min3A_2119 = arith.minsi %min3A_2118, %max3A_2117 : vector<16xi32>
        %mul3A_2120 = arith.constant 21 : i32
        %mul3A_2121 = vector.broadcast %mul3A_2120 : i32 to vector<16xi32>
        %mul3A_2122 = arith.muli %min3A_2119, %mul3A_2121 : vector<16xi32>
        %get3A_2123 = arith.index_cast %mul3A_2110 : i32 to index
        %get3A_2124 = tpu.vector_load %arg14[%get3A_2123] {strides = array<i32>} : memref<10000xi32, #tpu.memory_space<vmem>>, vector<16xi32>,
        %get3A_2125 = vector.shape_cast %get3A_2124 : vector<16xi32> to vector<16xi32>
        %jit3A_2126 = arith.constant 0 : i32
        %jit3A_2127 = arith.constant 6 : i32
        %max3A_2128 = vector.broadcast %jit3A_2126 : i32 to vector<16xi32>
        %max3A_2129 = arith.maxsi %max3A_2128, %get3A_2125 : vector<16xi32>
        %min3A_2130 = vector.broadcast %jit3A_2127 : i32 to vector<16xi32>
        %min3A_2131 = arith.minsi %min3A_2130, %max3A_2129 : vector<16xi32>
        %mul3A_2132 = arith.constant 3 : i32
        %mul3A_2133 = vector.broadcast %mul3A_2132 : i32 to vector<16xi32>
        %mul3A_2134 = arith.muli %min3A_2131, %mul3A_2133 : vector<16xi32>
        %add3A_2135 = arith.addi %mul3A_2122, %mul3A_2134 : vector<16xi32>
        %get3A_2136 = arith.index_cast %mul3A_2110 : i32 to index
        %get3A_2137 = tpu.vector_load %arg15[%get3A_2136] {strides = array<i32>} : memref<10000xi32, #tpu.memory_space<vmem>>, vector<16xi32>,
        %get3A_2138 = vector.shape_cast %get3A_2137 : vector<16xi32> to vector<16xi32>
        %jit3A_2139 = arith.constant 0 : i32
        %jit3A_2140 = arith.constant 2 : i32
        %max3A_2141 = vector.broadcast %jit3A_2139 : i32 to vector<16xi32>
        %max3A_2142 = arith.maxsi %max3A_2141, %get3A_2138 : vector<16xi32>
        %min3A_2143 = vector.broadcast %jit3A_2140 : i32 to vector<16xi32>
        %min3A_2144 = arith.minsi %min3A_2143, %max3A_2142 : vector<16xi32>
        %add3A_2145 = arith.addi %add3A_2135, %min3A_2144 : vector<16xi32>
        %swap3A_2146 = arith.index_cast %mul3A_2110 : i32 to index
        %swap3A_2147 = tpu.vector_load %arg16[%swap3A_2146] {strides = array<i32>} : memref<10000xi32, #tpu.memory_space<vmem>>, vector<16xi32>,
        %swap3A_2148 = vector.shape_cast %swap3A_2147 : vector<16xi32> to vector<16xi32>
        %swap3A_2149 = vector.shape_cast %add3A_2145 : vector<16xi32> to vector<16xi32>
        tpu.vector_store %arg16[%swap3A_2146], %swap3A_2149 {strides = array<i32>} : memref<10000xi32, #tpu.memory_space<vmem>>, vector<16xi32>,
        %add3A_2150 = arith.constant 10 : i32
        %add3A_2151 = arith.addi %mul3A_1719, %add3A_2150 : i32
        %mul3A_2152 = arith.constant 16 : i32
        %mul3A_2153 = arith.muli %add3A_2151, %mul3A_2152 : i32
        %get3A_2154 = arith.index_cast %mul3A_2153 : i32 to index
        %get3A_2155 = tpu.vector_load %arg13[%get3A_2154] {strides = array<i32>} : memref<10000xi32, #tpu.memory_space<vmem>>, vector<16xi32>,
        %get3A_2156 = vector.shape_cast %get3A_2155 : vector<16xi32> to vector<16xi32>
        %jit3A_2157 = arith.constant 0 : i32
        %jit3A_2158 = arith.constant 5 : i32
        %max3A_2159 = vector.broadcast %jit3A_2157 : i32 to vector<16xi32>
        %max3A_2160 = arith.maxsi %max3A_2159, %get3A_2156 : vector<16xi32>
        %min3A_2161 = vector.broadcast %jit3A_2158 : i32 to vector<16xi32>
        %min3A_2162 = arith.minsi %min3A_2161, %max3A_2160 : vector<16xi32>
        %mul3A_2163 = arith.constant 21 : i32
        %mul3A_2164 = vector.broadcast %mul3A_2163 : i32 to vector<16xi32>
        %mul3A_2165 = arith.muli %min3A_2162, %mul3A_2164 : vector<16xi32>
        %get3A_2166 = arith.index_cast %mul3A_2153 : i32 to index
        %get3A_2167 = tpu.vector_load %arg14[%get3A_2166] {strides = array<i32>} : memref<10000xi32, #tpu.memory_space<vmem>>, vector<16xi32>,
        %get3A_2168 = vector.shape_cast %get3A_2167 : vector<16xi32> to vector<16xi32>
        %jit3A_2169 = arith.constant 0 : i32
        %jit3A_2170 = arith.constant 6 : i32
        %max3A_2171 = vector.broadcast %jit3A_2169 : i32 to vector<16xi32>
        %max3A_2172 = arith.maxsi %max3A_2171, %get3A_2168 : vector<16xi32>
        %min3A_2173 = vector.broadcast %jit3A_2170 : i32 to vector<16xi32>
        %min3A_2174 = arith.minsi %min3A_2173, %max3A_2172 : vector<16xi32>
        %mul3A_2175 = arith.constant 3 : i32
        %mul3A_2176 = vector.broadcast %mul3A_2175 : i32 to vector<16xi32>
        %mul3A_2177 = arith.muli %min3A_2174, %mul3A_2176 : vector<16xi32>
        %add3A_2178 = arith.addi %mul3A_2165, %mul3A_2177 : vector<16xi32>
        %get3A_2179 = arith.index_cast %mul3A_2153 : i32 to index
        %get3A_2180 = tpu.vector_load %arg15[%get3A_2179] {strides = array<i32>} : memref<10000xi32, #tpu.memory_space<vmem>>, vector<16xi32>,
        %get3A_2181 = vector.shape_cast %get3A_2180 : vector<16xi32> to vector<16xi32>
        %jit3A_2182 = arith.constant 0 : i32
        %jit3A_2183 = arith.constant 2 : i32
        %max3A_2184 = vector.broadcast %jit3A_2182 : i32 to vector<16xi32>
        %max3A_2185 = arith.maxsi %max3A_2184, %get3A_2181 : vector<16xi32>
        %min3A_2186 = vector.broadcast %jit3A_2183 : i32 to vector<16xi32>
        %min3A_2187 = arith.minsi %min3A_2186, %max3A_2185 : vector<16xi32>
        %add3A_2188 = arith.addi %add3A_2178, %min3A_2187 : vector<16xi32>
        %swap3A_2189 = arith.index_cast %mul3A_2153 : i32 to index
        %swap3A_2190 = tpu.vector_load %arg16[%swap3A_2189] {strides = array<i32>} : memref<10000xi32, #tpu.memory_space<vmem>>, vector<16xi32>,
        %swap3A_2191 = vector.shape_cast %swap3A_2190 : vector<16xi32> to vector<16xi32>
        %swap3A_2192 = vector.shape_cast %add3A_2188 : vector<16xi32> to vector<16xi32>
        tpu.vector_store %arg16[%swap3A_2189], %swap3A_2192 {strides = array<i32>} : memref<10000xi32, #tpu.memory_space<vmem>>, vector<16xi32>,
        %add3A_2193 = arith.constant 11 : i32
        %add3A_2194 = arith.addi %mul3A_1719, %add3A_2193 : i32
        %mul3A_2195 = arith.constant 16 : i32
        %mul3A_2196 = arith.muli %add3A_2194, %mul3A_2195 : i32
        %get3A_2197 = arith.index_cast %mul3A_2196 : i32 to index
        %get3A_2198 = tpu.vector_load %arg13[%get3A_2197] {strides = array<i32>} : memref<10000xi32, #tpu.memory_space<vmem>>, vector<16xi32>,
        %get3A_2199 = vector.shape_cast %get3A_2198 : vector<16xi32> to vector<16xi32>
        %jit3A_2200 = arith.constant 0 : i32
        %jit3A_2201 = arith.constant 5 : i32
        %max3A_2202 = vector.broadcast %jit3A_2200 : i32 to vector<16xi32>
        %max3A_2203 = arith.maxsi %max3A_2202, %get3A_2199 : vector<16xi32>
        %min3A_2204 = vector.broadcast %jit3A_2201 : i32 to vector<16xi32>
        %min3A_2205 = arith.minsi %min3A_2204, %max3A_2203 : vector<16xi32>
        %mul3A_2206 = arith.constant 21 : i32
        %mul3A_2207 = vector.broadcast %mul3A_2206 : i32 to vector<16xi32>
        %mul3A_2208 = arith.muli %min3A_2205, %mul3A_2207 : vector<16xi32>
        %get3A_2209 = arith.index_cast %mul3A_2196 : i32 to index
        %get3A_2210 = tpu.vector_load %arg14[%get3A_2209] {strides = array<i32>} : memref<10000xi32, #tpu.memory_space<vmem>>, vector<16xi32>,
        %get3A_2211 = vector.shape_cast %get3A_2210 : vector<16xi32> to vector<16xi32>
        %jit3A_2212 = arith.constant 0 : i32
        %jit3A_2213 = arith.constant 6 : i32
        %max3A_2214 = vector.broadcast %jit3A_2212 : i32 to vector<16xi32>
        %max3A_2215 = arith.maxsi %max3A_2214, %get3A_2211 : vector<16xi32>
        %min3A_2216 = vector.broadcast %jit3A_2213 : i32 to vector<16xi32>
        %min3A_2217 = arith.minsi %min3A_2216, %max3A_2215 : vector<16xi32>
        %mul3A_2218 = arith.constant 3 : i32
        %mul3A_2219 = vector.broadcast %mul3A_2218 : i32 to vector<16xi32>
        %mul3A_2220 = arith.muli %min3A_2217, %mul3A_2219 : vector<16xi32>
        %add3A_2221 = arith.addi %mul3A_2208, %mul3A_2220 : vector<16xi32>
        %get3A_2222 = arith.index_cast %mul3A_2196 : i32 to index
        %get3A_2223 = tpu.vector_load %arg15[%get3A_2222] {strides = array<i32>} : memref<10000xi32, #tpu.memory_space<vmem>>, vector<16xi32>,
        %get3A_2224 = vector.shape_cast %get3A_2223 : vector<16xi32> to vector<16xi32>
        %jit3A_2225 = arith.constant 0 : i32
        %jit3A_2226 = arith.constant 2 : i32
        %max3A_2227 = vector.broadcast %jit3A_2225 : i32 to vector<16xi32>
        %max3A_2228 = arith.maxsi %max3A_2227, %get3A_2224 : vector<16xi32>
        %min3A_2229 = vector.broadcast %jit3A_2226 : i32 to vector<16xi32>
        %min3A_2230 = arith.minsi %min3A_2229, %max3A_2228 : vector<16xi32>
        %add3A_2231 = arith.addi %add3A_2221, %min3A_2230 : vector<16xi32>
        %swap3A_2232 = arith.index_cast %mul3A_2196 : i32 to index
        %swap3A_2233 = tpu.vector_load %arg16[%swap3A_2232] {strides = array<i32>} : memref<10000xi32, #tpu.memory_space<vmem>>, vector<16xi32>,
        %swap3A_2234 = vector.shape_cast %swap3A_2233 : vector<16xi32> to vector<16xi32>
        %swap3A_2235 = vector.shape_cast %add3A_2231 : vector<16xi32> to vector<16xi32>
        tpu.vector_store %arg16[%swap3A_2232], %swap3A_2235 {strides = array<i32>} : memref<10000xi32, #tpu.memory_space<vmem>>, vector<16xi32>,
        %add3A_2236 = arith.constant 12 : i32
        %add3A_2237 = arith.addi %mul3A_1719, %add3A_2236 : i32
        %mul3A_2238 = arith.constant 16 : i32
        %mul3A_2239 = arith.muli %add3A_2237, %mul3A_2238 : i32
        %get3A_2240 = arith.index_cast %mul3A_2239 : i32 to index
        %get3A_2241 = tpu.vector_load %arg13[%get3A_2240] {strides = array<i32>} : memref<10000xi32, #tpu.memory_space<vmem>>, vector<16xi32>,
        %get3A_2242 = vector.shape_cast %get3A_2241 : vector<16xi32> to vector<16xi32>
        %jit3A_2243 = arith.constant 0 : i32
        %jit3A_2244 = arith.constant 5 : i32
        %max3A_2245 = vector.broadcast %jit3A_2243 : i32 to vector<16xi32>
        %max3A_2246 = arith.maxsi %max3A_2245, %get3A_2242 : vector<16xi32>
        %min3A_2247 = vector.broadcast %jit3A_2244 : i32 to vector<16xi32>
        %min3A_2248 = arith.minsi %min3A_2247, %max3A_2246 : vector<16xi32>
        %mul3A_2249 = arith.constant 21 : i32
        %mul3A_2250 = vector.broadcast %mul3A_2249 : i32 to vector<16xi32>
        %mul3A_2251 = arith.muli %min3A_2248, %mul3A_2250 : vector<16xi32>
        %get3A_2252 = arith.index_cast %mul3A_2239 : i32 to index
        %get3A_2253 = tpu.vector_load %arg14[%get3A_2252] {strides = array<i32>} : memref<10000xi32, #tpu.memory_space<vmem>>, vector<16xi32>,
        %get3A_2254 = vector.shape_cast %get3A_2253 : vector<16xi32> to vector<16xi32>
        %jit3A_2255 = arith.constant 0 : i32
        %jit3A_2256 = arith.constant 6 : i32
        %max3A_2257 = vector.broadcast %jit3A_2255 : i32 to vector<16xi32>
        %max3A_2258 = arith.maxsi %max3A_2257, %get3A_2254 : vector<16xi32>
        %min3A_2259 = vector.broadcast %jit3A_2256 : i32 to vector<16xi32>
        %min3A_2260 = arith.minsi %min3A_2259, %max3A_2258 : vector<16xi32>
        %mul3A_2261 = arith.constant 3 : i32
        %mul3A_2262 = vector.broadcast %mul3A_2261 : i32 to vector<16xi32>
        %mul3A_2263 = arith.muli %min3A_2260, %mul3A_2262 : vector<16xi32>
        %add3A_2264 = arith.addi %mul3A_2251, %mul3A_2263 : vector<16xi32>
        %get3A_2265 = arith.index_cast %mul3A_2239 : i32 to index
        %get3A_2266 = tpu.vector_load %arg15[%get3A_2265] {strides = array<i32>} : memref<10000xi32, #tpu.memory_space<vmem>>, vector<16xi32>,
        %get3A_2267 = vector.shape_cast %get3A_2266 : vector<16xi32> to vector<16xi32>
        %jit3A_2268 = arith.constant 0 : i32
        %jit3A_2269 = arith.constant 2 : i32
        %max3A_2270 = vector.broadcast %jit3A_2268 : i32 to vector<16xi32>
        %max3A_2271 = arith.maxsi %max3A_2270, %get3A_2267 : vector<16xi32>
        %min3A_2272 = vector.broadcast %jit3A_2269 : i32 to vector<16xi32>
        %min3A_2273 = arith.minsi %min3A_2272, %max3A_2271 : vector<16xi32>
        %add3A_2274 = arith.addi %add3A_2264, %min3A_2273 : vector<16xi32>
        %swap3A_2275 = arith.index_cast %mul3A_2239 : i32 to index
        %swap3A_2276 = tpu.vector_load %arg16[%swap3A_2275] {strides = array<i32>} : memref<10000xi32, #tpu.memory_space<vmem>>, vector<16xi32>,
        %swap3A_2277 = vector.shape_cast %swap3A_2276 : vector<16xi32> to vector<16xi32>
        %swap3A_2278 = vector.shape_cast %add3A_2274 : vector<16xi32> to vector<16xi32>
        tpu.vector_store %arg16[%swap3A_2275], %swap3A_2278 {strides = array<i32>} : memref<10000xi32, #tpu.memory_space<vmem>>, vector<16xi32>,
        %add3A_2279 = arith.constant 13 : i32
        %add3A_2280 = arith.addi %mul3A_1719, %add3A_2279 : i32
        %mul3A_2281 = arith.constant 16 : i32
        %mul3A_2282 = arith.muli %add3A_2280, %mul3A_2281 : i32
        %get3A_2283 = arith.index_cast %mul3A_2282 : i32 to index
        %get3A_2284 = tpu.vector_load %arg13[%get3A_2283] {strides = array<i32>} : memref<10000xi32, #tpu.memory_space<vmem>>, vector<16xi32>,
        %get3A_2285 = vector.shape_cast %get3A_2284 : vector<16xi32> to vector<16xi32>
        %jit3A_2286 = arith.constant 0 : i32
        %jit3A_2287 = arith.constant 5 : i32
        %max3A_2288 = vector.broadcast %jit3A_2286 : i32 to vector<16xi32>
        %max3A_2289 = arith.maxsi %max3A_2288, %get3A_2285 : vector<16xi32>
        %min3A_2290 = vector.broadcast %jit3A_2287 : i32 to vector<16xi32>
        %min3A_2291 = arith.minsi %min3A_2290, %max3A_2289 : vector<16xi32>
        %mul3A_2292 = arith.constant 21 : i32
        %mul3A_2293 = vector.broadcast %mul3A_2292 : i32 to vector<16xi32>
        %mul3A_2294 = arith.muli %min3A_2291, %mul3A_2293 : vector<16xi32>
        %get3A_2295 = arith.index_cast %mul3A_2282 : i32 to index
        %get3A_2296 = tpu.vector_load %arg14[%get3A_2295] {strides = array<i32>} : memref<10000xi32, #tpu.memory_space<vmem>>, vector<16xi32>,
        %get3A_2297 = vector.shape_cast %get3A_2296 : vector<16xi32> to vector<16xi32>
        %jit3A_2298 = arith.constant 0 : i32
        %jit3A_2299 = arith.constant 6 : i32
        %max3A_2300 = vector.broadcast %jit3A_2298 : i32 to vector<16xi32>
        %max3A_2301 = arith.maxsi %max3A_2300, %get3A_2297 : vector<16xi32>
        %min3A_2302 = vector.broadcast %jit3A_2299 : i32 to vector<16xi32>
        %min3A_2303 = arith.minsi %min3A_2302, %max3A_2301 : vector<16xi32>
        %mul3A_2304 = arith.constant 3 : i32
        %mul3A_2305 = vector.broadcast %mul3A_2304 : i32 to vector<16xi32>
        %mul3A_2306 = arith.muli %min3A_2303, %mul3A_2305 : vector<16xi32>
        %add3A_2307 = arith.addi %mul3A_2294, %mul3A_2306 : vector<16xi32>
        %get3A_2308 = arith.index_cast %mul3A_2282 : i32 to index
        %get3A_2309 = tpu.vector_load %arg15[%get3A_2308] {strides = array<i32>} : memref<10000xi32, #tpu.memory_space<vmem>>, vector<16xi32>,
        %get3A_2310 = vector.shape_cast %get3A_2309 : vector<16xi32> to vector<16xi32>
        %jit3A_2311 = arith.constant 0 : i32
        %jit3A_2312 = arith.constant 2 : i32
        %max3A_2313 = vector.broadcast %jit3A_2311 : i32 to vector<16xi32>
        %max3A_2314 = arith.maxsi %max3A_2313, %get3A_2310 : vector<16xi32>
        %min3A_2315 = vector.broadcast %jit3A_2312 : i32 to vector<16xi32>
        %min3A_2316 = arith.minsi %min3A_2315, %max3A_2314 : vector<16xi32>
        %add3A_2317 = arith.addi %add3A_2307, %min3A_2316 : vector<16xi32>
        %swap3A_2318 = arith.index_cast %mul3A_2282 : i32 to index
        %swap3A_2319 = tpu.vector_load %arg16[%swap3A_2318] {strides = array<i32>} : memref<10000xi32, #tpu.memory_space<vmem>>, vector<16xi32>,
        %swap3A_2320 = vector.shape_cast %swap3A_2319 : vector<16xi32> to vector<16xi32>
        %swap3A_2321 = vector.shape_cast %add3A_2317 : vector<16xi32> to vector<16xi32>
        tpu.vector_store %arg16[%swap3A_2318], %swap3A_2321 {strides = array<i32>} : memref<10000xi32, #tpu.memory_space<vmem>>, vector<16xi32>,
        %add3A_2322 = arith.constant 14 : i32
        %add3A_2323 = arith.addi %mul3A_1719, %add3A_2322 : i32
        %mul3A_2324 = arith.constant 16 : i32
        %mul3A_2325 = arith.muli %add3A_2323, %mul3A_2324 : i32
        %get3A_2326 = arith.index_cast %mul3A_2325 : i32 to index
        %get3A_2327 = tpu.vector_load %arg13[%get3A_2326] {strides = array<i32>} : memref<10000xi32, #tpu.memory_space<vmem>>, vector<16xi32>,
        %get3A_2328 = vector.shape_cast %get3A_2327 : vector<16xi32> to vector<16xi32>
        %jit3A_2329 = arith.constant 0 : i32
        %jit3A_2330 = arith.constant 5 : i32
        %max3A_2331 = vector.broadcast %jit3A_2329 : i32 to vector<16xi32>
        %max3A_2332 = arith.maxsi %max3A_2331, %get3A_2328 : vector<16xi32>
        %min3A_2333 = vector.broadcast %jit3A_2330 : i32 to vector<16xi32>
        %min3A_2334 = arith.minsi %min3A_2333, %max3A_2332 : vector<16xi32>
        %mul3A_2335 = arith.constant 21 : i32
        %mul3A_2336 = vector.broadcast %mul3A_2335 : i32 to vector<16xi32>
        %mul3A_2337 = arith.muli %min3A_2334, %mul3A_2336 : vector<16xi32>
        %get3A_2338 = arith.index_cast %mul3A_2325 : i32 to index
        %get3A_2339 = tpu.vector_load %arg14[%get3A_2338] {strides = array<i32>} : memref<10000xi32, #tpu.memory_space<vmem>>, vector<16xi32>,
        %get3A_2340 = vector.shape_cast %get3A_2339 : vector<16xi32> to vector<16xi32>
        %jit3A_2341 = arith.constant 0 : i32
        %jit3A_2342 = arith.constant 6 : i32
        %max3A_2343 = vector.broadcast %jit3A_2341 : i32 to vector<16xi32>
        %max3A_2344 = arith.maxsi %max3A_2343, %get3A_2340 : vector<16xi32>
        %min3A_2345 = vector.broadcast %jit3A_2342 : i32 to vector<16xi32>
        %min3A_2346 = arith.minsi %min3A_2345, %max3A_2344 : vector<16xi32>
        %mul3A_2347 = arith.constant 3 : i32
        %mul3A_2348 = vector.broadcast %mul3A_2347 : i32 to vector<16xi32>
        %mul3A_2349 = arith.muli %min3A_2346, %mul3A_2348 : vector<16xi32>
        %add3A_2350 = arith.addi %mul3A_2337, %mul3A_2349 : vector<16xi32>
        %get3A_2351 = arith.index_cast %mul3A_2325 : i32 to index
        %get3A_2352 = tpu.vector_load %arg15[%get3A_2351] {strides = array<i32>} : memref<10000xi32, #tpu.memory_space<vmem>>, vector<16xi32>,
        %get3A_2353 = vector.shape_cast %get3A_2352 : vector<16xi32> to vector<16xi32>
        %jit3A_2354 = arith.constant 0 : i32
        %jit3A_2355 = arith.constant 2 : i32
        %max3A_2356 = vector.broadcast %jit3A_2354 : i32 to vector<16xi32>
        %max3A_2357 = arith.maxsi %max3A_2356, %get3A_2353 : vector<16xi32>
        %min3A_2358 = vector.broadcast %jit3A_2355 : i32 to vector<16xi32>
        %min3A_2359 = arith.minsi %min3A_2358, %max3A_2357 : vector<16xi32>
        %add3A_2360 = arith.addi %add3A_2350, %min3A_2359 : vector<16xi32>
        %swap3A_2361 = arith.index_cast %mul3A_2325 : i32 to index
        %swap3A_2362 = tpu.vector_load %arg16[%swap3A_2361] {strides = array<i32>} : memref<10000xi32, #tpu.memory_space<vmem>>, vector<16xi32>,
        %swap3A_2363 = vector.shape_cast %swap3A_2362 : vector<16xi32> to vector<16xi32>
        %swap3A_2364 = vector.shape_cast %add3A_2360 : vector<16xi32> to vector<16xi32>
        tpu.vector_store %arg16[%swap3A_2361], %swap3A_2364 {strides = array<i32>} : memref<10000xi32, #tpu.memory_space<vmem>>, vector<16xi32>,
        %add3A_2365 = arith.constant 15 : i32
        %add3A_2366 = arith.addi %mul3A_1719, %add3A_2365 : i32
        %mul3A_2367 = arith.constant 16 : i32
        %mul3A_2368 = arith.muli %add3A_2366, %mul3A_2367 : i32
        %get3A_2369 = arith.index_cast %mul3A_2368 : i32 to index
        %get3A_2370 = tpu.vector_load %arg13[%get3A_2369] {strides = array<i32>} : memref<10000xi32, #tpu.memory_space<vmem>>, vector<16xi32>,
        %get3A_2371 = vector.shape_cast %get3A_2370 : vector<16xi32> to vector<16xi32>
        %jit3A_2372 = arith.constant 0 : i32
        %jit3A_2373 = arith.constant 5 : i32
        %max3A_2374 = vector.broadcast %jit3A_2372 : i32 to vector<16xi32>
        %max3A_2375 = arith.maxsi %max3A_2374, %get3A_2371 : vector<16xi32>
        %min3A_2376 = vector.broadcast %jit3A_2373 : i32 to vector<16xi32>
        %min3A_2377 = arith.minsi %min3A_2376, %max3A_2375 : vector<16xi32>
        %mul3A_2378 = arith.constant 21 : i32
        %mul3A_2379 = vector.broadcast %mul3A_2378 : i32 to vector<16xi32>
        %mul3A_2380 = arith.muli %min3A_2377, %mul3A_2379 : vector<16xi32>
        %get3A_2381 = arith.index_cast %mul3A_2368 : i32 to index
        %get3A_2382 = tpu.vector_load %arg14[%get3A_2381] {strides = array<i32>} : memref<10000xi32, #tpu.memory_space<vmem>>, vector<16xi32>,
        %get3A_2383 = vector.shape_cast %get3A_2382 : vector<16xi32> to vector<16xi32>
        %jit3A_2384 = arith.constant 0 : i32
        %jit3A_2385 = arith.constant 6 : i32
        %max3A_2386 = vector.broadcast %jit3A_2384 : i32 to vector<16xi32>
        %max3A_2387 = arith.maxsi %max3A_2386, %get3A_2383 : vector<16xi32>
        %min3A_2388 = vector.broadcast %jit3A_2385 : i32 to vector<16xi32>
        %min3A_2389 = arith.minsi %min3A_2388, %max3A_2387 : vector<16xi32>
        %mul3A_2390 = arith.constant 3 : i32
        %mul3A_2391 = vector.broadcast %mul3A_2390 : i32 to vector<16xi32>
        %mul3A_2392 = arith.muli %min3A_2389, %mul3A_2391 : vector<16xi32>
        %add3A_2393 = arith.addi %mul3A_2380, %mul3A_2392 : vector<16xi32>
        %get3A_2394 = arith.index_cast %mul3A_2368 : i32 to index
        %get3A_2395 = tpu.vector_load %arg15[%get3A_2394] {strides = array<i32>} : memref<10000xi32, #tpu.memory_space<vmem>>, vector<16xi32>,
        %get3A_2396 = vector.shape_cast %get3A_2395 : vector<16xi32> to vector<16xi32>
        %jit3A_2397 = arith.constant 0 : i32
        %jit3A_2398 = arith.constant 2 : i32
        %max3A_2399 = vector.broadcast %jit3A_2397 : i32 to vector<16xi32>
        %max3A_2400 = arith.maxsi %max3A_2399, %get3A_2396 : vector<16xi32>
        %min3A_2401 = vector.broadcast %jit3A_2398 : i32 to vector<16xi32>
        %min3A_2402 = arith.minsi %min3A_2401, %max3A_2400 : vector<16xi32>
        %add3A_2403 = arith.addi %add3A_2393, %min3A_2402 : vector<16xi32>
        %swap3A_2404 = arith.index_cast %mul3A_2368 : i32 to index
        %swap3A_2405 = tpu.vector_load %arg16[%swap3A_2404] {strides = array<i32>} : memref<10000xi32, #tpu.memory_space<vmem>>, vector<16xi32>,
        %swap3A_2406 = vector.shape_cast %swap3A_2405 : vector<16xi32> to vector<16xi32>
        %swap3A_2407 = vector.shape_cast %add3A_2403 : vector<16xi32> to vector<16xi32>
        tpu.vector_store %arg16[%swap3A_2404], %swap3A_2407 {strides = array<i32>} : memref<10000xi32, #tpu.memory_space<vmem>>, vector<16xi32>,
        %add3A_2408 = arith.constant 16 : i32
        %add3A_2409 = arith.addi %mul3A_1719, %add3A_2408 : i32
        %mul3A_2410 = arith.constant 16 : i32
        %mul3A_2411 = arith.muli %add3A_2409, %mul3A_2410 : i32
        %get3A_2412 = arith.index_cast %mul3A_2411 : i32 to index
        %get3A_2413 = tpu.vector_load %arg13[%get3A_2412] {strides = array<i32>} : memref<10000xi32, #tpu.memory_space<vmem>>, vector<16xi32>,
        %get3A_2414 = vector.shape_cast %get3A_2413 : vector<16xi32> to vector<16xi32>
        %jit3A_2415 = arith.constant 0 : i32
        %jit3A_2416 = arith.constant 5 : i32
        %max3A_2417 = vector.broadcast %jit3A_2415 : i32 to vector<16xi32>
        %max3A_2418 = arith.maxsi %max3A_2417, %get3A_2414 : vector<16xi32>
        %min3A_2419 = vector.broadcast %jit3A_2416 : i32 to vector<16xi32>
        %min3A_2420 = arith.minsi %min3A_2419, %max3A_2418 : vector<16xi32>
        %mul3A_2421 = arith.constant 21 : i32
        %mul3A_2422 = vector.broadcast %mul3A_2421 : i32 to vector<16xi32>
        %mul3A_2423 = arith.muli %min3A_2420, %mul3A_2422 : vector<16xi32>
        %get3A_2424 = arith.index_cast %mul3A_2411 : i32 to index
        %get3A_2425 = tpu.vector_load %arg14[%get3A_2424] {strides = array<i32>} : memref<10000xi32, #tpu.memory_space<vmem>>, vector<16xi32>,
        %get3A_2426 = vector.shape_cast %get3A_2425 : vector<16xi32> to vector<16xi32>
        %jit3A_2427 = arith.constant 0 : i32
        %jit3A_2428 = arith.constant 6 : i32
        %max3A_2429 = vector.broadcast %jit3A_2427 : i32 to vector<16xi32>
        %max3A_2430 = arith.maxsi %max3A_2429, %get3A_2426 : vector<16xi32>
        %min3A_2431 = vector.broadcast %jit3A_2428 : i32 to vector<16xi32>
        %min3A_2432 = arith.minsi %min3A_2431, %max3A_2430 : vector<16xi32>
        %mul3A_2433 = arith.constant 3 : i32
        %mul3A_2434 = vector.broadcast %mul3A_2433 : i32 to vector<16xi32>
        %mul3A_2435 = arith.muli %min3A_2432, %mul3A_2434 : vector<16xi32>
        %add3A_2436 = arith.addi %mul3A_2423, %mul3A_2435 : vector<16xi32>
        %get3A_2437 = arith.index_cast %mul3A_2411 : i32 to index
        %get3A_2438 = tpu.vector_load %arg15[%get3A_2437] {strides = array<i32>} : memref<10000xi32, #tpu.memory_space<vmem>>, vector<16xi32>,
        %get3A_2439 = vector.shape_cast %get3A_2438 : vector<16xi32> to vector<16xi32>
        %jit3A_2440 = arith.constant 0 : i32
        %jit3A_2441 = arith.constant 2 : i32
        %max3A_2442 = vector.broadcast %jit3A_2440 : i32 to vector<16xi32>
        %max3A_2443 = arith.maxsi %max3A_2442, %get3A_2439 : vector<16xi32>
        %min3A_2444 = vector.broadcast %jit3A_2441 : i32 to vector<16xi32>
        %min3A_2445 = arith.minsi %min3A_2444, %max3A_2443 : vector<16xi32>
        %add3A_2446 = arith.addi %add3A_2436, %min3A_2445 : vector<16xi32>
        %swap3A_2447 = arith.index_cast %mul3A_2411 : i32 to index
        %swap3A_2448 = tpu.vector_load %arg16[%swap3A_2447] {strides = array<i32>} : memref<10000xi32, #tpu.memory_space<vmem>>, vector<16xi32>,
        %swap3A_2449 = vector.shape_cast %swap3A_2448 : vector<16xi32> to vector<16xi32>
        %swap3A_2450 = vector.shape_cast %add3A_2446 : vector<16xi32> to vector<16xi32>
        tpu.vector_store %arg16[%swap3A_2447], %swap3A_2450 {strides = array<i32>} : memref<10000xi32, #tpu.memory_space<vmem>>, vector<16xi32>,
        %add3A_2451 = arith.constant 17 : i32
        %add3A_2452 = arith.addi %mul3A_1719, %add3A_2451 : i32
        %mul3A_2453 = arith.constant 16 : i32
        %mul3A_2454 = arith.muli %add3A_2452, %mul3A_2453 : i32
        %get3A_2455 = arith.index_cast %mul3A_2454 : i32 to index
        %get3A_2456 = tpu.vector_load %arg13[%get3A_2455] {strides = array<i32>} : memref<10000xi32, #tpu.memory_space<vmem>>, vector<16xi32>,
        %get3A_2457 = vector.shape_cast %get3A_2456 : vector<16xi32> to vector<16xi32>
        %jit3A_2458 = arith.constant 0 : i32
        %jit3A_2459 = arith.constant 5 : i32
        %max3A_2460 = vector.broadcast %jit3A_2458 : i32 to vector<16xi32>
        %max3A_2461 = arith.maxsi %max3A_2460, %get3A_2457 : vector<16xi32>
        %min3A_2462 = vector.broadcast %jit3A_2459 : i32 to vector<16xi32>
        %min3A_2463 = arith.minsi %min3A_2462, %max3A_2461 : vector<16xi32>
        %mul3A_2464 = arith.constant 21 : i32
        %mul3A_2465 = vector.broadcast %mul3A_2464 : i32 to vector<16xi32>
        %mul3A_2466 = arith.muli %min3A_2463, %mul3A_2465 : vector<16xi32>
        %get3A_2467 = arith.index_cast %mul3A_2454 : i32 to index
        %get3A_2468 = tpu.vector_load %arg14[%get3A_2467] {strides = array<i32>} : memref<10000xi32, #tpu.memory_space<vmem>>, vector<16xi32>,
        %get3A_2469 = vector.shape_cast %get3A_2468 : vector<16xi32> to vector<16xi32>
        %jit3A_2470 = arith.constant 0 : i32
        %jit3A_2471 = arith.constant 6 : i32
        %max3A_2472 = vector.broadcast %jit3A_2470 : i32 to vector<16xi32>
        %max3A_2473 = arith.maxsi %max3A_2472, %get3A_2469 : vector<16xi32>
        %min3A_2474 = vector.broadcast %jit3A_2471 : i32 to vector<16xi32>
        %min3A_2475 = arith.minsi %min3A_2474, %max3A_2473 : vector<16xi32>
        %mul3A_2476 = arith.constant 3 : i32
        %mul3A_2477 = vector.broadcast %mul3A_2476 : i32 to vector<16xi32>
        %mul3A_2478 = arith.muli %min3A_2475, %mul3A_2477 : vector<16xi32>
        %add3A_2479 = arith.addi %mul3A_2466, %mul3A_2478 : vector<16xi32>
        %get3A_2480 = arith.index_cast %mul3A_2454 : i32 to index
        %get3A_2481 = tpu.vector_load %arg15[%get3A_2480] {strides = array<i32>} : memref<10000xi32, #tpu.memory_space<vmem>>, vector<16xi32>,
        %get3A_2482 = vector.shape_cast %get3A_2481 : vector<16xi32> to vector<16xi32>
        %jit3A_2483 = arith.constant 0 : i32
        %jit3A_2484 = arith.constant 2 : i32
        %max3A_2485 = vector.broadcast %jit3A_2483 : i32 to vector<16xi32>
        %max3A_2486 = arith.maxsi %max3A_2485, %get3A_2482 : vector<16xi32>
        %min3A_2487 = vector.broadcast %jit3A_2484 : i32 to vector<16xi32>
        %min3A_2488 = arith.minsi %min3A_2487, %max3A_2486 : vector<16xi32>
        %add3A_2489 = arith.addi %add3A_2479, %min3A_2488 : vector<16xi32>
        %swap3A_2490 = arith.index_cast %mul3A_2454 : i32 to index
        %swap3A_2491 = tpu.vector_load %arg16[%swap3A_2490] {strides = array<i32>} : memref<10000xi32, #tpu.memory_space<vmem>>, vector<16xi32>,
        %swap3A_2492 = vector.shape_cast %swap3A_2491 : vector<16xi32> to vector<16xi32>
        %swap3A_2493 = vector.shape_cast %add3A_2489 : vector<16xi32> to vector<16xi32>
        tpu.vector_store %arg16[%swap3A_2490], %swap3A_2493 {strides = array<i32>} : memref<10000xi32, #tpu.memory_space<vmem>>, vector<16xi32>,
        %add3A_2494 = arith.constant 18 : i32
        %add3A_2495 = arith.addi %mul3A_1719, %add3A_2494 : i32
        %mul3A_2496 = arith.constant 16 : i32
        %mul3A_2497 = arith.muli %add3A_2495, %mul3A_2496 : i32
        %get3A_2498 = arith.index_cast %mul3A_2497 : i32 to index
        %get3A_2499 = tpu.vector_load %arg13[%get3A_2498] {strides = array<i32>} : memref<10000xi32, #tpu.memory_space<vmem>>, vector<16xi32>,
        %get3A_2500 = vector.shape_cast %get3A_2499 : vector<16xi32> to vector<16xi32>
        %jit3A_2501 = arith.constant 0 : i32
        %jit3A_2502 = arith.constant 5 : i32
        %max3A_2503 = vector.broadcast %jit3A_2501 : i32 to vector<16xi32>
        %max3A_2504 = arith.maxsi %max3A_2503, %get3A_2500 : vector<16xi32>
        %min3A_2505 = vector.broadcast %jit3A_2502 : i32 to vector<16xi32>
        %min3A_2506 = arith.minsi %min3A_2505, %max3A_2504 : vector<16xi32>
        %mul3A_2507 = arith.constant 21 : i32
        %mul3A_2508 = vector.broadcast %mul3A_2507 : i32 to vector<16xi32>
        %mul3A_2509 = arith.muli %min3A_2506, %mul3A_2508 : vector<16xi32>
        %get3A_2510 = arith.index_cast %mul3A_2497 : i32 to index
        %get3A_2511 = tpu.vector_load %arg14[%get3A_2510] {strides = array<i32>} : memref<10000xi32, #tpu.memory_space<vmem>>, vector<16xi32>,
        %get3A_2512 = vector.shape_cast %get3A_2511 : vector<16xi32> to vector<16xi32>
        %jit3A_2513 = arith.constant 0 : i32
        %jit3A_2514 = arith.constant 6 : i32
        %max3A_2515 = vector.broadcast %jit3A_2513 : i32 to vector<16xi32>
        %max3A_2516 = arith.maxsi %max3A_2515, %get3A_2512 : vector<16xi32>
        %min3A_2517 = vector.broadcast %jit3A_2514 : i32 to vector<16xi32>
        %min3A_2518 = arith.minsi %min3A_2517, %max3A_2516 : vector<16xi32>
        %mul3A_2519 = arith.constant 3 : i32
        %mul3A_2520 = vector.broadcast %mul3A_2519 : i32 to vector<16xi32>
        %mul3A_2521 = arith.muli %min3A_2518, %mul3A_2520 : vector<16xi32>
        %add3A_2522 = arith.addi %mul3A_2509, %mul3A_2521 : vector<16xi32>
        %get3A_2523 = arith.index_cast %mul3A_2497 : i32 to index
        %get3A_2524 = tpu.vector_load %arg15[%get3A_2523] {strides = array<i32>} : memref<10000xi32, #tpu.memory_space<vmem>>, vector<16xi32>,
        %get3A_2525 = vector.shape_cast %get3A_2524 : vector<16xi32> to vector<16xi32>
        %jit3A_2526 = arith.constant 0 : i32
        %jit3A_2527 = arith.constant 2 : i32
        %max3A_2528 = vector.broadcast %jit3A_2526 : i32 to vector<16xi32>
        %max3A_2529 = arith.maxsi %max3A_2528, %get3A_2525 : vector<16xi32>
        %min3A_2530 = vector.broadcast %jit3A_2527 : i32 to vector<16xi32>
        %min3A_2531 = arith.minsi %min3A_2530, %max3A_2529 : vector<16xi32>
        %add3A_2532 = arith.addi %add3A_2522, %min3A_2531 : vector<16xi32>
        %swap3A_2533 = arith.index_cast %mul3A_2497 : i32 to index
        %swap3A_2534 = tpu.vector_load %arg16[%swap3A_2533] {strides = array<i32>} : memref<10000xi32, #tpu.memory_space<vmem>>, vector<16xi32>,
        %swap3A_2535 = vector.shape_cast %swap3A_2534 : vector<16xi32> to vector<16xi32>
        %swap3A_2536 = vector.shape_cast %add3A_2532 : vector<16xi32> to vector<16xi32>
        tpu.vector_store %arg16[%swap3A_2533], %swap3A_2536 {strides = array<i32>} : memref<10000xi32, #tpu.memory_space<vmem>>, vector<16xi32>,
        %add3A_2537 = arith.constant 19 : i32
        %add3A_2538 = arith.addi %mul3A_1719, %add3A_2537 : i32
        %mul3A_2539 = arith.constant 16 : i32
        %mul3A_2540 = arith.muli %add3A_2538, %mul3A_2539 : i32
        %get3A_2541 = arith.index_cast %mul3A_2540 : i32 to index
        %get3A_2542 = tpu.vector_load %arg13[%get3A_2541] {strides = array<i32>} : memref<10000xi32, #tpu.memory_space<vmem>>, vector<16xi32>,
        %get3A_2543 = vector.shape_cast %get3A_2542 : vector<16xi32> to vector<16xi32>
        %jit3A_2544 = arith.constant 0 : i32
        %jit3A_2545 = arith.constant 5 : i32
        %max3A_2546 = vector.broadcast %jit3A_2544 : i32 to vector<16xi32>
        %max3A_2547 = arith.maxsi %max3A_2546, %get3A_2543 : vector<16xi32>
        %min3A_2548 = vector.broadcast %jit3A_2545 : i32 to vector<16xi32>
        %min3A_2549 = arith.minsi %min3A_2548, %max3A_2547 : vector<16xi32>
        %mul3A_2550 = arith.constant 21 : i32
        %mul3A_2551 = vector.broadcast %mul3A_2550 : i32 to vector<16xi32>
        %mul3A_2552 = arith.muli %min3A_2549, %mul3A_2551 : vector<16xi32>
        %get3A_2553 = arith.index_cast %mul3A_2540 : i32 to index
        %get3A_2554 = tpu.vector_load %arg14[%get3A_2553] {strides = array<i32>} : memref<10000xi32, #tpu.memory_space<vmem>>, vector<16xi32>,
        %get3A_2555 = vector.shape_cast %get3A_2554 : vector<16xi32> to vector<16xi32>
        %jit3A_2556 = arith.constant 0 : i32
        %jit3A_2557 = arith.constant 6 : i32
        %max3A_2558 = vector.broadcast %jit3A_2556 : i32 to vector<16xi32>
        %max3A_2559 = arith.maxsi %max3A_2558, %get3A_2555 : vector<16xi32>
        %min3A_2560 = vector.broadcast %jit3A_2557 : i32 to vector<16xi32>
        %min3A_2561 = arith.minsi %min3A_2560, %max3A_2559 : vector<16xi32>
        %mul3A_2562 = arith.constant 3 : i32
        %mul3A_2563 = vector.broadcast %mul3A_2562 : i32 to vector<16xi32>
        %mul3A_2564 = arith.muli %min3A_2561, %mul3A_2563 : vector<16xi32>
        %add3A_2565 = arith.addi %mul3A_2552, %mul3A_2564 : vector<16xi32>
        %get3A_2566 = arith.index_cast %mul3A_2540 : i32 to index
        %get3A_2567 = tpu.vector_load %arg15[%get3A_2566] {strides = array<i32>} : memref<10000xi32, #tpu.memory_space<vmem>>, vector<16xi32>,
        %get3A_2568 = vector.shape_cast %get3A_2567 : vector<16xi32> to vector<16xi32>
        %jit3A_2569 = arith.constant 0 : i32
        %jit3A_2570 = arith.constant 2 : i32
        %max3A_2571 = vector.broadcast %jit3A_2569 : i32 to vector<16xi32>
        %max3A_2572 = arith.maxsi %max3A_2571, %get3A_2568 : vector<16xi32>
        %min3A_2573 = vector.broadcast %jit3A_2570 : i32 to vector<16xi32>
        %min3A_2574 = arith.minsi %min3A_2573, %max3A_2572 : vector<16xi32>
        %add3A_2575 = arith.addi %add3A_2565, %min3A_2574 : vector<16xi32>
        %swap3A_2576 = arith.index_cast %mul3A_2540 : i32 to index
        %swap3A_2577 = tpu.vector_load %arg16[%swap3A_2576] {strides = array<i32>} : memref<10000xi32, #tpu.memory_space<vmem>>, vector<16xi32>,
        %swap3A_2578 = vector.shape_cast %swap3A_2577 : vector<16xi32> to vector<16xi32>
        %swap3A_2579 = vector.shape_cast %add3A_2575 : vector<16xi32> to vector<16xi32>
        tpu.vector_store %arg16[%swap3A_2576], %swap3A_2579 {strides = array<i32>} : memref<10000xi32, #tpu.memory_space<vmem>>, vector<16xi32>,
        %add3A_2580 = arith.constant 20 : i32
        %add3A_2581 = arith.addi %mul3A_1719, %add3A_2580 : i32
        %mul3A_2582 = arith.constant 16 : i32
        %mul3A_2583 = arith.muli %add3A_2581, %mul3A_2582 : i32
        %get3A_2584 = arith.index_cast %mul3A_2583 : i32 to index
        %get3A_2585 = tpu.vector_load %arg13[%get3A_2584] {strides = array<i32>} : memref<10000xi32, #tpu.memory_space<vmem>>, vector<16xi32>,
        %get3A_2586 = vector.shape_cast %get3A_2585 : vector<16xi32> to vector<16xi32>
        %jit3A_2587 = arith.constant 0 : i32
        %jit3A_2588 = arith.constant 5 : i32
        %max3A_2589 = vector.broadcast %jit3A_2587 : i32 to vector<16xi32>
        %max3A_2590 = arith.maxsi %max3A_2589, %get3A_2586 : vector<16xi32>
        %min3A_2591 = vector.broadcast %jit3A_2588 : i32 to vector<16xi32>
        %min3A_2592 = arith.minsi %min3A_2591, %max3A_2590 : vector<16xi32>
        %mul3A_2593 = arith.constant 21 : i32
        %mul3A_2594 = vector.broadcast %mul3A_2593 : i32 to vector<16xi32>
        %mul3A_2595 = arith.muli %min3A_2592, %mul3A_2594 : vector<16xi32>
        %get3A_2596 = arith.index_cast %mul3A_2583 : i32 to index
        %get3A_2597 = tpu.vector_load %arg14[%get3A_2596] {strides = array<i32>} : memref<10000xi32, #tpu.memory_space<vmem>>, vector<16xi32>,
        %get3A_2598 = vector.shape_cast %get3A_2597 : vector<16xi32> to vector<16xi32>
        %jit3A_2599 = arith.constant 0 : i32
        %jit3A_2600 = arith.constant 6 : i32
        %max3A_2601 = vector.broadcast %jit3A_2599 : i32 to vector<16xi32>
        %max3A_2602 = arith.maxsi %max3A_2601, %get3A_2598 : vector<16xi32>
        %min3A_2603 = vector.broadcast %jit3A_2600 : i32 to vector<16xi32>
        %min3A_2604 = arith.minsi %min3A_2603, %max3A_2602 : vector<16xi32>
        %mul3A_2605 = arith.constant 3 : i32
        %mul3A_2606 = vector.broadcast %mul3A_2605 : i32 to vector<16xi32>
        %mul3A_2607 = arith.muli %min3A_2604, %mul3A_2606 : vector<16xi32>
        %add3A_2608 = arith.addi %mul3A_2595, %mul3A_2607 : vector<16xi32>
        %get3A_2609 = arith.index_cast %mul3A_2583 : i32 to index
        %get3A_2610 = tpu.vector_load %arg15[%get3A_2609] {strides = array<i32>} : memref<10000xi32, #tpu.memory_space<vmem>>, vector<16xi32>,
        %get3A_2611 = vector.shape_cast %get3A_2610 : vector<16xi32> to vector<16xi32>
        %jit3A_2612 = arith.constant 0 : i32
        %jit3A_2613 = arith.constant 2 : i32
        %max3A_2614 = vector.broadcast %jit3A_2612 : i32 to vector<16xi32>
        %max3A_2615 = arith.maxsi %max3A_2614, %get3A_2611 : vector<16xi32>
        %min3A_2616 = vector.broadcast %jit3A_2613 : i32 to vector<16xi32>
        %min3A_2617 = arith.minsi %min3A_2616, %max3A_2615 : vector<16xi32>
        %add3A_2618 = arith.addi %add3A_2608, %min3A_2617 : vector<16xi32>
        %swap3A_2619 = arith.index_cast %mul3A_2583 : i32 to index
        %swap3A_2620 = tpu.vector_load %arg16[%swap3A_2619] {strides = array<i32>} : memref<10000xi32, #tpu.memory_space<vmem>>, vector<16xi32>,
        %swap3A_2621 = vector.shape_cast %swap3A_2620 : vector<16xi32> to vector<16xi32>
        %swap3A_2622 = vector.shape_cast %add3A_2618 : vector<16xi32> to vector<16xi32>
        tpu.vector_store %arg16[%swap3A_2619], %swap3A_2622 {strides = array<i32>} : memref<10000xi32, #tpu.memory_space<vmem>>, vector<16xi32>,
        %add3A_2623 = arith.constant 21 : i32
        %add3A_2624 = arith.addi %mul3A_1719, %add3A_2623 : i32
        %mul3A_2625 = arith.constant 16 : i32
        %mul3A_2626 = arith.muli %add3A_2624, %mul3A_2625 : i32
        %get3A_2627 = arith.index_cast %mul3A_2626 : i32 to index
        %get3A_2628 = tpu.vector_load %arg13[%get3A_2627] {strides = array<i32>} : memref<10000xi32, #tpu.memory_space<vmem>>, vector<16xi32>,
        %get3A_2629 = vector.shape_cast %get3A_2628 : vector<16xi32> to vector<16xi32>
        %jit3A_2630 = arith.constant 0 : i32
        %jit3A_2631 = arith.constant 5 : i32
        %max3A_2632 = vector.broadcast %jit3A_2630 : i32 to vector<16xi32>
        %max3A_2633 = arith.maxsi %max3A_2632, %get3A_2629 : vector<16xi32>
        %min3A_2634 = vector.broadcast %jit3A_2631 : i32 to vector<16xi32>
        %min3A_2635 = arith.minsi %min3A_2634, %max3A_2633 : vector<16xi32>
        %mul3A_2636 = arith.constant 21 : i32
        %mul3A_2637 = vector.broadcast %mul3A_2636 : i32 to vector<16xi32>
        %mul3A_2638 = arith.muli %min3A_2635, %mul3A_2637 : vector<16xi32>
        %get3A_2639 = arith.index_cast %mul3A_2626 : i32 to index
        %get3A_2640 = tpu.vector_load %arg14[%get3A_2639] {strides = array<i32>} : memref<10000xi32, #tpu.memory_space<vmem>>, vector<16xi32>,
        %get3A_2641 = vector.shape_cast %get3A_2640 : vector<16xi32> to vector<16xi32>
        %jit3A_2642 = arith.constant 0 : i32
        %jit3A_2643 = arith.constant 6 : i32
        %max3A_2644 = vector.broadcast %jit3A_2642 : i32 to vector<16xi32>
        %max3A_2645 = arith.maxsi %max3A_2644, %get3A_2641 : vector<16xi32>
        %min3A_2646 = vector.broadcast %jit3A_2643 : i32 to vector<16xi32>
        %min3A_2647 = arith.minsi %min3A_2646, %max3A_2645 : vector<16xi32>
        %mul3A_2648 = arith.constant 3 : i32
        %mul3A_2649 = vector.broadcast %mul3A_2648 : i32 to vector<16xi32>
        %mul3A_2650 = arith.muli %min3A_2647, %mul3A_2649 : vector<16xi32>
        %add3A_2651 = arith.addi %mul3A_2638, %mul3A_2650 : vector<16xi32>
        %get3A_2652 = arith.index_cast %mul3A_2626 : i32 to index
        %get3A_2653 = tpu.vector_load %arg15[%get3A_2652] {strides = array<i32>} : memref<10000xi32, #tpu.memory_space<vmem>>, vector<16xi32>,
        %get3A_2654 = vector.shape_cast %get3A_2653 : vector<16xi32> to vector<16xi32>
        %jit3A_2655 = arith.constant 0 : i32
        %jit3A_2656 = arith.constant 2 : i32
        %max3A_2657 = vector.broadcast %jit3A_2655 : i32 to vector<16xi32>
        %max3A_2658 = arith.maxsi %max3A_2657, %get3A_2654 : vector<16xi32>
        %min3A_2659 = vector.broadcast %jit3A_2656 : i32 to vector<16xi32>
        %min3A_2660 = arith.minsi %min3A_2659, %max3A_2658 : vector<16xi32>
        %add3A_2661 = arith.addi %add3A_2651, %min3A_2660 : vector<16xi32>
        %swap3A_2662 = arith.index_cast %mul3A_2626 : i32 to index
        %swap3A_2663 = tpu.vector_load %arg16[%swap3A_2662] {strides = array<i32>} : memref<10000xi32, #tpu.memory_space<vmem>>, vector<16xi32>,
        %swap3A_2664 = vector.shape_cast %swap3A_2663 : vector<16xi32> to vector<16xi32>
        %swap3A_2665 = vector.shape_cast %add3A_2661 : vector<16xi32> to vector<16xi32>
        tpu.vector_store %arg16[%swap3A_2662], %swap3A_2665 {strides = array<i32>} : memref<10000xi32, #tpu.memory_space<vmem>>, vector<16xi32>,
        %add3A_2666 = arith.constant 22 : i32
        %add3A_2667 = arith.addi %mul3A_1719, %add3A_2666 : i32
        %mul3A_2668 = arith.constant 16 : i32
        %mul3A_2669 = arith.muli %add3A_2667, %mul3A_2668 : i32
        %get3A_2670 = arith.index_cast %mul3A_2669 : i32 to index
        %get3A_2671 = tpu.vector_load %arg13[%get3A_2670] {strides = array<i32>} : memref<10000xi32, #tpu.memory_space<vmem>>, vector<16xi32>,
        %get3A_2672 = vector.shape_cast %get3A_2671 : vector<16xi32> to vector<16xi32>
        %jit3A_2673 = arith.constant 0 : i32
        %jit3A_2674 = arith.constant 5 : i32
        %max3A_2675 = vector.broadcast %jit3A_2673 : i32 to vector<16xi32>
        %max3A_2676 = arith.maxsi %max3A_2675, %get3A_2672 : vector<16xi32>
        %min3A_2677 = vector.broadcast %jit3A_2674 : i32 to vector<16xi32>
        %min3A_2678 = arith.minsi %min3A_2677, %max3A_2676 : vector<16xi32>
        %mul3A_2679 = arith.constant 21 : i32
        %mul3A_2680 = vector.broadcast %mul3A_2679 : i32 to vector<16xi32>
        %mul3A_2681 = arith.muli %min3A_2678, %mul3A_2680 : vector<16xi32>
        %get3A_2682 = arith.index_cast %mul3A_2669 : i32 to index
        %get3A_2683 = tpu.vector_load %arg14[%get3A_2682] {strides = array<i32>} : memref<10000xi32, #tpu.memory_space<vmem>>, vector<16xi32>,
        %get3A_2684 = vector.shape_cast %get3A_2683 : vector<16xi32> to vector<16xi32>
        %jit3A_2685 = arith.constant 0 : i32
        %jit3A_2686 = arith.constant 6 : i32
        %max3A_2687 = vector.broadcast %jit3A_2685 : i32 to vector<16xi32>
        %max3A_2688 = arith.maxsi %max3A_2687, %get3A_2684 : vector<16xi32>
        %min3A_2689 = vector.broadcast %jit3A_2686 : i32 to vector<16xi32>
        %min3A_2690 = arith.minsi %min3A_2689, %max3A_2688 : vector<16xi32>
        %mul3A_2691 = arith.constant 3 : i32
        %mul3A_2692 = vector.broadcast %mul3A_2691 : i32 to vector<16xi32>
        %mul3A_2693 = arith.muli %min3A_2690, %mul3A_2692 : vector<16xi32>
        %add3A_2694 = arith.addi %mul3A_2681, %mul3A_2693 : vector<16xi32>
        %get3A_2695 = arith.index_cast %mul3A_2669 : i32 to index
        %get3A_2696 = tpu.vector_load %arg15[%get3A_2695] {strides = array<i32>} : memref<10000xi32, #tpu.memory_space<vmem>>, vector<16xi32>,
        %get3A_2697 = vector.shape_cast %get3A_2696 : vector<16xi32> to vector<16xi32>
        %jit3A_2698 = arith.constant 0 : i32
        %jit3A_2699 = arith.constant 2 : i32
        %max3A_2700 = vector.broadcast %jit3A_2698 : i32 to vector<16xi32>
        %max3A_2701 = arith.maxsi %max3A_2700, %get3A_2697 : vector<16xi32>
        %min3A_2702 = vector.broadcast %jit3A_2699 : i32 to vector<16xi32>
        %min3A_2703 = arith.minsi %min3A_2702, %max3A_2701 : vector<16xi32>
        %add3A_2704 = arith.addi %add3A_2694, %min3A_2703 : vector<16xi32>
        %swap3A_2705 = arith.index_cast %mul3A_2669 : i32 to index
        %swap3A_2706 = tpu.vector_load %arg16[%swap3A_2705] {strides = array<i32>} : memref<10000xi32, #tpu.memory_space<vmem>>, vector<16xi32>,
        %swap3A_2707 = vector.shape_cast %swap3A_2706 : vector<16xi32> to vector<16xi32>
        %swap3A_2708 = vector.shape_cast %add3A_2704 : vector<16xi32> to vector<16xi32>
        tpu.vector_store %arg16[%swap3A_2705], %swap3A_2708 {strides = array<i32>} : memref<10000xi32, #tpu.memory_space<vmem>>, vector<16xi32>,
        %add3A_2709 = arith.constant 23 : i32
        %add3A_2710 = arith.addi %mul3A_1719, %add3A_2709 : i32
        %mul3A_2711 = arith.constant 16 : i32
        %mul3A_2712 = arith.muli %add3A_2710, %mul3A_2711 : i32
        %get3A_2713 = arith.index_cast %mul3A_2712 : i32 to index
        %get3A_2714 = tpu.vector_load %arg13[%get3A_2713] {strides = array<i32>} : memref<10000xi32, #tpu.memory_space<vmem>>, vector<16xi32>,
        %get3A_2715 = vector.shape_cast %get3A_2714 : vector<16xi32> to vector<16xi32>
        %jit3A_2716 = arith.constant 0 : i32
        %jit3A_2717 = arith.constant 5 : i32
        %max3A_2718 = vector.broadcast %jit3A_2716 : i32 to vector<16xi32>
        %max3A_2719 = arith.maxsi %max3A_2718, %get3A_2715 : vector<16xi32>
        %min3A_2720 = vector.broadcast %jit3A_2717 : i32 to vector<16xi32>
        %min3A_2721 = arith.minsi %min3A_2720, %max3A_2719 : vector<16xi32>
        %mul3A_2722 = arith.constant 21 : i32
        %mul3A_2723 = vector.broadcast %mul3A_2722 : i32 to vector<16xi32>
        %mul3A_2724 = arith.muli %min3A_2721, %mul3A_2723 : vector<16xi32>
        %get3A_2725 = arith.index_cast %mul3A_2712 : i32 to index
        %get3A_2726 = tpu.vector_load %arg14[%get3A_2725] {strides = array<i32>} : memref<10000xi32, #tpu.memory_space<vmem>>, vector<16xi32>,
        %get3A_2727 = vector.shape_cast %get3A_2726 : vector<16xi32> to vector<16xi32>
        %jit3A_2728 = arith.constant 0 : i32
        %jit3A_2729 = arith.constant 6 : i32
        %max3A_2730 = vector.broadcast %jit3A_2728 : i32 to vector<16xi32>
        %max3A_2731 = arith.maxsi %max3A_2730, %get3A_2727 : vector<16xi32>
        %min3A_2732 = vector.broadcast %jit3A_2729 : i32 to vector<16xi32>
        %min3A_2733 = arith.minsi %min3A_2732, %max3A_2731 : vector<16xi32>
        %mul3A_2734 = arith.constant 3 : i32
        %mul3A_2735 = vector.broadcast %mul3A_2734 : i32 to vector<16xi32>
        %mul3A_2736 = arith.muli %min3A_2733, %mul3A_2735 : vector<16xi32>
        %add3A_2737 = arith.addi %mul3A_2724, %mul3A_2736 : vector<16xi32>
        %get3A_2738 = arith.index_cast %mul3A_2712 : i32 to index
        %get3A_2739 = tpu.vector_load %arg15[%get3A_2738] {strides = array<i32>} : memref<10000xi32, #tpu.memory_space<vmem>>, vector<16xi32>,
        %get3A_2740 = vector.shape_cast %get3A_2739 : vector<16xi32> to vector<16xi32>
        %jit3A_2741 = arith.constant 0 : i32
        %jit3A_2742 = arith.constant 2 : i32
        %max3A_2743 = vector.broadcast %jit3A_2741 : i32 to vector<16xi32>
        %max3A_2744 = arith.maxsi %max3A_2743, %get3A_2740 : vector<16xi32>
        %min3A_2745 = vector.broadcast %jit3A_2742 : i32 to vector<16xi32>
        %min3A_2746 = arith.minsi %min3A_2745, %max3A_2744 : vector<16xi32>
        %add3A_2747 = arith.addi %add3A_2737, %min3A_2746 : vector<16xi32>
        %swap3A_2748 = arith.index_cast %mul3A_2712 : i32 to index
        %swap3A_2749 = tpu.vector_load %arg16[%swap3A_2748] {strides = array<i32>} : memref<10000xi32, #tpu.memory_space<vmem>>, vector<16xi32>,
        %swap3A_2750 = vector.shape_cast %swap3A_2749 : vector<16xi32> to vector<16xi32>
        %swap3A_2751 = vector.shape_cast %add3A_2747 : vector<16xi32> to vector<16xi32>
        tpu.vector_store %arg16[%swap3A_2748], %swap3A_2751 {strides = array<i32>} : memref<10000xi32, #tpu.memory_space<vmem>>, vector<16xi32>,
        %add3A_2752 = arith.constant 24 : i32
        %add3A_2753 = arith.addi %mul3A_1719, %add3A_2752 : i32
        %mul3A_2754 = arith.constant 16 : i32
        %mul3A_2755 = arith.muli %add3A_2753, %mul3A_2754 : i32
        %get3A_2756 = arith.index_cast %mul3A_2755 : i32 to index
        %get3A_2757 = tpu.vector_load %arg13[%get3A_2756] {strides = array<i32>} : memref<10000xi32, #tpu.memory_space<vmem>>, vector<16xi32>,
        %get3A_2758 = vector.shape_cast %get3A_2757 : vector<16xi32> to vector<16xi32>
        %jit3A_2759 = arith.constant 0 : i32
        %jit3A_2760 = arith.constant 5 : i32
        %max3A_2761 = vector.broadcast %jit3A_2759 : i32 to vector<16xi32>
        %max3A_2762 = arith.maxsi %max3A_2761, %get3A_2758 : vector<16xi32>
        %min3A_2763 = vector.broadcast %jit3A_2760 : i32 to vector<16xi32>
        %min3A_2764 = arith.minsi %min3A_2763, %max3A_2762 : vector<16xi32>
        %mul3A_2765 = arith.constant 21 : i32
        %mul3A_2766 = vector.broadcast %mul3A_2765 : i32 to vector<16xi32>
        %mul3A_2767 = arith.muli %min3A_2764, %mul3A_2766 : vector<16xi32>
        %get3A_2768 = arith.index_cast %mul3A_2755 : i32 to index
        %get3A_2769 = tpu.vector_load %arg14[%get3A_2768] {strides = array<i32>} : memref<10000xi32, #tpu.memory_space<vmem>>, vector<16xi32>,
        %get3A_2770 = vector.shape_cast %get3A_2769 : vector<16xi32> to vector<16xi32>
        %jit3A_2771 = arith.constant 0 : i32
        %jit3A_2772 = arith.constant 6 : i32
        %max3A_2773 = vector.broadcast %jit3A_2771 : i32 to vector<16xi32>
        %max3A_2774 = arith.maxsi %max3A_2773, %get3A_2770 : vector<16xi32>
        %min3A_2775 = vector.broadcast %jit3A_2772 : i32 to vector<16xi32>
        %min3A_2776 = arith.minsi %min3A_2775, %max3A_2774 : vector<16xi32>
        %mul3A_2777 = arith.constant 3 : i32
        %mul3A_2778 = vector.broadcast %mul3A_2777 : i32 to vector<16xi32>
        %mul3A_2779 = arith.muli %min3A_2776, %mul3A_2778 : vector<16xi32>
        %add3A_2780 = arith.addi %mul3A_2767, %mul3A_2779 : vector<16xi32>
        %get3A_2781 = arith.index_cast %mul3A_2755 : i32 to index
        %get3A_2782 = tpu.vector_load %arg15[%get3A_2781] {strides = array<i32>} : memref<10000xi32, #tpu.memory_space<vmem>>, vector<16xi32>,
        %get3A_2783 = vector.shape_cast %get3A_2782 : vector<16xi32> to vector<16xi32>
        %jit3A_2784 = arith.constant 0 : i32
        %jit3A_2785 = arith.constant 2 : i32
        %max3A_2786 = vector.broadcast %jit3A_2784 : i32 to vector<16xi32>
        %max3A_2787 = arith.maxsi %max3A_2786, %get3A_2783 : vector<16xi32>
        %min3A_2788 = vector.broadcast %jit3A_2785 : i32 to vector<16xi32>
        %min3A_2789 = arith.minsi %min3A_2788, %max3A_2787 : vector<16xi32>
        %add3A_2790 = arith.addi %add3A_2780, %min3A_2789 : vector<16xi32>
        %swap3A_2791 = arith.index_cast %mul3A_2755 : i32 to index
        %swap3A_2792 = tpu.vector_load %arg16[%swap3A_2791] {strides = array<i32>} : memref<10000xi32, #tpu.memory_space<vmem>>, vector<16xi32>,
        %swap3A_2793 = vector.shape_cast %swap3A_2792 : vector<16xi32> to vector<16xi32>
        %swap3A_2794 = vector.shape_cast %add3A_2790 : vector<16xi32> to vector<16xi32>
        tpu.vector_store %arg16[%swap3A_2791], %swap3A_2794 {strides = array<i32>} : memref<10000xi32, #tpu.memory_space<vmem>>, vector<16xi32>,
      } else {
      }
      %dma_wait3A_1386 = arith.constant 0 : i32
      %dma_wait3A_1387 = arith.constant 0 : i32
      %dma_wait3A_1388 = arith.constant 0 : i32
      %dma_wait3A_1389 = arith.constant 0 : i32
      %dma_wait3A_1390 = tpu.memref_slice %arg17[%dma_wait3A_1386, %dma_wait3A_1388, %dma_wait3A_1389] : memref<10x40x128xf32, #tpu.memory_space<vmem>> -> memref<1x40x128xf32, #tpu.memory_space<vmem>>
      %dma_wait3A_1391 = tpu.memref_squeeze %dma_wait3A_1390 : memref<1x40x128xf32, #tpu.memory_space<vmem>> -> memref<40x128xf32, #tpu.memory_space<vmem>>
      %dma_wait3A_1392 = tpu.memref_slice %arg16[%mul3A_1180] : memref<10000xi32, #tpu.memory_space<vmem>> -> memref<40xi32, #tpu.memory_space<vmem>>
      %dma_wait3A_1393 = arith.constant 0 : i32
      %dma_wait3A_1394 = arith.constant 0 : i32
      %dma_wait3A_1395 = tpu.memref_slice %arg18[%dma_wait3A_1393, %dma_wait3A_1394] : memref<128x128xf32, #tpu.memory_space<vmem_shared>> -> memref<128x128xf32, #tpu.memory_space<vmem_shared>>
      %dma_wait3A_1396 = tpu.memref_slice %arg20[%dma_wait3A_1387] : memref<10x!tpu.dma_semaphore, #tpu.memory_space<semaphore_mem>> -> memref<1x!tpu.dma_semaphore, #tpu.memory_space<semaphore_mem>>
      %dma_wait3A_1397 = tpu.memref_squeeze %dma_wait3A_1396 : memref<1x!tpu.dma_semaphore, #tpu.memory_space<semaphore_mem>> -> memref<!tpu.dma_semaphore, #tpu.memory_space<semaphore_mem>>
      tpu.wait_indirect_dma semaphore(%dma_wait3A_1397 : memref<!tpu.dma_semaphore, #tpu.memory_space<semaphore_mem>>) src(%dma_wait3A_1395 : memref<128x128xf32, #tpu.memory_space<vmem_shared>>) dst(%dma_wait3A_1391 : memref<40x128xf32, #tpu.memory_space<vmem>>)
      %add3A_1398 = arith.constant 0 : i32
      %add3A_1399 = arith.addi %mul3A_1174, %add3A_1398 : i32
      %mul3A_1400 = arith.constant 40 : i32
      %mul3A_1401 = arith.muli %add3A_1399, %mul3A_1400 : i32
      %add3A_1402 = arith.addi %mul3A_2, %mul3A_1401 : i32
      %dma_start3A_1403 = arith.constant 0 : i32
      %dma_start3A_1404 = arith.constant 0 : i32
      %dma_start3A_1405 = arith.constant 0 : i32
      %dma_start3A_1406 = arith.constant 0 : i32
      %dma_start3A_1407 = tpu.memref_slice %arg17[%dma_start3A_1403, %dma_start3A_1405, %dma_start3A_1406] : memref<10x40x128xf32, #tpu.memory_space<vmem>> -> memref<1x40x128xf32, #tpu.memory_space<vmem>>
      %dma_start3A_1408 = tpu.memref_squeeze %dma_start3A_1407 : memref<1x40x128xf32, #tpu.memory_space<vmem>> -> memref<40x128xf32, #tpu.memory_space<vmem>>
      %dma_start3A_1409 = arith.constant 0 : i32
      %dma_start3A_1410 = tpu.memref_slice %arg8[%add3A_1402, %dma_start3A_1409] : memref<320000x128xf32, #tpu.memory_space<hbm>> -> memref<40x128xf32, #tpu.memory_space<hbm>>
      %dma_start3A_1411 = tpu.memref_slice %arg21[%dma_start3A_1404] : memref<10x!tpu.dma_semaphore, #tpu.memory_space<semaphore_mem>> -> memref<1x!tpu.dma_semaphore, #tpu.memory_space<semaphore_mem>>
      %dma_start3A_1412 = tpu.memref_squeeze %dma_start3A_1411 : memref<1x!tpu.dma_semaphore, #tpu.memory_space<semaphore_mem>> -> memref<!tpu.dma_semaphore, #tpu.memory_space<semaphore_mem>>
      %dma_start3A_1413 = arith.constant 0 : i32
      %dma_start3A_1414 = tpu.memref_slice %arg8[%add3A_1402, %dma_start3A_1413] : memref<320000x128xf32, #tpu.memory_space<hbm>> -> memref<40x128xf32, #tpu.memory_space<hbm>>
      %dma_start3A_1415 = arith.constant 0 : i32
      %dma_start3A_1416 = arith.constant 0 : i32
      %dma_start3A_1417 = tpu.memref_slice %arg17[%dma_start3A_1403, %dma_start3A_1415, %dma_start3A_1416] : memref<10x40x128xf32, #tpu.memory_space<vmem>> -> memref<1x40x128xf32, #tpu.memory_space<vmem>>
      %dma_start3A_1418 = tpu.memref_squeeze %dma_start3A_1417 : memref<1x40x128xf32, #tpu.memory_space<vmem>> -> memref<40x128xf32, #tpu.memory_space<vmem>>
      tpu.enqueue_dma source(%dma_start3A_1418 : memref<40x128xf32, #tpu.memory_space<vmem>>) target(%dma_start3A_1414 : memref<40x128xf32, #tpu.memory_space<hbm>>) target_semaphore(%dma_start3A_1412 : memref<!tpu.dma_semaphore, #tpu.memory_space<semaphore_mem>>)
      %dma_wait3A_1419 = arith.constant 1 : i32
      %dma_wait3A_1420 = arith.constant 1 : i32
      %dma_wait3A_1421 = arith.constant 0 : i32
      %dma_wait3A_1422 = arith.constant 0 : i32
      %dma_wait3A_1423 = tpu.memref_slice %arg17[%dma_wait3A_1419, %dma_wait3A_1421, %dma_wait3A_1422] : memref<10x40x128xf32, #tpu.memory_space<vmem>> -> memref<1x40x128xf32, #tpu.memory_space<vmem>>
      %dma_wait3A_1424 = tpu.memref_squeeze %dma_wait3A_1423 : memref<1x40x128xf32, #tpu.memory_space<vmem>> -> memref<40x128xf32, #tpu.memory_space<vmem>>
      %dma_wait3A_1425 = tpu.memref_slice %arg16[%mul3A_1201] : memref<10000xi32, #tpu.memory_space<vmem>> -> memref<40xi32, #tpu.memory_space<vmem>>
      %dma_wait3A_1426 = arith.constant 0 : i32
      %dma_wait3A_1427 = arith.constant 0 : i32
      %dma_wait3A_1428 = tpu.memref_slice %arg18[%dma_wait3A_1426, %dma_wait3A_1427] : memref<128x128xf32, #tpu.memory_space<vmem_shared>> -> memref<128x128xf32, #tpu.memory_space<vmem_shared>>
      %dma_wait3A_1429 = tpu.memref_slice %arg20[%dma_wait3A_1420] : memref<10x!tpu.dma_semaphore, #tpu.memory_space<semaphore_mem>> -> memref<1x!tpu.dma_semaphore, #tpu.memory_space<semaphore_mem>>
      %dma_wait3A_1430 = tpu.memref_squeeze %dma_wait3A_1429 : memref<1x!tpu.dma_semaphore, #tpu.memory_space<semaphore_mem>> -> memref<!tpu.dma_semaphore, #tpu.memory_space<semaphore_mem>>
      tpu.wait_indirect_dma semaphore(%dma_wait3A_1430 : memref<!tpu.dma_semaphore, #tpu.memory_space<semaphore_mem>>) src(%dma_wait3A_1428 : memref<128x128xf32, #tpu.memory_space<vmem_shared>>) dst(%dma_wait3A_1424 : memref<40x128xf32, #tpu.memory_space<vmem>>)
      %add3A_1431 = arith.constant 1 : i32
      %add3A_1432 = arith.addi %mul3A_1174, %add3A_1431 : i32
      %mul3A_1433 = arith.constant 40 : i32
      %mul3A_1434 = arith.muli %add3A_1432, %mul3A_1433 : i32
      %add3A_1435 = arith.addi %mul3A_2, %mul3A_1434 : i32
      %dma_start3A_1436 = arith.constant 1 : i32
      %dma_start3A_1437 = arith.constant 1 : i32
      %dma_start3A_1438 = arith.constant 0 : i32
      %dma_start3A_1439 = arith.constant 0 : i32
      %dma_start3A_1440 = tpu.memref_slice %arg17[%dma_start3A_1436, %dma_start3A_1438, %dma_start3A_1439] : memref<10x40x128xf32, #tpu.memory_space<vmem>> -> memref<1x40x128xf32, #tpu.memory_space<vmem>>
      %dma_start3A_1441 = tpu.memref_squeeze %dma_start3A_1440 : memref<1x40x128xf32, #tpu.memory_space<vmem>> -> memref<40x128xf32, #tpu.memory_space<vmem>>
      %dma_start3A_1442 = arith.constant 0 : i32
      %dma_start3A_1443 = tpu.memref_slice %arg8[%add3A_1435, %dma_start3A_1442] : memref<320000x128xf32, #tpu.memory_space<hbm>> -> memref<40x128xf32, #tpu.memory_space<hbm>>
      %dma_start3A_1444 = tpu.memref_slice %arg21[%dma_start3A_1437] : memref<10x!tpu.dma_semaphore, #tpu.memory_space<semaphore_mem>> -> memref<1x!tpu.dma_semaphore, #tpu.memory_space<semaphore_mem>>
      %dma_start3A_1445 = tpu.memref_squeeze %dma_start3A_1444 : memref<1x!tpu.dma_semaphore, #tpu.memory_space<semaphore_mem>> -> memref<!tpu.dma_semaphore, #tpu.memory_space<semaphore_mem>>
      %dma_start3A_1446 = arith.constant 0 : i32
      %dma_start3A_1447 = tpu.memref_slice %arg8[%add3A_1435, %dma_start3A_1446] : memref<320000x128xf32, #tpu.memory_space<hbm>> -> memref<40x128xf32, #tpu.memory_space<hbm>>
      %dma_start3A_1448 = arith.constant 0 : i32
      %dma_start3A_1449 = arith.constant 0 : i32
      %dma_start3A_1450 = tpu.memref_slice %arg17[%dma_start3A_1436, %dma_start3A_1448, %dma_start3A_1449] : memref<10x40x128xf32, #tpu.memory_space<vmem>> -> memref<1x40x128xf32, #tpu.memory_space<vmem>>
      %dma_start3A_1451 = tpu.memref_squeeze %dma_start3A_1450 : memref<1x40x128xf32, #tpu.memory_space<vmem>> -> memref<40x128xf32, #tpu.memory_space<vmem>>
      tpu.enqueue_dma source(%dma_start3A_1451 : memref<40x128xf32, #tpu.memory_space<vmem>>) target(%dma_start3A_1447 : memref<40x128xf32, #tpu.memory_space<hbm>>) target_semaphore(%dma_start3A_1445 : memref<!tpu.dma_semaphore, #tpu.memory_space<semaphore_mem>>)
      %dma_wait3A_1452 = arith.constant 2 : i32
      %dma_wait3A_1453 = arith.constant 2 : i32
      %dma_wait3A_1454 = arith.constant 0 : i32
      %dma_wait3A_1455 = arith.constant 0 : i32
      %dma_wait3A_1456 = tpu.memref_slice %arg17[%dma_wait3A_1452, %dma_wait3A_1454, %dma_wait3A_1455] : memref<10x40x128xf32, #tpu.memory_space<vmem>> -> memref<1x40x128xf32, #tpu.memory_space<vmem>>
      %dma_wait3A_1457 = tpu.memref_squeeze %dma_wait3A_1456 : memref<1x40x128xf32, #tpu.memory_space<vmem>> -> memref<40x128xf32, #tpu.memory_space<vmem>>
      %dma_wait3A_1458 = tpu.memref_slice %arg16[%mul3A_1222] : memref<10000xi32, #tpu.memory_space<vmem>> -> memref<40xi32, #tpu.memory_space<vmem>>
      %dma_wait3A_1459 = arith.constant 0 : i32
      %dma_wait3A_1460 = arith.constant 0 : i32
      %dma_wait3A_1461 = tpu.memref_slice %arg18[%dma_wait3A_1459, %dma_wait3A_1460] : memref<128x128xf32, #tpu.memory_space<vmem_shared>> -> memref<128x128xf32, #tpu.memory_space<vmem_shared>>
      %dma_wait3A_1462 = tpu.memref_slice %arg20[%dma_wait3A_1453] : memref<10x!tpu.dma_semaphore, #tpu.memory_space<semaphore_mem>> -> memref<1x!tpu.dma_semaphore, #tpu.memory_space<semaphore_mem>>
      %dma_wait3A_1463 = tpu.memref_squeeze %dma_wait3A_1462 : memref<1x!tpu.dma_semaphore, #tpu.memory_space<semaphore_mem>> -> memref<!tpu.dma_semaphore, #tpu.memory_space<semaphore_mem>>
      tpu.wait_indirect_dma semaphore(%dma_wait3A_1463 : memref<!tpu.dma_semaphore, #tpu.memory_space<semaphore_mem>>) src(%dma_wait3A_1461 : memref<128x128xf32, #tpu.memory_space<vmem_shared>>) dst(%dma_wait3A_1457 : memref<40x128xf32, #tpu.memory_space<vmem>>)
      %add3A_1464 = arith.constant 2 : i32
      %add3A_1465 = arith.addi %mul3A_1174, %add3A_1464 : i32
      %mul3A_1466 = arith.constant 40 : i32
      %mul3A_1467 = arith.muli %add3A_1465, %mul3A_1466 : i32
      %add3A_1468 = arith.addi %mul3A_2, %mul3A_1467 : i32
      %dma_start3A_1469 = arith.constant 2 : i32
      %dma_start3A_1470 = arith.constant 2 : i32
      %dma_start3A_1471 = arith.constant 0 : i32
      %dma_start3A_1472 = arith.constant 0 : i32
      %dma_start3A_1473 = tpu.memref_slice %arg17[%dma_start3A_1469, %dma_start3A_1471, %dma_start3A_1472] : memref<10x40x128xf32, #tpu.memory_space<vmem>> -> memref<1x40x128xf32, #tpu.memory_space<vmem>>
      %dma_start3A_1474 = tpu.memref_squeeze %dma_start3A_1473 : memref<1x40x128xf32, #tpu.memory_space<vmem>> -> memref<40x128xf32, #tpu.memory_space<vmem>>
      %dma_start3A_1475 = arith.constant 0 : i32
      %dma_start3A_1476 = tpu.memref_slice %arg8[%add3A_1468, %dma_start3A_1475] : memref<320000x128xf32, #tpu.memory_space<hbm>> -> memref<40x128xf32, #tpu.memory_space<hbm>>
      %dma_start3A_1477 = tpu.memref_slice %arg21[%dma_start3A_1470] : memref<10x!tpu.dma_semaphore, #tpu.memory_space<semaphore_mem>> -> memref<1x!tpu.dma_semaphore, #tpu.memory_space<semaphore_mem>>
      %dma_start3A_1478 = tpu.memref_squeeze %dma_start3A_1477 : memref<1x!tpu.dma_semaphore, #tpu.memory_space<semaphore_mem>> -> memref<!tpu.dma_semaphore, #tpu.memory_space<semaphore_mem>>
      %dma_start3A_1479 = arith.constant 0 : i32
      %dma_start3A_1480 = tpu.memref_slice %arg8[%add3A_1468, %dma_start3A_1479] : memref<320000x128xf32, #tpu.memory_space<hbm>> -> memref<40x128xf32, #tpu.memory_space<hbm>>
      %dma_start3A_1481 = arith.constant 0 : i32
      %dma_start3A_1482 = arith.constant 0 : i32
      %dma_start3A_1483 = tpu.memref_slice %arg17[%dma_start3A_1469, %dma_start3A_1481, %dma_start3A_1482] : memref<10x40x128xf32, #tpu.memory_space<vmem>> -> memref<1x40x128xf32, #tpu.memory_space<vmem>>
      %dma_start3A_1484 = tpu.memref_squeeze %dma_start3A_1483 : memref<1x40x128xf32, #tpu.memory_space<vmem>> -> memref<40x128xf32, #tpu.memory_space<vmem>>
      tpu.enqueue_dma source(%dma_start3A_1484 : memref<40x128xf32, #tpu.memory_space<vmem>>) target(%dma_start3A_1480 : memref<40x128xf32, #tpu.memory_space<hbm>>) target_semaphore(%dma_start3A_1478 : memref<!tpu.dma_semaphore, #tpu.memory_space<semaphore_mem>>)
      %dma_wait3A_1485 = arith.constant 3 : i32
      %dma_wait3A_1486 = arith.constant 3 : i32
      %dma_wait3A_1487 = arith.constant 0 : i32
      %dma_wait3A_1488 = arith.constant 0 : i32
      %dma_wait3A_1489 = tpu.memref_slice %arg17[%dma_wait3A_1485, %dma_wait3A_1487, %dma_wait3A_1488] : memref<10x40x128xf32, #tpu.memory_space<vmem>> -> memref<1x40x128xf32, #tpu.memory_space<vmem>>
      %dma_wait3A_1490 = tpu.memref_squeeze %dma_wait3A_1489 : memref<1x40x128xf32, #tpu.memory_space<vmem>> -> memref<40x128xf32, #tpu.memory_space<vmem>>
      %dma_wait3A_1491 = tpu.memref_slice %arg16[%mul3A_1243] : memref<10000xi32, #tpu.memory_space<vmem>> -> memref<40xi32, #tpu.memory_space<vmem>>
      %dma_wait3A_1492 = arith.constant 0 : i32
      %dma_wait3A_1493 = arith.constant 0 : i32
      %dma_wait3A_1494 = tpu.memref_slice %arg18[%dma_wait3A_1492, %dma_wait3A_1493] : memref<128x128xf32, #tpu.memory_space<vmem_shared>> -> memref<128x128xf32, #tpu.memory_space<vmem_shared>>
      %dma_wait3A_1495 = tpu.memref_slice %arg20[%dma_wait3A_1486] : memref<10x!tpu.dma_semaphore, #tpu.memory_space<semaphore_mem>> -> memref<1x!tpu.dma_semaphore, #tpu.memory_space<semaphore_mem>>
      %dma_wait3A_1496 = tpu.memref_squeeze %dma_wait3A_1495 : memref<1x!tpu.dma_semaphore, #tpu.memory_space<semaphore_mem>> -> memref<!tpu.dma_semaphore, #tpu.memory_space<semaphore_mem>>
      tpu.wait_indirect_dma semaphore(%dma_wait3A_1496 : memref<!tpu.dma_semaphore, #tpu.memory_space<semaphore_mem>>) src(%dma_wait3A_1494 : memref<128x128xf32, #tpu.memory_space<vmem_shared>>) dst(%dma_wait3A_1490 : memref<40x128xf32, #tpu.memory_space<vmem>>)
      %add3A_1497 = arith.constant 3 : i32
      %add3A_1498 = arith.addi %mul3A_1174, %add3A_1497 : i32
      %mul3A_1499 = arith.constant 40 : i32
      %mul3A_1500 = arith.muli %add3A_1498, %mul3A_1499 : i32
      %add3A_1501 = arith.addi %mul3A_2, %mul3A_1500 : i32
      %dma_start3A_1502 = arith.constant 3 : i32
      %dma_start3A_1503 = arith.constant 3 : i32
      %dma_start3A_1504 = arith.constant 0 : i32
      %dma_start3A_1505 = arith.constant 0 : i32
      %dma_start3A_1506 = tpu.memref_slice %arg17[%dma_start3A_1502, %dma_start3A_1504, %dma_start3A_1505] : memref<10x40x128xf32, #tpu.memory_space<vmem>> -> memref<1x40x128xf32, #tpu.memory_space<vmem>>
      %dma_start3A_1507 = tpu.memref_squeeze %dma_start3A_1506 : memref<1x40x128xf32, #tpu.memory_space<vmem>> -> memref<40x128xf32, #tpu.memory_space<vmem>>
      %dma_start3A_1508 = arith.constant 0 : i32
      %dma_start3A_1509 = tpu.memref_slice %arg8[%add3A_1501, %dma_start3A_1508] : memref<320000x128xf32, #tpu.memory_space<hbm>> -> memref<40x128xf32, #tpu.memory_space<hbm>>
      %dma_start3A_1510 = tpu.memref_slice %arg21[%dma_start3A_1503] : memref<10x!tpu.dma_semaphore, #tpu.memory_space<semaphore_mem>> -> memref<1x!tpu.dma_semaphore, #tpu.memory_space<semaphore_mem>>
      %dma_start3A_1511 = tpu.memref_squeeze %dma_start3A_1510 : memref<1x!tpu.dma_semaphore, #tpu.memory_space<semaphore_mem>> -> memref<!tpu.dma_semaphore, #tpu.memory_space<semaphore_mem>>
      %dma_start3A_1512 = arith.constant 0 : i32
      %dma_start3A_1513 = tpu.memref_slice %arg8[%add3A_1501, %dma_start3A_1512] : memref<320000x128xf32, #tpu.memory_space<hbm>> -> memref<40x128xf32, #tpu.memory_space<hbm>>
      %dma_start3A_1514 = arith.constant 0 : i32
      %dma_start3A_1515 = arith.constant 0 : i32
      %dma_start3A_1516 = tpu.memref_slice %arg17[%dma_start3A_1502, %dma_start3A_1514, %dma_start3A_1515] : memref<10x40x128xf32, #tpu.memory_space<vmem>> -> memref<1x40x128xf32, #tpu.memory_space<vmem>>
      %dma_start3A_1517 = tpu.memref_squeeze %dma_start3A_1516 : memref<1x40x128xf32, #tpu.memory_space<vmem>> -> memref<40x128xf32, #tpu.memory_space<vmem>>
      tpu.enqueue_dma source(%dma_start3A_1517 : memref<40x128xf32, #tpu.memory_space<vmem>>) target(%dma_start3A_1513 : memref<40x128xf32, #tpu.memory_space<hbm>>) target_semaphore(%dma_start3A_1511 : memref<!tpu.dma_semaphore, #tpu.memory_space<semaphore_mem>>)
      %dma_wait3A_1518 = arith.constant 4 : i32
      %dma_wait3A_1519 = arith.constant 4 : i32
      %dma_wait3A_1520 = arith.constant 0 : i32
      %dma_wait3A_1521 = arith.constant 0 : i32
      %dma_wait3A_1522 = tpu.memref_slice %arg17[%dma_wait3A_1518, %dma_wait3A_1520, %dma_wait3A_1521] : memref<10x40x128xf32, #tpu.memory_space<vmem>> -> memref<1x40x128xf32, #tpu.memory_space<vmem>>
      %dma_wait3A_1523 = tpu.memref_squeeze %dma_wait3A_1522 : memref<1x40x128xf32, #tpu.memory_space<vmem>> -> memref<40x128xf32, #tpu.memory_space<vmem>>
      %dma_wait3A_1524 = tpu.memref_slice %arg16[%mul3A_1264] : memref<10000xi32, #tpu.memory_space<vmem>> -> memref<40xi32, #tpu.memory_space<vmem>>
      %dma_wait3A_1525 = arith.constant 0 : i32
      %dma_wait3A_1526 = arith.constant 0 : i32
      %dma_wait3A_1527 = tpu.memref_slice %arg18[%dma_wait3A_1525, %dma_wait3A_1526] : memref<128x128xf32, #tpu.memory_space<vmem_shared>> -> memref<128x128xf32, #tpu.memory_space<vmem_shared>>
      %dma_wait3A_1528 = tpu.memref_slice %arg20[%dma_wait3A_1519] : memref<10x!tpu.dma_semaphore, #tpu.memory_space<semaphore_mem>> -> memref<1x!tpu.dma_semaphore, #tpu.memory_space<semaphore_mem>>
      %dma_wait3A_1529 = tpu.memref_squeeze %dma_wait3A_1528 : memref<1x!tpu.dma_semaphore, #tpu.memory_space<semaphore_mem>> -> memref<!tpu.dma_semaphore, #tpu.memory_space<semaphore_mem>>
      tpu.wait_indirect_dma semaphore(%dma_wait3A_1529 : memref<!tpu.dma_semaphore, #tpu.memory_space<semaphore_mem>>) src(%dma_wait3A_1527 : memref<128x128xf32, #tpu.memory_space<vmem_shared>>) dst(%dma_wait3A_1523 : memref<40x128xf32, #tpu.memory_space<vmem>>)
      %add3A_1530 = arith.constant 4 : i32
      %add3A_1531 = arith.addi %mul3A_1174, %add3A_1530 : i32
      %mul3A_1532 = arith.constant 40 : i32
      %mul3A_1533 = arith.muli %add3A_1531, %mul3A_1532 : i32
      %add3A_1534 = arith.addi %mul3A_2, %mul3A_1533 : i32
      %dma_start3A_1535 = arith.constant 4 : i32
      %dma_start3A_1536 = arith.constant 4 : i32
      %dma_start3A_1537 = arith.constant 0 : i32
      %dma_start3A_1538 = arith.constant 0 : i32
      %dma_start3A_1539 = tpu.memref_slice %arg17[%dma_start3A_1535, %dma_start3A_1537, %dma_start3A_1538] : memref<10x40x128xf32, #tpu.memory_space<vmem>> -> memref<1x40x128xf32, #tpu.memory_space<vmem>>
      %dma_start3A_1540 = tpu.memref_squeeze %dma_start3A_1539 : memref<1x40x128xf32, #tpu.memory_space<vmem>> -> memref<40x128xf32, #tpu.memory_space<vmem>>
      %dma_start3A_1541 = arith.constant 0 : i32
      %dma_start3A_1542 = tpu.memref_slice %arg8[%add3A_1534, %dma_start3A_1541] : memref<320000x128xf32, #tpu.memory_space<hbm>> -> memref<40x128xf32, #tpu.memory_space<hbm>>
      %dma_start3A_1543 = tpu.memref_slice %arg21[%dma_start3A_1536] : memref<10x!tpu.dma_semaphore, #tpu.memory_space<semaphore_mem>> -> memref<1x!tpu.dma_semaphore, #tpu.memory_space<semaphore_mem>>
      %dma_start3A_1544 = tpu.memref_squeeze %dma_start3A_1543 : memref<1x!tpu.dma_semaphore, #tpu.memory_space<semaphore_mem>> -> memref<!tpu.dma_semaphore, #tpu.memory_space<semaphore_mem>>
      %dma_start3A_1545 = arith.constant 0 : i32
      %dma_start3A_1546 = tpu.memref_slice %arg8[%add3A_1534, %dma_start3A_1545] : memref<320000x128xf32, #tpu.memory_space<hbm>> -> memref<40x128xf32, #tpu.memory_space<hbm>>
      %dma_start3A_1547 = arith.constant 0 : i32
      %dma_start3A_1548 = arith.constant 0 : i32
      %dma_start3A_1549 = tpu.memref_slice %arg17[%dma_start3A_1535, %dma_start3A_1547, %dma_start3A_1548] : memref<10x40x128xf32, #tpu.memory_space<vmem>> -> memref<1x40x128xf32, #tpu.memory_space<vmem>>
      %dma_start3A_1550 = tpu.memref_squeeze %dma_start3A_1549 : memref<1x40x128xf32, #tpu.memory_space<vmem>> -> memref<40x128xf32, #tpu.memory_space<vmem>>
      tpu.enqueue_dma source(%dma_start3A_1550 : memref<40x128xf32, #tpu.memory_space<vmem>>) target(%dma_start3A_1546 : memref<40x128xf32, #tpu.memory_space<hbm>>) target_semaphore(%dma_start3A_1544 : memref<!tpu.dma_semaphore, #tpu.memory_space<semaphore_mem>>)
      %dma_wait3A_1551 = arith.constant 5 : i32
      %dma_wait3A_1552 = arith.constant 5 : i32
      %dma_wait3A_1553 = arith.constant 0 : i32
      %dma_wait3A_1554 = arith.constant 0 : i32
      %dma_wait3A_1555 = tpu.memref_slice %arg17[%dma_wait3A_1551, %dma_wait3A_1553, %dma_wait3A_1554] : memref<10x40x128xf32, #tpu.memory_space<vmem>> -> memref<1x40x128xf32, #tpu.memory_space<vmem>>
      %dma_wait3A_1556 = tpu.memref_squeeze %dma_wait3A_1555 : memref<1x40x128xf32, #tpu.memory_space<vmem>> -> memref<40x128xf32, #tpu.memory_space<vmem>>
      %dma_wait3A_1557 = tpu.memref_slice %arg16[%mul3A_1285] : memref<10000xi32, #tpu.memory_space<vmem>> -> memref<40xi32, #tpu.memory_space<vmem>>
      %dma_wait3A_1558 = arith.constant 0 : i32
      %dma_wait3A_1559 = arith.constant 0 : i32
      %dma_wait3A_1560 = tpu.memref_slice %arg18[%dma_wait3A_1558, %dma_wait3A_1559] : memref<128x128xf32, #tpu.memory_space<vmem_shared>> -> memref<128x128xf32, #tpu.memory_space<vmem_shared>>
      %dma_wait3A_1561 = tpu.memref_slice %arg20[%dma_wait3A_1552] : memref<10x!tpu.dma_semaphore, #tpu.memory_space<semaphore_mem>> -> memref<1x!tpu.dma_semaphore, #tpu.memory_space<semaphore_mem>>
      %dma_wait3A_1562 = tpu.memref_squeeze %dma_wait3A_1561 : memref<1x!tpu.dma_semaphore, #tpu.memory_space<semaphore_mem>> -> memref<!tpu.dma_semaphore, #tpu.memory_space<semaphore_mem>>
      tpu.wait_indirect_dma semaphore(%dma_wait3A_1562 : memref<!tpu.dma_semaphore, #tpu.memory_space<semaphore_mem>>) src(%dma_wait3A_1560 : memref<128x128xf32, #tpu.memory_space<vmem_shared>>) dst(%dma_wait3A_1556 : memref<40x128xf32, #tpu.memory_space<vmem>>)
      %add3A_1563 = arith.constant 5 : i32
      %add3A_1564 = arith.addi %mul3A_1174, %add3A_1563 : i32
      %mul3A_1565 = arith.constant 40 : i32
      %mul3A_1566 = arith.muli %add3A_1564, %mul3A_1565 : i32
      %add3A_1567 = arith.addi %mul3A_2, %mul3A_1566 : i32
      %dma_start3A_1568 = arith.constant 5 : i32
      %dma_start3A_1569 = arith.constant 5 : i32
      %dma_start3A_1570 = arith.constant 0 : i32
      %dma_start3A_1571 = arith.constant 0 : i32
      %dma_start3A_1572 = tpu.memref_slice %arg17[%dma_start3A_1568, %dma_start3A_1570, %dma_start3A_1571] : memref<10x40x128xf32, #tpu.memory_space<vmem>> -> memref<1x40x128xf32, #tpu.memory_space<vmem>>
      %dma_start3A_1573 = tpu.memref_squeeze %dma_start3A_1572 : memref<1x40x128xf32, #tpu.memory_space<vmem>> -> memref<40x128xf32, #tpu.memory_space<vmem>>
      %dma_start3A_1574 = arith.constant 0 : i32
      %dma_start3A_1575 = tpu.memref_slice %arg8[%add3A_1567, %dma_start3A_1574] : memref<320000x128xf32, #tpu.memory_space<hbm>> -> memref<40x128xf32, #tpu.memory_space<hbm>>
      %dma_start3A_1576 = tpu.memref_slice %arg21[%dma_start3A_1569] : memref<10x!tpu.dma_semaphore, #tpu.memory_space<semaphore_mem>> -> memref<1x!tpu.dma_semaphore, #tpu.memory_space<semaphore_mem>>
      %dma_start3A_1577 = tpu.memref_squeeze %dma_start3A_1576 : memref<1x!tpu.dma_semaphore, #tpu.memory_space<semaphore_mem>> -> memref<!tpu.dma_semaphore, #tpu.memory_space<semaphore_mem>>
      %dma_start3A_1578 = arith.constant 0 : i32
      %dma_start3A_1579 = tpu.memref_slice %arg8[%add3A_1567, %dma_start3A_1578] : memref<320000x128xf32, #tpu.memory_space<hbm>> -> memref<40x128xf32, #tpu.memory_space<hbm>>
      %dma_start3A_1580 = arith.constant 0 : i32
      %dma_start3A_1581 = arith.constant 0 : i32
      %dma_start3A_1582 = tpu.memref_slice %arg17[%dma_start3A_1568, %dma_start3A_1580, %dma_start3A_1581] : memref<10x40x128xf32, #tpu.memory_space<vmem>> -> memref<1x40x128xf32, #tpu.memory_space<vmem>>
      %dma_start3A_1583 = tpu.memref_squeeze %dma_start3A_1582 : memref<1x40x128xf32, #tpu.memory_space<vmem>> -> memref<40x128xf32, #tpu.memory_space<vmem>>
      tpu.enqueue_dma source(%dma_start3A_1583 : memref<40x128xf32, #tpu.memory_space<vmem>>) target(%dma_start3A_1579 : memref<40x128xf32, #tpu.memory_space<hbm>>) target_semaphore(%dma_start3A_1577 : memref<!tpu.dma_semaphore, #tpu.memory_space<semaphore_mem>>)
      %dma_wait3A_1584 = arith.constant 6 : i32
      %dma_wait3A_1585 = arith.constant 6 : i32
      %dma_wait3A_1586 = arith.constant 0 : i32
      %dma_wait3A_1587 = arith.constant 0 : i32
      %dma_wait3A_1588 = tpu.memref_slice %arg17[%dma_wait3A_1584, %dma_wait3A_1586, %dma_wait3A_1587] : memref<10x40x128xf32, #tpu.memory_space<vmem>> -> memref<1x40x128xf32, #tpu.memory_space<vmem>>
      %dma_wait3A_1589 = tpu.memref_squeeze %dma_wait3A_1588 : memref<1x40x128xf32, #tpu.memory_space<vmem>> -> memref<40x128xf32, #tpu.memory_space<vmem>>
      %dma_wait3A_1590 = tpu.memref_slice %arg16[%mul3A_1306] : memref<10000xi32, #tpu.memory_space<vmem>> -> memref<40xi32, #tpu.memory_space<vmem>>
      %dma_wait3A_1591 = arith.constant 0 : i32
      %dma_wait3A_1592 = arith.constant 0 : i32
      %dma_wait3A_1593 = tpu.memref_slice %arg18[%dma_wait3A_1591, %dma_wait3A_1592] : memref<128x128xf32, #tpu.memory_space<vmem_shared>> -> memref<128x128xf32, #tpu.memory_space<vmem_shared>>
      %dma_wait3A_1594 = tpu.memref_slice %arg20[%dma_wait3A_1585] : memref<10x!tpu.dma_semaphore, #tpu.memory_space<semaphore_mem>> -> memref<1x!tpu.dma_semaphore, #tpu.memory_space<semaphore_mem>>
      %dma_wait3A_1595 = tpu.memref_squeeze %dma_wait3A_1594 : memref<1x!tpu.dma_semaphore, #tpu.memory_space<semaphore_mem>> -> memref<!tpu.dma_semaphore, #tpu.memory_space<semaphore_mem>>
      tpu.wait_indirect_dma semaphore(%dma_wait3A_1595 : memref<!tpu.dma_semaphore, #tpu.memory_space<semaphore_mem>>) src(%dma_wait3A_1593 : memref<128x128xf32, #tpu.memory_space<vmem_shared>>) dst(%dma_wait3A_1589 : memref<40x128xf32, #tpu.memory_space<vmem>>)
      %add3A_1596 = arith.constant 6 : i32
      %add3A_1597 = arith.addi %mul3A_1174, %add3A_1596 : i32
      %mul3A_1598 = arith.constant 40 : i32
      %mul3A_1599 = arith.muli %add3A_1597, %mul3A_1598 : i32
      %add3A_1600 = arith.addi %mul3A_2, %mul3A_1599 : i32
      %dma_start3A_1601 = arith.constant 6 : i32
      %dma_start3A_1602 = arith.constant 6 : i32
      %dma_start3A_1603 = arith.constant 0 : i32
      %dma_start3A_1604 = arith.constant 0 : i32
      %dma_start3A_1605 = tpu.memref_slice %arg17[%dma_start3A_1601, %dma_start3A_1603, %dma_start3A_1604] : memref<10x40x128xf32, #tpu.memory_space<vmem>> -> memref<1x40x128xf32, #tpu.memory_space<vmem>>
      %dma_start3A_1606 = tpu.memref_squeeze %dma_start3A_1605 : memref<1x40x128xf32, #tpu.memory_space<vmem>> -> memref<40x128xf32, #tpu.memory_space<vmem>>
      %dma_start3A_1607 = arith.constant 0 : i32
      %dma_start3A_1608 = tpu.memref_slice %arg8[%add3A_1600, %dma_start3A_1607] : memref<320000x128xf32, #tpu.memory_space<hbm>> -> memref<40x128xf32, #tpu.memory_space<hbm>>
      %dma_start3A_1609 = tpu.memref_slice %arg21[%dma_start3A_1602] : memref<10x!tpu.dma_semaphore, #tpu.memory_space<semaphore_mem>> -> memref<1x!tpu.dma_semaphore, #tpu.memory_space<semaphore_mem>>
      %dma_start3A_1610 = tpu.memref_squeeze %dma_start3A_1609 : memref<1x!tpu.dma_semaphore, #tpu.memory_space<semaphore_mem>> -> memref<!tpu.dma_semaphore, #tpu.memory_space<semaphore_mem>>
      %dma_start3A_1611 = arith.constant 0 : i32
      %dma_start3A_1612 = tpu.memref_slice %arg8[%add3A_1600, %dma_start3A_1611] : memref<320000x128xf32, #tpu.memory_space<hbm>> -> memref<40x128xf32, #tpu.memory_space<hbm>>
      %dma_start3A_1613 = arith.constant 0 : i32
      %dma_start3A_1614 = arith.constant 0 : i32
      %dma_start3A_1615 = tpu.memref_slice %arg17[%dma_start3A_1601, %dma_start3A_1613, %dma_start3A_1614] : memref<10x40x128xf32, #tpu.memory_space<vmem>> -> memref<1x40x128xf32, #tpu.memory_space<vmem>>
      %dma_start3A_1616 = tpu.memref_squeeze %dma_start3A_1615 : memref<1x40x128xf32, #tpu.memory_space<vmem>> -> memref<40x128xf32, #tpu.memory_space<vmem>>
      tpu.enqueue_dma source(%dma_start3A_1616 : memref<40x128xf32, #tpu.memory_space<vmem>>) target(%dma_start3A_1612 : memref<40x128xf32, #tpu.memory_space<hbm>>) target_semaphore(%dma_start3A_1610 : memref<!tpu.dma_semaphore, #tpu.memory_space<semaphore_mem>>)
      %dma_wait3A_1617 = arith.constant 7 : i32
      %dma_wait3A_1618 = arith.constant 7 : i32
      %dma_wait3A_1619 = arith.constant 0 : i32
      %dma_wait3A_1620 = arith.constant 0 : i32
      %dma_wait3A_1621 = tpu.memref_slice %arg17[%dma_wait3A_1617, %dma_wait3A_1619, %dma_wait3A_1620] : memref<10x40x128xf32, #tpu.memory_space<vmem>> -> memref<1x40x128xf32, #tpu.memory_space<vmem>>
      %dma_wait3A_1622 = tpu.memref_squeeze %dma_wait3A_1621 : memref<1x40x128xf32, #tpu.memory_space<vmem>> -> memref<40x128xf32, #tpu.memory_space<vmem>>
      %dma_wait3A_1623 = tpu.memref_slice %arg16[%mul3A_1327] : memref<10000xi32, #tpu.memory_space<vmem>> -> memref<40xi32, #tpu.memory_space<vmem>>
      %dma_wait3A_1624 = arith.constant 0 : i32
      %dma_wait3A_1625 = arith.constant 0 : i32
      %dma_wait3A_1626 = tpu.memref_slice %arg18[%dma_wait3A_1624, %dma_wait3A_1625] : memref<128x128xf32, #tpu.memory_space<vmem_shared>> -> memref<128x128xf32, #tpu.memory_space<vmem_shared>>
      %dma_wait3A_1627 = tpu.memref_slice %arg20[%dma_wait3A_1618] : memref<10x!tpu.dma_semaphore, #tpu.memory_space<semaphore_mem>> -> memref<1x!tpu.dma_semaphore, #tpu.memory_space<semaphore_mem>>
      %dma_wait3A_1628 = tpu.memref_squeeze %dma_wait3A_1627 : memref<1x!tpu.dma_semaphore, #tpu.memory_space<semaphore_mem>> -> memref<!tpu.dma_semaphore, #tpu.memory_space<semaphore_mem>>
      tpu.wait_indirect_dma semaphore(%dma_wait3A_1628 : memref<!tpu.dma_semaphore, #tpu.memory_space<semaphore_mem>>) src(%dma_wait3A_1626 : memref<128x128xf32, #tpu.memory_space<vmem_shared>>) dst(%dma_wait3A_1622 : memref<40x128xf32, #tpu.memory_space<vmem>>)
      %add3A_1629 = arith.constant 7 : i32
      %add3A_1630 = arith.addi %mul3A_1174, %add3A_1629 : i32
      %mul3A_1631 = arith.constant 40 : i32
      %mul3A_1632 = arith.muli %add3A_1630, %mul3A_1631 : i32
      %add3A_1633 = arith.addi %mul3A_2, %mul3A_1632 : i32
      %dma_start3A_1634 = arith.constant 7 : i32
      %dma_start3A_1635 = arith.constant 7 : i32
      %dma_start3A_1636 = arith.constant 0 : i32
      %dma_start3A_1637 = arith.constant 0 : i32
      %dma_start3A_1638 = tpu.memref_slice %arg17[%dma_start3A_1634, %dma_start3A_1636, %dma_start3A_1637] : memref<10x40x128xf32, #tpu.memory_space<vmem>> -> memref<1x40x128xf32, #tpu.memory_space<vmem>>
      %dma_start3A_1639 = tpu.memref_squeeze %dma_start3A_1638 : memref<1x40x128xf32, #tpu.memory_space<vmem>> -> memref<40x128xf32, #tpu.memory_space<vmem>>
      %dma_start3A_1640 = arith.constant 0 : i32
      %dma_start3A_1641 = tpu.memref_slice %arg8[%add3A_1633, %dma_start3A_1640] : memref<320000x128xf32, #tpu.memory_space<hbm>> -> memref<40x128xf32, #tpu.memory_space<hbm>>
      %dma_start3A_1642 = tpu.memref_slice %arg21[%dma_start3A_1635] : memref<10x!tpu.dma_semaphore, #tpu.memory_space<semaphore_mem>> -> memref<1x!tpu.dma_semaphore, #tpu.memory_space<semaphore_mem>>
      %dma_start3A_1643 = tpu.memref_squeeze %dma_start3A_1642 : memref<1x!tpu.dma_semaphore, #tpu.memory_space<semaphore_mem>> -> memref<!tpu.dma_semaphore, #tpu.memory_space<semaphore_mem>>
      %dma_start3A_1644 = arith.constant 0 : i32
      %dma_start3A_1645 = tpu.memref_slice %arg8[%add3A_1633, %dma_start3A_1644] : memref<320000x128xf32, #tpu.memory_space<hbm>> -> memref<40x128xf32, #tpu.memory_space<hbm>>
      %dma_start3A_1646 = arith.constant 0 : i32
      %dma_start3A_1647 = arith.constant 0 : i32
      %dma_start3A_1648 = tpu.memref_slice %arg17[%dma_start3A_1634, %dma_start3A_1646, %dma_start3A_1647] : memref<10x40x128xf32, #tpu.memory_space<vmem>> -> memref<1x40x128xf32, #tpu.memory_space<vmem>>
      %dma_start3A_1649 = tpu.memref_squeeze %dma_start3A_1648 : memref<1x40x128xf32, #tpu.memory_space<vmem>> -> memref<40x128xf32, #tpu.memory_space<vmem>>
      tpu.enqueue_dma source(%dma_start3A_1649 : memref<40x128xf32, #tpu.memory_space<vmem>>) target(%dma_start3A_1645 : memref<40x128xf32, #tpu.memory_space<hbm>>) target_semaphore(%dma_start3A_1643 : memref<!tpu.dma_semaphore, #tpu.memory_space<semaphore_mem>>)
      %dma_wait3A_1650 = arith.constant 8 : i32
      %dma_wait3A_1651 = arith.constant 8 : i32
      %dma_wait3A_1652 = arith.constant 0 : i32
      %dma_wait3A_1653 = arith.constant 0 : i32
      %dma_wait3A_1654 = tpu.memref_slice %arg17[%dma_wait3A_1650, %dma_wait3A_1652, %dma_wait3A_1653] : memref<10x40x128xf32, #tpu.memory_space<vmem>> -> memref<1x40x128xf32, #tpu.memory_space<vmem>>
      %dma_wait3A_1655 = tpu.memref_squeeze %dma_wait3A_1654 : memref<1x40x128xf32, #tpu.memory_space<vmem>> -> memref<40x128xf32, #tpu.memory_space<vmem>>
      %dma_wait3A_1656 = tpu.memref_slice %arg16[%mul3A_1348] : memref<10000xi32, #tpu.memory_space<vmem>> -> memref<40xi32, #tpu.memory_space<vmem>>
      %dma_wait3A_1657 = arith.constant 0 : i32
      %dma_wait3A_1658 = arith.constant 0 : i32
      %dma_wait3A_1659 = tpu.memref_slice %arg18[%dma_wait3A_1657, %dma_wait3A_1658] : memref<128x128xf32, #tpu.memory_space<vmem_shared>> -> memref<128x128xf32, #tpu.memory_space<vmem_shared>>
      %dma_wait3A_1660 = tpu.memref_slice %arg20[%dma_wait3A_1651] : memref<10x!tpu.dma_semaphore, #tpu.memory_space<semaphore_mem>> -> memref<1x!tpu.dma_semaphore, #tpu.memory_space<semaphore_mem>>
      %dma_wait3A_1661 = tpu.memref_squeeze %dma_wait3A_1660 : memref<1x!tpu.dma_semaphore, #tpu.memory_space<semaphore_mem>> -> memref<!tpu.dma_semaphore, #tpu.memory_space<semaphore_mem>>
      tpu.wait_indirect_dma semaphore(%dma_wait3A_1661 : memref<!tpu.dma_semaphore, #tpu.memory_space<semaphore_mem>>) src(%dma_wait3A_1659 : memref<128x128xf32, #tpu.memory_space<vmem_shared>>) dst(%dma_wait3A_1655 : memref<40x128xf32, #tpu.memory_space<vmem>>)
      %add3A_1662 = arith.constant 8 : i32
      %add3A_1663 = arith.addi %mul3A_1174, %add3A_1662 : i32
      %mul3A_1664 = arith.constant 40 : i32
      %mul3A_1665 = arith.muli %add3A_1663, %mul3A_1664 : i32
      %add3A_1666 = arith.addi %mul3A_2, %mul3A_1665 : i32
      %dma_start3A_1667 = arith.constant 8 : i32
      %dma_start3A_1668 = arith.constant 8 : i32
      %dma_start3A_1669 = arith.constant 0 : i32
      %dma_start3A_1670 = arith.constant 0 : i32
      %dma_start3A_1671 = tpu.memref_slice %arg17[%dma_start3A_1667, %dma_start3A_1669, %dma_start3A_1670] : memref<10x40x128xf32, #tpu.memory_space<vmem>> -> memref<1x40x128xf32, #tpu.memory_space<vmem>>
      %dma_start3A_1672 = tpu.memref_squeeze %dma_start3A_1671 : memref<1x40x128xf32, #tpu.memory_space<vmem>> -> memref<40x128xf32, #tpu.memory_space<vmem>>
      %dma_start3A_1673 = arith.constant 0 : i32
      %dma_start3A_1674 = tpu.memref_slice %arg8[%add3A_1666, %dma_start3A_1673] : memref<320000x128xf32, #tpu.memory_space<hbm>> -> memref<40x128xf32, #tpu.memory_space<hbm>>
      %dma_start3A_1675 = tpu.memref_slice %arg21[%dma_start3A_1668] : memref<10x!tpu.dma_semaphore, #tpu.memory_space<semaphore_mem>> -> memref<1x!tpu.dma_semaphore, #tpu.memory_space<semaphore_mem>>
      %dma_start3A_1676 = tpu.memref_squeeze %dma_start3A_1675 : memref<1x!tpu.dma_semaphore, #tpu.memory_space<semaphore_mem>> -> memref<!tpu.dma_semaphore, #tpu.memory_space<semaphore_mem>>
      %dma_start3A_1677 = arith.constant 0 : i32
      %dma_start3A_1678 = tpu.memref_slice %arg8[%add3A_1666, %dma_start3A_1677] : memref<320000x128xf32, #tpu.memory_space<hbm>> -> memref<40x128xf32, #tpu.memory_space<hbm>>
      %dma_start3A_1679 = arith.constant 0 : i32
      %dma_start3A_1680 = arith.constant 0 : i32
      %dma_start3A_1681 = tpu.memref_slice %arg17[%dma_start3A_1667, %dma_start3A_1679, %dma_start3A_1680] : memref<10x40x128xf32, #tpu.memory_space<vmem>> -> memref<1x40x128xf32, #tpu.memory_space<vmem>>
      %dma_start3A_1682 = tpu.memref_squeeze %dma_start3A_1681 : memref<1x40x128xf32, #tpu.memory_space<vmem>> -> memref<40x128xf32, #tpu.memory_space<vmem>>
      tpu.enqueue_dma source(%dma_start3A_1682 : memref<40x128xf32, #tpu.memory_space<vmem>>) target(%dma_start3A_1678 : memref<40x128xf32, #tpu.memory_space<hbm>>) target_semaphore(%dma_start3A_1676 : memref<!tpu.dma_semaphore, #tpu.memory_space<semaphore_mem>>)
      %dma_wait3A_1683 = arith.constant 9 : i32
      %dma_wait3A_1684 = arith.constant 9 : i32
      %dma_wait3A_1685 = arith.constant 0 : i32
      %dma_wait3A_1686 = arith.constant 0 : i32
      %dma_wait3A_1687 = tpu.memref_slice %arg17[%dma_wait3A_1683, %dma_wait3A_1685, %dma_wait3A_1686] : memref<10x40x128xf32, #tpu.memory_space<vmem>> -> memref<1x40x128xf32, #tpu.memory_space<vmem>>
      %dma_wait3A_1688 = tpu.memref_squeeze %dma_wait3A_1687 : memref<1x40x128xf32, #tpu.memory_space<vmem>> -> memref<40x128xf32, #tpu.memory_space<vmem>>
      %dma_wait3A_1689 = tpu.memref_slice %arg16[%mul3A_1369] : memref<10000xi32, #tpu.memory_space<vmem>> -> memref<40xi32, #tpu.memory_space<vmem>>
      %dma_wait3A_1690 = arith.constant 0 : i32
      %dma_wait3A_1691 = arith.constant 0 : i32
      %dma_wait3A_1692 = tpu.memref_slice %arg18[%dma_wait3A_1690, %dma_wait3A_1691] : memref<128x128xf32, #tpu.memory_space<vmem_shared>> -> memref<128x128xf32, #tpu.memory_space<vmem_shared>>
      %dma_wait3A_1693 = tpu.memref_slice %arg20[%dma_wait3A_1684] : memref<10x!tpu.dma_semaphore, #tpu.memory_space<semaphore_mem>> -> memref<1x!tpu.dma_semaphore, #tpu.memory_space<semaphore_mem>>
      %dma_wait3A_1694 = tpu.memref_squeeze %dma_wait3A_1693 : memref<1x!tpu.dma_semaphore, #tpu.memory_space<semaphore_mem>> -> memref<!tpu.dma_semaphore, #tpu.memory_space<semaphore_mem>>
      tpu.wait_indirect_dma semaphore(%dma_wait3A_1694 : memref<!tpu.dma_semaphore, #tpu.memory_space<semaphore_mem>>) src(%dma_wait3A_1692 : memref<128x128xf32, #tpu.memory_space<vmem_shared>>) dst(%dma_wait3A_1688 : memref<40x128xf32, #tpu.memory_space<vmem>>)
      %add3A_1695 = arith.constant 9 : i32
      %add3A_1696 = arith.addi %mul3A_1174, %add3A_1695 : i32
      %mul3A_1697 = arith.constant 40 : i32
      %mul3A_1698 = arith.muli %add3A_1696, %mul3A_1697 : i32
      %add3A_1699 = arith.addi %mul3A_2, %mul3A_1698 : i32
      %dma_start3A_1700 = arith.constant 9 : i32
      %dma_start3A_1701 = arith.constant 9 : i32
      %dma_start3A_1702 = arith.constant 0 : i32
      %dma_start3A_1703 = arith.constant 0 : i32
      %dma_start3A_1704 = tpu.memref_slice %arg17[%dma_start3A_1700, %dma_start3A_1702, %dma_start3A_1703] : memref<10x40x128xf32, #tpu.memory_space<vmem>> -> memref<1x40x128xf32, #tpu.memory_space<vmem>>
      %dma_start3A_1705 = tpu.memref_squeeze %dma_start3A_1704 : memref<1x40x128xf32, #tpu.memory_space<vmem>> -> memref<40x128xf32, #tpu.memory_space<vmem>>
      %dma_start3A_1706 = arith.constant 0 : i32
      %dma_start3A_1707 = tpu.memref_slice %arg8[%add3A_1699, %dma_start3A_1706] : memref<320000x128xf32, #tpu.memory_space<hbm>> -> memref<40x128xf32, #tpu.memory_space<hbm>>
      %dma_start3A_1708 = tpu.memref_slice %arg21[%dma_start3A_1701] : memref<10x!tpu.dma_semaphore, #tpu.memory_space<semaphore_mem>> -> memref<1x!tpu.dma_semaphore, #tpu.memory_space<semaphore_mem>>
      %dma_start3A_1709 = tpu.memref_squeeze %dma_start3A_1708 : memref<1x!tpu.dma_semaphore, #tpu.memory_space<semaphore_mem>> -> memref<!tpu.dma_semaphore, #tpu.memory_space<semaphore_mem>>
      %dma_start3A_1710 = arith.constant 0 : i32
      %dma_start3A_1711 = tpu.memref_slice %arg8[%add3A_1699, %dma_start3A_1710] : memref<320000x128xf32, #tpu.memory_space<hbm>> -> memref<40x128xf32, #tpu.memory_space<hbm>>
      %dma_start3A_1712 = arith.constant 0 : i32
      %dma_start3A_1713 = arith.constant 0 : i32
      %dma_start3A_1714 = tpu.memref_slice %arg17[%dma_start3A_1700, %dma_start3A_1712, %dma_start3A_1713] : memref<10x40x128xf32, #tpu.memory_space<vmem>> -> memref<1x40x128xf32, #tpu.memory_space<vmem>>
      %dma_start3A_1715 = tpu.memref_squeeze %dma_start3A_1714 : memref<1x40x128xf32, #tpu.memory_space<vmem>> -> memref<40x128xf32, #tpu.memory_space<vmem>>
      tpu.enqueue_dma source(%dma_start3A_1715 : memref<40x128xf32, #tpu.memory_space<vmem>>) target(%dma_start3A_1711 : memref<40x128xf32, #tpu.memory_space<hbm>>) target_semaphore(%dma_start3A_1709 : memref<!tpu.dma_semaphore, #tpu.memory_space<semaphore_mem>>)
    }
    %scan3A_991 = arith.constant 25 : i32
    %dma_wait3A_992 = arith.constant 0 : i32
    %dma_wait3A_993 = arith.constant 0 : i32
    %dma_wait3A_994 = arith.constant 0 : i32
    %dma_wait3A_995 = arith.constant 0 : i32
    %dma_wait3A_996 = tpu.memref_slice %arg17[%dma_wait3A_992, %dma_wait3A_994, %dma_wait3A_995] : memref<10x40x128xf32, #tpu.memory_space<vmem>> -> memref<1x40x128xf32, #tpu.memory_space<vmem>>
    %dma_wait3A_997 = tpu.memref_squeeze %dma_wait3A_996 : memref<1x40x128xf32, #tpu.memory_space<vmem>> -> memref<40x128xf32, #tpu.memory_space<vmem>>
    %dma_wait3A_998 = arith.constant 0 : i32
    %dma_wait3A_999 = arith.constant 0 : i32
    %dma_wait3A_1000 = tpu.memref_slice %arg8[%dma_wait3A_998, %dma_wait3A_999] : memref<320000x128xf32, #tpu.memory_space<hbm>> -> memref<40x128xf32, #tpu.memory_space<hbm>>
    %dma_wait3A_1001 = tpu.memref_slice %arg21[%dma_wait3A_993] : memref<10x!tpu.dma_semaphore, #tpu.memory_space<semaphore_mem>> -> memref<1x!tpu.dma_semaphore, #tpu.memory_space<semaphore_mem>>
    %dma_wait3A_1002 = tpu.memref_squeeze %dma_wait3A_1001 : memref<1x!tpu.dma_semaphore, #tpu.memory_space<semaphore_mem>> -> memref<!tpu.dma_semaphore, #tpu.memory_space<semaphore_mem>>
    %dma_wait3A_1003 = arith.constant 0 : i32
    %dma_wait3A_1004 = arith.constant 0 : i32
    %dma_wait3A_1005 = tpu.memref_slice %arg8[%dma_wait3A_1003, %dma_wait3A_1004] : memref<320000x128xf32, #tpu.memory_space<hbm>> -> memref<40x128xf32, #tpu.memory_space<hbm>>
    %dma_wait3A_1006 = arith.constant 0 : i32
    %dma_wait3A_1007 = arith.constant 0 : i32
    %dma_wait3A_1008 = tpu.memref_slice %arg17[%dma_wait3A_992, %dma_wait3A_1006, %dma_wait3A_1007] : memref<10x40x128xf32, #tpu.memory_space<vmem>> -> memref<1x40x128xf32, #tpu.memory_space<vmem>>
    %dma_wait3A_1009 = tpu.memref_squeeze %dma_wait3A_1008 : memref<1x40x128xf32, #tpu.memory_space<vmem>> -> memref<40x128xf32, #tpu.memory_space<vmem>>
    tpu.wait_dma2 semaphore(%dma_wait3A_1002 : memref<!tpu.dma_semaphore, #tpu.memory_space<semaphore_mem>>) src(%dma_wait3A_1009 : memref<40x128xf32, #tpu.memory_space<vmem>>) dst(%dma_wait3A_1005 : memref<40x128xf32, #tpu.memory_space<hbm>>)
    %dma_wait3A_1010 = arith.constant 1 : i32
    %dma_wait3A_1011 = arith.constant 1 : i32
    %dma_wait3A_1012 = arith.constant 0 : i32
    %dma_wait3A_1013 = arith.constant 0 : i32
    %dma_wait3A_1014 = tpu.memref_slice %arg17[%dma_wait3A_1010, %dma_wait3A_1012, %dma_wait3A_1013] : memref<10x40x128xf32, #tpu.memory_space<vmem>> -> memref<1x40x128xf32, #tpu.memory_space<vmem>>
    %dma_wait3A_1015 = tpu.memref_squeeze %dma_wait3A_1014 : memref<1x40x128xf32, #tpu.memory_space<vmem>> -> memref<40x128xf32, #tpu.memory_space<vmem>>
    %dma_wait3A_1016 = arith.constant 0 : i32
    %dma_wait3A_1017 = arith.constant 0 : i32
    %dma_wait3A_1018 = tpu.memref_slice %arg8[%dma_wait3A_1016, %dma_wait3A_1017] : memref<320000x128xf32, #tpu.memory_space<hbm>> -> memref<40x128xf32, #tpu.memory_space<hbm>>
    %dma_wait3A_1019 = tpu.memref_slice %arg21[%dma_wait3A_1011] : memref<10x!tpu.dma_semaphore, #tpu.memory_space<semaphore_mem>> -> memref<1x!tpu.dma_semaphore, #tpu.memory_space<semaphore_mem>>
    %dma_wait3A_1020 = tpu.memref_squeeze %dma_wait3A_1019 : memref<1x!tpu.dma_semaphore, #tpu.memory_space<semaphore_mem>> -> memref<!tpu.dma_semaphore, #tpu.memory_space<semaphore_mem>>
    %dma_wait3A_1021 = arith.constant 0 : i32
    %dma_wait3A_1022 = arith.constant 0 : i32
    %dma_wait3A_1023 = tpu.memref_slice %arg8[%dma_wait3A_1021, %dma_wait3A_1022] : memref<320000x128xf32, #tpu.memory_space<hbm>> -> memref<40x128xf32, #tpu.memory_space<hbm>>
    %dma_wait3A_1024 = arith.constant 0 : i32
    %dma_wait3A_1025 = arith.constant 0 : i32
    %dma_wait3A_1026 = tpu.memref_slice %arg17[%dma_wait3A_1010, %dma_wait3A_1024, %dma_wait3A_1025] : memref<10x40x128xf32, #tpu.memory_space<vmem>> -> memref<1x40x128xf32, #tpu.memory_space<vmem>>
    %dma_wait3A_1027 = tpu.memref_squeeze %dma_wait3A_1026 : memref<1x40x128xf32, #tpu.memory_space<vmem>> -> memref<40x128xf32, #tpu.memory_space<vmem>>
    tpu.wait_dma2 semaphore(%dma_wait3A_1020 : memref<!tpu.dma_semaphore, #tpu.memory_space<semaphore_mem>>) src(%dma_wait3A_1027 : memref<40x128xf32, #tpu.memory_space<vmem>>) dst(%dma_wait3A_1023 : memref<40x128xf32, #tpu.memory_space<hbm>>)
    %dma_wait3A_1028 = arith.constant 2 : i32
    %dma_wait3A_1029 = arith.constant 2 : i32
    %dma_wait3A_1030 = arith.constant 0 : i32
    %dma_wait3A_1031 = arith.constant 0 : i32
    %dma_wait3A_1032 = tpu.memref_slice %arg17[%dma_wait3A_1028, %dma_wait3A_1030, %dma_wait3A_1031] : memref<10x40x128xf32, #tpu.memory_space<vmem>> -> memref<1x40x128xf32, #tpu.memory_space<vmem>>
    %dma_wait3A_1033 = tpu.memref_squeeze %dma_wait3A_1032 : memref<1x40x128xf32, #tpu.memory_space<vmem>> -> memref<40x128xf32, #tpu.memory_space<vmem>>
    %dma_wait3A_1034 = arith.constant 0 : i32
    %dma_wait3A_1035 = arith.constant 0 : i32
    %dma_wait3A_1036 = tpu.memref_slice %arg8[%dma_wait3A_1034, %dma_wait3A_1035] : memref<320000x128xf32, #tpu.memory_space<hbm>> -> memref<40x128xf32, #tpu.memory_space<hbm>>
    %dma_wait3A_1037 = tpu.memref_slice %arg21[%dma_wait3A_1029] : memref<10x!tpu.dma_semaphore, #tpu.memory_space<semaphore_mem>> -> memref<1x!tpu.dma_semaphore, #tpu.memory_space<semaphore_mem>>
    %dma_wait3A_1038 = tpu.memref_squeeze %dma_wait3A_1037 : memref<1x!tpu.dma_semaphore, #tpu.memory_space<semaphore_mem>> -> memref<!tpu.dma_semaphore, #tpu.memory_space<semaphore_mem>>
    %dma_wait3A_1039 = arith.constant 0 : i32
    %dma_wait3A_1040 = arith.constant 0 : i32
    %dma_wait3A_1041 = tpu.memref_slice %arg8[%dma_wait3A_1039, %dma_wait3A_1040] : memref<320000x128xf32, #tpu.memory_space<hbm>> -> memref<40x128xf32, #tpu.memory_space<hbm>>
    %dma_wait3A_1042 = arith.constant 0 : i32
    %dma_wait3A_1043 = arith.constant 0 : i32
    %dma_wait3A_1044 = tpu.memref_slice %arg17[%dma_wait3A_1028, %dma_wait3A_1042, %dma_wait3A_1043] : memref<10x40x128xf32, #tpu.memory_space<vmem>> -> memref<1x40x128xf32, #tpu.memory_space<vmem>>
    %dma_wait3A_1045 = tpu.memref_squeeze %dma_wait3A_1044 : memref<1x40x128xf32, #tpu.memory_space<vmem>> -> memref<40x128xf32, #tpu.memory_space<vmem>>
    tpu.wait_dma2 semaphore(%dma_wait3A_1038 : memref<!tpu.dma_semaphore, #tpu.memory_space<semaphore_mem>>) src(%dma_wait3A_1045 : memref<40x128xf32, #tpu.memory_space<vmem>>) dst(%dma_wait3A_1041 : memref<40x128xf32, #tpu.memory_space<hbm>>)
    %dma_wait3A_1046 = arith.constant 3 : i32
    %dma_wait3A_1047 = arith.constant 3 : i32
    %dma_wait3A_1048 = arith.constant 0 : i32
    %dma_wait3A_1049 = arith.constant 0 : i32
    %dma_wait3A_1050 = tpu.memref_slice %arg17[%dma_wait3A_1046, %dma_wait3A_1048, %dma_wait3A_1049] : memref<10x40x128xf32, #tpu.memory_space<vmem>> -> memref<1x40x128xf32, #tpu.memory_space<vmem>>
    %dma_wait3A_1051 = tpu.memref_squeeze %dma_wait3A_1050 : memref<1x40x128xf32, #tpu.memory_space<vmem>> -> memref<40x128xf32, #tpu.memory_space<vmem>>
    %dma_wait3A_1052 = arith.constant 0 : i32
    %dma_wait3A_1053 = arith.constant 0 : i32
    %dma_wait3A_1054 = tpu.memref_slice %arg8[%dma_wait3A_1052, %dma_wait3A_1053] : memref<320000x128xf32, #tpu.memory_space<hbm>> -> memref<40x128xf32, #tpu.memory_space<hbm>>
    %dma_wait3A_1055 = tpu.memref_slice %arg21[%dma_wait3A_1047] : memref<10x!tpu.dma_semaphore, #tpu.memory_space<semaphore_mem>> -> memref<1x!tpu.dma_semaphore, #tpu.memory_space<semaphore_mem>>
    %dma_wait3A_1056 = tpu.memref_squeeze %dma_wait3A_1055 : memref<1x!tpu.dma_semaphore, #tpu.memory_space<semaphore_mem>> -> memref<!tpu.dma_semaphore, #tpu.memory_space<semaphore_mem>>
    %dma_wait3A_1057 = arith.constant 0 : i32
    %dma_wait3A_1058 = arith.constant 0 : i32
    %dma_wait3A_1059 = tpu.memref_slice %arg8[%dma_wait3A_1057, %dma_wait3A_1058] : memref<320000x128xf32, #tpu.memory_space<hbm>> -> memref<40x128xf32, #tpu.memory_space<hbm>>
    %dma_wait3A_1060 = arith.constant 0 : i32
    %dma_wait3A_1061 = arith.constant 0 : i32
    %dma_wait3A_1062 = tpu.memref_slice %arg17[%dma_wait3A_1046, %dma_wait3A_1060, %dma_wait3A_1061] : memref<10x40x128xf32, #tpu.memory_space<vmem>> -> memref<1x40x128xf32, #tpu.memory_space<vmem>>
    %dma_wait3A_1063 = tpu.memref_squeeze %dma_wait3A_1062 : memref<1x40x128xf32, #tpu.memory_space<vmem>> -> memref<40x128xf32, #tpu.memory_space<vmem>>
    tpu.wait_dma2 semaphore(%dma_wait3A_1056 : memref<!tpu.dma_semaphore, #tpu.memory_space<semaphore_mem>>) src(%dma_wait3A_1063 : memref<40x128xf32, #tpu.memory_space<vmem>>) dst(%dma_wait3A_1059 : memref<40x128xf32, #tpu.memory_space<hbm>>)
    %dma_wait3A_1064 = arith.constant 4 : i32
    %dma_wait3A_1065 = arith.constant 4 : i32
    %dma_wait3A_1066 = arith.constant 0 : i32
    %dma_wait3A_1067 = arith.constant 0 : i32
    %dma_wait3A_1068 = tpu.memref_slice %arg17[%dma_wait3A_1064, %dma_wait3A_1066, %dma_wait3A_1067] : memref<10x40x128xf32, #tpu.memory_space<vmem>> -> memref<1x40x128xf32, #tpu.memory_space<vmem>>
    %dma_wait3A_1069 = tpu.memref_squeeze %dma_wait3A_1068 : memref<1x40x128xf32, #tpu.memory_space<vmem>> -> memref<40x128xf32, #tpu.memory_space<vmem>>
    %dma_wait3A_1070 = arith.constant 0 : i32
    %dma_wait3A_1071 = arith.constant 0 : i32
    %dma_wait3A_1072 = tpu.memref_slice %arg8[%dma_wait3A_1070, %dma_wait3A_1071] : memref<320000x128xf32, #tpu.memory_space<hbm>> -> memref<40x128xf32, #tpu.memory_space<hbm>>
    %dma_wait3A_1073 = tpu.memref_slice %arg21[%dma_wait3A_1065] : memref<10x!tpu.dma_semaphore, #tpu.memory_space<semaphore_mem>> -> memref<1x!tpu.dma_semaphore, #tpu.memory_space<semaphore_mem>>
    %dma_wait3A_1074 = tpu.memref_squeeze %dma_wait3A_1073 : memref<1x!tpu.dma_semaphore, #tpu.memory_space<semaphore_mem>> -> memref<!tpu.dma_semaphore, #tpu.memory_space<semaphore_mem>>
    %dma_wait3A_1075 = arith.constant 0 : i32
    %dma_wait3A_1076 = arith.constant 0 : i32
    %dma_wait3A_1077 = tpu.memref_slice %arg8[%dma_wait3A_1075, %dma_wait3A_1076] : memref<320000x128xf32, #tpu.memory_space<hbm>> -> memref<40x128xf32, #tpu.memory_space<hbm>>
    %dma_wait3A_1078 = arith.constant 0 : i32
    %dma_wait3A_1079 = arith.constant 0 : i32
    %dma_wait3A_1080 = tpu.memref_slice %arg17[%dma_wait3A_1064, %dma_wait3A_1078, %dma_wait3A_1079] : memref<10x40x128xf32, #tpu.memory_space<vmem>> -> memref<1x40x128xf32, #tpu.memory_space<vmem>>
    %dma_wait3A_1081 = tpu.memref_squeeze %dma_wait3A_1080 : memref<1x40x128xf32, #tpu.memory_space<vmem>> -> memref<40x128xf32, #tpu.memory_space<vmem>>
    tpu.wait_dma2 semaphore(%dma_wait3A_1074 : memref<!tpu.dma_semaphore, #tpu.memory_space<semaphore_mem>>) src(%dma_wait3A_1081 : memref<40x128xf32, #tpu.memory_space<vmem>>) dst(%dma_wait3A_1077 : memref<40x128xf32, #tpu.memory_space<hbm>>)
    %dma_wait3A_1082 = arith.constant 5 : i32
    %dma_wait3A_1083 = arith.constant 5 : i32
    %dma_wait3A_1084 = arith.constant 0 : i32
    %dma_wait3A_1085 = arith.constant 0 : i32
    %dma_wait3A_1086 = tpu.memref_slice %arg17[%dma_wait3A_1082, %dma_wait3A_1084, %dma_wait3A_1085] : memref<10x40x128xf32, #tpu.memory_space<vmem>> -> memref<1x40x128xf32, #tpu.memory_space<vmem>>
    %dma_wait3A_1087 = tpu.memref_squeeze %dma_wait3A_1086 : memref<1x40x128xf32, #tpu.memory_space<vmem>> -> memref<40x128xf32, #tpu.memory_space<vmem>>
    %dma_wait3A_1088 = arith.constant 0 : i32
    %dma_wait3A_1089 = arith.constant 0 : i32
    %dma_wait3A_1090 = tpu.memref_slice %arg8[%dma_wait3A_1088, %dma_wait3A_1089] : memref<320000x128xf32, #tpu.memory_space<hbm>> -> memref<40x128xf32, #tpu.memory_space<hbm>>
    %dma_wait3A_1091 = tpu.memref_slice %arg21[%dma_wait3A_1083] : memref<10x!tpu.dma_semaphore, #tpu.memory_space<semaphore_mem>> -> memref<1x!tpu.dma_semaphore, #tpu.memory_space<semaphore_mem>>
    %dma_wait3A_1092 = tpu.memref_squeeze %dma_wait3A_1091 : memref<1x!tpu.dma_semaphore, #tpu.memory_space<semaphore_mem>> -> memref<!tpu.dma_semaphore, #tpu.memory_space<semaphore_mem>>
    %dma_wait3A_1093 = arith.constant 0 : i32
    %dma_wait3A_1094 = arith.constant 0 : i32
    %dma_wait3A_1095 = tpu.memref_slice %arg8[%dma_wait3A_1093, %dma_wait3A_1094] : memref<320000x128xf32, #tpu.memory_space<hbm>> -> memref<40x128xf32, #tpu.memory_space<hbm>>
    %dma_wait3A_1096 = arith.constant 0 : i32
    %dma_wait3A_1097 = arith.constant 0 : i32
    %dma_wait3A_1098 = tpu.memref_slice %arg17[%dma_wait3A_1082, %dma_wait3A_1096, %dma_wait3A_1097] : memref<10x40x128xf32, #tpu.memory_space<vmem>> -> memref<1x40x128xf32, #tpu.memory_space<vmem>>
    %dma_wait3A_1099 = tpu.memref_squeeze %dma_wait3A_1098 : memref<1x40x128xf32, #tpu.memory_space<vmem>> -> memref<40x128xf32, #tpu.memory_space<vmem>>
    tpu.wait_dma2 semaphore(%dma_wait3A_1092 : memref<!tpu.dma_semaphore, #tpu.memory_space<semaphore_mem>>) src(%dma_wait3A_1099 : memref<40x128xf32, #tpu.memory_space<vmem>>) dst(%dma_wait3A_1095 : memref<40x128xf32, #tpu.memory_space<hbm>>)
    %dma_wait3A_1100 = arith.constant 6 : i32
    %dma_wait3A_1101 = arith.constant 6 : i32
    %dma_wait3A_1102 = arith.constant 0 : i32
    %dma_wait3A_1103 = arith.constant 0 : i32
    %dma_wait3A_1104 = tpu.memref_slice %arg17[%dma_wait3A_1100, %dma_wait3A_1102, %dma_wait3A_1103] : memref<10x40x128xf32, #tpu.memory_space<vmem>> -> memref<1x40x128xf32, #tpu.memory_space<vmem>>
    %dma_wait3A_1105 = tpu.memref_squeeze %dma_wait3A_1104 : memref<1x40x128xf32, #tpu.memory_space<vmem>> -> memref<40x128xf32, #tpu.memory_space<vmem>>
    %dma_wait3A_1106 = arith.constant 0 : i32
    %dma_wait3A_1107 = arith.constant 0 : i32
    %dma_wait3A_1108 = tpu.memref_slice %arg8[%dma_wait3A_1106, %dma_wait3A_1107] : memref<320000x128xf32, #tpu.memory_space<hbm>> -> memref<40x128xf32, #tpu.memory_space<hbm>>
    %dma_wait3A_1109 = tpu.memref_slice %arg21[%dma_wait3A_1101] : memref<10x!tpu.dma_semaphore, #tpu.memory_space<semaphore_mem>> -> memref<1x!tpu.dma_semaphore, #tpu.memory_space<semaphore_mem>>
    %dma_wait3A_1110 = tpu.memref_squeeze %dma_wait3A_1109 : memref<1x!tpu.dma_semaphore, #tpu.memory_space<semaphore_mem>> -> memref<!tpu.dma_semaphore, #tpu.memory_space<semaphore_mem>>
    %dma_wait3A_1111 = arith.constant 0 : i32
    %dma_wait3A_1112 = arith.constant 0 : i32
    %dma_wait3A_1113 = tpu.memref_slice %arg8[%dma_wait3A_1111, %dma_wait3A_1112] : memref<320000x128xf32, #tpu.memory_space<hbm>> -> memref<40x128xf32, #tpu.memory_space<hbm>>
    %dma_wait3A_1114 = arith.constant 0 : i32
    %dma_wait3A_1115 = arith.constant 0 : i32
    %dma_wait3A_1116 = tpu.memref_slice %arg17[%dma_wait3A_1100, %dma_wait3A_1114, %dma_wait3A_1115] : memref<10x40x128xf32, #tpu.memory_space<vmem>> -> memref<1x40x128xf32, #tpu.memory_space<vmem>>
    %dma_wait3A_1117 = tpu.memref_squeeze %dma_wait3A_1116 : memref<1x40x128xf32, #tpu.memory_space<vmem>> -> memref<40x128xf32, #tpu.memory_space<vmem>>
    tpu.wait_dma2 semaphore(%dma_wait3A_1110 : memref<!tpu.dma_semaphore, #tpu.memory_space<semaphore_mem>>) src(%dma_wait3A_1117 : memref<40x128xf32, #tpu.memory_space<vmem>>) dst(%dma_wait3A_1113 : memref<40x128xf32, #tpu.memory_space<hbm>>)
    %dma_wait3A_1118 = arith.constant 7 : i32
    %dma_wait3A_1119 = arith.constant 7 : i32
    %dma_wait3A_1120 = arith.constant 0 : i32
    %dma_wait3A_1121 = arith.constant 0 : i32
    %dma_wait3A_1122 = tpu.memref_slice %arg17[%dma_wait3A_1118, %dma_wait3A_1120, %dma_wait3A_1121] : memref<10x40x128xf32, #tpu.memory_space<vmem>> -> memref<1x40x128xf32, #tpu.memory_space<vmem>>
    %dma_wait3A_1123 = tpu.memref_squeeze %dma_wait3A_1122 : memref<1x40x128xf32, #tpu.memory_space<vmem>> -> memref<40x128xf32, #tpu.memory_space<vmem>>
    %dma_wait3A_1124 = arith.constant 0 : i32
    %dma_wait3A_1125 = arith.constant 0 : i32
    %dma_wait3A_1126 = tpu.memref_slice %arg8[%dma_wait3A_1124, %dma_wait3A_1125] : memref<320000x128xf32, #tpu.memory_space<hbm>> -> memref<40x128xf32, #tpu.memory_space<hbm>>
    %dma_wait3A_1127 = tpu.memref_slice %arg21[%dma_wait3A_1119] : memref<10x!tpu.dma_semaphore, #tpu.memory_space<semaphore_mem>> -> memref<1x!tpu.dma_semaphore, #tpu.memory_space<semaphore_mem>>
    %dma_wait3A_1128 = tpu.memref_squeeze %dma_wait3A_1127 : memref<1x!tpu.dma_semaphore, #tpu.memory_space<semaphore_mem>> -> memref<!tpu.dma_semaphore, #tpu.memory_space<semaphore_mem>>
    %dma_wait3A_1129 = arith.constant 0 : i32
    %dma_wait3A_1130 = arith.constant 0 : i32
    %dma_wait3A_1131 = tpu.memref_slice %arg8[%dma_wait3A_1129, %dma_wait3A_1130] : memref<320000x128xf32, #tpu.memory_space<hbm>> -> memref<40x128xf32, #tpu.memory_space<hbm>>
    %dma_wait3A_1132 = arith.constant 0 : i32
    %dma_wait3A_1133 = arith.constant 0 : i32
    %dma_wait3A_1134 = tpu.memref_slice %arg17[%dma_wait3A_1118, %dma_wait3A_1132, %dma_wait3A_1133] : memref<10x40x128xf32, #tpu.memory_space<vmem>> -> memref<1x40x128xf32, #tpu.memory_space<vmem>>
    %dma_wait3A_1135 = tpu.memref_squeeze %dma_wait3A_1134 : memref<1x40x128xf32, #tpu.memory_space<vmem>> -> memref<40x128xf32, #tpu.memory_space<vmem>>
    tpu.wait_dma2 semaphore(%dma_wait3A_1128 : memref<!tpu.dma_semaphore, #tpu.memory_space<semaphore_mem>>) src(%dma_wait3A_1135 : memref<40x128xf32, #tpu.memory_space<vmem>>) dst(%dma_wait3A_1131 : memref<40x128xf32, #tpu.memory_space<hbm>>)
    %dma_wait3A_1136 = arith.constant 8 : i32
    %dma_wait3A_1137 = arith.constant 8 : i32
    %dma_wait3A_1138 = arith.constant 0 : i32
    %dma_wait3A_1139 = arith.constant 0 : i32
    %dma_wait3A_1140 = tpu.memref_slice %arg17[%dma_wait3A_1136, %dma_wait3A_1138, %dma_wait3A_1139] : memref<10x40x128xf32, #tpu.memory_space<vmem>> -> memref<1x40x128xf32, #tpu.memory_space<vmem>>
    %dma_wait3A_1141 = tpu.memref_squeeze %dma_wait3A_1140 : memref<1x40x128xf32, #tpu.memory_space<vmem>> -> memref<40x128xf32, #tpu.memory_space<vmem>>
    %dma_wait3A_1142 = arith.constant 0 : i32
    %dma_wait3A_1143 = arith.constant 0 : i32
    %dma_wait3A_1144 = tpu.memref_slice %arg8[%dma_wait3A_1142, %dma_wait3A_1143] : memref<320000x128xf32, #tpu.memory_space<hbm>> -> memref<40x128xf32, #tpu.memory_space<hbm>>
    %dma_wait3A_1145 = tpu.memref_slice %arg21[%dma_wait3A_1137] : memref<10x!tpu.dma_semaphore, #tpu.memory_space<semaphore_mem>> -> memref<1x!tpu.dma_semaphore, #tpu.memory_space<semaphore_mem>>
    %dma_wait3A_1146 = tpu.memref_squeeze %dma_wait3A_1145 : memref<1x!tpu.dma_semaphore, #tpu.memory_space<semaphore_mem>> -> memref<!tpu.dma_semaphore, #tpu.memory_space<semaphore_mem>>
    %dma_wait3A_1147 = arith.constant 0 : i32
    %dma_wait3A_1148 = arith.constant 0 : i32
    %dma_wait3A_1149 = tpu.memref_slice %arg8[%dma_wait3A_1147, %dma_wait3A_1148] : memref<320000x128xf32, #tpu.memory_space<hbm>> -> memref<40x128xf32, #tpu.memory_space<hbm>>
    %dma_wait3A_1150 = arith.constant 0 : i32
    %dma_wait3A_1151 = arith.constant 0 : i32
    %dma_wait3A_1152 = tpu.memref_slice %arg17[%dma_wait3A_1136, %dma_wait3A_1150, %dma_wait3A_1151] : memref<10x40x128xf32, #tpu.memory_space<vmem>> -> memref<1x40x128xf32, #tpu.memory_space<vmem>>
    %dma_wait3A_1153 = tpu.memref_squeeze %dma_wait3A_1152 : memref<1x40x128xf32, #tpu.memory_space<vmem>> -> memref<40x128xf32, #tpu.memory_space<vmem>>
    tpu.wait_dma2 semaphore(%dma_wait3A_1146 : memref<!tpu.dma_semaphore, #tpu.memory_space<semaphore_mem>>) src(%dma_wait3A_1153 : memref<40x128xf32, #tpu.memory_space<vmem>>) dst(%dma_wait3A_1149 : memref<40x128xf32, #tpu.memory_space<hbm>>)
    %dma_wait3A_1154 = arith.constant 9 : i32
    %dma_wait3A_1155 = arith.constant 9 : i32
    %dma_wait3A_1156 = arith.constant 0 : i32
    %dma_wait3A_1157 = arith.constant 0 : i32
    %dma_wait3A_1158 = tpu.memref_slice %arg17[%dma_wait3A_1154, %dma_wait3A_1156, %dma_wait3A_1157] : memref<10x40x128xf32, #tpu.memory_space<vmem>> -> memref<1x40x128xf32, #tpu.memory_space<vmem>>
    %dma_wait3A_1159 = tpu.memref_squeeze %dma_wait3A_1158 : memref<1x40x128xf32, #tpu.memory_space<vmem>> -> memref<40x128xf32, #tpu.memory_space<vmem>>
    %dma_wait3A_1160 = arith.constant 0 : i32
    %dma_wait3A_1161 = arith.constant 0 : i32
    %dma_wait3A_1162 = tpu.memref_slice %arg8[%dma_wait3A_1160, %dma_wait3A_1161] : memref<320000x128xf32, #tpu.memory_space<hbm>> -> memref<40x128xf32, #tpu.memory_space<hbm>>
    %dma_wait3A_1163 = tpu.memref_slice %arg21[%dma_wait3A_1155] : memref<10x!tpu.dma_semaphore, #tpu.memory_space<semaphore_mem>> -> memref<1x!tpu.dma_semaphore, #tpu.memory_space<semaphore_mem>>
    %dma_wait3A_1164 = tpu.memref_squeeze %dma_wait3A_1163 : memref<1x!tpu.dma_semaphore, #tpu.memory_space<semaphore_mem>> -> memref<!tpu.dma_semaphore, #tpu.memory_space<semaphore_mem>>
    %dma_wait3A_1165 = arith.constant 0 : i32
    %dma_wait3A_1166 = arith.constant 0 : i32
    %dma_wait3A_1167 = tpu.memref_slice %arg8[%dma_wait3A_1165, %dma_wait3A_1166] : memref<320000x128xf32, #tpu.memory_space<hbm>> -> memref<40x128xf32, #tpu.memory_space<hbm>>
    %dma_wait3A_1168 = arith.constant 0 : i32
    %dma_wait3A_1169 = arith.constant 0 : i32
    %dma_wait3A_1170 = tpu.memref_slice %arg17[%dma_wait3A_1154, %dma_wait3A_1168, %dma_wait3A_1169] : memref<10x40x128xf32, #tpu.memory_space<vmem>> -> memref<1x40x128xf32, #tpu.memory_space<vmem>>
    %dma_wait3A_1171 = tpu.memref_squeeze %dma_wait3A_1170 : memref<1x40x128xf32, #tpu.memory_space<vmem>> -> memref<40x128xf32, #tpu.memory_space<vmem>>
    tpu.wait_dma2 semaphore(%dma_wait3A_1164 : memref<!tpu.dma_semaphore, #tpu.memory_space<semaphore_mem>>) src(%dma_wait3A_1171 : memref<40x128xf32, #tpu.memory_space<vmem>>) dst(%dma_wait3A_1167 : memref<40x128xf32, #tpu.memory_space<hbm>>)
    return
  }
}

</mosaic_0001>

<sc_bundles>
// kernel: kernel.3.cloned.1.call-start
scs
__scs_entry_jumppad:
0x0: {  	(pc) =	sbr.rel $0x88, $3  }
0x1: {  	(tag) =	ssettag $0x0;
	lr =	simm.s32 $0x1  }
0x2: {  	[smem:$0x3F9D] =	sst lr;
	_ =	strace $0xD0000000  }
0x3: {  	_ = 	snop  }
0x4: {  	_ = 	snop  }
0x5: {  	_ = 	snop  }
0x6: {  	_ = 	snop  }
0x7: {  	_ = 	snop  }
__scs_overlays_trampoline_lowered:
0x8: {  	[smem:$0x3FAC] =	sst s0  }
0x9: {  	[smem:$0x3FAD] =	sst s1  }
0xa: {  	[smem:$0x3FAE] =	sst s2  }
0xb: {  	[smem:$0x3FAF] =	sst s3  }
0xc: {  	[smem:$0x3FB0] =	sst s4  }
0xd: {  	[smem:$0x3FB1] =	sst s5  }
0xe: {  	[smem:$0x3FB2] =	sst s6  }
0xf: {  	[smem:$0x3FB3] =	sst s7  }
0x10: {  	[smem:$0x3FB4] =	sst s8  }
0x11: {  	[smem:$0x3FB5] =	sst s9;
	s0 =	simm.s32 @!p0 $0x0  }
0x12: {  	s1 =	sld [smem:$0x3F9B];
	s0 =	simm.s32 @p0 $0x1  }
0x13: {  	[smem:$0x3FB6] =	sst s0;
	s0 =	simm.s32 @!p1 $0x0  }
0x14: {  	s2 =	sld [smem:$0x3F9A];
	s0 =	simm.s32 @p1 $0x1  }
0x15: {  	[smem:$0x3FB7] =	sst s0;
	s0 =	simm.s32 @!p2 $0x0  }
0x16: {  	s3 =	sld [smem:$0x3FDB];
	s0 =	simm.s32 @p2 $0x1  }
0x17: {  	s4 =	simm.s32 $0x1BF5;
	[smem:$0x3FB9] =	sst s0  }
0x18: {  	s0 =	sld [smem:$0x3F9C];
	_ =	swait.ge [sflag:s4], $0x0  }
0x19: {  	s7 =	sld [smem:$0x3F9D]  }
0x1a: {  	s8 =	sadd.s32 $0xFFFFE003, lr  }
0x1b: {  	s9 =	sadd.s32 $0xFFFFFEF7, lr;
	s5 =	simm.s32 $0xFFFFFFFF;
	p2 =	slt.u32 s8, $0xFFFFF086  }
0x1c: {  	p1 =	slt.u32 s9, $0xF7A;
	s5 =	simm.s32 @!p2 $0x0  }
0x1d: {  	s5 =	simm.s32 @p1 $0x1;
	p0 =	seq.s32 s7, s2  }
0x1e: {  	s7 =	smul.u32 @!p0 $0xF7A, s2;
	p2 =	seq.s32 @!p0 s5, $0x0  }
0x1f: {  	s9 =	smul.u32 $0xF7A, s1;
	s8 =	simm.s32 @!p0 $0x1BF5;
	p2 =	por !p2, p0  }
0x20: {  	[sflag:s8] =	ssyncset.s32 @!p0 $0xFFFFF086;
	s6 =	sadd.s32 @!p0 s3, s7;
	s7 =	simm.s32 @!p0 $0x108  }
0x21: {  	s3 =	sadd.s32 s3, s9;
	s6 =	sadd.s32 @!p0 $0x88, s6;
	s7 =	simm.s32 @p2 $0x1082  }
0x22: {  	[simem:s7], [sflag:s8] =	dma.local @!p0 [hbm:s6], $0xF7A  }
0x23: {  	s9 =	sor.u32 $0xD0000000, s2;
	s6 =	simm.s32 $0x108;
	_ =	swait.ge @!p0 [sflag:s8], $0x0  }
0x24: {  	s3 =	sadd.s32 $0x88, s3;
	s6 =	simm.s32 @!p1 $0x1082;
	[sflag:s4] =	ssyncset.s32 $0xFFFFF086  }
0x25: {  	[simem:s6], [sflag:s4] =	dma.local [hbm:s3], $0xF7A  }
0x26: {  	[smem:$0x3F9D] =	sst s1;
	(tag) =	ssettag s2;
	_ =	strace s9  }
0x27: {  	s1 =	sld [smem:$0x3FAD]  }
0x28: {  	s2 =	sld [smem:$0x3FAE]  }
0x29: {  	s4 =	sld [smem:$0x3FB0]  }
0x2a: {  	p0 =	seq.s32 s5, $0x0;
	s5 =	sld [smem:$0x3FB1]  }
0x2b: {  	s6 =	sld [smem:$0x3FB2]  }
0x2c: {  	s7 =	sld [smem:$0x3FB3]  }
0x2d: {  	s3 =	simm.s32 $0x108;
	s8 =	sld [smem:$0x3FB4]  }
0x2e: {  	s3 =	simm.s32 @!p0 $0x1082;
	s9 =	sld [smem:$0x3FB5]  }
0x2f: {  	lr =	sadd.s32 s0, s3;
	s0 =	sld [smem:$0x3FAC]  }
0x30: {  	s3 =	sld [smem:$0x3FAF]  }
0x31: {  	[smem:$0x3FB8] =	sst s10  }
0x32: {  	s10 =	sld [smem:$0x3FB6];
	_ =	sdelay $0x3  }
0x33: {  	p0 =	seq.s32 s10, $0x1;
	s10 =	sld [smem:$0x3FB8];
	_ =	sdelay $0x3  }
0x34: {  	[smem:$0x3FB8] =	sst s10  }
0x35: {  	s10 =	sld [smem:$0x3FB7];
	_ =	sdelay $0x3  }
0x36: {  	p1 =	seq.s32 s10, $0x1;
	s10 =	sld [smem:$0x3FB8];
	_ =	sdelay $0x3  }
0x37: {  	[smem:$0x3FB8] =	sst s10  }
0x38: {  	s10 =	sld [smem:$0x3FB9]  }
0x39: {  	_ = 	snop;
	(pc) =	sbr.ind lr, $3  }
0x3a: {  	_ = 	snop  }
0x3b: {  	_ = 	snop  }
0x3c: {  	p2 =	seq.s32 s10, $0x1;
	s10 =	sld [smem:$0x3FB8]  }
0x3d: {  	_ =	shalt  }
0x3e: {  	_ =	shalt  }
0x3f: {  	_ =	shalt  }
0x40: {  	_ =	shalt  }
0x41: {  	_ =	shalt  }
0x42: {  	_ =	shalt  }
0x43: {  	_ =	shalt  }
0x44: {  	_ =	shalt  }
0x45: {  	_ =	shalt  }
0x46: {  	_ =	shalt  }
0x47: {  	_ =	shalt  }
0x48: {  	_ =	shalt  }
0x49: {  	_ =	shalt  }
0x4a: {  	_ =	shalt  }
0x4b: {  	_ =	shalt  }
0x4c: {  	_ =	shalt  }
0x4d: {  	_ =	shalt  }
0x4e: {  	_ =	shalt  }
0x4f: {  	_ =	shalt  }
0x50: {  	_ =	shalt  }
0x51: {  	_ =	shalt  }
0x52: {  	_ =	shalt  }
0x53: {  	_ =	shalt  }
0x54: {  	_ =	shalt  }
0x55: {  	_ =	shalt  }
0x56: {  	_ =	shalt  }
0x57: {  	_ =	shalt  }
0x58: {  	_ =	shalt  }
0x59: {  	_ =	shalt  }
0x5a: {  	_ =	shalt  }
0x5b: {  	_ =	shalt  }
0x5c: {  	_ =	shalt  }
0x5d: {  	_ =	shalt  }
0x5e: {  	_ =	shalt  }
0x5f: {  	_ =	shalt  }
0x60: {  	_ =	shalt  }
0x61: {  	_ =	shalt  }
0x62: {  	_ =	shalt  }
0x63: {  	_ =	shalt  }
0x64: {  	_ =	shalt  }
0x65: {  	_ =	shalt  }
0x66: {  	_ =	shalt  }
0x67: {  	_ =	shalt  }
0x68: {  	_ =	shalt  }
0x69: {  	_ =	shalt  }
0x6a: {  	_ =	shalt  }
0x6b: {  	_ =	shalt  }
0x6c: {  	_ =	shalt  }
0x6d: {  	_ =	shalt  }
0x6e: {  	_ =	shalt  }
0x6f: {  	_ =	shalt  }
0x70: {  	_ =	shalt  }
0x71: {  	_ =	shalt  }
0x72: {  	_ =	shalt  }
0x73: {  	_ =	shalt  }
0x74: {  	_ =	shalt  }
0x75: {  	_ =	shalt  }
0x76: {  	_ =	shalt  }
0x77: {  	_ =	shalt  }
0x78: {  	_ =	shalt  }
0x79: {  	_ =	shalt  }
0x7a: {  	_ =	shalt  }
0x7b: {  	_ =	shalt  }
0x7c: {  	_ =	shalt  }
0x7d: {  	_ =	shalt  }
0x7e: {  	_ =	shalt  }
0x7f: {  	_ =	shalt  }
0x80: {  	_ =	shalt  }
0x81: {  	_ =	shalt  }
0x82: {  	_ =	shalt  }
0x83: {  	_ =	shalt  }
0x84: {  	_ =	shalt  }
0x85: {  	_ =	shalt  }
0x86: {  	_ =	shalt  }
0x87: {  	_ =	shalt  }
.Lfunc_end0:
.L_simem_size_0:
called_computation_lowered:
.L_overlay_start_0:
0x88: {  	s2 =	sld [smem:$0x3FD9]  }
0x89: {  	s3 =	sld [smem:$0x3FFE];
	_ =	sdelay $0x1  }
0x8a: {  	s1 =	srdreg.scid  }
0x8b: {  	s0 =	sand.u32 $0x1, s1  }
0x8c: {  	s17 =	sshll.u32 s0, $0xA;
	s2 =	sadd.s32 s3, s2  }
0x8d: {  	s2 =	sadd.s32 s2, s17  }
0x8e: {  	[smem:$0x3FC4] =	sst s2  }
0x8f: {  	_ = 	snop  }
0x90: {  	s2 =	sld [smem:$0x3FC8]  }
0x91: {  	s18 =	sld [smem:$0x3FC7]  }
0x92: {  	s4 =	sld [smem:$0x3FC6]  }
0x93: {  	s5 =	sld [smem:$0x3FD0];
	(tm) =	ssettm $0x1  }
0x94: {  	s6 =	sld [smem:$0x3FFB];
	_ =	sdelay $0x3  }
0x95: {  	_ =	strace s6  }
0x96: {  	s6 =	sld [smem:$0x3FFC];
	_ =	sdelay $0x3  }
0x97: {  	_ =	strace s6  }
0x98: {  	s6 =	sld [smem:$0x3FFD];
	_ =	sdelay $0x3  }
0x99: {  	_ =	strace s6  }
0x9a: {  	_ =	strace $0x8FFFFFFF  }
0x9b: {  	s19 =	sld [smem:$0x3FDB];
	_ =	sdelay $0x1  }
0x9c: {  	s7 =	simm.s32 $_scs_section_size  }
0x9d: {  	s8 =	simm.s32 $_size__tile_overlayer_lowered;
	s9 =	simm.s32 $_tile_overlayer_lowered  }
0x9e: {  	s22 =	simm.s32 $0x1BFF;
	s21 =	sshll.u32 s9, $0x1;
	s6 =	sadd.s32 s7, s19  }
0x9f: {  	s10 =	simm.s32 $0x0;
	s20 =	sshll.u32 s8, $0x1;
	s8 =	sadd.s32 s21, s6  }
0xa0: {  	[timem:s10], [sflag:s22] =	dma.local [hbm:s8], s20  }
0xa1: {  	_ =	swait.ge [sflag:s22], s20  }
0xa2: {  	s7 =	ssub.s32 $0x0, s20;
	[sflag:s22] =	ssyncset.done $0x0  }
0xa3: {  	[sflag:s22] =	ssyncadd.s32 s7;
	_ =	sdelay $0x1  }
0xa4: {  	s23 =	simm.s32 $0x1B8B  }
0xa5: {  	_ =	swait.ge [sflag:s23], $0x1  }
0xa6: {  	[sflag:s23] =	ssyncset.done $0x0  }
0xa7: {  	s25 =	simm.s32 $0x1B8E;
	s24 =	sld [smem:$0x3FFE];
	[sflag:s23] =	ssyncadd.s32 $0xFFFFFFFF  }
0xa8: {  	s26 =	simm.s32 $execute0_lowered;
	[smem:$0x3FD2] =	sst s25  }
0xa9: {  	s8 =	sshll.u32 s26, $0x1;
	_ =	strace $0x80000046;
	[dreg:$0x1] =	wrdreg $0xFFFFFFFF  }
0xaa: {  	s28 =	simm.s32 $_size_execute0_lowered;
	s6 =	sadd.s32 s6, s8;
	[dreg:$0x0] =	wrdreg $0x0  }
0xab: {  	s8 =	sshll.u32 s28, $0x1;
	[dreg:$0x2] =	wrdreg s6  }
0xac: {  	[dreg:$0x3] =	wrdreg s8  }
0xad: {  	[dreg:$0x4] =	wrdreg $0xC0  }
0xae: {  	_ =	task [dreg:s10], $0x5FFFF  }
0xaf: {  	[dreg:$0x1] =	wrdreg $0xFFFFFFFF  }
0xb0: {  	[dreg:$0x0] =	wrdreg $0x60  }
0xb1: {  	[dreg:$0x2] =	wrdreg s24  }
0xb2: {  	[dreg:$0x3] =	wrdreg s2  }
0xb3: {  	[dreg:$0x4] =	wrdreg s18  }
0xb4: {  	[dreg:$0x5] =	wrdreg s4  }
0xb5: {  	[dreg:$0x6] =	wrdreg s5  }
0xb6: {  	[dreg:$0x7] =	wrdreg $0x170800  }
0xb7: {  	[dreg:$0x8] =	wrdreg $0x9  }
0xb8: {  	_ =	task.clear_ibuf [dreg:s10], $0x9FFFF;
	_ =	strace $0x90000046  }
0xb9: {  	s29 =	simm.s32 $0x9;
	_ =	strace $0x80000048  }
0xba: {  	_ =	swait.ge [sflag:s29], $0x1  }
0xbb: {  	[sflag:s29] =	ssyncadd.s32 $0xFFFFFFFF  }
0xbc: {  	_ =	strace $0x90000048  }
0xbd: {  	_ =	sfence  }
0xbe: {  	s30 =	sld [smem:$0x0];
	_ =	sdelay $0x2  }
0xbf: {  	s31 =	sshll.u32 s1, $0xD;
	s1 =	sshrl.u32 s1, $0x2  }
0xc0: {  	s3 =	sand.u32 $0x4000, s31;
	s1 =	sadd.s32 s1, s30  }
0xc1: {  	s0 =	sor.u32 s3, s0;
	s1 =	sshll.u32 s1, $0x11  }
0xc2: {  	s0 =	sor.u32 s1, s0  }
0xc3: {  	s0 =	sadd.s32 $0x8F2B, s0  }
0xc4: {  	[sflag:s0] =	ssyncadd.remote.s32 $0x1  }
0xc5: {  	_ =	sfence.sel $0xFFFF  }
0xc6: {  	[dreg:$0x0] =	wrdreg $0xFFFFFFFF;
	(pc) =	sbr.abs _section_cstart, $3  }
0xc7: {  	[dreg:$0x1] =	wrdreg $0xFFFFFFFF  }
0xc8: {  	_ =	task.clear_ibuf [dreg:s10], $0x2FFFF;
	_ =	strace $0x9FFFFFFF  }
0xc9: {  	(tm) =	ssettm $0x7FFFFFFF  }
tec
execute0_lowered:
.L_overlay_start_1:
0x0: {  	(tag) =	ssettag $0x1  }
0x1: {  	s0 =	rddreg [dreg:$0x0]  }
0x2: {  	s1 =	srdreg.scid;
	s5 =	rddreg [dreg:$0x4]  }
0x3: {  	s4 =	stileid.u32;
	s6 =	rddreg [dreg:$0x5]  }
0x4: {  	s8 =	simm.s32 $0x0;
	s18 =	simm.s32 $0x16;
	s30 =	simm.s32 $0xA00  }
0x5: {  	s29 =	simm.s32 $0xA;
	s31 =	simm.s32 $0xB;
	s1 =	sand.u32 $0x1, s1  }
0x6: {  	s2 =	sshll.u32 s4, $0x1;
	[smem:$0x7FF] =	sst s8;
	s10 =	sshll.u32 s4, $0x3  }
0x7: {  	s25 =	sshll.u32 s4, $0xA;
	s2 =	sor.u32 s1, s2;
	_ =	strace $0x80000047  }
0x8: {  	s28 =	sadd.s32 s25, s6;
	[dreg:$0x8] =	wrdreg s30;
	s7 =	smul.u32 $0x2710, s2  }
0x9: {  	s1 =	ssub.s32 $0x2, s1;
	s26 =	ssub.s32 $0x0, s10;
	[dreg:$0xd] =	wrdreg s28  }
0xa: {  	s3 =	sshrl.u32 s1, $0x1;
	[dreg:$0x7] =	wrdreg s26;
	s2 =	sshrl.u32 s7, $0x3  }
.Ltmp0:
0xb: {  	s22 =	ssub.s32 s1, s3;
	s2 =	sadd.s32 s0, s2;
	(pc) =	sbr.rel .LBB2_1-.Ltmp0, $4  }
0xc: {  	s26 =	simm.s32 $0x9;
	s0 =	smax.u32 s22, $0x1;
	[dreg:$0x9] =	wrdreg s2  }
0xd: {  	s3 =	simm.s32 $0x0;
	s23 =	sadd.s32 $0x13C00, s2;
	[dreg:$0xc] =	wrdreg s0  }
0xe: {  	s22 =	simm.s32 $0x7;
	s24 =	sadd.s32 $0x9E00, s2;
	[dreg:$0xa] =	wrdreg s23  }
0xf: {  	s0 =	simm.s32 $0x28;
	[dreg:$0xb] =	wrdreg s24;
	s24 =	simm.s32 $0x8  }
.LBB2_11:
0x10: {  	s1 =	simm.s32 $0xC  }
0x11: {  	_ =	swait.ge [sflag:s1], $0x1400  }
0x12: {  	[sflag:s1] =	ssyncset.done $0x0  }
0x13: {  	s16 =	simm.s32 $0xD;
	[sflag:s1] =	ssyncadd.s32 $0xFFFFEC00  }
0x14: {  	_ =	swait.ge [sflag:s16], $0x1400  }
0x15: {  	[sflag:s16] =	ssyncset.done $0x0  }
0x16: {  	s17 =	simm.s32 $0xE;
	[sflag:s16] =	ssyncadd.s32 $0xFFFFEC00  }
0x17: {  	_ =	swait.ge [sflag:s17], $0x1400  }
0x18: {  	[sflag:s17] =	ssyncset.done $0x0  }
0x19: {  	s19 =	simm.s32 $0xF;
	[sflag:s17] =	ssyncadd.s32 $0xFFFFEC00  }
0x1a: {  	_ =	swait.ge [sflag:s19], $0x1400  }
0x1b: {  	[sflag:s19] =	ssyncset.done $0x0  }
0x1c: {  	s20 =	simm.s32 $0x10;
	[sflag:s19] =	ssyncadd.s32 $0xFFFFEC00  }
0x1d: {  	_ =	swait.ge [sflag:s20], $0x1400  }
0x1e: {  	[sflag:s20] =	ssyncset.done $0x0  }
0x1f: {  	s21 =	simm.s32 $0x11;
	[sflag:s20] =	ssyncadd.s32 $0xFFFFEC00  }
0x20: {  	_ =	swait.ge [sflag:s21], $0x1400  }
0x21: {  	[sflag:s21] =	ssyncset.done $0x0  }
0x22: {  	s23 =	simm.s32 $0x12;
	[sflag:s21] =	ssyncadd.s32 $0xFFFFEC00  }
0x23: {  	_ =	swait.ge [sflag:s23], $0x1400  }
0x24: {  	[sflag:s23] =	ssyncset.done $0x0  }
0x25: {  	s25 =	simm.s32 $0x13;
	[sflag:s23] =	ssyncadd.s32 $0xFFFFEC00  }
0x26: {  	_ =	swait.ge [sflag:s25], $0x1400  }
0x27: {  	[sflag:s25] =	ssyncset.done $0x0  }
0x28: {  	s28 =	simm.s32 $0x14;
	[sflag:s25] =	ssyncadd.s32 $0xFFFFEC00  }
0x29: {  	_ =	swait.ge [sflag:s28], $0x1400  }
0x2a: {  	[sflag:s28] =	ssyncset.done $0x0  }
0x2b: {  	s2 =	simm.s32 $0x15;
	[sflag:s28] =	ssyncadd.s32 $0xFFFFEC00  }
0x2c: {  	_ =	swait.ge [sflag:s2], $0x1400  }
0x2d: {  	s3 =	rddreg [dreg:$0xe]  }
0x2e: {  	s30 =	rddreg [dreg:$0xc];
	s3 =	sadd.s32 $0x1, s3  }
0x2f: {  	p0 =	sne.s32 s3, s30  }
.Ltmp1:
0x30: {  	_ = 	snop;
	(pc) =	sbr.rel @!p0 .LBB2_12-.Ltmp1, $3  }
0x31: {  	_ =	sdelay $0x1  }
0x32: {  	[sflag:s2] =	ssyncset.done $0x0  }
0x33: {  	[sflag:s2] =	ssyncadd.s32 $0xFFFFEC00  }
.LBB2_1:
0x34: {  	[dreg:$0xe] =	wrdreg s3  }
0x35: {  	s1 =	rddreg [dreg:$0xa];
	s2 =	simm.s32 $0xA80  }
0x36: {  	[tilespmem:s2], [sflag:$0x1] =	stream.linear.gather [hbm4b:s1+s8], $0x2710, $0x38;
	[tilespmem:$0x17480] =	vst v63  }
0x37: {  	s16 =	rddreg [dreg:$0xb];
	s17 =	simm.s32 $0x3200  }
0x38: {  	[tilespmem:s17], [sflag:$0x1] =	stream.linear.gather [hbm4b:s16+s8], $0x2710, $0x38;
	[tilespmem:$0x17480] =	vst v63  }
0x39: {  	s19 =	rddreg [dreg:$0x9];
	s20 =	simm.s32 $0x5980  }
0x3a: {  	[tilespmem:s20], [sflag:$0x1] =	stream.linear.gather [hbm4b:s19+s8], $0x2710, $0x38;
	[tilespmem:$0x17480] =	vst v63  }
0x3b: {  	s21 =	rddreg [dreg:$0x1]  }
0x3c: {  	[tilespmem:s8], [sflag:$0x16] =	stream.linear.gather [hbm4b:s21+s8], $0x300, $0x38;
	[tilespmem:$0x17480] =	vst v63  }
0x3d: {  	_ =	swait.ge [sflag:s18], $0x300  }
0x3e: {  	[sflag:s18] =	ssyncset.done $0x0  }
0x3f: {  	[sflag:s18] =	ssyncadd.s32 $0xFFFFFD00  }
0x40: {  	s25 =	simm.s32 $0x400;
	s23 =	rddreg [dreg:$0x2]  }
0x41: {  	[tilespmem:s25], [sflag:$0x16] =	stream.linear.gather [hbm4b:s23+s8], $0x380, $0x38;
	[tilespmem:$0x17480] =	vst v63  }
0x42: {  	_ =	swait.ge [sflag:s18], $0x380  }
0x43: {  	[sflag:s18] =	ssyncset.done $0x0  }
0x44: {  	[sflag:s18] =	ssyncadd.s32 $0xFFFFFC80  }
0x45: {  	s30 =	simm.s32 $0x800;
	s28 =	rddreg [dreg:$0x3]  }
0x46: {  	[tilespmem:s30], [sflag:$0x16] =	stream.linear.gather [hbm4b:s28+s8], $0x180, $0x38;
	[tilespmem:$0x17480] =	vst v63  }
0x47: {  	_ =	swait.ge [sflag:s18], $0x180  }
0x48: {  	s4 =	simm.s32 $0x0;
	[sflag:s18] =	ssyncset.done $0x0  }
0x49: {  	s2 =	smov.u32 s10;
	s1 =	rddreg [dreg:$0xd];
	[sflag:s18] =	ssyncadd.s32 $0xFFFFFE80  }
.LBB2_2:
0x4a: {  	v1 =	vld [tilespmem:$0x0]  }
0x4b: {  	v3 =	vld [tilespmem:$0x80]  }
0x4c: {  	v5 =	vld [tilespmem:$0x100]  }
0x4d: {  	v22 =	vld [tilespmem:$0x180]  }
0x4e: {  	v25 =	vld [tilespmem:$0x200]  }
0x4f: {  	v27 =	vld [tilespmem:$0x280]  }
0x50: {  	v28 =	vld [tilespmem:$0x400]  }
0x51: {  	v29 =	vld [tilespmem:$0x480]  }
0x52: {  	v30 =	vld [tilespmem:$0x500]  }
0x53: {  	v31 =	vld [tilespmem:$0x580]  }
0x54: {  	v19 =	vld [tilespmem:$0x600]  }
0x55: {  	v20 =	vld [tilespmem:$0x680]  }
0x56: {  	v15 =	vld [tilespmem:$0x700]  }
0x57: {  	v10 =	vld [tilespmem:$0x800]  }
0x58: {  	v4 =	vld [tilespmem:$0x880]  }
0x59: {  	v0 =	vld [tilespmem:$0x900]  }
0x5a: {  	v7 =	vld [tilespmem:$0x10]  }
0x5b: {  	v32 =	vld [tilespmem:$0x90]  }
0x5c: {  	v33 =	vld [tilespmem:$0x110]  }
0x5d: {  	v34 =	vld [tilespmem:$0x190]  }
0x5e: {  	v35 =	vld [tilespmem:$0x210]  }
0x5f: {  	v36 =	vld [tilespmem:$0x290]  }
0x60: {  	v37 =	vld [tilespmem:$0x410]  }
0x61: {  	v38 =	vld [tilespmem:$0x490]  }
0x62: {  	v39 =	vld [tilespmem:$0x510]  }
0x63: {  	v40 =	vld [tilespmem:$0x590]  }
0x64: {  	v41 =	vld [tilespmem:$0x610]  }
0x65: {  	v24 =	vld [tilespmem:$0x690]  }
0x66: {  	v17 =	vld [tilespmem:$0x710]  }
0x67: {  	v13 =	vld [tilespmem:$0x810]  }
0x68: {  	v6 =	vld [tilespmem:$0x890]  }
0x69: {  	v2 =	vld [tilespmem:$0x910]  }
0x6a: {  	v42 =	vld [tilespmem:$0x20]  }
0x6b: {  	v43 =	vld [tilespmem:$0xA0]  }
0x6c: {  	v26 =	vld [tilespmem:$0x120]  }
0x6d: {  	v23 =	vld [tilespmem:$0x1A0]  }
0x6e: {  	v21 =	vld [tilespmem:$0x220]  }
0x6f: {  	v18 =	vld [tilespmem:$0x2A0]  }
0x70: {  	v16 =	vld [tilespmem:$0x420]  }
0x71: {  	v14 =	vld [tilespmem:$0x4A0]  }
0x72: {  	s9 =	sadd.s32 s4, s10;
	v12 =	vld [tilespmem:$0x520]  }
0x73: {  	s15 =	simm.f32 $1.000000000e+00;
	v11 =	vld [tilespmem:$0x5A0];
	s21 =	smov.u32 s10;
	s16 =	simm.f32 $1.000000000e+00  }
0x74: {  	v9 =	vld [tilespmem:$0x620];
	s17 =	simm.f32 $1.000000000e+00;
	s19 =	simm.f32 $1.000000000e+00;
	p0 =	slt.u32 s9, $0x15  }
0x75: {  	v8 =	vld [tilespmem:$0x6A0];
	s3 =	sadd.s32 $0xFFFFFFEB, s9;
	s25 =	smulhi.u32 $0xAAAAAAAB, s9;
	s11 =	sadd.s32 $0xFFFFFFD6, s9  }
0x76: {  	v48 =	vld [tilespmem:$0x30];
	s15 =	simm.s32 @!p0 $0x0;
	p0 =	slt.u32 s3, $0x15;
	s3 =	simm.f32 $1.000000000e+00  }
0x77: {  	v49 =	vld [tilespmem:$0xB0];
	s28 =	sadd.s32 $0xFFFFFFC1, s9;
	s3 =	simm.s32 @!p0 $0x0;
	p0 =	slt.u32 s11, $0x15  }
0x78: {  	v47 =	vld [tilespmem:$0x250];
	s30 =	sadd.s32 $0xFFFFFFAC, s9;
	s16 =	simm.s32 @!p0 $0x0;
	p0 =	slt.u32 s28, $0x15;
	v7 =	vmul.f32 s15, v7  }
0x79: {  	s20 =	simm.f32 $1.000000000e+00;
	v1 =	vmul.f32 s15, v1;
	v45 =	vmul.f32 s16, v5;
	v5 =	vld [tilespmem:$0x820];
	s17 =	simm.s32 @!p0 $0x0;
	p0 =	slt.u32 s30, $0x15  }
0x7a: {  	s10 =	sshrl.u32 s25, $0x1;
	v3 =	vmul.f32 s3, v3;
	v42 =	vmul.f32 s15, v42;
	s19 =	simm.s32 @!p0 $0x0;
	p0 =	sgt.u32 s9, $0x68;
	v44 =	vadd.f32 $0.0e+00, v7;
	v7 =	vld [tilespmem:$0x720]  }
0x7b: {  	s12 =	smulhi.u32 $0x92492493, s10;
	v63 =	vmul.f32 s17, v34;
	s20 =	simm.s32 @!p0 $0x0;
	v50 =	vmul.f32 s19, v35;
	v35 =	vld [tilespmem:$0x130]  }
0x7c: {  	v34 =	vmul.f32 s15, v48;
	v51 =	vmul.f32 s20, v27;
	v27 =	vld [tilespmem:$0x1B0]  }
0x7d: {  	v32 =	vmul.f32 s3, v32;
	s12 =	sshrl.u32 s12, $0x2;
	v1 =	vadd.f32 $0.0e+00, v1;
	v52 =	vmul.f32 s20, v36;
	v36 =	vld [tilespmem:$0x230]  }
0x7e: {  	v43 =	vmul.f32 s3, v43;
	s13 =	smul.u32 $0x7, s12;
	v42 =	vadd.f32 $0.0e+00, v42;
	v48 =	vadd.f32 $0.0e+00, v34;
	v34 =	vld [tilespmem:$0x440]  }
0x7f: {  	v33 =	vmul.f32 s16, v33;
	v49 =	vmul.f32 s3, v49;
	v1 =	vadd.f32 v3, v1;
	v3 =	vld [tilespmem:$0x8A0]  }
0x80: {  	v26 =	vmul.f32 s16, v26;
	v22 =	vmul.f32 s17, v22;
	s9 =	ssub.s32 s10, s13;
	v42 =	vadd.f32 v43, v42;
	v43 =	vld [tilespmem:$0xC0]  }
0x81: {  	s23 =	simm.f32 $1.000000000e+00;
	v23 =	vmul.f32 s17, v23;
	v25 =	vmul.f32 s19, v25;
	v32 =	vadd.f32 v32, v44;
	v44 =	vld [tilespmem:$0x160];
	p0 =	seq.s32 s9, $0x0  }
0x82: {  	s25 =	simm.f32 $1.000000000e+00;
	v21 =	vmul.f32 s19, v21;
	v18 =	vmul.f32 s20, v18;
	v62 =	vadd.f32 v45, v1;
	v1 =	vld [tilespmem:$0x920];
	s23 =	simm.s32 @!p0 $0x0;
	p0 =	seq.s32 s9, $0x1  }
0x83: {  	v32 =	vadd.f32 v33, v32;
	v26 =	vadd.f32 v26, v42;
	v42 =	vld [tilespmem:$0x1D0];
	v53 =	vmul.f32 s23, v28;
	s25 =	simm.s32 @!p0 $0x0  }
0x84: {  	s28 =	simm.f32 $1.000000000e+00;
	v33 =	vadd.f32 v49, v48;
	v49 =	vld [tilespmem:$0x2D0];
	v54 =	vmul.f32 s23, v37;
	p0 =	seq.s32 s9, $0x2;
	v55 =	vmul.f32 s25, v29  }
0x85: {  	s30 =	simm.f32 $1.000000000e+00;
	v28 =	vld [tilespmem:$0x2B0];
	s28 =	simm.s32 @!p0 $0x0;
	v56 =	vmul.f32 s25, v38;
	p0 =	seq.s32 s9, $0x3;
	v27 =	vmul.f32 s17, v27  }
0x86: {  	s14 =	smulhi.u32 $0xAAAAAAAB, s2;
	v37 =	vld [tilespmem:$0x430];
	v22 =	vadd.f32 v22, v62;
	v57 =	vmul.f32 s28, v30;
	s30 =	simm.s32 @!p0 $0x0;
	v58 =	vmul.f32 s28, v39  }
0x87: {  	s11 =	simm.f32 $1.000000000e+00;
	s10 =	simm.f32 $1.000000000e+00;
	v32 =	vadd.f32 v63, v32;
	v29 =	vld [tilespmem:$0x4B0];
	p0 =	seq.s32 s9, $0x4;
	v12 =	vmul.f32 s28, v12;
	v59 =	vmul.f32 s30, v31  }
0x88: {  	s13 =	sshrl.u32 s14, $0x1;
	v38 =	vld [tilespmem:$0x530];
	v23 =	vadd.f32 v23, v26;
	s10 =	simm.s32 @!p0 $0x0;
	v60 =	vmul.f32 s30, v40;
	p0 =	seq.s32 s9, $0x5;
	v11 =	vmul.f32 s30, v11  }
0x89: {  	s13 =	smul.u32 $0x3, s13;
	v26 =	vld [tilespmem:$0x2C0];
	v22 =	vadd.f32 v25, v22;
	v19 =	vmul.f32 s10, v19;
	v62 =	vmul.f32 s10, v41;
	s11 =	simm.s32 @!p0 $0x0  }
0x8a: {  	s12 =	simm.f32 $1.000000000e+00;
	s14 =	rddreg [dreg:$0x7];
	v32 =	vadd.f32 v50, v32;
	v31 =	vld [tilespmem:$0x6B0];
	p0 =	seq.s32 s9, $0x6;
	v9 =	vmul.f32 s10, v9;
	v20 =	vmul.f32 s11, v20  }
0x8b: {  	v40 =	vld [tilespmem:$0x730];
	s9 =	sadd.s32 s13, s14;
	v22 =	vadd.f32 v51, v22;
	v24 =	vmul.f32 s11, v24;
	v51 =	vmul.f32 s16, v35;
	s12 =	simm.s32 @!p0 $0x0  }
0x8c: {  	v50 =	vld [tilespmem:$0x40];
	s13 =	simm.f32 $1.000000000e+00;
	p0 =	seq.s32 s9, s4;
	v8 =	vmul.f32 s11, v8;
	v15 =	vmul.f32 s12, v15  }
0x8d: {  	v25 =	vld [tilespmem:$0x830];
	v32 =	vadd.f32 v52, v32;
	s14 =	sadd.s32 $0x1, s9;
	v17 =	vmul.f32 s12, v17;
	s13 =	simm.s32 @!p0 $0x0;
	v7 =	vmul.f32 s12, v7  }
0x8e: {  	v30 =	vld [tilespmem:$0x5B0];
	p0 =	seq.s32 s14, s4;
	s14 =	simm.f32 $1.000000000e+00;
	v22 =	vadd.f32 v53, v22;
	v53 =	vmul.f32 s19, v36;
	v10 =	vmul.f32 s13, v10  }
0x8f: {  	v39 =	vld [tilespmem:$0x630];
	v32 =	vadd.f32 v54, v32;
	v13 =	vmul.f32 s13, v13;
	s14 =	simm.s32 @!p0 $0x0;
	v5 =	vmul.f32 s13, v5  }
0x90: {  	v41 =	vld [tilespmem:$0x1C0];
	v52 =	vadd.f32 v51, v33;
	v4 =	vmul.f32 s14, v4;
	v46 =	vmul.f32 s11, v31  }
0x91: {  	v35 =	vld [tilespmem:$0x140];
	s9 =	sadd.s32 $0x2, s9;
	v54 =	vadd.f32 v21, v23;
	v48 =	vmul.f32 s15, v50;
	v50 =	vmul.f32 s12, v40  }
0x92: {  	v33 =	vld [tilespmem:$0x240];
	p0 =	seq.s32 s9, s4;
	s9 =	simm.f32 $1.000000000e+00;
	v25 =	vmul.f32 s13, v25;
	v3 =	vmul.f32 s14, v3;
	v22 =	vadd.f32 v55, v22  }
0x93: {  	v21 =	vld [tilespmem:$0x4C0];
	s9 =	simm.s32 @!p0 $0x0;
	v32 =	vadd.f32 v56, v32;
	v27 =	vadd.f32 v27, v52;
	v56 =	vmul.f32 s20, v28  }
0x94: {  	v36 =	vld [tilespmem:$0x50];
	v18 =	vadd.f32 v18, v54;
	v0 =	vmul.f32 s9, v0;
	v2 =	vmul.f32 s9, v2  }
0x95: {  	v54 =	vld [tilespmem:$0x4D0];
	v1 =	vmul.f32 s9, v1;
	v22 =	vadd.f32 v57, v22;
	v32 =	vadd.f32 v58, v32  }
0x96: {  	v51 =	vld [tilespmem:$0x450];
	v52 =	vadd.f32 $0.0e+00, v48;
	v55 =	vadd.f32 v53, v27;
	v57 =	vmul.f32 s23, v16  }
0x97: {  	v16 =	vld [tilespmem:$0x5C0];
	v58 =	vmul.f32 s23, v37;
	v61 =	vadd.f32 v59, v22;
	v32 =	vadd.f32 v60, v32  }
0x98: {  	v31 =	vld [tilespmem:$0x570];
	v53 =	vmul.f32 s3, v43;
	v23 =	vadd.f32 v56, v55;
	v59 =	vadd.f32 v57, v18  }
0x99: {  	v22 =	vld [tilespmem:$0x8B0];
	v60 =	vmul.f32 s25, v14;
	v57 =	vmul.f32 s16, v35;
	v63 =	vadd.f32 v19, v61  }
0x9a: {  	v56 =	vld [tilespmem:$0x550];
	v43 =	vmul.f32 s25, v54;
	v32 =	vadd.f32 v62, v32;
	v23 =	vadd.f32 v58, v23  }
0x9b: {  	v14 =	vld [tilespmem:$0x6C0];
	v61 =	vmul.f32 s25, v29;
	v18 =	vadd.f32 v60, v59;
	v62 =	vmul.f32 s14, v6  }
0x9c: {  	v37 =	vld [tilespmem:$0xD0];
	v16 =	vmul.f32 s30, v16;
	v20 =	vadd.f32 v20, v63;
	v63 =	vmul.f32 s28, v38  }
0x9d: {  	v54 =	vld [tilespmem:$0x270];
	v24 =	vadd.f32 v24, v32;
	v32 =	vmul.f32 s30, v30;
	v38 =	vmul.f32 s10, v39  }
0x9e: {  	v19 =	vld [tilespmem:$0x930];
	v23 =	vadd.f32 v61, v23;
	v61 =	vmul.f32 s17, v41;
	v41 =	vmul.f32 s25, v21  }
0x9f: {  	v6 =	vld [tilespmem:$0x8C0];
	v12 =	vadd.f32 v12, v18;
	v22 =	vmul.f32 s14, v22;
	v48 =	vmul.f32 s28, v56  }
0xa0: {  	v28 =	vld [tilespmem:$0x650];
	v14 =	vmul.f32 s11, v14;
	v20 =	vadd.f32 v15, v20;
	v17 =	vadd.f32 v17, v24  }
0xa1: {  	v27 =	vld [tilespmem:$0x540];
	v11 =	vadd.f32 v11, v12;
	v24 =	vmul.f32 s15, v36;
	v12 =	vmul.f32 s3, v37  }
0xa2: {  	v39 =	vld [tilespmem:$0x150];
	v29 =	vadd.f32 v63, v23;
	v63 =	vmul.f32 s19, v47;
	v36 =	vmul.f32 s23, v34  }
0xa3: {  	v35 =	vld [tilespmem:$0x60];
	v21 =	vmul.f32 s19, v54;
	v19 =	vmul.f32 s9, v19;
	v20 =	vadd.f32 v10, v20  }
0xa4: {  	v58 =	vld [tilespmem:$0x5D0];
	v6 =	vmul.f32 s14, v6;
	v17 =	vadd.f32 v13, v17;
	v18 =	vadd.f32 v32, v29  }
0xa5: {  	v37 =	vld [tilespmem:$0x70];
	v9 =	vadd.f32 v9, v11;
	v55 =	vadd.f32 $0.0e+00, v24;
	v11 =	vmul.f32 s17, v42  }
0xa6: {  	v15 =	vld [tilespmem:$0x640];
	v32 =	vmul.f32 s20, v26;
	v20 =	vadd.f32 v4, v20;
	v17 =	vadd.f32 v62, v17  }
0xa7: {  	v56 =	vld [tilespmem:$0x2E0];
	v59 =	vmul.f32 s16, v39;
	v45 =	vadd.f32 v38, v18;
	v8 =	vadd.f32 v8, v9  }
0xa8: {  	v47 =	vld [tilespmem:$0x170];
	v12 =	vadd.f32 v12, v55;
	v62 =	vmul.f32 s19, v33;
	v33 =	vmul.f32 s20, v49  }
0xa9: {  	v13 =	vld [tilespmem:$0x740];
	v38 =	vmul.f32 s23, v51;
	v55 =	vmul.f32 s30, v58;
	v0 =	vadd.f32 v0, v20  }
0xaa: {  	v10 =	vld [tilespmem:$0x840];
	v23 =	vmul.f32 s15, v37;
	v7 =	vadd.f32 v7, v8;
	v8 =	vadd.f32 v53, v52  }
0xab: {  	v42 =	vld [tilespmem:$0xF0];
	v15 =	vmul.f32 s10, v15;
	v2 =	vadd.f32 v2, v17;
	v17 =	vadd.f32 v46, v45  }
0xac: {  	v39 =	vld [tilespmem:$0xE0];
	v12 =	vadd.f32 v59, v12;
	v45 =	vmul.f32 s28, v27;
	v60 =	vadd.f32 v57, v8  }
0xad: {  	v34 =	vld [tilespmem:$0x5F0];
	v46 =	vmul.f32 s15, v35;
	v23 =	vadd.f32 $0.0e+00, v23;
	v17 =	vadd.f32 v50, v17  }
0xae: {  	v29 =	vld [tilespmem:$0x560];
	v27 =	vmul.f32 s20, v56;
	v5 =	vadd.f32 v5, v7;
	v7 =	vadd.f32 v61, v60  }
0xaf: {  	v4 =	vld [tilespmem:$0x940];
	v13 =	vmul.f32 s12, v13;
	v11 =	vadd.f32 v11, v12;
	v17 =	vadd.f32 v25, v17  }
0xb0: {  	v52 =	vld [tilespmem:$0x1F0];
	v10 =	vmul.f32 s13, v10;
	v50 =	vadd.f32 $0.0e+00, v46;
	v7 =	vadd.f32 v62, v7  }
0xb1: {  	v49 =	vld [tilespmem:$0x1E0];
	v51 =	vmul.f32 s3, v39;
	v8 =	vmul.f32 s3, v42;
	v17 =	vadd.f32 v22, v17  }
0xb2: {  	v53 =	vld [tilespmem:$0x260];
	v39 =	vmul.f32 s28, v31;
	v5 =	vadd.f32 v3, v5;
	v7 =	vadd.f32 v32, v7  }
0xb3: {  	v9 =	vld [tilespmem:$0x6D0];
	v8 =	vadd.f32 v8, v23;
	v22 =	vmul.f32 s16, v47;
	v17 =	vadd.f32 v19, v17  }
0xb4: {  	v58 =	vld [tilespmem:$0x2F0];
	v19 =	vmul.f32 s16, v44;
	v40 =	vadd.f32 v36, v7;
	v7 =	vadd.f32 v51, v50  }
0xb5: {  	v18 =	vld [tilespmem:$0x750];
	v11 =	vadd.f32 v63, v11;
	v60 =	vmul.f32 s17, v52;
	v8 =	vadd.f32 v22, v8  }
0xb6: {  	v57 =	vmul.f32 s17, v49;
	v61 =	vld [tilespmem:$0x470];
	v1 =	vadd.f32 v1, v5;
	v7 =	vadd.f32 v19, v7  }
0xb7: {  	v59 =	vld [tilespmem:$0x460];
	v12 =	vmul.f32 s19, v53;
	v8 =	vadd.f32 v60, v8;
	v5 =	vadd.f32 v41, v40  }
0xb8: {  	v11 =	vadd.f32 v33, v11;
	v62 =	vmul.f32 s10, v28;
	v28 =	vld [tilespmem:$0x4F0];
	v7 =	vadd.f32 v57, v7  }
0xb9: {  	v63 =	vld [tilespmem:$0x4E0];
	v8 =	vadd.f32 v21, v8;
	v19 =	vmul.f32 s20, v58;
	v5 =	vadd.f32 v45, v5  }
0xba: {  	v37 =	vld [tilespmem:$0x670];
	v9 =	vmul.f32 s11, v9;
	v11 =	vadd.f32 v38, v11;
	v7 =	vadd.f32 v12, v7  }
0xbb: {  	v20 =	vld [tilespmem:$0x8D0];
	v8 =	vadd.f32 v19, v8;
	v5 =	vadd.f32 v16, v5;
	v16 =	vmul.f32 s23, v61  }
0xbc: {  	v35 =	vld [tilespmem:$0x660];
	v30 =	vmul.f32 s23, v59;
	v11 =	vadd.f32 v43, v11;
	v7 =	vadd.f32 v27, v7  }
0xbd: {  	v32 =	vld [tilespmem:$0x5E0];
	v5 =	vadd.f32 v15, v5;
	v8 =	vadd.f32 v16, v8;
	v15 =	vmul.f32 s25, v28  }
0xbe: {  	v42 =	vld [tilespmem:$0x760];
	v33 =	vmul.f32 s25, v63;
	v11 =	vadd.f32 v48, v11;
	v7 =	vadd.f32 v30, v7  }
0xbf: {  	v18 =	vmul.f32 s12, v18;
	v4 =	vmul.f32 s9, v4;
	v25 =	vld [tilespmem:$0x850];
	v8 =	vadd.f32 v15, v8  }
0xc0: {  	v36 =	vmul.f32 s28, v29;
	v41 =	vld [tilespmem:$0x6F0];
	v11 =	vadd.f32 v55, v11;
	v7 =	vadd.f32 v33, v7  }
0xc1: {  	v38 =	vld [tilespmem:$0x6E0];
	v5 =	vadd.f32 v14, v5;
	v14 =	vmul.f32 s30, v34;
	v8 =	vadd.f32 v39, v8  }
0xc2: {  	v43 =	vld [tilespmem:$0x770];
	v40 =	vmul.f32 s30, v32;
	v11 =	vadd.f32 v62, v11;
	v7 =	vadd.f32 v36, v7  }
0xc3: {  	v3 =	vld [tilespmem:$0x950];
	v49 =	vmul.f32 s12, v42;
	v16 =	vmul.f32 s10, v37;
	v8 =	vadd.f32 v14, v8  }
0xc4: {  	v47 =	vld [tilespmem:$0x870];
	v9 =	vadd.f32 v9, v11;
	v11 =	vmul.f32 s10, v35;
	v7 =	vadd.f32 v40, v7  }
0xc5: {  	v45 =	vld [tilespmem:$0x860];
	v5 =	vadd.f32 v13, v5;
	v13 =	vmul.f32 s11, v41;
	v8 =	vadd.f32 v16, v8  }
0xc6: {  	v44 =	vmul.f32 s13, v25;
	v50 =	vld [tilespmem:$0x8F0];
	v46 =	vmul.f32 s11, v38;
	v7 =	vadd.f32 v11, v7  }
0xc7: {  	v48 =	vld [tilespmem:$0x8E0];
	v12 =	vmul.f32 s12, v43;
	v9 =	vadd.f32 v18, v9;
	v8 =	vadd.f32 v13, v8  }
0xc8: {  	v3 =	vmul.f32 s9, v3;
	v51 =	vmul.f32 s14, v20;
	v55 =	vld [tilespmem:$0x970];
	v7 =	vadd.f32 v46, v7  }
0xc9: {  	v52 =	vld [tilespmem:$0x960];
	v9 =	vadd.f32 v44, v9;
	v11 =	vmul.f32 s13, v47;
	v8 =	vadd.f32 v12, v8  }
0xca: {  	v54 =	vmul.f32 s13, v45;
	v5 =	vadd.f32 v10, v5;
	v53 =	vadd.f32 v49, v7  }
0xcb: {  	[tilespmem:$0xA00] =	vst v0;
	v59 =	vmul.f32 s14, v50;
	v9 =	vadd.f32 v51, v9;
	v58 =	vadd.f32 v11, v8  }
0xcc: {  	[tilespmem:$0xA10] =	vst v2;
	v57 =	vmul.f32 s14, v48;
	v5 =	vadd.f32 v6, v5;
	v56 =	vadd.f32 v54, v53  }
0xcd: {  	[tilespmem:$0xA20] =	vst v1;
	v62 =	vmul.f32 s9, v55;
	v3 =	vadd.f32 v3, v9;
	v2 =	vadd.f32 v59, v58  }
0xce: {  	[tilespmem:$0xA30] =	vst v17;
	v61 =	vmul.f32 s9, v52;
	v60 =	vadd.f32 v4, v5;
	v0 =	vadd.f32 v57, v56  }
0xcf: {  	[tilespmem:$0xA50] =	vst v3;
	v63 =	vadd.f32 v62, v2  }
0xd0: {  	[tilespmem:$0xA40] =	vst v60;
	v0 =	vadd.f32 v61, v0  }
0xd1: {  	p0 =	sne.s32 s4, $0x7;
	[tilespmem:$0xA70] =	vst v63  }
.Ltmp2:
0xd2: {  	s30 =	rddreg [dreg:$0x8];
	[tilespmem:$0xA60] =	vst v0;
	(pc) =	sbr.rel @p0 .LBB2_2-.Ltmp2, $4  }
0xd3: {  	[spmem:s1] =	stream.linear.scatter [tilespmem:s30], [sflag:$0x16], $0x80, $0x38;
	[tilespmem:$0x17480] =	vst v63  }
0xd4: {  	_ =	swait.ge [sflag:s18], $0x80  }
0xd5: {  	s2 =	sadd.s32 $0x1, s2;
	s4 =	sadd.s32 $0x1, s4;
	[sflag:s18] =	ssyncset.done $0x0  }
0xd6: {  	s10 =	smov.u32 s21;
	s1 =	sadd.s32 $0x80, s1;
	[sflag:s18] =	ssyncadd.s32 $0xFFFFFF80  }
0xd7: {  	[bflag:$0x0] =	sbarrier.arrive $0xFFFF;
	s1 =	simm.s32 $0x1  }
0xd8: {  	_ =	swait.ge [sflag:s1], $0x2710  }
0xd9: {  	[sflag:s1] =	ssyncset.done $0x0  }
0xda: {  	[sflag:s1] =	ssyncadd.s32 $0xFFFFD8F0  }
0xdb: {  	_ =	swait.ge [sflag:s1], $0x2710  }
0xdc: {  	[sflag:s1] =	ssyncset.done $0x0  }
0xdd: {  	[sflag:s1] =	ssyncadd.s32 $0xFFFFD8F0  }
0xde: {  	_ =	swait.ge [sflag:s1], $0x2710  }
0xdf: {  	[sflag:s1] =	ssyncset.done $0x0  }
0xe0: {  	[sflag:s1] =	ssyncadd.s32 $0xFFFFD8F0  }
0xe1: {  	v0 =	vld [tilespmem:$0xA80]  }
0xe2: {  	v1 =	vld [tilespmem:$0x3200]  }
0xe3: {  	v2 =	vld [tilespmem:$0x5980]  }
0xe4: {  	v3 =	vld [tilespmem:$0xA90]  }
0xe5: {  	v4 =	vld [tilespmem:$0x3210]  }
0xe6: {  	v5 =	vld [tilespmem:$0x5990]  }
0xe7: {  	v6 =	vld [tilespmem:$0xAA0]  }
0xe8: {  	v7 =	vld [tilespmem:$0x3220]  }
0xe9: {  	v15 =	vld [tilespmem:$0x59A0]  }
0xea: {  	v8 =	vld [tilespmem:$0xAB0]  }
0xeb: {  	v17 =	vld [tilespmem:$0x3230]  }
0xec: {  	v20 =	vld [tilespmem:$0x59B0]  }
0xed: {  	v9 =	vld [tilespmem:$0xAC0]  }
0xee: {  	v10 =	vld [tilespmem:$0x3240]  }
0xef: {  	v24 =	vld [tilespmem:$0x59C0]  }
0xf0: {  	v11 =	vld [tilespmem:$0xAD0]  }
0xf1: {  	v28 =	vld [tilespmem:$0x3250]  }
0xf2: {  	v31 =	vld [tilespmem:$0x59D0];
	vm0 =	vgt.s32 v0, $0x0;
	vm1 =	vgt.s32 v1, $0x0;
	vm15 =	vgt.s32 v2, $0x0  }
0xf3: {  	v32 =	vld [tilespmem:$0xAE0];
	vm4 =	vgt.s32 v3, $0x0;
	vm5 =	vgt.s32 v4, $0x0;
	vm6 =	vgt.s32 v5, $0x0  }
0xf4: {  	v33 =	vld [tilespmem:$0x3260];
	vm7 =	vgt.s32 v6, $0x0;
	vm8 =	vgt.s32 v7, $0x0;
	vm9 =	vgt.s32 v15, $0x0  }
0xf5: {  	v35 =	vld [tilespmem:$0x59E0];
	vm10 =	vgt.s32 v8, $0x0;
	vm11 =	vgt.s32 v17, $0x0;
	vm12 =	vgt.s32 v20, $0x0  }
0xf6: {  	v12 =	vld [tilespmem:$0xAF0];
	vm13 =	vgt.s32 v9, $0x0;
	vm14 =	vgt.s32 v10, $0x0;
	v0 =	vnsel vm0, $0x0, v0  }
0xf7: {  	v13 =	vld [tilespmem:$0x3270];
	v1 =	vnsel vm1, $0x0, v1;
	v2 =	vnsel vm15, $0x0, v2;
	v3 =	vnsel vm4, $0x0, v3  }
0xf8: {  	v39 =	vld [tilespmem:$0x59F0];
	v14 =	vnsel vm5, $0x0, v4;
	v16 =	vnsel vm6, $0x0, v5;
	v18 =	vnsel vm7, $0x0, v6  }
0xf9: {  	v43 =	vld [tilespmem:$0x3280];
	v19 =	vnsel vm8, $0x0, v7;
	v4 =	vnsel vm9, $0x0, v15;
	v21 =	vnsel vm10, $0x0, v8  }
0xfa: {  	v5 =	vnsel vm11, $0x0, v17;
	v7 =	vnsel vm12, $0x0, v20;
	v27 =	vnsel vm13, $0x0, v9  }
0xfb: {  	v30 =	vnsel vm14, $0x0, v10;
	vm15 =	vgt.s32 v24, $0x0;
	vm4 =	vgt.s32 v11, $0x0  }
0xfc: {  	v47 =	vld [tilespmem:$0x5A00];
	vm5 =	vgt.s32 v28, $0x0;
	vm6 =	vgt.s32 v31, $0x0;
	vm7 =	vgt.s32 v32, $0x0  }
0xfd: {  	v48 =	vld [tilespmem:$0xB10];
	vm8 =	vgt.s32 v33, $0x0;
	vm9 =	vgt.s32 v35, $0x0;
	vm10 =	vgt.s32 v12, $0x0  }
0xfe: {  	v49 =	vld [tilespmem:$0x3290];
	vm11 =	vgt.s32 v13, $0x0;
	vm12 =	vgt.s32 v39, $0x0;
	vm14 =	vgt.s32 v43, $0x0  }
0xff: {  	v51 =	vld [tilespmem:$0x5A10];
	v0 =	vmin.u32 v0, $0x5;
	v1 =	vmin.u32 v1, $0x6;
	v2 =	vmin.u32 v2, $0x2  }
0x100: {  	v55 =	vld [tilespmem:$0x5A20];
	v3 =	vmin.u32 v3, $0x5;
	v6 =	vmin.u32 v19, $0x6;
	v23 =	vmin.u32 v5, $0x6  }
0x101: {  	v59 =	vld [tilespmem:$0x32B0];
	v26 =	vmin.u32 v4, $0x2;
	v7 =	vmin.u32 v7, $0x2;
	v4 =	vmin.u32 v27, $0x5  }
0x102: {  	v5 =	vnsel vm15, $0x0, v24;
	v34 =	vnsel vm4, $0x0, v11;
	v9 =	vnsel vm5, $0x0, v28  }
0x103: {  	v8 =	vnsel vm6, $0x0, v31;
	v36 =	vnsel vm7, $0x0, v32;
	v11 =	vnsel vm9, $0x0, v35  }
0x104: {  	v42 =	vnsel vm10, $0x0, v12;
	v45 =	vnsel vm11, $0x0, v13;
	v12 =	vnsel vm14, $0x0, v43  }
0x105: {  	vm15 =	vgt.s32 v47, $0x0;
	vm4 =	vgt.s32 v48, $0x0;
	vm5 =	vgt.s32 v49, $0x0  }
0x106: {  	vm6 =	vgt.s32 v51, $0x0;
	vm9 =	vgt.s32 v55, $0x0;
	vm11 =	vgt.s32 v59, $0x0  }
0x107: {  	v0 =	vmul.u32 $0x15, v0;
	v1 =	vmul.u32 $0x3, v1;
	v3 =	vmul.u32 $0x15, v3  }
0x108: {  	v6 =	vmul.u32 $0x3, v6;
	v25 =	vmul.u32 $0x3, v23;
	v4 =	vmul.u32 $0x15, v4  }
0x109: {  	v15 =	vld [tilespmem:$0xB20];
	v5 =	vmin.u32 v5, $0x2;
	v9 =	vmin.u32 v9, $0x6;
	v41 =	vmin.u32 v8, $0x2  }
0x10a: {  	v17 =	vld [tilespmem:$0xB30];
	v46 =	vmin.u32 v11, $0x2;
	v8 =	vmin.u32 v42, $0x5;
	v12 =	vmin.u32 v12, $0x6  }
0x10b: {  	v20 =	vld [tilespmem:$0xB60];
	v11 =	vnsel vm15, $0x0, v47;
	v52 =	vnsel vm4, $0x0, v48;
	v10 =	vnsel vm5, $0x0, v49  }
0x10c: {  	v24 =	vld [tilespmem:$0x5A40];
	v9 =	vmul.u32 $0x3, v9;
	v8 =	vmul.u32 $0x15, v8;
	v12 =	vmul.u32 $0x3, v12  }
0x10d: {  	v19 =	vld [tilespmem:$0x32D0];
	v54 =	vmin.u32 v10, $0x6;
	v57 =	vmin.u32 v11, $0x2;
	v10 =	vnsel vm9, $0x0, v55  }
0x10e: {  	v0 =	vadd.s32 v0, v1;
	v1 =	vmin.u32 v14, $0x6;
	v56 =	vmul.u32 $0x3, v54  }
0x10f: {  	v42 =	vld [tilespmem:$0x5A80];
	v10 =	vmin.u32 v10, $0x2;
	v1 =	vmul.u32 $0x3, v1;
	v0 =	vadd.s32 v2, v0  }
0x110: {  	v2 =	vmin.u32 v16, $0x2;
	vm7 =	vgt.s32 v15, $0x0;
	vm10 =	vgt.s32 v17, $0x0  }
0x111: {  	v58 =	vnsel vm7, $0x0, v15;
	v23 =	vnsel vm10, $0x0, v17;
	v15 =	vnsel vm11, $0x0, v59  }
0x112: {  	v14 =	vld [tilespmem:$0xB00];
	vm15 =	vgt.s32 v24, $0x0;
	vm5 =	vgt.s32 v19, $0x0;
	vm7 =	vgt.s32 v20, $0x0  }
0x113: {  	v1 =	vadd.s32 v3, v1;
	v3 =	vmin.u32 v18, $0x5;
	v11 =	vmin.u32 v58, $0x5  }
0x114: {  	v28 =	vld [tilespmem:$0x5A50];
	v15 =	vmin.u32 v15, $0x6;
	v17 =	vnsel vm15, $0x0, v24;
	vm15 =	vgt.s32 v42, $0x0  }
0x115: {  	v16 =	vld [tilespmem:$0x32A0];
	v3 =	vmul.u32 $0x15, v3;
	v1 =	vadd.s32 v2, v1;
	v2 =	vmin.u32 v21, $0x5  }
0x116: {  	v18 =	vld [tilespmem:$0xB50];
	v11 =	vmul.u32 $0x15, v11;
	v15 =	vmul.u32 $0x3, v15;
	v35 =	vmin.u32 v17, $0x2  }
0x117: {  	v63 =	vld [tilespmem:$0x5A30];
	v22 =	vmul.u32 $0x15, v2;
	vm13 =	vgt.s32 v14, $0x0;
	v3 =	vadd.s32 v3, v6  }
0x118: {  	v32 =	vld [tilespmem:$0x32E0];
	v6 =	vmin.u32 v30, $0x6;
	v50 =	vnsel vm13, $0x0, v14;
	v14 =	vnsel vm6, $0x0, v51  }
0x119: {  	v21 =	vld [tilespmem:$0xB40];
	vm6 =	vgt.s32 v28, $0x0;
	v2 =	vadd.s32 v26, v3;
	v29 =	vadd.s32 v22, v25  }
0x11a: {  	v49 =	vld [tilespmem:$0xBA0];
	v6 =	vmul.u32 $0x3, v6;
	v62 =	vmin.u32 v14, $0x2;
	v3 =	vadd.s32 v7, v29  }
0x11b: {  	v7 =	vnsel vm8, $0x0, v33;
	vm8 =	vgt.s32 v16, $0x0;
	vm4 =	vgt.s32 v18, $0x0  }
0x11c: {  	v4 =	vadd.s32 v4, v6;
	v6 =	vmin.u32 v34, $0x5;
	v38 =	vmin.u32 v7, $0x6  }
0x11d: {  	v7 =	vnsel vm12, $0x0, v39;
	v61 =	vnsel vm8, $0x0, v16;
	vm12 =	vgt.s32 v63, $0x0  }
0x11e: {  	vm13 =	vgt.s32 v21, $0x0;
	v31 =	vnsel vm4, $0x0, v18;
	v34 =	vnsel vm5, $0x0, v19  }
0x11f: {  	v51 =	vld [tilespmem:$0x3320];
	v39 =	vnsel vm7, $0x0, v20;
	vm8 =	vgt.s32 v32, $0x0;
	vm7 =	vgt.s32 v49, $0x0  }
0x120: {  	v22 =	vld [tilespmem:$0x32C0];
	v6 =	vmul.u32 $0x15, v6;
	v4 =	vadd.s32 v5, v4;
	v5 =	vmin.u32 v36, $0x5  }
0x121: {  	v40 =	vmul.u32 $0x3, v38;
	v7 =	vmin.u32 v7, $0x2;
	v14 =	vnsel vm12, $0x0, v63  }
0x122: {  	v25 =	vnsel vm13, $0x0, v21;
	v18 =	vnsel vm8, $0x0, v32;
	v55 =	vnsel vm7, $0x0, v49  }
0x123: {  	v48 =	vld [tilespmem:$0x5A90];
	v37 =	vmul.u32 $0x15, v5;
	v30 =	vmin.u32 v14, $0x2;
	v14 =	vmin.u32 v31, $0x5  }
0x124: {  	v36 =	vld [tilespmem:$0x5A60];
	v18 =	vmin.u32 v18, $0x6;
	vm8 =	vgt.s32 v51, $0x0;
	v6 =	vadd.s32 v6, v9  }
0x125: {  	v38 =	vld [tilespmem:$0x32F0];
	v9 =	vmin.u32 v45, $0x6;
	vm14 =	vgt.s32 v22, $0x0;
	v14 =	vmul.u32 $0x15, v14  }
0x126: {  	v21 =	vld [tilespmem:$0xB80];
	v18 =	vmul.u32 $0x3, v18;
	v5 =	vadd.s32 v41, v6;
	v44 =	vadd.s32 v37, v40  }
0x127: {  	v9 =	vmul.u32 $0x3, v9;
	v13 =	vnsel vm14, $0x0, v22;
	v6 =	vadd.s32 v46, v44  }
0x128: {  	v54 =	vld [tilespmem:$0x5AA0];
	v27 =	vmin.u32 v13, $0x6;
	v13 =	vnsel vm6, $0x0, v28;
	vm6 =	vgt.s32 v48, $0x0  }
0x129: {  	v58 =	vld [tilespmem:$0xBC0];
	v8 =	vadd.s32 v8, v9;
	v9 =	vmin.u32 v50, $0x5;
	v29 =	vmul.u32 $0x3, v27  }
0x12a: {  	v13 =	vmin.u32 v13, $0x2;
	vm9 =	vgt.s32 v36, $0x0;
	vm11 =	vgt.s32 v38, $0x0  }
0x12b: {  	v37 =	vld [tilespmem:$0xB70];
	vm13 =	vgt.s32 v21, $0x0;
	v50 =	vnsel vm15, $0x0, v42;
	v9 =	vmul.u32 $0x15, v9  }
0x12c: {  	v40 =	vld [tilespmem:$0x5A70];
	v7 =	vadd.s32 v7, v8;
	v8 =	vmin.u32 v52, $0x5;
	v17 =	vnsel vm9, $0x0, v36  }
0x12d: {  	v22 =	vld [tilespmem:$0x3300];
	v16 =	vnsel vm11, $0x0, v38;
	v21 =	vnsel vm13, $0x0, v21;
	vm9 =	vgt.s32 v54, $0x0  }
0x12e: {  	vm13 =	vgt.s32 v58, $0x0;
	v53 =	vmul.u32 $0x15, v8;
	v16 =	vmin.u32 v16, $0x6  }
0x12f: {  	v24 =	vld [tilespmem:$0xBB0];
	v17 =	vmin.u32 v17, $0x2;
	v47 =	vmin.u32 v21, $0x5;
	v21 =	vnsel vm6, $0x0, v48  }
0x130: {  	v44 =	vld [tilespmem:$0xB90];
	v31 =	vnsel vm13, $0x0, v58;
	v9 =	vadd.s32 v9, v12;
	v12 =	vmin.u32 v61, $0x6  }
0x131: {  	vm10 =	vgt.s32 v37, $0x0;
	vm12 =	vgt.s32 v40, $0x0;
	v16 =	vmul.u32 $0x3, v16  }
0x132: {  	v63 =	vld [tilespmem:$0xBD0];
	vm14 =	vgt.s32 v22, $0x0;
	v19 =	vmul.u32 $0x15, v47;
	v21 =	vmin.u32 v21, $0x2  }
0x133: {  	v8 =	vadd.s32 v57, v9;
	v60 =	vadd.s32 v53, v56;
	v12 =	vmul.u32 $0x3, v12  }
0x134: {  	v38 =	vld [tilespmem:$0xBE0];
	v41 =	vnsel vm10, $0x0, v37;
	v43 =	vnsel vm12, $0x0, v40;
	v45 =	vnsel vm14, $0x0, v22  }
0x135: {  	vm4 =	vgt.s32 v44, $0x0;
	v57 =	vnsel vm9, $0x0, v54;
	vm10 =	vgt.s32 v24, $0x0  }
0x136: {  	v9 =	vadd.s32 v62, v60;
	v46 =	vmin.u32 v43, $0x2;
	v52 =	vnsel vm4, $0x0, v44  }
0x137: {  	v24 =	vnsel vm10, $0x0, v24;
	v60 =	vmin.u32 v57, $0x2;
	vm4 =	vgt.s32 v63, $0x0  }
0x138: {  	v56 =	vld [tilespmem:$0x5AB0];
	v11 =	vadd.s32 v11, v12;
	v12 =	vmin.u32 v23, $0x5;
	v61 =	vmin.u32 v24, $0x5  }
0x139: {  	v62 =	vld [tilespmem:$0x5AC0];
	v42 =	vnsel vm4, $0x0, v63;
	vm7 =	vgt.s32 v38, $0x0;
	v12 =	vmul.u32 $0x15, v12  }
0x13a: {  	v44 =	vld [tilespmem:$0x5AE0];
	v10 =	vadd.s32 v10, v11;
	v11 =	vmin.u32 v25, $0x5;
	v22 =	vmul.u32 $0x15, v61  }
0x13b: {  	[tilespmem:$0x8120] =	vst v2;
	v23 =	vld [tilespmem:$0x3310];
	v2 =	vmin.u32 v42, $0x5;
	v48 =	vnsel vm7, $0x0, v38;
	v26 =	vmul.u32 $0x15, v11  }
0x13c: {  	[tilespmem:$0x8190] =	vst v9;
	v2 =	vmul.u32 $0x15, v2;
	v9 =	vmin.u32 v48, $0x5;
	v12 =	vadd.s32 v12, v15  }
0x13d: {  	v15 =	vmin.u32 v34, $0x6;
	vm12 =	vgt.s32 v56, $0x0;
	v9 =	vmul.u32 $0x15, v9  }
0x13e: {  	v25 =	vld [tilespmem:$0x3330];
	v11 =	vadd.s32 v30, v12;
	v33 =	vadd.s32 v26, v29;
	v15 =	vmul.u32 $0x3, v15  }
0x13f: {  	v28 =	vnsel vm12, $0x0, v56;
	vm15 =	vgt.s32 v62, $0x0;
	vm9 =	vgt.s32 v44, $0x0  }
0x140: {  	v49 =	vld [tilespmem:$0x3370];
	v12 =	vadd.s32 v35, v33;
	vm5 =	vgt.s32 v23, $0x0;
	v32 =	vmin.u32 v28, $0x2  }
0x141: {  	[tilespmem:$0x8150] =	vst v5;
	v26 =	vld [tilespmem:$0x3340];
	v33 =	vmin.u32 v31, $0x5;
	v40 =	vnsel vm15, $0x0, v62;
	v5 =	vnsel vm9, $0x0, v44  }
0x142: {  	v29 =	vld [tilespmem:$0x3350];
	v14 =	vadd.s32 v14, v15;
	v15 =	vmin.u32 v39, $0x5;
	v53 =	vnsel vm5, $0x0, v23  }
0x143: {  	v56 =	vld [tilespmem:$0x5B00];
	vm11 =	vgt.s32 v25, $0x0;
	v36 =	vmul.u32 $0x15, v33;
	v47 =	vmin.u32 v40, $0x2  }
0x144: {  	v5 =	vmin.u32 v5, $0x2;
	v15 =	vmul.u32 $0x15, v15;
	v13 =	vadd.s32 v13, v14  }
0x145: {  	v14 =	vmin.u32 v41, $0x5;
	v20 =	vmin.u32 v53, $0x6;
	v59 =	vnsel vm11, $0x0, v25  }
0x146: {  	v35 =	vld [tilespmem:$0x5AD0];
	vm11 =	vgt.s32 v49, $0x0;
	v14 =	vmul.u32 $0x15, v14;
	v20 =	vmul.u32 $0x3, v20  }
0x147: {  	v15 =	vadd.s32 v15, v18;
	v18 =	vnsel vm8, $0x0, v51;
	vm14 =	vgt.s32 v26, $0x0  }
0x148: {  	vm5 =	vgt.s32 v29, $0x0;
	vm15 =	vgt.s32 v56, $0x0;
	v15 =	vadd.s32 v17, v15  }
0x149: {  	v41 =	vld [tilespmem:$0x3360];
	v14 =	vadd.s32 v14, v16;
	v16 =	vmin.u32 v45, $0x6;
	v17 =	vmin.u32 v50, $0x2  }
0x14a: {  	[tilespmem:$0x8100] =	vst v0;
	v53 =	vld [tilespmem:$0x3380];
	v18 =	vmin.u32 v18, $0x6;
	v34 =	vnsel vm14, $0x0, v26;
	v43 =	vnsel vm5, $0x0, v29  }
0x14b: {  	[tilespmem:$0x8110] =	vst v1;
	vm6 =	vgt.s32 v35, $0x0;
	v63 =	vnsel vm15, $0x0, v56;
	v16 =	vmul.u32 $0x3, v16  }
0x14c: {  	[tilespmem:$0x8130] =	vst v3;
	v14 =	vadd.s32 v46, v14;
	v18 =	vmul.u32 $0x3, v18;
	v37 =	vmin.u32 v34, $0x6  }
0x14d: {  	[tilespmem:$0x8140] =	vst v4;
	v51 =	vld [tilespmem:$0x5AF0];
	v4 =	vmin.u32 v43, $0x6;
	v45 =	vnsel vm6, $0x0, v35;
	v39 =	vmul.u32 $0x3, v37  }
0x14e: {  	[tilespmem:$0x8160] =	vst v6;
	v4 =	vmul.u32 $0x3, v4;
	vm8 =	vgt.s32 v41, $0x0;
	v6 =	vmin.u32 v45, $0x2  }
0x14f: {  	[tilespmem:$0x8170] =	vst v7;
	vm14 =	vgt.s32 v53, $0x0;
	v16 =	vadd.s32 v19, v16;
	v19 =	vmin.u32 v52, $0x5  }
0x150: {  	[tilespmem:$0x8180] =	vst v8;
	v46 =	vld [tilespmem:$0xBF0];
	v50 =	vnsel vm8, $0x0, v41;
	v19 =	vmul.u32 $0x15, v19;
	v16 =	vadd.s32 v17, v16  }
0x151: {  	[tilespmem:$0x81A0] =	vst v10;
	v17 =	vmin.u32 v55, $0x5;
	v3 =	vadd.s32 v36, v39;
	v2 =	vadd.s32 v2, v4  }
0x152: {  	[tilespmem:$0x81B0] =	vst v11;
	v4 =	vmin.u32 v50, $0x6;
	v55 =	vnsel vm11, $0x0, v49;
	vm12 =	vgt.s32 v51, $0x0  }
0x153: {  	[tilespmem:$0x81C0] =	vst v12;
	v52 =	vld [tilespmem:$0xC00];
	v17 =	vmul.u32 $0x15, v17;
	v3 =	vadd.s32 v47, v3;
	v4 =	vmul.u32 $0x3, v4  }
0x154: {  	[tilespmem:$0x81D0] =	vst v13;
	v2 =	vadd.s32 v6, v2;
	v57 =	vnsel vm12, $0x0, v51;
	v19 =	vadd.s32 v19, v20  }
0x155: {  	[tilespmem:$0x81E0] =	vst v15;
	v7 =	vmin.u32 v55, $0x6;
	vm10 =	vgt.s32 v46, $0x0;
	v19 =	vadd.s32 v21, v19  }
0x156: {  	[tilespmem:$0x81F0] =	vst v14;
	v17 =	vadd.s32 v17, v18;
	v18 =	vmin.u32 v59, $0x6;
	v4 =	vadd.s32 v9, v4  }
0x157: {  	[tilespmem:$0x8200] =	vst v16;
	v54 =	vnsel vm10, $0x0, v46;
	v59 =	vnsel vm14, $0x0, v53;
	v18 =	vmul.u32 $0x3, v18  }
0x158: {  	[tilespmem:$0x8240] =	vst v3;
	v27 =	vadd.s32 v60, v17;
	vm13 =	vgt.s32 v52, $0x0;
	v6 =	vmin.u32 v54, $0x5  }
0x159: {  	[tilespmem:$0x8250] =	vst v2;
	v60 =	vmul.u32 $0x3, v7;
	v0 =	vmin.u32 v59, $0x6;
	v58 =	vnsel vm13, $0x0, v52  }
0x15a: {  	[tilespmem:$0x8210] =	vst v19;
	v6 =	vmul.u32 $0x15, v6;
	v30 =	vadd.s32 v22, v18;
	v61 =	vmin.u32 v58, $0x5  }
.Ltmp3:
0x15b: {  	[tilespmem:$0x8220] =	vst v27;
	v0 =	vmul.u32 $0x3, v0;
	v1 =	vadd.s32 v32, v30;
	v62 =	vmul.u32 $0x15, v61;
	(pc) =	sbr.rel .LBB2_4-.Ltmp3, $4  }
0x15c: {  	v4 =	vadd.s32 v5, v4;
	v5 =	vmin.u32 v57, $0x2;
	[tilespmem:$0x8230] =	vst v1;
	v1 =	vadd.s32 v6, v60  }
0x15d: {  	s2 =	simm.s32 $0x168;
	v2 =	vmin.u32 v63, $0x2;
	[tilespmem:$0x8260] =	vst v4;
	v1 =	vadd.s32 v5, v1;
	v0 =	vadd.s32 v62, v0  }
0x15e: {  	s15 =	simm.s32 $0x8268;
	s12 =	simm.s32 $0xA880;
	s13 =	simm.s32 $0x8128;
	[tilespmem:$0x8270] =	vst v1;
	v0 =	vadd.s32 v2, v0  }
0x15f: {  	s14 =	simm.s32 $0xBC80;
	s21 =	simm.s32 $0x8150;
	s19 =	simm.s32 $0xD080;
	[tilespmem:$0x8280] =	vst v0  }
.LBB2_5:
0x160: {  	s4 =	simm.s32 $0x28;
	s1 =	simm.s32 $0x8100  }
0x161: {  	[tilespmem:s12], [sflag:$0x2] =	stream.indirect.gather [spmem:s6], $0x80, s1, s4, $0xb8;
	[tilespmem:$0x17480] =	vst v63  }
0x162: {  	_ = 	snop  }
0x163: {  	[tilespmem:s14], [sflag:$0x3] =	stream.indirect.gather [spmem:s6], $0x80, s13, s4, $0xb8;
	[tilespmem:$0x17480] =	vst v63  }
0x164: {  	_ = 	snop  }
0x165: {  	[tilespmem:s19], [sflag:$0x4] =	stream.indirect.gather [spmem:s6], $0x80, s21, s4, $0xb8;
	[tilespmem:$0x17480] =	vst v63  }
0x166: {  	s17 =	simm.s32 $0x8178;
	s3 =	simm.s32 $0xE480  }
0x167: {  	[tilespmem:s3], [sflag:$0x5] =	stream.indirect.gather [spmem:s6], $0x80, s17, s4, $0xb8;
	[tilespmem:$0x17480] =	vst v63  }
0x168: {  	s20 =	simm.s32 $0xF880;
	s23 =	simm.s32 $0x81C8;
	s19 =	simm.s32 $0x81A0  }
0x169: {  	[tilespmem:s20], [sflag:$0x6] =	stream.indirect.gather [spmem:s6], $0x80, s19, s4, $0xb8;
	[tilespmem:$0x17480] =	vst v63  }
0x16a: {  	s25 =	simm.s32 $0x10C80;
	s9 =	simm.s32 $0x81F0;
	s11 =	simm.s32 $0x12080  }
0x16b: {  	[tilespmem:s25], [sflag:$0x7] =	stream.indirect.gather [spmem:s6], $0x80, s23, s4, $0xb8;
	[tilespmem:$0x17480] =	vst v63  }
0x16c: {  	s16 =	simm.s32 $0x8218;
	s30 =	simm.s32 $0xA0;
	s28 =	simm.s32 $0xC8  }
0x16d: {  	[tilespmem:s11], [sflag:$0x8] =	stream.indirect.gather [spmem:s6], $0x80, s9, s4, $0xb8;
	[tilespmem:$0x17480] =	vst v63  }
0x16e: {  	s1 =	simm.s32 $0x78;
	s17 =	simm.s32 $0x13480;
	s3 =	simm.s32 $0x50  }
0x16f: {  	[tilespmem:s17], [sflag:$0x9] =	stream.indirect.gather [spmem:s6], $0x80, s16, s4, $0xb8;
	[tilespmem:$0x17480] =	vst v63  }
0x170: {  	s19 =	simm.s32 $0x8240;
	s20 =	simm.s32 $0x14880;
	s23 =	simm.s32 $0x8268  }
0x171: {  	[tilespmem:s20], [sflag:$0xA] =	stream.indirect.gather [spmem:s6], $0x80, s19, s4, $0xb8;
	[tilespmem:$0x17480] =	vst v63  }
0x172: {  	s25 =	simm.s32 $0x15C80;
	s17 =	simm.s32 $0x140;
	s16 =	simm.s32 $0x0  }
0x173: {  	[tilespmem:s25], [sflag:$0xB] =	stream.indirect.gather [spmem:s6], $0x80, s23, s4, $0xb8;
	[tilespmem:$0x17480] =	vst v63  }
0x174: {  	s20 =	simm.s32 $0x168;
	s23 =	simm.s32 $0xF0;
	s25 =	simm.s32 $0x118  }
.LBB2_9:
0x175: {  	v0 =	vld [tilespmem:s16+$0xC10]  }
0x176: {  	v1 =	vld [tilespmem:s16+$0x3390];
	_ =	sdelay $0x2  }
0x177: {  	v2 =	vld [tilespmem:s16+$0x5B10];
	_ =	sdelay $0x1  }
0x178: {  	v33 =	vld [tilespmem:s16+$0xC20];
	vm0 =	vgt.s32 v0, $0x0;
	vm1 =	vgt.s32 v1, $0x0  }
0x179: {  	v34 =	vld [tilespmem:s16+$0x33A0];
	v0 =	vnsel vm0, $0x0, v0;
	v1 =	vnsel vm1, $0x0, v1  }
0x17a: {  	v0 =	vmin.u32 v0, $0x5;
	v1 =	vmin.u32 v1, $0x6  }
0x17b: {  	vm15 =	vgt.s32 v2, $0x0;
	v0 =	vmul.u32 $0x15, v0;
	v1 =	vmul.u32 $0x3, v1  }
0x17c: {  	v35 =	vld [tilespmem:s16+$0x5B20];
	v2 =	vnsel vm15, $0x0, v2  }
0x17d: {  	v32 =	vmin.u32 v2, $0x2;
	v0 =	vadd.s32 v0, v1  }
0x17e: {  	v37 =	vld [tilespmem:s16+$0xC30];
	vm4 =	vgt.s32 v33, $0x0;
	vm5 =	vgt.s32 v34, $0x0;
	v0 =	vadd.s32 v32, v0  }
0x17f: {  	v38 =	vld [tilespmem:s16+$0x33B0];
	v1 =	vnsel vm5, $0x0, v34;
	[tilespmem:s16+$0x8290] =	vst v0;
	v0 =	vnsel vm4, $0x0, v33  }
0x180: {  	v1 =	vmin.u32 v1, $0x6;
	v0 =	vmin.u32 v0, $0x5  }
0x181: {  	vm6 =	vgt.s32 v35, $0x0;
	v1 =	vmul.u32 $0x3, v1;
	v0 =	vmul.u32 $0x15, v0  }
0x182: {  	v39 =	vld [tilespmem:s16+$0x5B30];
	v2 =	vnsel vm6, $0x0, v35  }
0x183: {  	v36 =	vmin.u32 v2, $0x2;
	v0 =	vadd.s32 v0, v1  }
0x184: {  	v41 =	vld [tilespmem:s16+$0xC40];
	vm7 =	vgt.s32 v37, $0x0;
	vm8 =	vgt.s32 v38, $0x0;
	v0 =	vadd.s32 v36, v0  }
0x185: {  	v42 =	vld [tilespmem:s16+$0x33C0];
	v1 =	vnsel vm8, $0x0, v38;
	[tilespmem:s16+$0x82A0] =	vst v0;
	v0 =	vnsel vm7, $0x0, v37  }
0x186: {  	v1 =	vmin.u32 v1, $0x6;
	v0 =	vmin.u32 v0, $0x5  }
0x187: {  	vm9 =	vgt.s32 v39, $0x0;
	v1 =	vmul.u32 $0x3, v1;
	v0 =	vmul.u32 $0x15, v0  }
0x188: {  	v43 =	vld [tilespmem:s16+$0x5B40];
	v2 =	vnsel vm9, $0x0, v39  }
0x189: {  	v40 =	vmin.u32 v2, $0x2;
	v0 =	vadd.s32 v0, v1  }
0x18a: {  	v45 =	vld [tilespmem:s16+$0xC50];
	vm10 =	vgt.s32 v41, $0x0;
	vm11 =	vgt.s32 v42, $0x0;
	v0 =	vadd.s32 v40, v0  }
0x18b: {  	v46 =	vld [tilespmem:s16+$0x33D0];
	v1 =	vnsel vm11, $0x0, v42;
	[tilespmem:s16+$0x82B0] =	vst v0;
	v0 =	vnsel vm10, $0x0, v41  }
0x18c: {  	v1 =	vmin.u32 v1, $0x6;
	v0 =	vmin.u32 v0, $0x5  }
0x18d: {  	vm12 =	vgt.s32 v43, $0x0;
	v1 =	vmul.u32 $0x3, v1;
	v0 =	vmul.u32 $0x15, v0  }
0x18e: {  	v47 =	vld [tilespmem:s16+$0x5B50];
	v2 =	vnsel vm12, $0x0, v43  }
0x18f: {  	v44 =	vmin.u32 v2, $0x2;
	v0 =	vadd.s32 v0, v1  }
0x190: {  	v49 =	vld [tilespmem:s16+$0xC60];
	vm13 =	vgt.s32 v45, $0x0;
	vm14 =	vgt.s32 v46, $0x0;
	v0 =	vadd.s32 v44, v0  }
0x191: {  	v50 =	vld [tilespmem:s16+$0x33E0];
	v1 =	vnsel vm14, $0x0, v46;
	[tilespmem:s16+$0x82C0] =	vst v0;
	v0 =	vnsel vm13, $0x0, v45  }
0x192: {  	v1 =	vmin.u32 v1, $0x6;
	v0 =	vmin.u32 v0, $0x5  }
0x193: {  	vm15 =	vgt.s32 v47, $0x0;
	v1 =	vmul.u32 $0x3, v1;
	v0 =	vmul.u32 $0x15, v0  }
0x194: {  	v51 =	vld [tilespmem:s16+$0x5B60];
	v2 =	vnsel vm15, $0x0, v47  }
0x195: {  	v48 =	vmin.u32 v2, $0x2;
	v0 =	vadd.s32 v0, v1  }
0x196: {  	v53 =	vld [tilespmem:s16+$0xC70];
	vm5 =	vgt.s32 v50, $0x0;
	vm4 =	vgt.s32 v49, $0x0;
	v0 =	vadd.s32 v48, v0  }
0x197: {  	v54 =	vld [tilespmem:s16+$0x33F0];
	v1 =	vnsel vm5, $0x0, v50;
	[tilespmem:s16+$0x82D0] =	vst v0;
	v0 =	vnsel vm4, $0x0, v49  }
0x198: {  	v1 =	vmin.u32 v1, $0x6;
	v0 =	vmin.u32 v0, $0x5  }
0x199: {  	vm6 =	vgt.s32 v51, $0x0;
	v1 =	vmul.u32 $0x3, v1;
	v0 =	vmul.u32 $0x15, v0  }
0x19a: {  	v55 =	vld [tilespmem:s16+$0x5B70];
	v2 =	vnsel vm6, $0x0, v51  }
0x19b: {  	v52 =	vmin.u32 v2, $0x2;
	v0 =	vadd.s32 v0, v1  }
0x19c: {  	v57 =	vld [tilespmem:s16+$0xC80];
	vm8 =	vgt.s32 v54, $0x0;
	vm7 =	vgt.s32 v53, $0x0;
	v0 =	vadd.s32 v52, v0  }
0x19d: {  	v58 =	vld [tilespmem:s16+$0x3400];
	v1 =	vnsel vm8, $0x0, v54;
	[tilespmem:s16+$0x82E0] =	vst v0;
	v0 =	vnsel vm7, $0x0, v53  }
0x19e: {  	v1 =	vmin.u32 v1, $0x6;
	v0 =	vmin.u32 v0, $0x5  }
0x19f: {  	vm9 =	vgt.s32 v55, $0x0;
	v1 =	vmul.u32 $0x3, v1;
	v0 =	vmul.u32 $0x15, v0  }
0x1a0: {  	v59 =	vld [tilespmem:s16+$0x5B80];
	v2 =	vnsel vm9, $0x0, v55  }
0x1a1: {  	v56 =	vmin.u32 v2, $0x2;
	v0 =	vadd.s32 v0, v1  }
0x1a2: {  	vm11 =	vgt.s32 v58, $0x0;
	vm10 =	vgt.s32 v57, $0x0;
	v0 =	vadd.s32 v56, v0  }
0x1a3: {  	v1 =	vnsel vm11, $0x0, v58;
	[tilespmem:s16+$0x82F0] =	vst v0;
	v0 =	vnsel vm10, $0x0, v57  }
0x1a4: {  	v1 =	vmin.u32 v1, $0x6;
	v0 =	vmin.u32 v0, $0x5  }
0x1a5: {  	vm12 =	vgt.s32 v59, $0x0;
	v1 =	vmul.u32 $0x3, v1;
	v0 =	vmul.u32 $0x15, v0  }
0x1a6: {  	v2 =	vnsel vm12, $0x0, v59  }
0x1a7: {  	v60 =	vmin.u32 v2, $0x2;
	v0 =	vadd.s32 v0, v1  }
0x1a8: {  	s9 =	sadd.s32 $0x190, s16;
	v0 =	vadd.s32 v60, v0  }
0x1a9: {  	s19 =	sand.u32 $0x7FF0, s9;
	[tilespmem:s16+$0x8300] =	vst v0  }
0x1aa: {  	v0 =	vld [tilespmem:s19+$0xB00]  }
0x1ab: {  	v61 =	vld [tilespmem:s19+$0x3280];
	_ =	sdelay $0x2  }
0x1ac: {  	v62 =	vld [tilespmem:s19+$0x5A00];
	_ =	sdelay $0x1  }
0x1ad: {  	vm13 =	vgt.s32 v0, $0x0;
	vm14 =	vgt.s32 v61, $0x0  }
0x1ae: {  	v0 =	vnsel vm13, $0x0, v0;
	v1 =	vnsel vm14, $0x0, v61  }
0x1af: {  	v0 =	vmin.u32 v0, $0x5;
	v1 =	vmin.u32 v1, $0x6  }
0x1b0: {  	vm15 =	vgt.s32 v62, $0x0;
	v0 =	vmul.u32 $0x15, v0;
	v1 =	vmul.u32 $0x3, v1  }
0x1b1: {  	v2 =	vnsel vm15, $0x0, v62  }
0x1b2: {  	v63 =	vmin.u32 v2, $0x2;
	v0 =	vadd.s32 v0, v1  }
0x1b3: {  	v0 =	vadd.s32 v63, v0  }
0x1b4: {  	[tilespmem:s19+$0x8180] =	vst v0  }
0x1b5: {  	v0 =	vld [tilespmem:s16+$0xCA0]  }
0x1b6: {  	v4 =	vld [tilespmem:s16+$0x3420];
	_ =	sdelay $0x2  }
0x1b7: {  	v5 =	vld [tilespmem:s16+$0x5BA0];
	_ =	sdelay $0x1  }
0x1b8: {  	v7 =	vld [tilespmem:s16+$0xCB0];
	vm4 =	vgt.s32 v0, $0x0;
	vm5 =	vgt.s32 v4, $0x0  }
0x1b9: {  	v8 =	vld [tilespmem:s16+$0x3430];
	v0 =	vnsel vm4, $0x0, v0;
	v1 =	vnsel vm5, $0x0, v4  }
0x1ba: {  	v0 =	vmin.u32 v0, $0x5;
	v1 =	vmin.u32 v1, $0x6  }
0x1bb: {  	vm6 =	vgt.s32 v5, $0x0;
	v0 =	vmul.u32 $0x15, v0;
	v1 =	vmul.u32 $0x3, v1  }
0x1bc: {  	v9 =	vld [tilespmem:s16+$0x5BB0];
	v2 =	vnsel vm6, $0x0, v5  }
0x1bd: {  	v6 =	vmin.u32 v2, $0x2;
	v0 =	vadd.s32 v0, v1  }
0x1be: {  	v11 =	vld [tilespmem:s16+$0xCC0];
	vm7 =	vgt.s32 v7, $0x0;
	vm8 =	vgt.s32 v8, $0x0;
	v0 =	vadd.s32 v6, v0  }
0x1bf: {  	v12 =	vld [tilespmem:s16+$0x3440];
	v1 =	vnsel vm8, $0x0, v8;
	[tilespmem:s16+$0x8320] =	vst v0;
	v0 =	vnsel vm7, $0x0, v7  }
0x1c0: {  	v1 =	vmin.u32 v1, $0x6;
	v0 =	vmin.u32 v0, $0x5  }
0x1c1: {  	vm9 =	vgt.s32 v9, $0x0;
	v1 =	vmul.u32 $0x3, v1;
	v0 =	vmul.u32 $0x15, v0  }
0x1c2: {  	v13 =	vld [tilespmem:s16+$0x5BC0];
	v2 =	vnsel vm9, $0x0, v9  }
0x1c3: {  	v10 =	vmin.u32 v2, $0x2;
	v0 =	vadd.s32 v0, v1  }
0x1c4: {  	v15 =	vld [tilespmem:s16+$0xCD0];
	vm10 =	vgt.s32 v11, $0x0;
	vm11 =	vgt.s32 v12, $0x0;
	v0 =	vadd.s32 v10, v0  }
0x1c5: {  	v16 =	vld [tilespmem:s16+$0x3450];
	v1 =	vnsel vm11, $0x0, v12;
	[tilespmem:s16+$0x8330] =	vst v0;
	v0 =	vnsel vm10, $0x0, v11  }
0x1c6: {  	v1 =	vmin.u32 v1, $0x6;
	v0 =	vmin.u32 v0, $0x5  }
0x1c7: {  	vm12 =	vgt.s32 v13, $0x0;
	v1 =	vmul.u32 $0x3, v1;
	v0 =	vmul.u32 $0x15, v0  }
0x1c8: {  	v17 =	vld [tilespmem:s16+$0x5BD0];
	v2 =	vnsel vm12, $0x0, v13  }
0x1c9: {  	v14 =	vmin.u32 v2, $0x2;
	v0 =	vadd.s32 v0, v1  }
0x1ca: {  	v19 =	vld [tilespmem:s16+$0xCE0];
	vm13 =	vgt.s32 v15, $0x0;
	vm14 =	vgt.s32 v16, $0x0;
	v0 =	vadd.s32 v14, v0  }
0x1cb: {  	v20 =	vld [tilespmem:s16+$0x3460];
	v1 =	vnsel vm14, $0x0, v16;
	[tilespmem:s16+$0x8340] =	vst v0;
	v0 =	vnsel vm13, $0x0, v15  }
0x1cc: {  	v1 =	vmin.u32 v1, $0x6;
	v0 =	vmin.u32 v0, $0x5  }
0x1cd: {  	vm15 =	vgt.s32 v17, $0x0;
	v1 =	vmul.u32 $0x3, v1;
	v0 =	vmul.u32 $0x15, v0  }
0x1ce: {  	v21 =	vld [tilespmem:s16+$0x5BE0];
	v2 =	vnsel vm15, $0x0, v17  }
0x1cf: {  	v18 =	vmin.u32 v2, $0x2;
	v0 =	vadd.s32 v0, v1  }
0x1d0: {  	v23 =	vld [tilespmem:s16+$0xCF0];
	vm4 =	vgt.s32 v19, $0x0;
	vm5 =	vgt.s32 v20, $0x0;
	v0 =	vadd.s32 v18, v0  }
0x1d1: {  	v24 =	vld [tilespmem:s16+$0x3470];
	v1 =	vnsel vm5, $0x0, v20;
	[tilespmem:s16+$0x8350] =	vst v0;
	v0 =	vnsel vm4, $0x0, v19  }
0x1d2: {  	v1 =	vmin.u32 v1, $0x6;
	v0 =	vmin.u32 v0, $0x5  }
0x1d3: {  	vm6 =	vgt.s32 v21, $0x0;
	v1 =	vmul.u32 $0x3, v1;
	v0 =	vmul.u32 $0x15, v0  }
0x1d4: {  	v25 =	vld [tilespmem:s16+$0x5BF0];
	v2 =	vnsel vm6, $0x0, v21  }
0x1d5: {  	v22 =	vmin.u32 v2, $0x2;
	v0 =	vadd.s32 v0, v1  }
0x1d6: {  	v27 =	vld [tilespmem:s16+$0xD00];
	vm8 =	vgt.s32 v24, $0x0;
	vm7 =	vgt.s32 v23, $0x0;
	v0 =	vadd.s32 v22, v0  }
0x1d7: {  	v28 =	vld [tilespmem:s16+$0x3480];
	v1 =	vnsel vm8, $0x0, v24;
	[tilespmem:s16+$0x8360] =	vst v0;
	v0 =	vnsel vm7, $0x0, v23  }
0x1d8: {  	v1 =	vmin.u32 v1, $0x6;
	v0 =	vmin.u32 v0, $0x5  }
0x1d9: {  	vm9 =	vgt.s32 v25, $0x0;
	v1 =	vmul.u32 $0x3, v1;
	v0 =	vmul.u32 $0x15, v0  }
0x1da: {  	v29 =	vld [tilespmem:s16+$0x5C00];
	v2 =	vnsel vm9, $0x0, v25  }
0x1db: {  	v26 =	vmin.u32 v2, $0x2;
	v0 =	vadd.s32 v0, v1  }
0x1dc: {  	vm11 =	vgt.s32 v28, $0x0;
	vm10 =	vgt.s32 v27, $0x0;
	v0 =	vadd.s32 v26, v0  }
0x1dd: {  	v1 =	vnsel vm11, $0x0, v28;
	[tilespmem:s16+$0x8370] =	vst v0;
	v0 =	vnsel vm10, $0x0, v27  }
0x1de: {  	v1 =	vmin.u32 v1, $0x6;
	v0 =	vmin.u32 v0, $0x5  }
0x1df: {  	vm12 =	vgt.s32 v29, $0x0;
	v1 =	vmul.u32 $0x3, v1;
	v0 =	vmul.u32 $0x15, v0  }
0x1e0: {  	v2 =	vnsel vm12, $0x0, v29  }
0x1e1: {  	v30 =	vmin.u32 v2, $0x2;
	v0 =	vadd.s32 v0, v1  }
0x1e2: {  	v0 =	vadd.s32 v30, v0  }
0x1e3: {  	[tilespmem:s16+$0x8380] =	vst v0  }
0x1e4: {  	v0 =	vld [tilespmem:s19+$0xB80]  }
0x1e5: {  	v31 =	vld [tilespmem:s19+$0x3300];
	_ =	sdelay $0x2  }
0x1e6: {  	v32 =	vld [tilespmem:s19+$0x5A80];
	_ =	sdelay $0x1  }
0x1e7: {  	vm13 =	vgt.s32 v0, $0x0;
	vm14 =	vgt.s32 v31, $0x0  }
0x1e8: {  	v0 =	vnsel vm13, $0x0, v0;
	v1 =	vnsel vm14, $0x0, v31  }
0x1e9: {  	v0 =	vmin.u32 v0, $0x5;
	v1 =	vmin.u32 v1, $0x6  }
0x1ea: {  	vm15 =	vgt.s32 v32, $0x0;
	v0 =	vmul.u32 $0x15, v0;
	v1 =	vmul.u32 $0x3, v1  }
0x1eb: {  	v2 =	vnsel vm15, $0x0, v32  }
0x1ec: {  	v33 =	vmin.u32 v2, $0x2;
	v0 =	vadd.s32 v0, v1  }
0x1ed: {  	v0 =	vadd.s32 v33, v0  }
0x1ee: {  	[tilespmem:s19+$0x8200] =	vst v0  }
0x1ef: {  	v0 =	vld [tilespmem:s16+$0xD20]  }
0x1f0: {  	v34 =	vld [tilespmem:s16+$0x34A0];
	_ =	sdelay $0x2  }
0x1f1: {  	v35 =	vld [tilespmem:s16+$0x5C20];
	_ =	sdelay $0x1  }
0x1f2: {  	v37 =	vld [tilespmem:s16+$0xD30];
	vm4 =	vgt.s32 v0, $0x0;
	vm5 =	vgt.s32 v34, $0x0  }
0x1f3: {  	v38 =	vld [tilespmem:s16+$0x34B0];
	v0 =	vnsel vm4, $0x0, v0;
	v1 =	vnsel vm5, $0x0, v34  }
0x1f4: {  	v0 =	vmin.u32 v0, $0x5;
	v1 =	vmin.u32 v1, $0x6  }
0x1f5: {  	vm6 =	vgt.s32 v35, $0x0;
	v0 =	vmul.u32 $0x15, v0;
	v1 =	vmul.u32 $0x3, v1  }
0x1f6: {  	v39 =	vld [tilespmem:s16+$0x5C30];
	v2 =	vnsel vm6, $0x0, v35  }
0x1f7: {  	v36 =	vmin.u32 v2, $0x2;
	v0 =	vadd.s32 v0, v1  }
0x1f8: {  	v41 =	vld [tilespmem:s16+$0xD40];
	vm7 =	vgt.s32 v37, $0x0;
	vm8 =	vgt.s32 v38, $0x0;
	v0 =	vadd.s32 v36, v0  }
0x1f9: {  	v42 =	vld [tilespmem:s16+$0x34C0];
	v1 =	vnsel vm8, $0x0, v38;
	[tilespmem:s16+$0x83A0] =	vst v0;
	v0 =	vnsel vm7, $0x0, v37  }
0x1fa: {  	v1 =	vmin.u32 v1, $0x6;
	v0 =	vmin.u32 v0, $0x5  }
0x1fb: {  	vm9 =	vgt.s32 v39, $0x0;
	v1 =	vmul.u32 $0x3, v1;
	v0 =	vmul.u32 $0x15, v0  }
0x1fc: {  	v43 =	vld [tilespmem:s16+$0x5C40];
	v2 =	vnsel vm9, $0x0, v39  }
0x1fd: {  	v40 =	vmin.u32 v2, $0x2;
	v0 =	vadd.s32 v0, v1  }
0x1fe: {  	v45 =	vld [tilespmem:s16+$0xD50];
	vm10 =	vgt.s32 v41, $0x0;
	vm11 =	vgt.s32 v42, $0x0;
	v0 =	vadd.s32 v40, v0  }
0x1ff: {  	v46 =	vld [tilespmem:s16+$0x34D0];
	v1 =	vnsel vm11, $0x0, v42;
	[tilespmem:s16+$0x83B0] =	vst v0;
	v0 =	vnsel vm10, $0x0, v41  }
0x200: {  	v1 =	vmin.u32 v1, $0x6;
	v0 =	vmin.u32 v0, $0x5  }
0x201: {  	vm12 =	vgt.s32 v43, $0x0;
	v1 =	vmul.u32 $0x3, v1;
	v0 =	vmul.u32 $0x15, v0  }
0x202: {  	v47 =	vld [tilespmem:s16+$0x5C50];
	v2 =	vnsel vm12, $0x0, v43  }
0x203: {  	v44 =	vmin.u32 v2, $0x2;
	v0 =	vadd.s32 v0, v1  }
0x204: {  	v49 =	vld [tilespmem:s16+$0xD60];
	vm13 =	vgt.s32 v45, $0x0;
	vm14 =	vgt.s32 v46, $0x0;
	v0 =	vadd.s32 v44, v0  }
0x205: {  	v50 =	vld [tilespmem:s16+$0x34E0];
	v1 =	vnsel vm14, $0x0, v46;
	[tilespmem:s16+$0x83C0] =	vst v0;
	v0 =	vnsel vm13, $0x0, v45  }
0x206: {  	v1 =	vmin.u32 v1, $0x6;
	v0 =	vmin.u32 v0, $0x5  }
0x207: {  	vm15 =	vgt.s32 v47, $0x0;
	v1 =	vmul.u32 $0x3, v1;
	v0 =	vmul.u32 $0x15, v0  }
0x208: {  	v51 =	vld [tilespmem:s16+$0x5C60];
	v2 =	vnsel vm15, $0x0, v47  }
0x209: {  	v48 =	vmin.u32 v2, $0x2;
	v0 =	vadd.s32 v0, v1  }
0x20a: {  	v53 =	vld [tilespmem:s16+$0xD70];
	vm4 =	vgt.s32 v49, $0x0;
	vm5 =	vgt.s32 v50, $0x0;
	v0 =	vadd.s32 v48, v0  }
0x20b: {  	v54 =	vld [tilespmem:s16+$0x34F0];
	v1 =	vnsel vm5, $0x0, v50;
	[tilespmem:s16+$0x83D0] =	vst v0;
	v0 =	vnsel vm4, $0x0, v49  }
0x20c: {  	v1 =	vmin.u32 v1, $0x6;
	v0 =	vmin.u32 v0, $0x5  }
0x20d: {  	vm6 =	vgt.s32 v51, $0x0;
	v1 =	vmul.u32 $0x3, v1;
	v0 =	vmul.u32 $0x15, v0  }
0x20e: {  	v55 =	vld [tilespmem:s16+$0x5C70];
	v2 =	vnsel vm6, $0x0, v51  }
0x20f: {  	v52 =	vmin.u32 v2, $0x2;
	v0 =	vadd.s32 v0, v1  }
0x210: {  	v57 =	vld [tilespmem:s16+$0xD80];
	vm8 =	vgt.s32 v54, $0x0;
	vm7 =	vgt.s32 v53, $0x0;
	v0 =	vadd.s32 v52, v0  }
0x211: {  	v58 =	vld [tilespmem:s16+$0x3500];
	v1 =	vnsel vm8, $0x0, v54;
	[tilespmem:s16+$0x83E0] =	vst v0;
	v0 =	vnsel vm7, $0x0, v53  }
0x212: {  	v1 =	vmin.u32 v1, $0x6;
	v0 =	vmin.u32 v0, $0x5  }
0x213: {  	vm9 =	vgt.s32 v55, $0x0;
	v1 =	vmul.u32 $0x3, v1;
	v0 =	vmul.u32 $0x15, v0  }
0x214: {  	v59 =	vld [tilespmem:s16+$0x5C80];
	v2 =	vnsel vm9, $0x0, v55  }
0x215: {  	v56 =	vmin.u32 v2, $0x2;
	v0 =	vadd.s32 v0, v1  }
0x216: {  	vm11 =	vgt.s32 v58, $0x0;
	vm10 =	vgt.s32 v57, $0x0;
	v0 =	vadd.s32 v56, v0  }
0x217: {  	v1 =	vnsel vm11, $0x0, v58;
	[tilespmem:s16+$0x83F0] =	vst v0;
	v0 =	vnsel vm10, $0x0, v57  }
0x218: {  	v1 =	vmin.u32 v1, $0x6;
	v0 =	vmin.u32 v0, $0x5  }
0x219: {  	vm12 =	vgt.s32 v59, $0x0;
	v1 =	vmul.u32 $0x3, v1;
	v0 =	vmul.u32 $0x15, v0  }
0x21a: {  	v2 =	vnsel vm12, $0x0, v59  }
0x21b: {  	v60 =	vmin.u32 v2, $0x2;
	v0 =	vadd.s32 v0, v1  }
0x21c: {  	v0 =	vadd.s32 v60, v0  }
0x21d: {  	[tilespmem:s16+$0x8400] =	vst v0  }
0x21e: {  	v0 =	vld [tilespmem:s19+$0xC00]  }
0x21f: {  	v61 =	vld [tilespmem:s19+$0x3380];
	_ =	sdelay $0x2  }
0x220: {  	v62 =	vld [tilespmem:s19+$0x5B00];
	_ =	sdelay $0x1  }
0x221: {  	vm13 =	vgt.s32 v0, $0x0;
	vm14 =	vgt.s32 v61, $0x0  }
0x222: {  	v0 =	vnsel vm13, $0x0, v0;
	v1 =	vnsel vm14, $0x0, v61  }
0x223: {  	v0 =	vmin.u32 v0, $0x5;
	v1 =	vmin.u32 v1, $0x6  }
0x224: {  	vm15 =	vgt.s32 v62, $0x0;
	v0 =	vmul.u32 $0x15, v0;
	v1 =	vmul.u32 $0x3, v1  }
0x225: {  	v2 =	vnsel vm15, $0x0, v62  }
0x226: {  	v63 =	vmin.u32 v2, $0x2;
	v0 =	vadd.s32 v0, v1  }
0x227: {  	v0 =	vadd.s32 v63, v0  }
0x228: {  	[tilespmem:s19+$0x8280] =	vst v0;
	s19 =	simm.s32 $0xD080  }
.LBB2_10:
0x229: {  	s11 =	simm.s32 $0x2  }
0x22a: {  	s9 =	sadd.s32 s7, s16;
	_ =	swait.ge [sflag:s11], $0x1400  }
0x22b: {  	s9 =	sshll.u32 s9, $0x4;
	[sflag:s11] =	ssyncset.done $0x0  }
0x22c: {  	s16 =	simm.s32 $0x3;
	s9 =	sadd.s32 s5, s9;
	[sflag:s11] =	ssyncadd.s32 $0xFFFFEC00  }
0x22d: {  	[hbm4b:s9+s8] =	stream.linear.scatter [tilespmem:s12], [sflag:$0xC], $0x1400, $0x38;
	[tilespmem:$0x17480] =	vst v63  }
0x22e: {  	s4 =	sadd.s32 s7, s4;
	_ =	swait.ge [sflag:s16], $0x1400  }
0x22f: {  	s4 =	sshll.u32 s4, $0x4;
	[sflag:s16] =	ssyncset.done $0x0  }
0x230: {  	s4 =	sadd.s32 s5, s4;
	s11 =	simm.s32 $0x4;
	[sflag:s16] =	ssyncadd.s32 $0xFFFFEC00  }
0x231: {  	[hbm4b:s4+s8] =	stream.linear.scatter [tilespmem:s14], [sflag:$0xD], $0x1400, $0x38;
	[tilespmem:$0x17480] =	vst v63  }
0x232: {  	s3 =	sadd.s32 s7, s3;
	_ =	swait.ge [sflag:s11], $0x1400  }
0x233: {  	s1 =	sadd.s32 s7, s1;
	s3 =	sshll.u32 s3, $0x4;
	[sflag:s11] =	ssyncset.done $0x0  }
0x234: {  	s3 =	sadd.s32 s5, s3;
	s16 =	simm.s32 $0x5;
	[sflag:s11] =	ssyncadd.s32 $0xFFFFEC00  }
0x235: {  	[hbm4b:s3+s8] =	stream.linear.scatter [tilespmem:s19], [sflag:$0xE], $0x1400, $0x38;
	[tilespmem:$0x17480] =	vst v63  }
0x236: {  	s1 =	sshll.u32 s1, $0x4;
	_ =	swait.ge [sflag:s16], $0x1400  }
0x237: {  	s1 =	sadd.s32 s5, s1;
	[sflag:s16] =	ssyncset.done $0x0  }
0x238: {  	s9 =	simm.s32 $0x6;
	s4 =	simm.s32 $0xE480;
	[sflag:s16] =	ssyncadd.s32 $0xFFFFEC00  }
0x239: {  	[hbm4b:s1+s8] =	stream.linear.scatter [tilespmem:s4], [sflag:$0xF], $0x1400, $0x38;
	[tilespmem:$0x17480] =	vst v63  }
0x23a: {  	s11 =	sadd.s32 s7, s30;
	_ =	swait.ge [sflag:s9], $0x1400  }
0x23b: {  	s1 =	sshll.u32 s11, $0x4;
	[sflag:s9] =	ssyncset.done $0x0  }
0x23c: {  	s16 =	simm.s32 $0xF880;
	s1 =	sadd.s32 s5, s1;
	[sflag:s9] =	ssyncadd.s32 $0xFFFFEC00  }
0x23d: {  	[hbm4b:s1+s8] =	stream.linear.scatter [tilespmem:s16], [sflag:$0x10], $0x1400, $0x38;
	[tilespmem:$0x17480] =	vst v63  }
0x23e: {  	s28 =	sadd.s32 s7, s28;
	_ =	swait.ge [sflag:s22], $0x1400  }
0x23f: {  	s1 =	sshll.u32 s28, $0x4;
	[sflag:s22] =	ssyncset.done $0x0  }
0x240: {  	s30 =	simm.s32 $0x10C80;
	s1 =	sadd.s32 s5, s1;
	[sflag:s22] =	ssyncadd.s32 $0xFFFFEC00  }
0x241: {  	[hbm4b:s1+s8] =	stream.linear.scatter [tilespmem:s30], [sflag:$0x11], $0x1400, $0x38;
	[tilespmem:$0x17480] =	vst v63  }
0x242: {  	s4 =	sadd.s32 s7, s23;
	_ =	swait.ge [sflag:s24], $0x1400  }
0x243: {  	s1 =	sshll.u32 s4, $0x4;
	[sflag:s24] =	ssyncset.done $0x0  }
0x244: {  	s9 =	simm.s32 $0x12080;
	s1 =	sadd.s32 s5, s1;
	[sflag:s24] =	ssyncadd.s32 $0xFFFFEC00  }
0x245: {  	[hbm4b:s1+s8] =	stream.linear.scatter [tilespmem:s9], [sflag:$0x12], $0x1400, $0x38;
	[tilespmem:$0x17480] =	vst v63  }
0x246: {  	s11 =	sadd.s32 s7, s25;
	_ =	swait.ge [sflag:s26], $0x1400  }
0x247: {  	s1 =	sshll.u32 s11, $0x4;
	[sflag:s26] =	ssyncset.done $0x0  }
0x248: {  	s16 =	simm.s32 $0x13480;
	s1 =	sadd.s32 s5, s1;
	[sflag:s26] =	ssyncadd.s32 $0xFFFFEC00  }
0x249: {  	[hbm4b:s1+s8] =	stream.linear.scatter [tilespmem:s16], [sflag:$0x13], $0x1400, $0x38;
	[tilespmem:$0x17480] =	vst v63  }
0x24a: {  	s2 =	sadd.s32 $0x190, s2;
	s23 =	sadd.s32 s7, s17;
	_ =	swait.ge [sflag:s29], $0x1400  }
0x24b: {  	p0 =	sne.s32 s2, $0x2878;
	s1 =	sshll.u32 s23, $0x4;
	[sflag:s29] =	ssyncset.done $0x0  }
0x24c: {  	s25 =	simm.s32 $0x14880;
	s1 =	sadd.s32 s5, s1;
	[sflag:s29] =	ssyncadd.s32 $0xFFFFEC00  }
0x24d: {  	[hbm4b:s1+s8] =	stream.linear.scatter [tilespmem:s25], [sflag:$0x14], $0x1400, $0x38;
	[tilespmem:$0x17480] =	vst v63  }
.Ltmp4:
0x24e: {  	_ = 	snop;
	(pc) =	sbr.rel @!p0 .LBB2_11-.Ltmp4, $4  }
0x24f: {  	s28 =	sadd.s32 s7, s20;
	_ =	swait.ge [sflag:s31], $0x1400  }
0x250: {  	s15 =	sadd.s32 $0x190, s15;
	s1 =	sshll.u32 s28, $0x4;
	[sflag:s31] =	ssyncset.done $0x0  }
0x251: {  	s30 =	simm.s32 $0x15C80;
	s1 =	sadd.s32 s5, s1;
	[sflag:s31] =	ssyncadd.s32 $0xFFFFEC00  }
0x252: {  	[hbm4b:s1+s8] =	stream.linear.scatter [tilespmem:s30], [sflag:$0x15], $0x1400, $0x38;
	[tilespmem:$0x17480] =	vst v63  }
.LBB2_4:
0x253: {  	p0 =	sne.s32 s2, $0x168  }
.Ltmp5:
0x254: {  	_ = 	snop;
	(pc) =	sbr.rel @!p0 .LBB2_5-.Ltmp5, $1  }
0x255: {  	_ =	sdelay $0x3  }
0x256: {  	s1 =	simm.s32 $0xC  }
0x257: {  	_ =	swait.ge [sflag:s1], $0x1400  }
0x258: {  	[sflag:s1] =	ssyncset.done $0x0  }
0x259: {  	s16 =	sadd.s32 $0xFFFFFE98, s15;
	s17 =	simm.s32 $0xD;
	[sflag:s1] =	ssyncadd.s32 $0xFFFFEC00  }
0x25a: {  	[tilespmem:s12], [sflag:$0x2] =	stream.indirect.gather [spmem:s6], $0x80, s16, s0, $0xb8;
	[tilespmem:$0x17480] =	vst v63  }
0x25b: {  	_ =	swait.ge [sflag:s17], $0x1400  }
0x25c: {  	[sflag:s17] =	ssyncset.done $0x0  }
0x25d: {  	s20 =	sadd.s32 $0xFFFFFEC0, s15;
	s23 =	simm.s32 $0xE;
	[sflag:s17] =	ssyncadd.s32 $0xFFFFEC00  }
0x25e: {  	[tilespmem:s14], [sflag:$0x3] =	stream.indirect.gather [spmem:s6], $0x80, s20, s0, $0xb8;
	[tilespmem:$0x17480] =	vst v63  }
0x25f: {  	_ =	swait.ge [sflag:s23], $0x1400  }
0x260: {  	[sflag:s23] =	ssyncset.done $0x0  }
0x261: {  	s25 =	sadd.s32 $0xFFFFFEE8, s15;
	s3 =	simm.s32 $0xF;
	[sflag:s23] =	ssyncadd.s32 $0xFFFFEC00  }
0x262: {  	[tilespmem:s19], [sflag:$0x4] =	stream.indirect.gather [spmem:s6], $0x80, s25, s0, $0xb8;
	[tilespmem:$0x17480] =	vst v63  }
0x263: {  	_ =	swait.ge [sflag:s3], $0x1400  }
0x264: {  	s4 =	sadd.s32 $0xFFFFFF10, s15;
	[sflag:s3] =	ssyncset.done $0x0  }
0x265: {  	s9 =	simm.s32 $0x10;
	[sflag:s3] =	ssyncadd.s32 $0xFFFFEC00;
	s3 =	simm.s32 $0xE480  }
0x266: {  	[tilespmem:s3], [sflag:$0x5] =	stream.indirect.gather [spmem:s6], $0x80, s4, s0, $0xb8;
	[tilespmem:$0x17480] =	vst v63  }
0x267: {  	_ =	swait.ge [sflag:s9], $0x1400  }
0x268: {  	s11 =	sadd.s32 $0xFFFFFF38, s15;
	[sflag:s9] =	ssyncset.done $0x0  }
0x269: {  	s16 =	simm.s32 $0xF880;
	s17 =	simm.s32 $0x11;
	[sflag:s9] =	ssyncadd.s32 $0xFFFFEC00  }
0x26a: {  	[tilespmem:s16], [sflag:$0x6] =	stream.indirect.gather [spmem:s6], $0x80, s11, s0, $0xb8;
	[tilespmem:$0x17480] =	vst v63  }
0x26b: {  	_ =	swait.ge [sflag:s17], $0x1400  }
0x26c: {  	s20 =	sadd.s32 $0xFFFFFF60, s15;
	[sflag:s17] =	ssyncset.done $0x0  }
0x26d: {  	s23 =	simm.s32 $0x10C80;
	s25 =	simm.s32 $0x12;
	[sflag:s17] =	ssyncadd.s32 $0xFFFFEC00  }
0x26e: {  	[tilespmem:s23], [sflag:$0x7] =	stream.indirect.gather [spmem:s6], $0x80, s20, s0, $0xb8;
	[tilespmem:$0x17480] =	vst v63  }
0x26f: {  	_ =	swait.ge [sflag:s25], $0x1400  }
0x270: {  	s3 =	sadd.s32 $0xFFFFFF88, s15;
	[sflag:s25] =	ssyncset.done $0x0  }
0x271: {  	s4 =	simm.s32 $0x12080;
	s9 =	simm.s32 $0x13;
	[sflag:s25] =	ssyncadd.s32 $0xFFFFEC00  }
0x272: {  	[tilespmem:s4], [sflag:$0x8] =	stream.indirect.gather [spmem:s6], $0x80, s3, s0, $0xb8;
	[tilespmem:$0x17480] =	vst v63  }
0x273: {  	_ =	swait.ge [sflag:s9], $0x1400  }
0x274: {  	s11 =	sadd.s32 $0xFFFFFFB0, s15;
	[sflag:s9] =	ssyncset.done $0x0  }
0x275: {  	s16 =	simm.s32 $0x13480;
	s17 =	simm.s32 $0x14;
	[sflag:s9] =	ssyncadd.s32 $0xFFFFEC00  }
0x276: {  	[tilespmem:s16], [sflag:$0x9] =	stream.indirect.gather [spmem:s6], $0x80, s11, s0, $0xb8;
	[tilespmem:$0x17480] =	vst v63  }
0x277: {  	s30 =	sadd.s32 $0xFFFFFF38, s2;
	s28 =	sadd.s32 $0xFFFFFF60, s2;
	_ =	swait.ge [sflag:s17], $0x1400  }
0x278: {  	p0 =	seq.s32 s2, $0x26E8;
	s20 =	sadd.s32 $0xFFFFFFD8, s15;
	[sflag:s17] =	ssyncset.done $0x0  }
0x279: {  	s23 =	simm.s32 $0x14880;
	s9 =	simm.s32 $0x15;
	[sflag:s17] =	ssyncadd.s32 $0xFFFFEC00  }
0x27a: {  	[tilespmem:s23], [sflag:$0xA] =	stream.indirect.gather [spmem:s6], $0x80, s20, s0, $0xb8;
	[tilespmem:$0x17480] =	vst v63  }
.Ltmp6:
0x27b: {  	s1 =	sadd.s32 $0xFFFFFF10, s2;
	_ =	swait.ge [sflag:s9], $0x1400;
	(pc) =	sbr.rel @!p0 .LBB2_8-.Ltmp6, $4  }
0x27c: {  	s25 =	simm.s32 $0x15C80;
	s4 =	sadd.s32 $0xFFFFFEC0, s2;
	[sflag:s9] =	ssyncset.done $0x0  }
0x27d: {  	s3 =	sadd.s32 $0xFFFFFEE8, s2;
	s16 =	simm.s32 $0x2580;
	[sflag:s9] =	ssyncadd.s32 $0xFFFFEC00  }
0x27e: {  	[tilespmem:s25], [sflag:$0xB] =	stream.indirect.gather [spmem:s6], $0x80, s15, s0, $0xb8;
	[tilespmem:$0x17480] =	vst v63  }
0x27f: {  	s17 =	sadd.s32 $0xFFFFFFD8, s2;
	s23 =	sadd.s32 $0xFFFFFF88, s2;
	s25 =	sadd.s32 $0xFFFFFFB0, s2  }
.Ltmp7:
0x280: {  	(pc) =	sbr.rel .LBB2_10-.Ltmp7, $2  }
0x281: {  	_ =	sdelay $0x2  }
0x282: {  	s20 =	smov.u32 s2  }
.LBB2_8:
.Ltmp8:
0x283: {  	(pc) =	sbr.rel .LBB2_9-.Ltmp8, $2  }
0x284: {  	_ =	sdelay $0x2  }
0x285: {  	s16 =	sadd.s32 $0xFFFFFE98, s2;
	s20 =	smov.u32 s2  }
.LBB2_12:
0x286: {  	_ =	sfence.sel $0x180000  }
0x287: {  	[bflag:$0x0] =	sbarrier.arrive $0xFFFF  }
0x288: {  	_ =	strace $0x90000047  }
0x289: {  	s0 =	stileid.u32;
	[bflag:$0x2] =	sbarrier.arrive $0xFFFF  }
0x28a: {  	p0 =	sne.s32 s0, $0x0;
	s0 =	rddreg [dreg:$0x6]  }
0x28b: {  	s0 =	sadd.s32 @!p0 $0x100000, s0  }
0x28c: {  	[sflag:s0] =	ssyncadd.tile.s32 @!p0 $0x1;
	_ =	shalt  }
.Lfunc_end2:
_tile_overlayer_lowered:
.L_overlay_start_2:
0x28d: {  	(tag) =	ssettag $0x2  }
0x28e: {  	s0 =	rddreg [dreg:$0x0];
	s2 =	stileid.u32  }
0x28f: {  	s1 =	rddreg [dreg:$0x1];
	p0 =	sne.s32 s2, $0x0  }
0x290: {  	s3 =	rddreg [dreg:$0x2];
	[bflag:$0x3] =	sbarrier.arrive $0xFFFF;
	s2 =	simm.s32 @!p0 $0x1C16  }
0x291: {  	[timem:s3], [sflag:s2] =	dma.local @!p0 [hbm:s0], s1  }
0x292: {  	s0 =	simm.s32 @!p0 $0x16  }
0x293: {  	_ =	swait.ge @!p0 [sflag:s0], s1  }
0x294: {  	s1 =	ssub.s32 @!p0 $0x0, s1;
	[sflag:s0] =	ssyncset.done @!p0 $0x0  }
0x295: {  	[sflag:s0] =	ssyncadd.s32 @!p0 s1  }
0x296: {  	[bflag:$0x3] =	sbarrier.arrive $0xFFFF  }
0x297: {  	_ =	shalt  }

</sc_bundles>
